<compile_context>
chip_gen: v7x
topology: tpu7x:2x2x1
jax: 0.10.2.dev20260603
libtpu: 0.0.44.dev20260713+nightly
codegen_flags: <defaults>
</compile_context>

<pallas_src>
import jax
import jax.numpy as jnp
from jax import lax
from jax.experimental import pallas as pl
from jax.experimental.pallas import tpu as pltpu
from jax.experimental.pallas import tpu_sc as plsc

NUM_CORES = 2
NUM_SUBCORES = 16
NUM_WORKERS = NUM_CORES * NUM_SUBCORES

B, N, D = 128, 576, 768
B_SC = 4
B_TC = B - B_SC
SLABS_PER_BATCH = NUM_WORKERS // B_SC
ROWS = N // SLABS_PER_BATCH
P = 24
NBLK = ROWS // P
NGRP = D // 16
BATCH_BLOCK = 4
CHUNK = 3


def _tc_add_body(patch_ref, pos_ref, out_ref):
    out_ref[...] = patch_ref[...] + pos_ref[...][None, :, :]


def _tc_add(patch, pos_table):
    return pl.pallas_call(
        _tc_add_body,
        grid=(B_TC // BATCH_BLOCK,),
        in_specs=[
            pl.BlockSpec((BATCH_BLOCK, N, D), lambda i: (i, 0, 0)),
            pl.BlockSpec((N, D), lambda i: (0, 0)),
        ],
        out_specs=pl.BlockSpec((BATCH_BLOCK, N, D), lambda i: (i, 0, 0)),
        out_shape=jax.ShapeDtypeStruct((B, N, D), patch.dtype),
    )(patch, pos_table)


def _sc_body(patch_hbm, pos_hbm, out_hbm,
             ring0, ring1, ring2, pos_v,
             sin0, sin1, sin2, sout0, sout1, sout2):
    c = lax.axis_index("c")
    s = lax.axis_index("s")
    wid = s * NUM_CORES + c
    bi = B_TC + wid // SLABS_PER_BATCH
    half = wid % SLABS_PER_BATCH
    row0 = half * ROWS

    rings = (ring0, ring1, ring2)
    sins = (sin0, sin1, sin2)
    souts = (sout0, sout1, sout2)

    def patch_slice(k):
        return patch_hbm.at[bi, pl.ds(row0 + k * P, P), :]

    def out_slice(k):
        return out_hbm.at[bi - B_TC, pl.ds(row0 + k * P, P), :]

    def pos_slice(k):
        return pos_hbm.at[pl.ds(row0 + k * P, P), :]

    pltpu.async_copy(patch_slice(0), rings[0], sins[0])
    pltpu.async_copy(patch_slice(1), rings[1], sins[1])

    def step(k, i):
        r = i % 3

        pltpu.sync_copy(pos_slice(k), pos_v)
        pltpu.make_async_copy(patch_slice(k), rings[r], sins[r]).wait()

        @plsc.parallel_loop(0, P, 1, unroll=1)
        def _(row):
            for j in range(NGRP):
                sl = pl.ds(j * 16, 16)
                rings[r][row, sl] = rings[r][row, sl] + pos_v[row, sl]

        pltpu.async_copy(rings[r], out_slice(k), souts[r])

        nr = (i + 2) % 3

        @pl.when((k >= 1) & (k + 2 < NBLK))
        def _():
            pltpu.make_async_copy(rings[nr], out_slice(k - 1), souts[nr]).wait()

        @pl.when(k + 2 < NBLK)
        def _():
            pltpu.async_copy(patch_slice(k + 2), rings[nr], sins[nr])

    def chunk(t, carry):
        for i in range(CHUNK):
            step(t * CHUNK + i, i)
        return carry

    lax.fori_loop(0, NBLK // CHUNK, chunk, 0)

    for k in (NBLK - 3, NBLK - 2, NBLK - 1):
        pltpu.make_async_copy(rings[k % 3], out_slice(k), souts[k % 3]).wait()


def _make_sc_add():
    mesh = plsc.VectorSubcoreMesh(
        core_axis_name="c",
        subcore_axis_name="s",
        num_cores=NUM_CORES,
        num_subcores=NUM_SUBCORES,
    )
    return pl.kernel(
        _sc_body,
        out_type=jax.ShapeDtypeStruct((B_SC, N, D), jnp.float32),
        mesh=mesh,
        scratch_types=[
            pltpu.VMEM((P, D), jnp.float32),
            pltpu.VMEM((P, D), jnp.float32),
            pltpu.VMEM((P, D), jnp.float32),
            pltpu.VMEM((P, D), jnp.float32),
            pltpu.SemaphoreType.DMA,
            pltpu.SemaphoreType.DMA,
            pltpu.SemaphoreType.DMA,
            pltpu.SemaphoreType.DMA,
            pltpu.SemaphoreType.DMA,
            pltpu.SemaphoreType.DMA,
        ],
        compiler_params=pltpu.CompilerParams(use_tc_tiling_on_sc=True),
    )


def kernel(patch, pos_table):
    sc_out = _make_sc_add()(patch, pos_table)
    tc_out = _tc_add(patch, pos_table)
    return lax.dynamic_update_slice(tc_out, sc_out, (B_TC, 0, 0))

# --- scband reference (transcript-rebuilt; emitter-appended) ---
"""Pipeline reference for scband-patch-encoder-8581344658051 (READ-ONLY COPY).

The authoritative reference and input builder live on the scoring server;
editing this copy changes nothing except your own understanding.
"""

import jax, jax.numpy as jnp
import numpy as np

NUM_PATCHES = 576
PROJ_DIM = 768
BATCH = 128

def setup_inputs(seed: int = 0) -> dict:
    key = jax.random.key(seed)
    k1, k2 = jax.random.split(key)
    patch = jax.random.normal(k1, (BATCH, NUM_PATCHES, PROJ_DIM), dtype=jnp.float32)
    # nn.Embedding weight init ~ N(0, 1)
    pos_table = jax.random.normal(k2, (NUM_PATCHES, PROJ_DIM), dtype=jnp.float32)
    return {"patch": patch, "pos_table": pos_table}

def reference(patch, pos_table):
    positions = jnp.arange(0, NUM_PATCHES)
    pos_emb = jnp.take(pos_table, positions, axis=0)  # [num_patches, proj_dim]
    encoded = patch + pos_emb[None, :, :]
    return encoded

if __name__ == "__main__":
    import jax
    _d = setup_inputs()
    print(jax.jit(kernel)(*tuple(_d.values())))

</pallas_src>

<mosaic_0001>
#map = affine_map<(d0, d1) -> (0, 0, 0)>
#map1 = affine_map<(d0, d1) -> (0, 0)>
module attributes {stable_mosaic.version = 14 : i64} {
  func.func @_sc_body(%arg0: i32, %arg1: i32, %arg2: memref<128x576x768xf32, #tpu.memory_space<hbm>>, %arg3: memref<576x768xf32, #tpu.memory_space<hbm>>, %arg4: memref<4x576x768xf32, #tpu.memory_space<hbm>>, %arg5: memref<24x768xf32, #tpu.memory_space<vmem>>, %arg6: memref<24x768xf32, #tpu.memory_space<vmem>>, %arg7: memref<24x768xf32, #tpu.memory_space<vmem>>, %arg8: memref<24x768xf32, #tpu.memory_space<vmem>>, %arg9: memref<!tpu.dma_semaphore, #tpu.memory_space<semaphore_mem>>, %arg10: memref<!tpu.dma_semaphore, #tpu.memory_space<semaphore_mem>>, %arg11: memref<!tpu.dma_semaphore, #tpu.memory_space<semaphore_mem>>, %arg12: memref<!tpu.dma_semaphore, #tpu.memory_space<semaphore_mem>>, %arg13: memref<!tpu.dma_semaphore, #tpu.memory_space<semaphore_mem>>, %arg14: memref<!tpu.dma_semaphore, #tpu.memory_space<semaphore_mem>>) attributes {dimension_semantics = [#tpu.dimension_semantics<core_parallel>, #tpu.dimension_semantics<subcore_parallel>], iteration_bounds = array<i64: 2, 16>, scalar_prefetch = 0 : i64, scratch_operands = 10 : i64, tpu.core_type = #tpu.core_type<sc_vector_subcore>, window_params = [{transform_indices = #map}, {transform_indices = #map1}, {transform_indices = #map}]} {
    %mul3A = arith.constant 2 : i32
    %mul3A_0 = arith.muli %arg1, %mul3A : i32
    %add3A = arith.addi %mul3A_0, %arg0 : i32
    %jit3A = arith.constant 8 : i32
    %div3A = arith.divsi %add3A, %jit3A : i32
    %sign3A = arith.constant 0 : i32
    %sign3A_1 = arith.cmpi sgt, %add3A, %sign3A : i32
    %sign3A_2 = arith.extui %sign3A_1 : i1 to i32
    %sign3A_3 = arith.constant 0 : i32
    %sign3A_4 = arith.cmpi slt, %add3A, %sign3A_3 : i32
    %sign3A_5 = arith.extui %sign3A_4 : i1 to i32
    %sign3A_6 = arith.subi %sign3A_2, %sign3A_5 : i32
    %sign3A_7 = arith.constant 0 : i32
    %sign3A_8 = arith.cmpi sgt, %jit3A, %sign3A_7 : i32
    %sign3A_9 = arith.extui %sign3A_8 : i1 to i32
    %sign3A_10 = arith.constant 0 : i32
    %sign3A_11 = arith.cmpi slt, %jit3A, %sign3A_10 : i32
    %sign3A_12 = arith.extui %sign3A_11 : i1 to i32
    %sign3A_13 = arith.subi %sign3A_9, %sign3A_12 : i32
    %ne3A = arith.cmpi ne, %sign3A_6, %sign3A_13 : i32
    %rem3A = arith.remsi %add3A, %jit3A : i32
    %ne3A_14 = arith.constant 0 : i32
    %ne3A_15 = arith.cmpi ne, %rem3A, %ne3A_14 : i32
    %and3A = arith.andi %ne3A, %ne3A_15 : i1
    %sub3A = arith.constant 1 : i32
    %sub3A_16 = arith.subi %div3A, %sub3A : i32
    %select_n3A = arith.select %and3A, %sub3A_16, %div3A : i32
    %add3A_17 = arith.constant 124 : i32
    %add3A_18 = arith.addi %add3A_17, %select_n3A : i32
    %jit3A_19 = arith.constant 8 : i32
    %eq3A = arith.constant 0 : i32
    %eq3A_20 = arith.cmpi eq, %jit3A_19, %eq3A : i32
    %jit3A_21 = arith.constant 1 : i32
    %select_n3A_22 = arith.select %eq3A_20, %jit3A_21, %jit3A_19 : i32
    %rem3A_23 = arith.remsi %add3A, %select_n3A_22 : i32
    %ne3A_24 = arith.constant 0 : i32
    %ne3A_25 = arith.cmpi ne, %rem3A_23, %ne3A_24 : i32
    %lt3A = arith.constant 0 : i32
    %lt3A_26 = arith.cmpi slt, %rem3A_23, %lt3A : i32
    %lt3A_27 = arith.constant 0 : i32
    %lt3A_28 = arith.cmpi slt, %select_n3A_22, %lt3A_27 : i32
    %ne3A_29 = arith.xori %lt3A_26, %lt3A_28 : i1
    %and3A_30 = arith.andi %ne3A_29, %ne3A_25 : i1
    %add3A_31 = arith.addi %rem3A_23, %select_n3A_22 : i32
    %select_n3A_32 = arith.select %and3A_30, %add3A_31, %rem3A_23 : i32
    %mul3A_33 = arith.constant 72 : i32
    %mul3A_34 = arith.muli %select_n3A_32, %mul3A_33 : i32
    %add3A_35 = arith.constant 0 : i32
    %add3A_36 = arith.addi %mul3A_34, %add3A_35 : i32
    %dma_start3A = arith.constant 0 : i32
    %dma_start3A_37 = tpu.memref_slice %arg2[%add3A_18, %add3A_36, %dma_start3A] : memref<128x576x768xf32, #tpu.memory_space<hbm>> -> memref<1x24x768xf32, #tpu.memory_space<hbm>>
    %dma_start3A_38 = tpu.memref_squeeze %dma_start3A_37 : memref<1x24x768xf32, #tpu.memory_space<hbm>> -> memref<24x768xf32, #tpu.memory_space<hbm>>
    %dma_start3A_39 = arith.constant 0 : i32
    %dma_start3A_40 = tpu.memref_slice %arg2[%add3A_18, %add3A_36, %dma_start3A_39] : memref<128x576x768xf32, #tpu.memory_space<hbm>> -> memref<1x24x768xf32, #tpu.memory_space<hbm>>
    %dma_start3A_41 = tpu.memref_squeeze %dma_start3A_40 : memref<1x24x768xf32, #tpu.memory_space<hbm>> -> memref<24x768xf32, #tpu.memory_space<hbm>>
    tpu.enqueue_dma source(%dma_start3A_41 : memref<24x768xf32, #tpu.memory_space<hbm>>) target(%arg5 : memref<24x768xf32, #tpu.memory_space<vmem>>) target_semaphore(%arg9 : memref<!tpu.dma_semaphore, #tpu.memory_space<semaphore_mem>>)
    %add3A_42 = arith.constant 24 : i32
    %add3A_43 = arith.addi %mul3A_34, %add3A_42 : i32
    %dma_start3A_44 = arith.constant 0 : i32
    %dma_start3A_45 = tpu.memref_slice %arg2[%add3A_18, %add3A_43, %dma_start3A_44] : memref<128x576x768xf32, #tpu.memory_space<hbm>> -> memref<1x24x768xf32, #tpu.memory_space<hbm>>
    %dma_start3A_46 = tpu.memref_squeeze %dma_start3A_45 : memref<1x24x768xf32, #tpu.memory_space<hbm>> -> memref<24x768xf32, #tpu.memory_space<hbm>>
    %dma_start3A_47 = arith.constant 0 : i32
    %dma_start3A_48 = tpu.memref_slice %arg2[%add3A_18, %add3A_43, %dma_start3A_47] : memref<128x576x768xf32, #tpu.memory_space<hbm>> -> memref<1x24x768xf32, #tpu.memory_space<hbm>>
    %dma_start3A_49 = tpu.memref_squeeze %dma_start3A_48 : memref<1x24x768xf32, #tpu.memory_space<hbm>> -> memref<24x768xf32, #tpu.memory_space<hbm>>
    tpu.enqueue_dma source(%dma_start3A_49 : memref<24x768xf32, #tpu.memory_space<hbm>>) target(%arg6 : memref<24x768xf32, #tpu.memory_space<vmem>>) target_semaphore(%arg10 : memref<!tpu.dma_semaphore, #tpu.memory_space<semaphore_mem>>)
    %scan3A = arith.constant 0 : i32
    %scan3A_50 = arith.constant 0 : i32
    %mul3A_51 = arith.constant 3 : i32
    %mul3A_52 = arith.muli %scan3A_50, %mul3A_51 : i32
    %add3A_53 = arith.constant 0 : i32
    %add3A_54 = arith.addi %mul3A_52, %add3A_53 : i32
    %mul3A_55 = arith.constant 24 : i32
    %mul3A_56 = arith.muli %add3A_54, %mul3A_55 : i32
    %add3A_57 = arith.addi %mul3A_34, %mul3A_56 : i32
    "tpu.region"() ({
      %run_scoped3A = tpu.sem_alloc : memref<!tpu.dma_semaphore, #tpu.memory_space<semaphore_mem>>
      %dma_start3A_218 = arith.constant 0 : i32
      %dma_start3A_219 = tpu.memref_slice %arg3[%add3A_57, %dma_start3A_218] : memref<576x768xf32, #tpu.memory_space<hbm>> -> memref<24x768xf32, #tpu.memory_space<hbm>>
      %dma_start3A_220 = arith.constant 0 : i32
      %dma_start3A_221 = tpu.memref_slice %arg3[%add3A_57, %dma_start3A_220] : memref<576x768xf32, #tpu.memory_space<hbm>> -> memref<24x768xf32, #tpu.memory_space<hbm>>
      tpu.enqueue_dma source(%dma_start3A_221 : memref<24x768xf32, #tpu.memory_space<hbm>>) target(%arg8 : memref<24x768xf32, #tpu.memory_space<vmem>>) target_semaphore(%run_scoped3A : memref<!tpu.dma_semaphore, #tpu.memory_space<semaphore_mem>>)
      %dma_wait3A_222 = arith.constant 0 : i32
      %dma_wait3A_223 = tpu.memref_slice %arg3[%add3A_57, %dma_wait3A_222] : memref<576x768xf32, #tpu.memory_space<hbm>> -> memref<24x768xf32, #tpu.memory_space<hbm>>
      %dma_wait3A_224 = arith.constant 0 : i32
      %dma_wait3A_225 = tpu.memref_slice %arg3[%add3A_57, %dma_wait3A_224] : memref<576x768xf32, #tpu.memory_space<hbm>> -> memref<24x768xf32, #tpu.memory_space<hbm>>
      tpu.wait_dma2 semaphore(%run_scoped3A : memref<!tpu.dma_semaphore, #tpu.memory_space<semaphore_mem>>) src(%dma_wait3A_225 : memref<24x768xf32, #tpu.memory_space<hbm>>) dst(%arg8 : memref<24x768xf32, #tpu.memory_space<vmem>>)
      tpu.yield
    }) : () -> ()
    %mul3A_58 = arith.constant 24 : i32
    %mul3A_59 = arith.muli %add3A_54, %mul3A_58 : i32
    %add3A_60 = arith.addi %mul3A_34, %mul3A_59 : i32
    %dma_wait3A = arith.constant 0 : i32
    %dma_wait3A_61 = tpu.memref_slice %arg2[%add3A_18, %add3A_60, %dma_wait3A] : memref<128x576x768xf32, #tpu.memory_space<hbm>> -> memref<1x24x768xf32, #tpu.memory_space<hbm>>
    %dma_wait3A_62 = tpu.memref_squeeze %dma_wait3A_61 : memref<1x24x768xf32, #tpu.memory_space<hbm>> -> memref<24x768xf32, #tpu.memory_space<hbm>>
    %dma_wait3A_63 = arith.constant 0 : i32
    %dma_wait3A_64 = tpu.memref_slice %arg2[%add3A_18, %add3A_60, %dma_wait3A_63] : memref<128x576x768xf32, #tpu.memory_space<hbm>> -> memref<1x24x768xf32, #tpu.memory_space<hbm>>
    %dma_wait3A_65 = tpu.memref_squeeze %dma_wait3A_64 : memref<1x24x768xf32, #tpu.memory_space<hbm>> -> memref<24x768xf32, #tpu.memory_space<hbm>>
    tpu.wait_dma2 semaphore(%arg9 : memref<!tpu.dma_semaphore, #tpu.memory_space<semaphore_mem>>) src(%dma_wait3A_65 : memref<24x768xf32, #tpu.memory_space<hbm>>) dst(%arg5 : memref<24x768xf32, #tpu.memory_space<vmem>>)
    %parallel_loop3A = arith.constant 0 : i32
    %parallel_loop3A_66 = arith.constant 24 : i32
    %parallel_loop3A_67 = arith.constant 1 : i32
    scf.for %parallel_loop3A_218 = %parallel_loop3A to %parallel_loop3A_66 step %parallel_loop3A_67  : i32 {
      %parallel_loop3A_219 = arith.index_cast %parallel_loop3A_218 : i32 to index
      %parallel_loop3A_220 = arith.constant 0 : index
      %parallel_loop3A_221 = tpu.vector_load %arg5[%parallel_loop3A_219, %parallel_loop3A_220] {strides = array<i32>} : memref<24x768xf32, #tpu.memory_space<vmem>>, vector<1x16xf32>,
      %parallel_loop3A_222 = vector.shape_cast %parallel_loop3A_221 : vector<1x16xf32> to vector<16xf32>
      %parallel_loop3A_223 = arith.index_cast %parallel_loop3A_218 : i32 to index
      %parallel_loop3A_224 = arith.constant 0 : index
      %parallel_loop3A_225 = tpu.vector_load %arg8[%parallel_loop3A_223, %parallel_loop3A_224] {strides = array<i32>} : memref<24x768xf32, #tpu.memory_space<vmem>>, vector<1x16xf32>,
      %parallel_loop3A_226 = vector.shape_cast %parallel_loop3A_225 : vector<1x16xf32> to vector<16xf32>
      %parallel_loop3A_227 = arith.addf %parallel_loop3A_222, %parallel_loop3A_226 : vector<16xf32>
      %parallel_loop3A_228 = arith.index_cast %parallel_loop3A_218 : i32 to index
      %parallel_loop3A_229 = arith.constant 0 : index
      %parallel_loop3A_230 = tpu.vector_load %arg5[%parallel_loop3A_228, %parallel_loop3A_229] {strides = array<i32>} : memref<24x768xf32, #tpu.memory_space<vmem>>, vector<1x16xf32>,
      %parallel_loop3A_231 = vector.shape_cast %parallel_loop3A_230 : vector<1x16xf32> to vector<16xf32>
      %parallel_loop3A_232 = vector.shape_cast %parallel_loop3A_227 : vector<16xf32> to vector<1x16xf32>
      tpu.vector_store %arg5[%parallel_loop3A_228, %parallel_loop3A_229], %parallel_loop3A_232 {strides = array<i32>} : memref<24x768xf32, #tpu.memory_space<vmem>>, vector<1x16xf32>,
      %parallel_loop3A_233 = arith.index_cast %parallel_loop3A_218 : i32 to index
      %parallel_loop3A_234 = arith.constant 16 : index
      %parallel_loop3A_235 = tpu.vector_load %arg5[%parallel_loop3A_233, %parallel_loop3A_234] {strides = array<i32>} : memref<24x768xf32, #tpu.memory_space<vmem>>, vector<1x16xf32>,
      %parallel_loop3A_236 = vector.shape_cast %parallel_loop3A_235 : vector<1x16xf32> to vector<16xf32>
      %parallel_loop3A_237 = arith.index_cast %parallel_loop3A_218 : i32 to index
      %parallel_loop3A_238 = arith.constant 16 : index
      %parallel_loop3A_239 = tpu.vector_load %arg8[%parallel_loop3A_237, %parallel_loop3A_238] {strides = array<i32>} : memref<24x768xf32, #tpu.memory_space<vmem>>, vector<1x16xf32>,
      %parallel_loop3A_240 = vector.shape_cast %parallel_loop3A_239 : vector<1x16xf32> to vector<16xf32>
      %parallel_loop3A_241 = arith.addf %parallel_loop3A_236, %parallel_loop3A_240 : vector<16xf32>
      %parallel_loop3A_242 = arith.index_cast %parallel_loop3A_218 : i32 to index
      %parallel_loop3A_243 = arith.constant 16 : index
      %parallel_loop3A_244 = tpu.vector_load %arg5[%parallel_loop3A_242, %parallel_loop3A_243] {strides = array<i32>} : memref<24x768xf32, #tpu.memory_space<vmem>>, vector<1x16xf32>,
      %parallel_loop3A_245 = vector.shape_cast %parallel_loop3A_244 : vector<1x16xf32> to vector<16xf32>
      %parallel_loop3A_246 = vector.shape_cast %parallel_loop3A_241 : vector<16xf32> to vector<1x16xf32>
      tpu.vector_store %arg5[%parallel_loop3A_242, %parallel_loop3A_243], %parallel_loop3A_246 {strides = array<i32>} : memref<24x768xf32, #tpu.memory_space<vmem>>, vector<1x16xf32>,
      %parallel_loop3A_247 = arith.index_cast %parallel_loop3A_218 : i32 to index
      %parallel_loop3A_248 = arith.constant 32 : index
      %parallel_loop3A_249 = tpu.vector_load %arg5[%parallel_loop3A_247, %parallel_loop3A_248] {strides = array<i32>} : memref<24x768xf32, #tpu.memory_space<vmem>>, vector<1x16xf32>,
      %parallel_loop3A_250 = vector.shape_cast %parallel_loop3A_249 : vector<1x16xf32> to vector<16xf32>
      %parallel_loop3A_251 = arith.index_cast %parallel_loop3A_218 : i32 to index
      %parallel_loop3A_252 = arith.constant 32 : index
      %parallel_loop3A_253 = tpu.vector_load %arg8[%parallel_loop3A_251, %parallel_loop3A_252] {strides = array<i32>} : memref<24x768xf32, #tpu.memory_space<vmem>>, vector<1x16xf32>,
      %parallel_loop3A_254 = vector.shape_cast %parallel_loop3A_253 : vector<1x16xf32> to vector<16xf32>
      %parallel_loop3A_255 = arith.addf %parallel_loop3A_250, %parallel_loop3A_254 : vector<16xf32>
      %parallel_loop3A_256 = arith.index_cast %parallel_loop3A_218 : i32 to index
      %parallel_loop3A_257 = arith.constant 32 : index
      %parallel_loop3A_258 = tpu.vector_load %arg5[%parallel_loop3A_256, %parallel_loop3A_257] {strides = array<i32>} : memref<24x768xf32, #tpu.memory_space<vmem>>, vector<1x16xf32>,
      %parallel_loop3A_259 = vector.shape_cast %parallel_loop3A_258 : vector<1x16xf32> to vector<16xf32>
      %parallel_loop3A_260 = vector.shape_cast %parallel_loop3A_255 : vector<16xf32> to vector<1x16xf32>
      tpu.vector_store %arg5[%parallel_loop3A_256, %parallel_loop3A_257], %parallel_loop3A_260 {strides = array<i32>} : memref<24x768xf32, #tpu.memory_space<vmem>>, vector<1x16xf32>,
      %parallel_loop3A_261 = arith.index_cast %parallel_loop3A_218 : i32 to index
      %parallel_loop3A_262 = arith.constant 48 : index
      %parallel_loop3A_263 = tpu.vector_load %arg5[%parallel_loop3A_261, %parallel_loop3A_262] {strides = array<i32>} : memref<24x768xf32, #tpu.memory_space<vmem>>, vector<1x16xf32>,
      %parallel_loop3A_264 = vector.shape_cast %parallel_loop3A_263 : vector<1x16xf32> to vector<16xf32>
      %parallel_loop3A_265 = arith.index_cast %parallel_loop3A_218 : i32 to index
      %parallel_loop3A_266 = arith.constant 48 : index
      %parallel_loop3A_267 = tpu.vector_load %arg8[%parallel_loop3A_265, %parallel_loop3A_266] {strides = array<i32>} : memref<24x768xf32, #tpu.memory_space<vmem>>, vector<1x16xf32>,
      %parallel_loop3A_268 = vector.shape_cast %parallel_loop3A_267 : vector<1x16xf32> to vector<16xf32>
      %parallel_loop3A_269 = arith.addf %parallel_loop3A_264, %parallel_loop3A_268 : vector<16xf32>
      %parallel_loop3A_270 = arith.index_cast %parallel_loop3A_218 : i32 to index
      %parallel_loop3A_271 = arith.constant 48 : index
      %parallel_loop3A_272 = tpu.vector_load %arg5[%parallel_loop3A_270, %parallel_loop3A_271] {strides = array<i32>} : memref<24x768xf32, #tpu.memory_space<vmem>>, vector<1x16xf32>,
      %parallel_loop3A_273 = vector.shape_cast %parallel_loop3A_272 : vector<1x16xf32> to vector<16xf32>
      %parallel_loop3A_274 = vector.shape_cast %parallel_loop3A_269 : vector<16xf32> to vector<1x16xf32>
      tpu.vector_store %arg5[%parallel_loop3A_270, %parallel_loop3A_271], %parallel_loop3A_274 {strides = array<i32>} : memref<24x768xf32, #tpu.memory_space<vmem>>, vector<1x16xf32>,
      %parallel_loop3A_275 = arith.index_cast %parallel_loop3A_218 : i32 to index
      %parallel_loop3A_276 = arith.constant 64 : index
      %parallel_loop3A_277 = tpu.vector_load %arg5[%parallel_loop3A_275, %parallel_loop3A_276] {strides = array<i32>} : memref<24x768xf32, #tpu.memory_space<vmem>>, vector<1x16xf32>,
      %parallel_loop3A_278 = vector.shape_cast %parallel_loop3A_277 : vector<1x16xf32> to vector<16xf32>
      %parallel_loop3A_279 = arith.index_cast %parallel_loop3A_218 : i32 to index
      %parallel_loop3A_280 = arith.constant 64 : index
      %parallel_loop3A_281 = tpu.vector_load %arg8[%parallel_loop3A_279, %parallel_loop3A_280] {strides = array<i32>} : memref<24x768xf32, #tpu.memory_space<vmem>>, vector<1x16xf32>,
      %parallel_loop3A_282 = vector.shape_cast %parallel_loop3A_281 : vector<1x16xf32> to vector<16xf32>
      %parallel_loop3A_283 = arith.addf %parallel_loop3A_278, %parallel_loop3A_282 : vector<16xf32>
      %parallel_loop3A_284 = arith.index_cast %parallel_loop3A_218 : i32 to index
      %parallel_loop3A_285 = arith.constant 64 : index
      %parallel_loop3A_286 = tpu.vector_load %arg5[%parallel_loop3A_284, %parallel_loop3A_285] {strides = array<i32>} : memref<24x768xf32, #tpu.memory_space<vmem>>, vector<1x16xf32>,
      %parallel_loop3A_287 = vector.shape_cast %parallel_loop3A_286 : vector<1x16xf32> to vector<16xf32>
      %parallel_loop3A_288 = vector.shape_cast %parallel_loop3A_283 : vector<16xf32> to vector<1x16xf32>
      tpu.vector_store %arg5[%parallel_loop3A_284, %parallel_loop3A_285], %parallel_loop3A_288 {strides = array<i32>} : memref<24x768xf32, #tpu.memory_space<vmem>>, vector<1x16xf32>,
      %parallel_loop3A_289 = arith.index_cast %parallel_loop3A_218 : i32 to index
      %parallel_loop3A_290 = arith.constant 80 : index
      %parallel_loop3A_291 = tpu.vector_load %arg5[%parallel_loop3A_289, %parallel_loop3A_290] {strides = array<i32>} : memref<24x768xf32, #tpu.memory_space<vmem>>, vector<1x16xf32>,
      %parallel_loop3A_292 = vector.shape_cast %parallel_loop3A_291 : vector<1x16xf32> to vector<16xf32>
      %parallel_loop3A_293 = arith.index_cast %parallel_loop3A_218 : i32 to index
      %parallel_loop3A_294 = arith.constant 80 : index
      %parallel_loop3A_295 = tpu.vector_load %arg8[%parallel_loop3A_293, %parallel_loop3A_294] {strides = array<i32>} : memref<24x768xf32, #tpu.memory_space<vmem>>, vector<1x16xf32>,
      %parallel_loop3A_296 = vector.shape_cast %parallel_loop3A_295 : vector<1x16xf32> to vector<16xf32>
      %parallel_loop3A_297 = arith.addf %parallel_loop3A_292, %parallel_loop3A_296 : vector<16xf32>
      %parallel_loop3A_298 = arith.index_cast %parallel_loop3A_218 : i32 to index
      %parallel_loop3A_299 = arith.constant 80 : index
      %parallel_loop3A_300 = tpu.vector_load %arg5[%parallel_loop3A_298, %parallel_loop3A_299] {strides = array<i32>} : memref<24x768xf32, #tpu.memory_space<vmem>>, vector<1x16xf32>,
      %parallel_loop3A_301 = vector.shape_cast %parallel_loop3A_300 : vector<1x16xf32> to vector<16xf32>
      %parallel_loop3A_302 = vector.shape_cast %parallel_loop3A_297 : vector<16xf32> to vector<1x16xf32>
      tpu.vector_store %arg5[%parallel_loop3A_298, %parallel_loop3A_299], %parallel_loop3A_302 {strides = array<i32>} : memref<24x768xf32, #tpu.memory_space<vmem>>, vector<1x16xf32>,
      %parallel_loop3A_303 = arith.index_cast %parallel_loop3A_218 : i32 to index
      %parallel_loop3A_304 = arith.constant 96 : index
      %parallel_loop3A_305 = tpu.vector_load %arg5[%parallel_loop3A_303, %parallel_loop3A_304] {strides = array<i32>} : memref<24x768xf32, #tpu.memory_space<vmem>>, vector<1x16xf32>,
      %parallel_loop3A_306 = vector.shape_cast %parallel_loop3A_305 : vector<1x16xf32> to vector<16xf32>
      %parallel_loop3A_307 = arith.index_cast %parallel_loop3A_218 : i32 to index
      %parallel_loop3A_308 = arith.constant 96 : index
      %parallel_loop3A_309 = tpu.vector_load %arg8[%parallel_loop3A_307, %parallel_loop3A_308] {strides = array<i32>} : memref<24x768xf32, #tpu.memory_space<vmem>>, vector<1x16xf32>,
      %parallel_loop3A_310 = vector.shape_cast %parallel_loop3A_309 : vector<1x16xf32> to vector<16xf32>
      %parallel_loop3A_311 = arith.addf %parallel_loop3A_306, %parallel_loop3A_310 : vector<16xf32>
      %parallel_loop3A_312 = arith.index_cast %parallel_loop3A_218 : i32 to index
      %parallel_loop3A_313 = arith.constant 96 : index
      %parallel_loop3A_314 = tpu.vector_load %arg5[%parallel_loop3A_312, %parallel_loop3A_313] {strides = array<i32>} : memref<24x768xf32, #tpu.memory_space<vmem>>, vector<1x16xf32>,
      %parallel_loop3A_315 = vector.shape_cast %parallel_loop3A_314 : vector<1x16xf32> to vector<16xf32>
      %parallel_loop3A_316 = vector.shape_cast %parallel_loop3A_311 : vector<16xf32> to vector<1x16xf32>
      tpu.vector_store %arg5[%parallel_loop3A_312, %parallel_loop3A_313], %parallel_loop3A_316 {strides = array<i32>} : memref<24x768xf32, #tpu.memory_space<vmem>>, vector<1x16xf32>,
      %parallel_loop3A_317 = arith.index_cast %parallel_loop3A_218 : i32 to index
      %parallel_loop3A_318 = arith.constant 112 : index
      %parallel_loop3A_319 = tpu.vector_load %arg5[%parallel_loop3A_317, %parallel_loop3A_318] {strides = array<i32>} : memref<24x768xf32, #tpu.memory_space<vmem>>, vector<1x16xf32>,
      %parallel_loop3A_320 = vector.shape_cast %parallel_loop3A_319 : vector<1x16xf32> to vector<16xf32>
      %parallel_loop3A_321 = arith.index_cast %parallel_loop3A_218 : i32 to index
      %parallel_loop3A_322 = arith.constant 112 : index
      %parallel_loop3A_323 = tpu.vector_load %arg8[%parallel_loop3A_321, %parallel_loop3A_322] {strides = array<i32>} : memref<24x768xf32, #tpu.memory_space<vmem>>, vector<1x16xf32>,
      %parallel_loop3A_324 = vector.shape_cast %parallel_loop3A_323 : vector<1x16xf32> to vector<16xf32>
      %parallel_loop3A_325 = arith.addf %parallel_loop3A_320, %parallel_loop3A_324 : vector<16xf32>
      %parallel_loop3A_326 = arith.index_cast %parallel_loop3A_218 : i32 to index
      %parallel_loop3A_327 = arith.constant 112 : index
      %parallel_loop3A_328 = tpu.vector_load %arg5[%parallel_loop3A_326, %parallel_loop3A_327] {strides = array<i32>} : memref<24x768xf32, #tpu.memory_space<vmem>>, vector<1x16xf32>,
      %parallel_loop3A_329 = vector.shape_cast %parallel_loop3A_328 : vector<1x16xf32> to vector<16xf32>
      %parallel_loop3A_330 = vector.shape_cast %parallel_loop3A_325 : vector<16xf32> to vector<1x16xf32>
      tpu.vector_store %arg5[%parallel_loop3A_326, %parallel_loop3A_327], %parallel_loop3A_330 {strides = array<i32>} : memref<24x768xf32, #tpu.memory_space<vmem>>, vector<1x16xf32>,
      %parallel_loop3A_331 = arith.index_cast %parallel_loop3A_218 : i32 to index
      %parallel_loop3A_332 = arith.constant 128 : index
      %parallel_loop3A_333 = tpu.vector_load %arg5[%parallel_loop3A_331, %parallel_loop3A_332] {strides = array<i32>} : memref<24x768xf32, #tpu.memory_space<vmem>>, vector<1x16xf32>,
      %parallel_loop3A_334 = vector.shape_cast %parallel_loop3A_333 : vector<1x16xf32> to vector<16xf32>
      %parallel_loop3A_335 = arith.index_cast %parallel_loop3A_218 : i32 to index
      %parallel_loop3A_336 = arith.constant 128 : index
      %parallel_loop3A_337 = tpu.vector_load %arg8[%parallel_loop3A_335, %parallel_loop3A_336] {strides = array<i32>} : memref<24x768xf32, #tpu.memory_space<vmem>>, vector<1x16xf32>,
      %parallel_loop3A_338 = vector.shape_cast %parallel_loop3A_337 : vector<1x16xf32> to vector<16xf32>
      %parallel_loop3A_339 = arith.addf %parallel_loop3A_334, %parallel_loop3A_338 : vector<16xf32>
      %parallel_loop3A_340 = arith.index_cast %parallel_loop3A_218 : i32 to index
      %parallel_loop3A_341 = arith.constant 128 : index
      %parallel_loop3A_342 = tpu.vector_load %arg5[%parallel_loop3A_340, %parallel_loop3A_341] {strides = array<i32>} : memref<24x768xf32, #tpu.memory_space<vmem>>, vector<1x16xf32>,
      %parallel_loop3A_343 = vector.shape_cast %parallel_loop3A_342 : vector<1x16xf32> to vector<16xf32>
      %parallel_loop3A_344 = vector.shape_cast %parallel_loop3A_339 : vector<16xf32> to vector<1x16xf32>
      tpu.vector_store %arg5[%parallel_loop3A_340, %parallel_loop3A_341], %parallel_loop3A_344 {strides = array<i32>} : memref<24x768xf32, #tpu.memory_space<vmem>>, vector<1x16xf32>,
      %parallel_loop3A_345 = arith.index_cast %parallel_loop3A_218 : i32 to index
      %parallel_loop3A_346 = arith.constant 144 : index
      %parallel_loop3A_347 = tpu.vector_load %arg5[%parallel_loop3A_345, %parallel_loop3A_346] {strides = array<i32>} : memref<24x768xf32, #tpu.memory_space<vmem>>, vector<1x16xf32>,
      %parallel_loop3A_348 = vector.shape_cast %parallel_loop3A_347 : vector<1x16xf32> to vector<16xf32>
      %parallel_loop3A_349 = arith.index_cast %parallel_loop3A_218 : i32 to index
      %parallel_loop3A_350 = arith.constant 144 : index
      %parallel_loop3A_351 = tpu.vector_load %arg8[%parallel_loop3A_349, %parallel_loop3A_350] {strides = array<i32>} : memref<24x768xf32, #tpu.memory_space<vmem>>, vector<1x16xf32>,
      %parallel_loop3A_352 = vector.shape_cast %parallel_loop3A_351 : vector<1x16xf32> to vector<16xf32>
      %parallel_loop3A_353 = arith.addf %parallel_loop3A_348, %parallel_loop3A_352 : vector<16xf32>
      %parallel_loop3A_354 = arith.index_cast %parallel_loop3A_218 : i32 to index
      %parallel_loop3A_355 = arith.constant 144 : index
      %parallel_loop3A_356 = tpu.vector_load %arg5[%parallel_loop3A_354, %parallel_loop3A_355] {strides = array<i32>} : memref<24x768xf32, #tpu.memory_space<vmem>>, vector<1x16xf32>,
      %parallel_loop3A_357 = vector.shape_cast %parallel_loop3A_356 : vector<1x16xf32> to vector<16xf32>
      %parallel_loop3A_358 = vector.shape_cast %parallel_loop3A_353 : vector<16xf32> to vector<1x16xf32>
      tpu.vector_store %arg5[%parallel_loop3A_354, %parallel_loop3A_355], %parallel_loop3A_358 {strides = array<i32>} : memref<24x768xf32, #tpu.memory_space<vmem>>, vector<1x16xf32>,
      %parallel_loop3A_359 = arith.index_cast %parallel_loop3A_218 : i32 to index
      %parallel_loop3A_360 = arith.constant 160 : index
      %parallel_loop3A_361 = tpu.vector_load %arg5[%parallel_loop3A_359, %parallel_loop3A_360] {strides = array<i32>} : memref<24x768xf32, #tpu.memory_space<vmem>>, vector<1x16xf32>,
      %parallel_loop3A_362 = vector.shape_cast %parallel_loop3A_361 : vector<1x16xf32> to vector<16xf32>
      %parallel_loop3A_363 = arith.index_cast %parallel_loop3A_218 : i32 to index
      %parallel_loop3A_364 = arith.constant 160 : index
      %parallel_loop3A_365 = tpu.vector_load %arg8[%parallel_loop3A_363, %parallel_loop3A_364] {strides = array<i32>} : memref<24x768xf32, #tpu.memory_space<vmem>>, vector<1x16xf32>,
      %parallel_loop3A_366 = vector.shape_cast %parallel_loop3A_365 : vector<1x16xf32> to vector<16xf32>
      %parallel_loop3A_367 = arith.addf %parallel_loop3A_362, %parallel_loop3A_366 : vector<16xf32>
      %parallel_loop3A_368 = arith.index_cast %parallel_loop3A_218 : i32 to index
      %parallel_loop3A_369 = arith.constant 160 : index
      %parallel_loop3A_370 = tpu.vector_load %arg5[%parallel_loop3A_368, %parallel_loop3A_369] {strides = array<i32>} : memref<24x768xf32, #tpu.memory_space<vmem>>, vector<1x16xf32>,
      %parallel_loop3A_371 = vector.shape_cast %parallel_loop3A_370 : vector<1x16xf32> to vector<16xf32>
      %parallel_loop3A_372 = vector.shape_cast %parallel_loop3A_367 : vector<16xf32> to vector<1x16xf32>
      tpu.vector_store %arg5[%parallel_loop3A_368, %parallel_loop3A_369], %parallel_loop3A_372 {strides = array<i32>} : memref<24x768xf32, #tpu.memory_space<vmem>>, vector<1x16xf32>,
      %parallel_loop3A_373 = arith.index_cast %parallel_loop3A_218 : i32 to index
      %parallel_loop3A_374 = arith.constant 176 : index
      %parallel_loop3A_375 = tpu.vector_load %arg5[%parallel_loop3A_373, %parallel_loop3A_374] {strides = array<i32>} : memref<24x768xf32, #tpu.memory_space<vmem>>, vector<1x16xf32>,
      %parallel_loop3A_376 = vector.shape_cast %parallel_loop3A_375 : vector<1x16xf32> to vector<16xf32>
      %parallel_loop3A_377 = arith.index_cast %parallel_loop3A_218 : i32 to index
      %parallel_loop3A_378 = arith.constant 176 : index
      %parallel_loop3A_379 = tpu.vector_load %arg8[%parallel_loop3A_377, %parallel_loop3A_378] {strides = array<i32>} : memref<24x768xf32, #tpu.memory_space<vmem>>, vector<1x16xf32>,
      %parallel_loop3A_380 = vector.shape_cast %parallel_loop3A_379 : vector<1x16xf32> to vector<16xf32>
      %parallel_loop3A_381 = arith.addf %parallel_loop3A_376, %parallel_loop3A_380 : vector<16xf32>
      %parallel_loop3A_382 = arith.index_cast %parallel_loop3A_218 : i32 to index
      %parallel_loop3A_383 = arith.constant 176 : index
      %parallel_loop3A_384 = tpu.vector_load %arg5[%parallel_loop3A_382, %parallel_loop3A_383] {strides = array<i32>} : memref<24x768xf32, #tpu.memory_space<vmem>>, vector<1x16xf32>,
      %parallel_loop3A_385 = vector.shape_cast %parallel_loop3A_384 : vector<1x16xf32> to vector<16xf32>
      %parallel_loop3A_386 = vector.shape_cast %parallel_loop3A_381 : vector<16xf32> to vector<1x16xf32>
      tpu.vector_store %arg5[%parallel_loop3A_382, %parallel_loop3A_383], %parallel_loop3A_386 {strides = array<i32>} : memref<24x768xf32, #tpu.memory_space<vmem>>, vector<1x16xf32>,
      %parallel_loop3A_387 = arith.index_cast %parallel_loop3A_218 : i32 to index
      %parallel_loop3A_388 = arith.constant 192 : index
      %parallel_loop3A_389 = tpu.vector_load %arg5[%parallel_loop3A_387, %parallel_loop3A_388] {strides = array<i32>} : memref<24x768xf32, #tpu.memory_space<vmem>>, vector<1x16xf32>,
      %parallel_loop3A_390 = vector.shape_cast %parallel_loop3A_389 : vector<1x16xf32> to vector<16xf32>
      %parallel_loop3A_391 = arith.index_cast %parallel_loop3A_218 : i32 to index
      %parallel_loop3A_392 = arith.constant 192 : index
      %parallel_loop3A_393 = tpu.vector_load %arg8[%parallel_loop3A_391, %parallel_loop3A_392] {strides = array<i32>} : memref<24x768xf32, #tpu.memory_space<vmem>>, vector<1x16xf32>,
      %parallel_loop3A_394 = vector.shape_cast %parallel_loop3A_393 : vector<1x16xf32> to vector<16xf32>
      %parallel_loop3A_395 = arith.addf %parallel_loop3A_390, %parallel_loop3A_394 : vector<16xf32>
      %parallel_loop3A_396 = arith.index_cast %parallel_loop3A_218 : i32 to index
      %parallel_loop3A_397 = arith.constant 192 : index
      %parallel_loop3A_398 = tpu.vector_load %arg5[%parallel_loop3A_396, %parallel_loop3A_397] {strides = array<i32>} : memref<24x768xf32, #tpu.memory_space<vmem>>, vector<1x16xf32>,
      %parallel_loop3A_399 = vector.shape_cast %parallel_loop3A_398 : vector<1x16xf32> to vector<16xf32>
      %parallel_loop3A_400 = vector.shape_cast %parallel_loop3A_395 : vector<16xf32> to vector<1x16xf32>
      tpu.vector_store %arg5[%parallel_loop3A_396, %parallel_loop3A_397], %parallel_loop3A_400 {strides = array<i32>} : memref<24x768xf32, #tpu.memory_space<vmem>>, vector<1x16xf32>,
      %parallel_loop3A_401 = arith.index_cast %parallel_loop3A_218 : i32 to index
      %parallel_loop3A_402 = arith.constant 208 : index
      %parallel_loop3A_403 = tpu.vector_load %arg5[%parallel_loop3A_401, %parallel_loop3A_402] {strides = array<i32>} : memref<24x768xf32, #tpu.memory_space<vmem>>, vector<1x16xf32>,
      %parallel_loop3A_404 = vector.shape_cast %parallel_loop3A_403 : vector<1x16xf32> to vector<16xf32>
      %parallel_loop3A_405 = arith.index_cast %parallel_loop3A_218 : i32 to index
      %parallel_loop3A_406 = arith.constant 208 : index
      %parallel_loop3A_407 = tpu.vector_load %arg8[%parallel_loop3A_405, %parallel_loop3A_406] {strides = array<i32>} : memref<24x768xf32, #tpu.memory_space<vmem>>, vector<1x16xf32>,
      %parallel_loop3A_408 = vector.shape_cast %parallel_loop3A_407 : vector<1x16xf32> to vector<16xf32>
      %parallel_loop3A_409 = arith.addf %parallel_loop3A_404, %parallel_loop3A_408 : vector<16xf32>
      %parallel_loop3A_410 = arith.index_cast %parallel_loop3A_218 : i32 to index
      %parallel_loop3A_411 = arith.constant 208 : index
      %parallel_loop3A_412 = tpu.vector_load %arg5[%parallel_loop3A_410, %parallel_loop3A_411] {strides = array<i32>} : memref<24x768xf32, #tpu.memory_space<vmem>>, vector<1x16xf32>,
      %parallel_loop3A_413 = vector.shape_cast %parallel_loop3A_412 : vector<1x16xf32> to vector<16xf32>
      %parallel_loop3A_414 = vector.shape_cast %parallel_loop3A_409 : vector<16xf32> to vector<1x16xf32>
      tpu.vector_store %arg5[%parallel_loop3A_410, %parallel_loop3A_411], %parallel_loop3A_414 {strides = array<i32>} : memref<24x768xf32, #tpu.memory_space<vmem>>, vector<1x16xf32>,
      %parallel_loop3A_415 = arith.index_cast %parallel_loop3A_218 : i32 to index
      %parallel_loop3A_416 = arith.constant 224 : index
      %parallel_loop3A_417 = tpu.vector_load %arg5[%parallel_loop3A_415, %parallel_loop3A_416] {strides = array<i32>} : memref<24x768xf32, #tpu.memory_space<vmem>>, vector<1x16xf32>,
      %parallel_loop3A_418 = vector.shape_cast %parallel_loop3A_417 : vector<1x16xf32> to vector<16xf32>
      %parallel_loop3A_419 = arith.index_cast %parallel_loop3A_218 : i32 to index
      %parallel_loop3A_420 = arith.constant 224 : index
      %parallel_loop3A_421 = tpu.vector_load %arg8[%parallel_loop3A_419, %parallel_loop3A_420] {strides = array<i32>} : memref<24x768xf32, #tpu.memory_space<vmem>>, vector<1x16xf32>,
      %parallel_loop3A_422 = vector.shape_cast %parallel_loop3A_421 : vector<1x16xf32> to vector<16xf32>
      %parallel_loop3A_423 = arith.addf %parallel_loop3A_418, %parallel_loop3A_422 : vector<16xf32>
      %parallel_loop3A_424 = arith.index_cast %parallel_loop3A_218 : i32 to index
      %parallel_loop3A_425 = arith.constant 224 : index
      %parallel_loop3A_426 = tpu.vector_load %arg5[%parallel_loop3A_424, %parallel_loop3A_425] {strides = array<i32>} : memref<24x768xf32, #tpu.memory_space<vmem>>, vector<1x16xf32>,
      %parallel_loop3A_427 = vector.shape_cast %parallel_loop3A_426 : vector<1x16xf32> to vector<16xf32>
      %parallel_loop3A_428 = vector.shape_cast %parallel_loop3A_423 : vector<16xf32> to vector<1x16xf32>
      tpu.vector_store %arg5[%parallel_loop3A_424, %parallel_loop3A_425], %parallel_loop3A_428 {strides = array<i32>} : memref<24x768xf32, #tpu.memory_space<vmem>>, vector<1x16xf32>,
      %parallel_loop3A_429 = arith.index_cast %parallel_loop3A_218 : i32 to index
      %parallel_loop3A_430 = arith.constant 240 : index
      %parallel_loop3A_431 = tpu.vector_load %arg5[%parallel_loop3A_429, %parallel_loop3A_430] {strides = array<i32>} : memref<24x768xf32, #tpu.memory_space<vmem>>, vector<1x16xf32>,
      %parallel_loop3A_432 = vector.shape_cast %parallel_loop3A_431 : vector<1x16xf32> to vector<16xf32>
      %parallel_loop3A_433 = arith.index_cast %parallel_loop3A_218 : i32 to index
      %parallel_loop3A_434 = arith.constant 240 : index
      %parallel_loop3A_435 = tpu.vector_load %arg8[%parallel_loop3A_433, %parallel_loop3A_434] {strides = array<i32>} : memref<24x768xf32, #tpu.memory_space<vmem>>, vector<1x16xf32>,
      %parallel_loop3A_436 = vector.shape_cast %parallel_loop3A_435 : vector<1x16xf32> to vector<16xf32>
      %parallel_loop3A_437 = arith.addf %parallel_loop3A_432, %parallel_loop3A_436 : vector<16xf32>
      %parallel_loop3A_438 = arith.index_cast %parallel_loop3A_218 : i32 to index
      %parallel_loop3A_439 = arith.constant 240 : index
      %parallel_loop3A_440 = tpu.vector_load %arg5[%parallel_loop3A_438, %parallel_loop3A_439] {strides = array<i32>} : memref<24x768xf32, #tpu.memory_space<vmem>>, vector<1x16xf32>,
      %parallel_loop3A_441 = vector.shape_cast %parallel_loop3A_440 : vector<1x16xf32> to vector<16xf32>
      %parallel_loop3A_442 = vector.shape_cast %parallel_loop3A_437 : vector<16xf32> to vector<1x16xf32>
      tpu.vector_store %arg5[%parallel_loop3A_438, %parallel_loop3A_439], %parallel_loop3A_442 {strides = array<i32>} : memref<24x768xf32, #tpu.memory_space<vmem>>, vector<1x16xf32>,
      %parallel_loop3A_443 = arith.index_cast %parallel_loop3A_218 : i32 to index
      %parallel_loop3A_444 = arith.constant 256 : index
      %parallel_loop3A_445 = tpu.vector_load %arg5[%parallel_loop3A_443, %parallel_loop3A_444] {strides = array<i32>} : memref<24x768xf32, #tpu.memory_space<vmem>>, vector<1x16xf32>,
      %parallel_loop3A_446 = vector.shape_cast %parallel_loop3A_445 : vector<1x16xf32> to vector<16xf32>
      %parallel_loop3A_447 = arith.index_cast %parallel_loop3A_218 : i32 to index
      %parallel_loop3A_448 = arith.constant 256 : index
      %parallel_loop3A_449 = tpu.vector_load %arg8[%parallel_loop3A_447, %parallel_loop3A_448] {strides = array<i32>} : memref<24x768xf32, #tpu.memory_space<vmem>>, vector<1x16xf32>,
      %parallel_loop3A_450 = vector.shape_cast %parallel_loop3A_449 : vector<1x16xf32> to vector<16xf32>
      %parallel_loop3A_451 = arith.addf %parallel_loop3A_446, %parallel_loop3A_450 : vector<16xf32>
      %parallel_loop3A_452 = arith.index_cast %parallel_loop3A_218 : i32 to index
      %parallel_loop3A_453 = arith.constant 256 : index
      %parallel_loop3A_454 = tpu.vector_load %arg5[%parallel_loop3A_452, %parallel_loop3A_453] {strides = array<i32>} : memref<24x768xf32, #tpu.memory_space<vmem>>, vector<1x16xf32>,
      %parallel_loop3A_455 = vector.shape_cast %parallel_loop3A_454 : vector<1x16xf32> to vector<16xf32>
      %parallel_loop3A_456 = vector.shape_cast %parallel_loop3A_451 : vector<16xf32> to vector<1x16xf32>
      tpu.vector_store %arg5[%parallel_loop3A_452, %parallel_loop3A_453], %parallel_loop3A_456 {strides = array<i32>} : memref<24x768xf32, #tpu.memory_space<vmem>>, vector<1x16xf32>,
      %parallel_loop3A_457 = arith.index_cast %parallel_loop3A_218 : i32 to index
      %parallel_loop3A_458 = arith.constant 272 : index
      %parallel_loop3A_459 = tpu.vector_load %arg5[%parallel_loop3A_457, %parallel_loop3A_458] {strides = array<i32>} : memref<24x768xf32, #tpu.memory_space<vmem>>, vector<1x16xf32>,
      %parallel_loop3A_460 = vector.shape_cast %parallel_loop3A_459 : vector<1x16xf32> to vector<16xf32>
      %parallel_loop3A_461 = arith.index_cast %parallel_loop3A_218 : i32 to index
      %parallel_loop3A_462 = arith.constant 272 : index
      %parallel_loop3A_463 = tpu.vector_load %arg8[%parallel_loop3A_461, %parallel_loop3A_462] {strides = array<i32>} : memref<24x768xf32, #tpu.memory_space<vmem>>, vector<1x16xf32>,
      %parallel_loop3A_464 = vector.shape_cast %parallel_loop3A_463 : vector<1x16xf32> to vector<16xf32>
      %parallel_loop3A_465 = arith.addf %parallel_loop3A_460, %parallel_loop3A_464 : vector<16xf32>
      %parallel_loop3A_466 = arith.index_cast %parallel_loop3A_218 : i32 to index
      %parallel_loop3A_467 = arith.constant 272 : index
      %parallel_loop3A_468 = tpu.vector_load %arg5[%parallel_loop3A_466, %parallel_loop3A_467] {strides = array<i32>} : memref<24x768xf32, #tpu.memory_space<vmem>>, vector<1x16xf32>,
      %parallel_loop3A_469 = vector.shape_cast %parallel_loop3A_468 : vector<1x16xf32> to vector<16xf32>
      %parallel_loop3A_470 = vector.shape_cast %parallel_loop3A_465 : vector<16xf32> to vector<1x16xf32>
      tpu.vector_store %arg5[%parallel_loop3A_466, %parallel_loop3A_467], %parallel_loop3A_470 {strides = array<i32>} : memref<24x768xf32, #tpu.memory_space<vmem>>, vector<1x16xf32>,
      %parallel_loop3A_471 = arith.index_cast %parallel_loop3A_218 : i32 to index
      %parallel_loop3A_472 = arith.constant 288 : index
      %parallel_loop3A_473 = tpu.vector_load %arg5[%parallel_loop3A_471, %parallel_loop3A_472] {strides = array<i32>} : memref<24x768xf32, #tpu.memory_space<vmem>>, vector<1x16xf32>,
      %parallel_loop3A_474 = vector.shape_cast %parallel_loop3A_473 : vector<1x16xf32> to vector<16xf32>
      %parallel_loop3A_475 = arith.index_cast %parallel_loop3A_218 : i32 to index
      %parallel_loop3A_476 = arith.constant 288 : index
      %parallel_loop3A_477 = tpu.vector_load %arg8[%parallel_loop3A_475, %parallel_loop3A_476] {strides = array<i32>} : memref<24x768xf32, #tpu.memory_space<vmem>>, vector<1x16xf32>,
      %parallel_loop3A_478 = vector.shape_cast %parallel_loop3A_477 : vector<1x16xf32> to vector<16xf32>
      %parallel_loop3A_479 = arith.addf %parallel_loop3A_474, %parallel_loop3A_478 : vector<16xf32>
      %parallel_loop3A_480 = arith.index_cast %parallel_loop3A_218 : i32 to index
      %parallel_loop3A_481 = arith.constant 288 : index
      %parallel_loop3A_482 = tpu.vector_load %arg5[%parallel_loop3A_480, %parallel_loop3A_481] {strides = array<i32>} : memref<24x768xf32, #tpu.memory_space<vmem>>, vector<1x16xf32>,
      %parallel_loop3A_483 = vector.shape_cast %parallel_loop3A_482 : vector<1x16xf32> to vector<16xf32>
      %parallel_loop3A_484 = vector.shape_cast %parallel_loop3A_479 : vector<16xf32> to vector<1x16xf32>
      tpu.vector_store %arg5[%parallel_loop3A_480, %parallel_loop3A_481], %parallel_loop3A_484 {strides = array<i32>} : memref<24x768xf32, #tpu.memory_space<vmem>>, vector<1x16xf32>,
      %parallel_loop3A_485 = arith.index_cast %parallel_loop3A_218 : i32 to index
      %parallel_loop3A_486 = arith.constant 304 : index
      %parallel_loop3A_487 = tpu.vector_load %arg5[%parallel_loop3A_485, %parallel_loop3A_486] {strides = array<i32>} : memref<24x768xf32, #tpu.memory_space<vmem>>, vector<1x16xf32>,
      %parallel_loop3A_488 = vector.shape_cast %parallel_loop3A_487 : vector<1x16xf32> to vector<16xf32>
      %parallel_loop3A_489 = arith.index_cast %parallel_loop3A_218 : i32 to index
      %parallel_loop3A_490 = arith.constant 304 : index
      %parallel_loop3A_491 = tpu.vector_load %arg8[%parallel_loop3A_489, %parallel_loop3A_490] {strides = array<i32>} : memref<24x768xf32, #tpu.memory_space<vmem>>, vector<1x16xf32>,
      %parallel_loop3A_492 = vector.shape_cast %parallel_loop3A_491 : vector<1x16xf32> to vector<16xf32>
      %parallel_loop3A_493 = arith.addf %parallel_loop3A_488, %parallel_loop3A_492 : vector<16xf32>
      %parallel_loop3A_494 = arith.index_cast %parallel_loop3A_218 : i32 to index
      %parallel_loop3A_495 = arith.constant 304 : index
      %parallel_loop3A_496 = tpu.vector_load %arg5[%parallel_loop3A_494, %parallel_loop3A_495] {strides = array<i32>} : memref<24x768xf32, #tpu.memory_space<vmem>>, vector<1x16xf32>,
      %parallel_loop3A_497 = vector.shape_cast %parallel_loop3A_496 : vector<1x16xf32> to vector<16xf32>
      %parallel_loop3A_498 = vector.shape_cast %parallel_loop3A_493 : vector<16xf32> to vector<1x16xf32>
      tpu.vector_store %arg5[%parallel_loop3A_494, %parallel_loop3A_495], %parallel_loop3A_498 {strides = array<i32>} : memref<24x768xf32, #tpu.memory_space<vmem>>, vector<1x16xf32>,
      %parallel_loop3A_499 = arith.index_cast %parallel_loop3A_218 : i32 to index
      %parallel_loop3A_500 = arith.constant 320 : index
      %parallel_loop3A_501 = tpu.vector_load %arg5[%parallel_loop3A_499, %parallel_loop3A_500] {strides = array<i32>} : memref<24x768xf32, #tpu.memory_space<vmem>>, vector<1x16xf32>,
      %parallel_loop3A_502 = vector.shape_cast %parallel_loop3A_501 : vector<1x16xf32> to vector<16xf32>
      %parallel_loop3A_503 = arith.index_cast %parallel_loop3A_218 : i32 to index
      %parallel_loop3A_504 = arith.constant 320 : index
      %parallel_loop3A_505 = tpu.vector_load %arg8[%parallel_loop3A_503, %parallel_loop3A_504] {strides = array<i32>} : memref<24x768xf32, #tpu.memory_space<vmem>>, vector<1x16xf32>,
      %parallel_loop3A_506 = vector.shape_cast %parallel_loop3A_505 : vector<1x16xf32> to vector<16xf32>
      %parallel_loop3A_507 = arith.addf %parallel_loop3A_502, %parallel_loop3A_506 : vector<16xf32>
      %parallel_loop3A_508 = arith.index_cast %parallel_loop3A_218 : i32 to index
      %parallel_loop3A_509 = arith.constant 320 : index
      %parallel_loop3A_510 = tpu.vector_load %arg5[%parallel_loop3A_508, %parallel_loop3A_509] {strides = array<i32>} : memref<24x768xf32, #tpu.memory_space<vmem>>, vector<1x16xf32>,
      %parallel_loop3A_511 = vector.shape_cast %parallel_loop3A_510 : vector<1x16xf32> to vector<16xf32>
      %parallel_loop3A_512 = vector.shape_cast %parallel_loop3A_507 : vector<16xf32> to vector<1x16xf32>
      tpu.vector_store %arg5[%parallel_loop3A_508, %parallel_loop3A_509], %parallel_loop3A_512 {strides = array<i32>} : memref<24x768xf32, #tpu.memory_space<vmem>>, vector<1x16xf32>,
      %parallel_loop3A_513 = arith.index_cast %parallel_loop3A_218 : i32 to index
      %parallel_loop3A_514 = arith.constant 336 : index
      %parallel_loop3A_515 = tpu.vector_load %arg5[%parallel_loop3A_513, %parallel_loop3A_514] {strides = array<i32>} : memref<24x768xf32, #tpu.memory_space<vmem>>, vector<1x16xf32>,
      %parallel_loop3A_516 = vector.shape_cast %parallel_loop3A_515 : vector<1x16xf32> to vector<16xf32>
      %parallel_loop3A_517 = arith.index_cast %parallel_loop3A_218 : i32 to index
      %parallel_loop3A_518 = arith.constant 336 : index
      %parallel_loop3A_519 = tpu.vector_load %arg8[%parallel_loop3A_517, %parallel_loop3A_518] {strides = array<i32>} : memref<24x768xf32, #tpu.memory_space<vmem>>, vector<1x16xf32>,
      %parallel_loop3A_520 = vector.shape_cast %parallel_loop3A_519 : vector<1x16xf32> to vector<16xf32>
      %parallel_loop3A_521 = arith.addf %parallel_loop3A_516, %parallel_loop3A_520 : vector<16xf32>
      %parallel_loop3A_522 = arith.index_cast %parallel_loop3A_218 : i32 to index
      %parallel_loop3A_523 = arith.constant 336 : index
      %parallel_loop3A_524 = tpu.vector_load %arg5[%parallel_loop3A_522, %parallel_loop3A_523] {strides = array<i32>} : memref<24x768xf32, #tpu.memory_space<vmem>>, vector<1x16xf32>,
      %parallel_loop3A_525 = vector.shape_cast %parallel_loop3A_524 : vector<1x16xf32> to vector<16xf32>
      %parallel_loop3A_526 = vector.shape_cast %parallel_loop3A_521 : vector<16xf32> to vector<1x16xf32>
      tpu.vector_store %arg5[%parallel_loop3A_522, %parallel_loop3A_523], %parallel_loop3A_526 {strides = array<i32>} : memref<24x768xf32, #tpu.memory_space<vmem>>, vector<1x16xf32>,
      %parallel_loop3A_527 = arith.index_cast %parallel_loop3A_218 : i32 to index
      %parallel_loop3A_528 = arith.constant 352 : index
      %parallel_loop3A_529 = tpu.vector_load %arg5[%parallel_loop3A_527, %parallel_loop3A_528] {strides = array<i32>} : memref<24x768xf32, #tpu.memory_space<vmem>>, vector<1x16xf32>,
      %parallel_loop3A_530 = vector.shape_cast %parallel_loop3A_529 : vector<1x16xf32> to vector<16xf32>
      %parallel_loop3A_531 = arith.index_cast %parallel_loop3A_218 : i32 to index
      %parallel_loop3A_532 = arith.constant 352 : index
      %parallel_loop3A_533 = tpu.vector_load %arg8[%parallel_loop3A_531, %parallel_loop3A_532] {strides = array<i32>} : memref<24x768xf32, #tpu.memory_space<vmem>>, vector<1x16xf32>,
      %parallel_loop3A_534 = vector.shape_cast %parallel_loop3A_533 : vector<1x16xf32> to vector<16xf32>
      %parallel_loop3A_535 = arith.addf %parallel_loop3A_530, %parallel_loop3A_534 : vector<16xf32>
      %parallel_loop3A_536 = arith.index_cast %parallel_loop3A_218 : i32 to index
      %parallel_loop3A_537 = arith.constant 352 : index
      %parallel_loop3A_538 = tpu.vector_load %arg5[%parallel_loop3A_536, %parallel_loop3A_537] {strides = array<i32>} : memref<24x768xf32, #tpu.memory_space<vmem>>, vector<1x16xf32>,
      %parallel_loop3A_539 = vector.shape_cast %parallel_loop3A_538 : vector<1x16xf32> to vector<16xf32>
      %parallel_loop3A_540 = vector.shape_cast %parallel_loop3A_535 : vector<16xf32> to vector<1x16xf32>
      tpu.vector_store %arg5[%parallel_loop3A_536, %parallel_loop3A_537], %parallel_loop3A_540 {strides = array<i32>} : memref<24x768xf32, #tpu.memory_space<vmem>>, vector<1x16xf32>,
      %parallel_loop3A_541 = arith.index_cast %parallel_loop3A_218 : i32 to index
      %parallel_loop3A_542 = arith.constant 368 : index
      %parallel_loop3A_543 = tpu.vector_load %arg5[%parallel_loop3A_541, %parallel_loop3A_542] {strides = array<i32>} : memref<24x768xf32, #tpu.memory_space<vmem>>, vector<1x16xf32>,
      %parallel_loop3A_544 = vector.shape_cast %parallel_loop3A_543 : vector<1x16xf32> to vector<16xf32>
      %parallel_loop3A_545 = arith.index_cast %parallel_loop3A_218 : i32 to index
      %parallel_loop3A_546 = arith.constant 368 : index
      %parallel_loop3A_547 = tpu.vector_load %arg8[%parallel_loop3A_545, %parallel_loop3A_546] {strides = array<i32>} : memref<24x768xf32, #tpu.memory_space<vmem>>, vector<1x16xf32>,
      %parallel_loop3A_548 = vector.shape_cast %parallel_loop3A_547 : vector<1x16xf32> to vector<16xf32>
      %parallel_loop3A_549 = arith.addf %parallel_loop3A_544, %parallel_loop3A_548 : vector<16xf32>
      %parallel_loop3A_550 = arith.index_cast %parallel_loop3A_218 : i32 to index
      %parallel_loop3A_551 = arith.constant 368 : index
      %parallel_loop3A_552 = tpu.vector_load %arg5[%parallel_loop3A_550, %parallel_loop3A_551] {strides = array<i32>} : memref<24x768xf32, #tpu.memory_space<vmem>>, vector<1x16xf32>,
      %parallel_loop3A_553 = vector.shape_cast %parallel_loop3A_552 : vector<1x16xf32> to vector<16xf32>
      %parallel_loop3A_554 = vector.shape_cast %parallel_loop3A_549 : vector<16xf32> to vector<1x16xf32>
      tpu.vector_store %arg5[%parallel_loop3A_550, %parallel_loop3A_551], %parallel_loop3A_554 {strides = array<i32>} : memref<24x768xf32, #tpu.memory_space<vmem>>, vector<1x16xf32>,
      %parallel_loop3A_555 = arith.index_cast %parallel_loop3A_218 : i32 to index
      %parallel_loop3A_556 = arith.constant 384 : index
      %parallel_loop3A_557 = tpu.vector_load %arg5[%parallel_loop3A_555, %parallel_loop3A_556] {strides = array<i32>} : memref<24x768xf32, #tpu.memory_space<vmem>>, vector<1x16xf32>,
      %parallel_loop3A_558 = vector.shape_cast %parallel_loop3A_557 : vector<1x16xf32> to vector<16xf32>
      %parallel_loop3A_559 = arith.index_cast %parallel_loop3A_218 : i32 to index
      %parallel_loop3A_560 = arith.constant 384 : index
      %parallel_loop3A_561 = tpu.vector_load %arg8[%parallel_loop3A_559, %parallel_loop3A_560] {strides = array<i32>} : memref<24x768xf32, #tpu.memory_space<vmem>>, vector<1x16xf32>,
      %parallel_loop3A_562 = vector.shape_cast %parallel_loop3A_561 : vector<1x16xf32> to vector<16xf32>
      %parallel_loop3A_563 = arith.addf %parallel_loop3A_558, %parallel_loop3A_562 : vector<16xf32>
      %parallel_loop3A_564 = arith.index_cast %parallel_loop3A_218 : i32 to index
      %parallel_loop3A_565 = arith.constant 384 : index
      %parallel_loop3A_566 = tpu.vector_load %arg5[%parallel_loop3A_564, %parallel_loop3A_565] {strides = array<i32>} : memref<24x768xf32, #tpu.memory_space<vmem>>, vector<1x16xf32>,
      %parallel_loop3A_567 = vector.shape_cast %parallel_loop3A_566 : vector<1x16xf32> to vector<16xf32>
      %parallel_loop3A_568 = vector.shape_cast %parallel_loop3A_563 : vector<16xf32> to vector<1x16xf32>
      tpu.vector_store %arg5[%parallel_loop3A_564, %parallel_loop3A_565], %parallel_loop3A_568 {strides = array<i32>} : memref<24x768xf32, #tpu.memory_space<vmem>>, vector<1x16xf32>,
      %parallel_loop3A_569 = arith.index_cast %parallel_loop3A_218 : i32 to index
      %parallel_loop3A_570 = arith.constant 400 : index
      %parallel_loop3A_571 = tpu.vector_load %arg5[%parallel_loop3A_569, %parallel_loop3A_570] {strides = array<i32>} : memref<24x768xf32, #tpu.memory_space<vmem>>, vector<1x16xf32>,
      %parallel_loop3A_572 = vector.shape_cast %parallel_loop3A_571 : vector<1x16xf32> to vector<16xf32>
      %parallel_loop3A_573 = arith.index_cast %parallel_loop3A_218 : i32 to index
      %parallel_loop3A_574 = arith.constant 400 : index
      %parallel_loop3A_575 = tpu.vector_load %arg8[%parallel_loop3A_573, %parallel_loop3A_574] {strides = array<i32>} : memref<24x768xf32, #tpu.memory_space<vmem>>, vector<1x16xf32>,
      %parallel_loop3A_576 = vector.shape_cast %parallel_loop3A_575 : vector<1x16xf32> to vector<16xf32>
      %parallel_loop3A_577 = arith.addf %parallel_loop3A_572, %parallel_loop3A_576 : vector<16xf32>
      %parallel_loop3A_578 = arith.index_cast %parallel_loop3A_218 : i32 to index
      %parallel_loop3A_579 = arith.constant 400 : index
      %parallel_loop3A_580 = tpu.vector_load %arg5[%parallel_loop3A_578, %parallel_loop3A_579] {strides = array<i32>} : memref<24x768xf32, #tpu.memory_space<vmem>>, vector<1x16xf32>,
      %parallel_loop3A_581 = vector.shape_cast %parallel_loop3A_580 : vector<1x16xf32> to vector<16xf32>
      %parallel_loop3A_582 = vector.shape_cast %parallel_loop3A_577 : vector<16xf32> to vector<1x16xf32>
      tpu.vector_store %arg5[%parallel_loop3A_578, %parallel_loop3A_579], %parallel_loop3A_582 {strides = array<i32>} : memref<24x768xf32, #tpu.memory_space<vmem>>, vector<1x16xf32>,
      %parallel_loop3A_583 = arith.index_cast %parallel_loop3A_218 : i32 to index
      %parallel_loop3A_584 = arith.constant 416 : index
      %parallel_loop3A_585 = tpu.vector_load %arg5[%parallel_loop3A_583, %parallel_loop3A_584] {strides = array<i32>} : memref<24x768xf32, #tpu.memory_space<vmem>>, vector<1x16xf32>,
      %parallel_loop3A_586 = vector.shape_cast %parallel_loop3A_585 : vector<1x16xf32> to vector<16xf32>
      %parallel_loop3A_587 = arith.index_cast %parallel_loop3A_218 : i32 to index
      %parallel_loop3A_588 = arith.constant 416 : index
      %parallel_loop3A_589 = tpu.vector_load %arg8[%parallel_loop3A_587, %parallel_loop3A_588] {strides = array<i32>} : memref<24x768xf32, #tpu.memory_space<vmem>>, vector<1x16xf32>,
      %parallel_loop3A_590 = vector.shape_cast %parallel_loop3A_589 : vector<1x16xf32> to vector<16xf32>
      %parallel_loop3A_591 = arith.addf %parallel_loop3A_586, %parallel_loop3A_590 : vector<16xf32>
      %parallel_loop3A_592 = arith.index_cast %parallel_loop3A_218 : i32 to index
      %parallel_loop3A_593 = arith.constant 416 : index
      %parallel_loop3A_594 = tpu.vector_load %arg5[%parallel_loop3A_592, %parallel_loop3A_593] {strides = array<i32>} : memref<24x768xf32, #tpu.memory_space<vmem>>, vector<1x16xf32>,
      %parallel_loop3A_595 = vector.shape_cast %parallel_loop3A_594 : vector<1x16xf32> to vector<16xf32>
      %parallel_loop3A_596 = vector.shape_cast %parallel_loop3A_591 : vector<16xf32> to vector<1x16xf32>
      tpu.vector_store %arg5[%parallel_loop3A_592, %parallel_loop3A_593], %parallel_loop3A_596 {strides = array<i32>} : memref<24x768xf32, #tpu.memory_space<vmem>>, vector<1x16xf32>,
      %parallel_loop3A_597 = arith.index_cast %parallel_loop3A_218 : i32 to index
      %parallel_loop3A_598 = arith.constant 432 : index
      %parallel_loop3A_599 = tpu.vector_load %arg5[%parallel_loop3A_597, %parallel_loop3A_598] {strides = array<i32>} : memref<24x768xf32, #tpu.memory_space<vmem>>, vector<1x16xf32>,
      %parallel_loop3A_600 = vector.shape_cast %parallel_loop3A_599 : vector<1x16xf32> to vector<16xf32>
      %parallel_loop3A_601 = arith.index_cast %parallel_loop3A_218 : i32 to index
      %parallel_loop3A_602 = arith.constant 432 : index
      %parallel_loop3A_603 = tpu.vector_load %arg8[%parallel_loop3A_601, %parallel_loop3A_602] {strides = array<i32>} : memref<24x768xf32, #tpu.memory_space<vmem>>, vector<1x16xf32>,
      %parallel_loop3A_604 = vector.shape_cast %parallel_loop3A_603 : vector<1x16xf32> to vector<16xf32>
      %parallel_loop3A_605 = arith.addf %parallel_loop3A_600, %parallel_loop3A_604 : vector<16xf32>
      %parallel_loop3A_606 = arith.index_cast %parallel_loop3A_218 : i32 to index
      %parallel_loop3A_607 = arith.constant 432 : index
      %parallel_loop3A_608 = tpu.vector_load %arg5[%parallel_loop3A_606, %parallel_loop3A_607] {strides = array<i32>} : memref<24x768xf32, #tpu.memory_space<vmem>>, vector<1x16xf32>,
      %parallel_loop3A_609 = vector.shape_cast %parallel_loop3A_608 : vector<1x16xf32> to vector<16xf32>
      %parallel_loop3A_610 = vector.shape_cast %parallel_loop3A_605 : vector<16xf32> to vector<1x16xf32>
      tpu.vector_store %arg5[%parallel_loop3A_606, %parallel_loop3A_607], %parallel_loop3A_610 {strides = array<i32>} : memref<24x768xf32, #tpu.memory_space<vmem>>, vector<1x16xf32>,
      %parallel_loop3A_611 = arith.index_cast %parallel_loop3A_218 : i32 to index
      %parallel_loop3A_612 = arith.constant 448 : index
      %parallel_loop3A_613 = tpu.vector_load %arg5[%parallel_loop3A_611, %parallel_loop3A_612] {strides = array<i32>} : memref<24x768xf32, #tpu.memory_space<vmem>>, vector<1x16xf32>,
      %parallel_loop3A_614 = vector.shape_cast %parallel_loop3A_613 : vector<1x16xf32> to vector<16xf32>
      %parallel_loop3A_615 = arith.index_cast %parallel_loop3A_218 : i32 to index
      %parallel_loop3A_616 = arith.constant 448 : index
      %parallel_loop3A_617 = tpu.vector_load %arg8[%parallel_loop3A_615, %parallel_loop3A_616] {strides = array<i32>} : memref<24x768xf32, #tpu.memory_space<vmem>>, vector<1x16xf32>,
      %parallel_loop3A_618 = vector.shape_cast %parallel_loop3A_617 : vector<1x16xf32> to vector<16xf32>
      %parallel_loop3A_619 = arith.addf %parallel_loop3A_614, %parallel_loop3A_618 : vector<16xf32>
      %parallel_loop3A_620 = arith.index_cast %parallel_loop3A_218 : i32 to index
      %parallel_loop3A_621 = arith.constant 448 : index
      %parallel_loop3A_622 = tpu.vector_load %arg5[%parallel_loop3A_620, %parallel_loop3A_621] {strides = array<i32>} : memref<24x768xf32, #tpu.memory_space<vmem>>, vector<1x16xf32>,
      %parallel_loop3A_623 = vector.shape_cast %parallel_loop3A_622 : vector<1x16xf32> to vector<16xf32>
      %parallel_loop3A_624 = vector.shape_cast %parallel_loop3A_619 : vector<16xf32> to vector<1x16xf32>
      tpu.vector_store %arg5[%parallel_loop3A_620, %parallel_loop3A_621], %parallel_loop3A_624 {strides = array<i32>} : memref<24x768xf32, #tpu.memory_space<vmem>>, vector<1x16xf32>,
      %parallel_loop3A_625 = arith.index_cast %parallel_loop3A_218 : i32 to index
      %parallel_loop3A_626 = arith.constant 464 : index
      %parallel_loop3A_627 = tpu.vector_load %arg5[%parallel_loop3A_625, %parallel_loop3A_626] {strides = array<i32>} : memref<24x768xf32, #tpu.memory_space<vmem>>, vector<1x16xf32>,
      %parallel_loop3A_628 = vector.shape_cast %parallel_loop3A_627 : vector<1x16xf32> to vector<16xf32>
      %parallel_loop3A_629 = arith.index_cast %parallel_loop3A_218 : i32 to index
      %parallel_loop3A_630 = arith.constant 464 : index
      %parallel_loop3A_631 = tpu.vector_load %arg8[%parallel_loop3A_629, %parallel_loop3A_630] {strides = array<i32>} : memref<24x768xf32, #tpu.memory_space<vmem>>, vector<1x16xf32>,
      %parallel_loop3A_632 = vector.shape_cast %parallel_loop3A_631 : vector<1x16xf32> to vector<16xf32>
      %parallel_loop3A_633 = arith.addf %parallel_loop3A_628, %parallel_loop3A_632 : vector<16xf32>
      %parallel_loop3A_634 = arith.index_cast %parallel_loop3A_218 : i32 to index
      %parallel_loop3A_635 = arith.constant 464 : index
      %parallel_loop3A_636 = tpu.vector_load %arg5[%parallel_loop3A_634, %parallel_loop3A_635] {strides = array<i32>} : memref<24x768xf32, #tpu.memory_space<vmem>>, vector<1x16xf32>,
      %parallel_loop3A_637 = vector.shape_cast %parallel_loop3A_636 : vector<1x16xf32> to vector<16xf32>
      %parallel_loop3A_638 = vector.shape_cast %parallel_loop3A_633 : vector<16xf32> to vector<1x16xf32>
      tpu.vector_store %arg5[%parallel_loop3A_634, %parallel_loop3A_635], %parallel_loop3A_638 {strides = array<i32>} : memref<24x768xf32, #tpu.memory_space<vmem>>, vector<1x16xf32>,
      %parallel_loop3A_639 = arith.index_cast %parallel_loop3A_218 : i32 to index
      %parallel_loop3A_640 = arith.constant 480 : index
      %parallel_loop3A_641 = tpu.vector_load %arg5[%parallel_loop3A_639, %parallel_loop3A_640] {strides = array<i32>} : memref<24x768xf32, #tpu.memory_space<vmem>>, vector<1x16xf32>,
      %parallel_loop3A_642 = vector.shape_cast %parallel_loop3A_641 : vector<1x16xf32> to vector<16xf32>
      %parallel_loop3A_643 = arith.index_cast %parallel_loop3A_218 : i32 to index
      %parallel_loop3A_644 = arith.constant 480 : index
      %parallel_loop3A_645 = tpu.vector_load %arg8[%parallel_loop3A_643, %parallel_loop3A_644] {strides = array<i32>} : memref<24x768xf32, #tpu.memory_space<vmem>>, vector<1x16xf32>,
      %parallel_loop3A_646 = vector.shape_cast %parallel_loop3A_645 : vector<1x16xf32> to vector<16xf32>
      %parallel_loop3A_647 = arith.addf %parallel_loop3A_642, %parallel_loop3A_646 : vector<16xf32>
      %parallel_loop3A_648 = arith.index_cast %parallel_loop3A_218 : i32 to index
      %parallel_loop3A_649 = arith.constant 480 : index
      %parallel_loop3A_650 = tpu.vector_load %arg5[%parallel_loop3A_648, %parallel_loop3A_649] {strides = array<i32>} : memref<24x768xf32, #tpu.memory_space<vmem>>, vector<1x16xf32>,
      %parallel_loop3A_651 = vector.shape_cast %parallel_loop3A_650 : vector<1x16xf32> to vector<16xf32>
      %parallel_loop3A_652 = vector.shape_cast %parallel_loop3A_647 : vector<16xf32> to vector<1x16xf32>
      tpu.vector_store %arg5[%parallel_loop3A_648, %parallel_loop3A_649], %parallel_loop3A_652 {strides = array<i32>} : memref<24x768xf32, #tpu.memory_space<vmem>>, vector<1x16xf32>,
      %parallel_loop3A_653 = arith.index_cast %parallel_loop3A_218 : i32 to index
      %parallel_loop3A_654 = arith.constant 496 : index
      %parallel_loop3A_655 = tpu.vector_load %arg5[%parallel_loop3A_653, %parallel_loop3A_654] {strides = array<i32>} : memref<24x768xf32, #tpu.memory_space<vmem>>, vector<1x16xf32>,
      %parallel_loop3A_656 = vector.shape_cast %parallel_loop3A_655 : vector<1x16xf32> to vector<16xf32>
      %parallel_loop3A_657 = arith.index_cast %parallel_loop3A_218 : i32 to index
      %parallel_loop3A_658 = arith.constant 496 : index
      %parallel_loop3A_659 = tpu.vector_load %arg8[%parallel_loop3A_657, %parallel_loop3A_658] {strides = array<i32>} : memref<24x768xf32, #tpu.memory_space<vmem>>, vector<1x16xf32>,
      %parallel_loop3A_660 = vector.shape_cast %parallel_loop3A_659 : vector<1x16xf32> to vector<16xf32>
      %parallel_loop3A_661 = arith.addf %parallel_loop3A_656, %parallel_loop3A_660 : vector<16xf32>
      %parallel_loop3A_662 = arith.index_cast %parallel_loop3A_218 : i32 to index
      %parallel_loop3A_663 = arith.constant 496 : index
      %parallel_loop3A_664 = tpu.vector_load %arg5[%parallel_loop3A_662, %parallel_loop3A_663] {strides = array<i32>} : memref<24x768xf32, #tpu.memory_space<vmem>>, vector<1x16xf32>,
      %parallel_loop3A_665 = vector.shape_cast %parallel_loop3A_664 : vector<1x16xf32> to vector<16xf32>
      %parallel_loop3A_666 = vector.shape_cast %parallel_loop3A_661 : vector<16xf32> to vector<1x16xf32>
      tpu.vector_store %arg5[%parallel_loop3A_662, %parallel_loop3A_663], %parallel_loop3A_666 {strides = array<i32>} : memref<24x768xf32, #tpu.memory_space<vmem>>, vector<1x16xf32>,
      %parallel_loop3A_667 = arith.index_cast %parallel_loop3A_218 : i32 to index
      %parallel_loop3A_668 = arith.constant 512 : index
      %parallel_loop3A_669 = tpu.vector_load %arg5[%parallel_loop3A_667, %parallel_loop3A_668] {strides = array<i32>} : memref<24x768xf32, #tpu.memory_space<vmem>>, vector<1x16xf32>,
      %parallel_loop3A_670 = vector.shape_cast %parallel_loop3A_669 : vector<1x16xf32> to vector<16xf32>
      %parallel_loop3A_671 = arith.index_cast %parallel_loop3A_218 : i32 to index
      %parallel_loop3A_672 = arith.constant 512 : index
      %parallel_loop3A_673 = tpu.vector_load %arg8[%parallel_loop3A_671, %parallel_loop3A_672] {strides = array<i32>} : memref<24x768xf32, #tpu.memory_space<vmem>>, vector<1x16xf32>,
      %parallel_loop3A_674 = vector.shape_cast %parallel_loop3A_673 : vector<1x16xf32> to vector<16xf32>
      %parallel_loop3A_675 = arith.addf %parallel_loop3A_670, %parallel_loop3A_674 : vector<16xf32>
      %parallel_loop3A_676 = arith.index_cast %parallel_loop3A_218 : i32 to index
      %parallel_loop3A_677 = arith.constant 512 : index
      %parallel_loop3A_678 = tpu.vector_load %arg5[%parallel_loop3A_676, %parallel_loop3A_677] {strides = array<i32>} : memref<24x768xf32, #tpu.memory_space<vmem>>, vector<1x16xf32>,
      %parallel_loop3A_679 = vector.shape_cast %parallel_loop3A_678 : vector<1x16xf32> to vector<16xf32>
      %parallel_loop3A_680 = vector.shape_cast %parallel_loop3A_675 : vector<16xf32> to vector<1x16xf32>
      tpu.vector_store %arg5[%parallel_loop3A_676, %parallel_loop3A_677], %parallel_loop3A_680 {strides = array<i32>} : memref<24x768xf32, #tpu.memory_space<vmem>>, vector<1x16xf32>,
      %parallel_loop3A_681 = arith.index_cast %parallel_loop3A_218 : i32 to index
      %parallel_loop3A_682 = arith.constant 528 : index
      %parallel_loop3A_683 = tpu.vector_load %arg5[%parallel_loop3A_681, %parallel_loop3A_682] {strides = array<i32>} : memref<24x768xf32, #tpu.memory_space<vmem>>, vector<1x16xf32>,
      %parallel_loop3A_684 = vector.shape_cast %parallel_loop3A_683 : vector<1x16xf32> to vector<16xf32>
      %parallel_loop3A_685 = arith.index_cast %parallel_loop3A_218 : i32 to index
      %parallel_loop3A_686 = arith.constant 528 : index
      %parallel_loop3A_687 = tpu.vector_load %arg8[%parallel_loop3A_685, %parallel_loop3A_686] {strides = array<i32>} : memref<24x768xf32, #tpu.memory_space<vmem>>, vector<1x16xf32>,
      %parallel_loop3A_688 = vector.shape_cast %parallel_loop3A_687 : vector<1x16xf32> to vector<16xf32>
      %parallel_loop3A_689 = arith.addf %parallel_loop3A_684, %parallel_loop3A_688 : vector<16xf32>
      %parallel_loop3A_690 = arith.index_cast %parallel_loop3A_218 : i32 to index
      %parallel_loop3A_691 = arith.constant 528 : index
      %parallel_loop3A_692 = tpu.vector_load %arg5[%parallel_loop3A_690, %parallel_loop3A_691] {strides = array<i32>} : memref<24x768xf32, #tpu.memory_space<vmem>>, vector<1x16xf32>,
      %parallel_loop3A_693 = vector.shape_cast %parallel_loop3A_692 : vector<1x16xf32> to vector<16xf32>
      %parallel_loop3A_694 = vector.shape_cast %parallel_loop3A_689 : vector<16xf32> to vector<1x16xf32>
      tpu.vector_store %arg5[%parallel_loop3A_690, %parallel_loop3A_691], %parallel_loop3A_694 {strides = array<i32>} : memref<24x768xf32, #tpu.memory_space<vmem>>, vector<1x16xf32>,
      %parallel_loop3A_695 = arith.index_cast %parallel_loop3A_218 : i32 to index
      %parallel_loop3A_696 = arith.constant 544 : index
      %parallel_loop3A_697 = tpu.vector_load %arg5[%parallel_loop3A_695, %parallel_loop3A_696] {strides = array<i32>} : memref<24x768xf32, #tpu.memory_space<vmem>>, vector<1x16xf32>,
      %parallel_loop3A_698 = vector.shape_cast %parallel_loop3A_697 : vector<1x16xf32> to vector<16xf32>
      %parallel_loop3A_699 = arith.index_cast %parallel_loop3A_218 : i32 to index
      %parallel_loop3A_700 = arith.constant 544 : index
      %parallel_loop3A_701 = tpu.vector_load %arg8[%parallel_loop3A_699, %parallel_loop3A_700] {strides = array<i32>} : memref<24x768xf32, #tpu.memory_space<vmem>>, vector<1x16xf32>,
      %parallel_loop3A_702 = vector.shape_cast %parallel_loop3A_701 : vector<1x16xf32> to vector<16xf32>
      %parallel_loop3A_703 = arith.addf %parallel_loop3A_698, %parallel_loop3A_702 : vector<16xf32>
      %parallel_loop3A_704 = arith.index_cast %parallel_loop3A_218 : i32 to index
      %parallel_loop3A_705 = arith.constant 544 : index
      %parallel_loop3A_706 = tpu.vector_load %arg5[%parallel_loop3A_704, %parallel_loop3A_705] {strides = array<i32>} : memref<24x768xf32, #tpu.memory_space<vmem>>, vector<1x16xf32>,
      %parallel_loop3A_707 = vector.shape_cast %parallel_loop3A_706 : vector<1x16xf32> to vector<16xf32>
      %parallel_loop3A_708 = vector.shape_cast %parallel_loop3A_703 : vector<16xf32> to vector<1x16xf32>
      tpu.vector_store %arg5[%parallel_loop3A_704, %parallel_loop3A_705], %parallel_loop3A_708 {strides = array<i32>} : memref<24x768xf32, #tpu.memory_space<vmem>>, vector<1x16xf32>,
      %parallel_loop3A_709 = arith.index_cast %parallel_loop3A_218 : i32 to index
      %parallel_loop3A_710 = arith.constant 560 : index
      %parallel_loop3A_711 = tpu.vector_load %arg5[%parallel_loop3A_709, %parallel_loop3A_710] {strides = array<i32>} : memref<24x768xf32, #tpu.memory_space<vmem>>, vector<1x16xf32>,
      %parallel_loop3A_712 = vector.shape_cast %parallel_loop3A_711 : vector<1x16xf32> to vector<16xf32>
      %parallel_loop3A_713 = arith.index_cast %parallel_loop3A_218 : i32 to index
      %parallel_loop3A_714 = arith.constant 560 : index
      %parallel_loop3A_715 = tpu.vector_load %arg8[%parallel_loop3A_713, %parallel_loop3A_714] {strides = array<i32>} : memref<24x768xf32, #tpu.memory_space<vmem>>, vector<1x16xf32>,
      %parallel_loop3A_716 = vector.shape_cast %parallel_loop3A_715 : vector<1x16xf32> to vector<16xf32>
      %parallel_loop3A_717 = arith.addf %parallel_loop3A_712, %parallel_loop3A_716 : vector<16xf32>
      %parallel_loop3A_718 = arith.index_cast %parallel_loop3A_218 : i32 to index
      %parallel_loop3A_719 = arith.constant 560 : index
      %parallel_loop3A_720 = tpu.vector_load %arg5[%parallel_loop3A_718, %parallel_loop3A_719] {strides = array<i32>} : memref<24x768xf32, #tpu.memory_space<vmem>>, vector<1x16xf32>,
      %parallel_loop3A_721 = vector.shape_cast %parallel_loop3A_720 : vector<1x16xf32> to vector<16xf32>
      %parallel_loop3A_722 = vector.shape_cast %parallel_loop3A_717 : vector<16xf32> to vector<1x16xf32>
      tpu.vector_store %arg5[%parallel_loop3A_718, %parallel_loop3A_719], %parallel_loop3A_722 {strides = array<i32>} : memref<24x768xf32, #tpu.memory_space<vmem>>, vector<1x16xf32>,
      %parallel_loop3A_723 = arith.index_cast %parallel_loop3A_218 : i32 to index
      %parallel_loop3A_724 = arith.constant 576 : index
      %parallel_loop3A_725 = tpu.vector_load %arg5[%parallel_loop3A_723, %parallel_loop3A_724] {strides = array<i32>} : memref<24x768xf32, #tpu.memory_space<vmem>>, vector<1x16xf32>,
      %parallel_loop3A_726 = vector.shape_cast %parallel_loop3A_725 : vector<1x16xf32> to vector<16xf32>
      %parallel_loop3A_727 = arith.index_cast %parallel_loop3A_218 : i32 to index
      %parallel_loop3A_728 = arith.constant 576 : index
      %parallel_loop3A_729 = tpu.vector_load %arg8[%parallel_loop3A_727, %parallel_loop3A_728] {strides = array<i32>} : memref<24x768xf32, #tpu.memory_space<vmem>>, vector<1x16xf32>,
      %parallel_loop3A_730 = vector.shape_cast %parallel_loop3A_729 : vector<1x16xf32> to vector<16xf32>
      %parallel_loop3A_731 = arith.addf %parallel_loop3A_726, %parallel_loop3A_730 : vector<16xf32>
      %parallel_loop3A_732 = arith.index_cast %parallel_loop3A_218 : i32 to index
      %parallel_loop3A_733 = arith.constant 576 : index
      %parallel_loop3A_734 = tpu.vector_load %arg5[%parallel_loop3A_732, %parallel_loop3A_733] {strides = array<i32>} : memref<24x768xf32, #tpu.memory_space<vmem>>, vector<1x16xf32>,
      %parallel_loop3A_735 = vector.shape_cast %parallel_loop3A_734 : vector<1x16xf32> to vector<16xf32>
      %parallel_loop3A_736 = vector.shape_cast %parallel_loop3A_731 : vector<16xf32> to vector<1x16xf32>
      tpu.vector_store %arg5[%parallel_loop3A_732, %parallel_loop3A_733], %parallel_loop3A_736 {strides = array<i32>} : memref<24x768xf32, #tpu.memory_space<vmem>>, vector<1x16xf32>,
      %parallel_loop3A_737 = arith.index_cast %parallel_loop3A_218 : i32 to index
      %parallel_loop3A_738 = arith.constant 592 : index
      %parallel_loop3A_739 = tpu.vector_load %arg5[%parallel_loop3A_737, %parallel_loop3A_738] {strides = array<i32>} : memref<24x768xf32, #tpu.memory_space<vmem>>, vector<1x16xf32>,
      %parallel_loop3A_740 = vector.shape_cast %parallel_loop3A_739 : vector<1x16xf32> to vector<16xf32>
      %parallel_loop3A_741 = arith.index_cast %parallel_loop3A_218 : i32 to index
      %parallel_loop3A_742 = arith.constant 592 : index
      %parallel_loop3A_743 = tpu.vector_load %arg8[%parallel_loop3A_741, %parallel_loop3A_742] {strides = array<i32>} : memref<24x768xf32, #tpu.memory_space<vmem>>, vector<1x16xf32>,
      %parallel_loop3A_744 = vector.shape_cast %parallel_loop3A_743 : vector<1x16xf32> to vector<16xf32>
      %parallel_loop3A_745 = arith.addf %parallel_loop3A_740, %parallel_loop3A_744 : vector<16xf32>
      %parallel_loop3A_746 = arith.index_cast %parallel_loop3A_218 : i32 to index
      %parallel_loop3A_747 = arith.constant 592 : index
      %parallel_loop3A_748 = tpu.vector_load %arg5[%parallel_loop3A_746, %parallel_loop3A_747] {strides = array<i32>} : memref<24x768xf32, #tpu.memory_space<vmem>>, vector<1x16xf32>,
      %parallel_loop3A_749 = vector.shape_cast %parallel_loop3A_748 : vector<1x16xf32> to vector<16xf32>
      %parallel_loop3A_750 = vector.shape_cast %parallel_loop3A_745 : vector<16xf32> to vector<1x16xf32>
      tpu.vector_store %arg5[%parallel_loop3A_746, %parallel_loop3A_747], %parallel_loop3A_750 {strides = array<i32>} : memref<24x768xf32, #tpu.memory_space<vmem>>, vector<1x16xf32>,
      %parallel_loop3A_751 = arith.index_cast %parallel_loop3A_218 : i32 to index
      %parallel_loop3A_752 = arith.constant 608 : index
      %parallel_loop3A_753 = tpu.vector_load %arg5[%parallel_loop3A_751, %parallel_loop3A_752] {strides = array<i32>} : memref<24x768xf32, #tpu.memory_space<vmem>>, vector<1x16xf32>,
      %parallel_loop3A_754 = vector.shape_cast %parallel_loop3A_753 : vector<1x16xf32> to vector<16xf32>
      %parallel_loop3A_755 = arith.index_cast %parallel_loop3A_218 : i32 to index
      %parallel_loop3A_756 = arith.constant 608 : index
      %parallel_loop3A_757 = tpu.vector_load %arg8[%parallel_loop3A_755, %parallel_loop3A_756] {strides = array<i32>} : memref<24x768xf32, #tpu.memory_space<vmem>>, vector<1x16xf32>,
      %parallel_loop3A_758 = vector.shape_cast %parallel_loop3A_757 : vector<1x16xf32> to vector<16xf32>
      %parallel_loop3A_759 = arith.addf %parallel_loop3A_754, %parallel_loop3A_758 : vector<16xf32>
      %parallel_loop3A_760 = arith.index_cast %parallel_loop3A_218 : i32 to index
      %parallel_loop3A_761 = arith.constant 608 : index
      %parallel_loop3A_762 = tpu.vector_load %arg5[%parallel_loop3A_760, %parallel_loop3A_761] {strides = array<i32>} : memref<24x768xf32, #tpu.memory_space<vmem>>, vector<1x16xf32>,
      %parallel_loop3A_763 = vector.shape_cast %parallel_loop3A_762 : vector<1x16xf32> to vector<16xf32>
      %parallel_loop3A_764 = vector.shape_cast %parallel_loop3A_759 : vector<16xf32> to vector<1x16xf32>
      tpu.vector_store %arg5[%parallel_loop3A_760, %parallel_loop3A_761], %parallel_loop3A_764 {strides = array<i32>} : memref<24x768xf32, #tpu.memory_space<vmem>>, vector<1x16xf32>,
      %parallel_loop3A_765 = arith.index_cast %parallel_loop3A_218 : i32 to index
      %parallel_loop3A_766 = arith.constant 624 : index
      %parallel_loop3A_767 = tpu.vector_load %arg5[%parallel_loop3A_765, %parallel_loop3A_766] {strides = array<i32>} : memref<24x768xf32, #tpu.memory_space<vmem>>, vector<1x16xf32>,
      %parallel_loop3A_768 = vector.shape_cast %parallel_loop3A_767 : vector<1x16xf32> to vector<16xf32>
      %parallel_loop3A_769 = arith.index_cast %parallel_loop3A_218 : i32 to index
      %parallel_loop3A_770 = arith.constant 624 : index
      %parallel_loop3A_771 = tpu.vector_load %arg8[%parallel_loop3A_769, %parallel_loop3A_770] {strides = array<i32>} : memref<24x768xf32, #tpu.memory_space<vmem>>, vector<1x16xf32>,
      %parallel_loop3A_772 = vector.shape_cast %parallel_loop3A_771 : vector<1x16xf32> to vector<16xf32>
      %parallel_loop3A_773 = arith.addf %parallel_loop3A_768, %parallel_loop3A_772 : vector<16xf32>
      %parallel_loop3A_774 = arith.index_cast %parallel_loop3A_218 : i32 to index
      %parallel_loop3A_775 = arith.constant 624 : index
      %parallel_loop3A_776 = tpu.vector_load %arg5[%parallel_loop3A_774, %parallel_loop3A_775] {strides = array<i32>} : memref<24x768xf32, #tpu.memory_space<vmem>>, vector<1x16xf32>,
      %parallel_loop3A_777 = vector.shape_cast %parallel_loop3A_776 : vector<1x16xf32> to vector<16xf32>
      %parallel_loop3A_778 = vector.shape_cast %parallel_loop3A_773 : vector<16xf32> to vector<1x16xf32>
      tpu.vector_store %arg5[%parallel_loop3A_774, %parallel_loop3A_775], %parallel_loop3A_778 {strides = array<i32>} : memref<24x768xf32, #tpu.memory_space<vmem>>, vector<1x16xf32>,
      %parallel_loop3A_779 = arith.index_cast %parallel_loop3A_218 : i32 to index
      %parallel_loop3A_780 = arith.constant 640 : index
      %parallel_loop3A_781 = tpu.vector_load %arg5[%parallel_loop3A_779, %parallel_loop3A_780] {strides = array<i32>} : memref<24x768xf32, #tpu.memory_space<vmem>>, vector<1x16xf32>,
      %parallel_loop3A_782 = vector.shape_cast %parallel_loop3A_781 : vector<1x16xf32> to vector<16xf32>
      %parallel_loop3A_783 = arith.index_cast %parallel_loop3A_218 : i32 to index
      %parallel_loop3A_784 = arith.constant 640 : index
      %parallel_loop3A_785 = tpu.vector_load %arg8[%parallel_loop3A_783, %parallel_loop3A_784] {strides = array<i32>} : memref<24x768xf32, #tpu.memory_space<vmem>>, vector<1x16xf32>,
      %parallel_loop3A_786 = vector.shape_cast %parallel_loop3A_785 : vector<1x16xf32> to vector<16xf32>
      %parallel_loop3A_787 = arith.addf %parallel_loop3A_782, %parallel_loop3A_786 : vector<16xf32>
      %parallel_loop3A_788 = arith.index_cast %parallel_loop3A_218 : i32 to index
      %parallel_loop3A_789 = arith.constant 640 : index
      %parallel_loop3A_790 = tpu.vector_load %arg5[%parallel_loop3A_788, %parallel_loop3A_789] {strides = array<i32>} : memref<24x768xf32, #tpu.memory_space<vmem>>, vector<1x16xf32>,
      %parallel_loop3A_791 = vector.shape_cast %parallel_loop3A_790 : vector<1x16xf32> to vector<16xf32>
      %parallel_loop3A_792 = vector.shape_cast %parallel_loop3A_787 : vector<16xf32> to vector<1x16xf32>
      tpu.vector_store %arg5[%parallel_loop3A_788, %parallel_loop3A_789], %parallel_loop3A_792 {strides = array<i32>} : memref<24x768xf32, #tpu.memory_space<vmem>>, vector<1x16xf32>,
      %parallel_loop3A_793 = arith.index_cast %parallel_loop3A_218 : i32 to index
      %parallel_loop3A_794 = arith.constant 656 : index
      %parallel_loop3A_795 = tpu.vector_load %arg5[%parallel_loop3A_793, %parallel_loop3A_794] {strides = array<i32>} : memref<24x768xf32, #tpu.memory_space<vmem>>, vector<1x16xf32>,
      %parallel_loop3A_796 = vector.shape_cast %parallel_loop3A_795 : vector<1x16xf32> to vector<16xf32>
      %parallel_loop3A_797 = arith.index_cast %parallel_loop3A_218 : i32 to index
      %parallel_loop3A_798 = arith.constant 656 : index
      %parallel_loop3A_799 = tpu.vector_load %arg8[%parallel_loop3A_797, %parallel_loop3A_798] {strides = array<i32>} : memref<24x768xf32, #tpu.memory_space<vmem>>, vector<1x16xf32>,
      %parallel_loop3A_800 = vector.shape_cast %parallel_loop3A_799 : vector<1x16xf32> to vector<16xf32>
      %parallel_loop3A_801 = arith.addf %parallel_loop3A_796, %parallel_loop3A_800 : vector<16xf32>
      %parallel_loop3A_802 = arith.index_cast %parallel_loop3A_218 : i32 to index
      %parallel_loop3A_803 = arith.constant 656 : index
      %parallel_loop3A_804 = tpu.vector_load %arg5[%parallel_loop3A_802, %parallel_loop3A_803] {strides = array<i32>} : memref<24x768xf32, #tpu.memory_space<vmem>>, vector<1x16xf32>,
      %parallel_loop3A_805 = vector.shape_cast %parallel_loop3A_804 : vector<1x16xf32> to vector<16xf32>
      %parallel_loop3A_806 = vector.shape_cast %parallel_loop3A_801 : vector<16xf32> to vector<1x16xf32>
      tpu.vector_store %arg5[%parallel_loop3A_802, %parallel_loop3A_803], %parallel_loop3A_806 {strides = array<i32>} : memref<24x768xf32, #tpu.memory_space<vmem>>, vector<1x16xf32>,
      %parallel_loop3A_807 = arith.index_cast %parallel_loop3A_218 : i32 to index
      %parallel_loop3A_808 = arith.constant 672 : index
      %parallel_loop3A_809 = tpu.vector_load %arg5[%parallel_loop3A_807, %parallel_loop3A_808] {strides = array<i32>} : memref<24x768xf32, #tpu.memory_space<vmem>>, vector<1x16xf32>,
      %parallel_loop3A_810 = vector.shape_cast %parallel_loop3A_809 : vector<1x16xf32> to vector<16xf32>
      %parallel_loop3A_811 = arith.index_cast %parallel_loop3A_218 : i32 to index
      %parallel_loop3A_812 = arith.constant 672 : index
      %parallel_loop3A_813 = tpu.vector_load %arg8[%parallel_loop3A_811, %parallel_loop3A_812] {strides = array<i32>} : memref<24x768xf32, #tpu.memory_space<vmem>>, vector<1x16xf32>,
      %parallel_loop3A_814 = vector.shape_cast %parallel_loop3A_813 : vector<1x16xf32> to vector<16xf32>
      %parallel_loop3A_815 = arith.addf %parallel_loop3A_810, %parallel_loop3A_814 : vector<16xf32>
      %parallel_loop3A_816 = arith.index_cast %parallel_loop3A_218 : i32 to index
      %parallel_loop3A_817 = arith.constant 672 : index
      %parallel_loop3A_818 = tpu.vector_load %arg5[%parallel_loop3A_816, %parallel_loop3A_817] {strides = array<i32>} : memref<24x768xf32, #tpu.memory_space<vmem>>, vector<1x16xf32>,
      %parallel_loop3A_819 = vector.shape_cast %parallel_loop3A_818 : vector<1x16xf32> to vector<16xf32>
      %parallel_loop3A_820 = vector.shape_cast %parallel_loop3A_815 : vector<16xf32> to vector<1x16xf32>
      tpu.vector_store %arg5[%parallel_loop3A_816, %parallel_loop3A_817], %parallel_loop3A_820 {strides = array<i32>} : memref<24x768xf32, #tpu.memory_space<vmem>>, vector<1x16xf32>,
      %parallel_loop3A_821 = arith.index_cast %parallel_loop3A_218 : i32 to index
      %parallel_loop3A_822 = arith.constant 688 : index
      %parallel_loop3A_823 = tpu.vector_load %arg5[%parallel_loop3A_821, %parallel_loop3A_822] {strides = array<i32>} : memref<24x768xf32, #tpu.memory_space<vmem>>, vector<1x16xf32>,
      %parallel_loop3A_824 = vector.shape_cast %parallel_loop3A_823 : vector<1x16xf32> to vector<16xf32>
      %parallel_loop3A_825 = arith.index_cast %parallel_loop3A_218 : i32 to index
      %parallel_loop3A_826 = arith.constant 688 : index
      %parallel_loop3A_827 = tpu.vector_load %arg8[%parallel_loop3A_825, %parallel_loop3A_826] {strides = array<i32>} : memref<24x768xf32, #tpu.memory_space<vmem>>, vector<1x16xf32>,
      %parallel_loop3A_828 = vector.shape_cast %parallel_loop3A_827 : vector<1x16xf32> to vector<16xf32>
      %parallel_loop3A_829 = arith.addf %parallel_loop3A_824, %parallel_loop3A_828 : vector<16xf32>
      %parallel_loop3A_830 = arith.index_cast %parallel_loop3A_218 : i32 to index
      %parallel_loop3A_831 = arith.constant 688 : index
      %parallel_loop3A_832 = tpu.vector_load %arg5[%parallel_loop3A_830, %parallel_loop3A_831] {strides = array<i32>} : memref<24x768xf32, #tpu.memory_space<vmem>>, vector<1x16xf32>,
      %parallel_loop3A_833 = vector.shape_cast %parallel_loop3A_832 : vector<1x16xf32> to vector<16xf32>
      %parallel_loop3A_834 = vector.shape_cast %parallel_loop3A_829 : vector<16xf32> to vector<1x16xf32>
      tpu.vector_store %arg5[%parallel_loop3A_830, %parallel_loop3A_831], %parallel_loop3A_834 {strides = array<i32>} : memref<24x768xf32, #tpu.memory_space<vmem>>, vector<1x16xf32>,
      %parallel_loop3A_835 = arith.index_cast %parallel_loop3A_218 : i32 to index
      %parallel_loop3A_836 = arith.constant 704 : index
      %parallel_loop3A_837 = tpu.vector_load %arg5[%parallel_loop3A_835, %parallel_loop3A_836] {strides = array<i32>} : memref<24x768xf32, #tpu.memory_space<vmem>>, vector<1x16xf32>,
      %parallel_loop3A_838 = vector.shape_cast %parallel_loop3A_837 : vector<1x16xf32> to vector<16xf32>
      %parallel_loop3A_839 = arith.index_cast %parallel_loop3A_218 : i32 to index
      %parallel_loop3A_840 = arith.constant 704 : index
      %parallel_loop3A_841 = tpu.vector_load %arg8[%parallel_loop3A_839, %parallel_loop3A_840] {strides = array<i32>} : memref<24x768xf32, #tpu.memory_space<vmem>>, vector<1x16xf32>,
      %parallel_loop3A_842 = vector.shape_cast %parallel_loop3A_841 : vector<1x16xf32> to vector<16xf32>
      %parallel_loop3A_843 = arith.addf %parallel_loop3A_838, %parallel_loop3A_842 : vector<16xf32>
      %parallel_loop3A_844 = arith.index_cast %parallel_loop3A_218 : i32 to index
      %parallel_loop3A_845 = arith.constant 704 : index
      %parallel_loop3A_846 = tpu.vector_load %arg5[%parallel_loop3A_844, %parallel_loop3A_845] {strides = array<i32>} : memref<24x768xf32, #tpu.memory_space<vmem>>, vector<1x16xf32>,
      %parallel_loop3A_847 = vector.shape_cast %parallel_loop3A_846 : vector<1x16xf32> to vector<16xf32>
      %parallel_loop3A_848 = vector.shape_cast %parallel_loop3A_843 : vector<16xf32> to vector<1x16xf32>
      tpu.vector_store %arg5[%parallel_loop3A_844, %parallel_loop3A_845], %parallel_loop3A_848 {strides = array<i32>} : memref<24x768xf32, #tpu.memory_space<vmem>>, vector<1x16xf32>,
      %parallel_loop3A_849 = arith.index_cast %parallel_loop3A_218 : i32 to index
      %parallel_loop3A_850 = arith.constant 720 : index
      %parallel_loop3A_851 = tpu.vector_load %arg5[%parallel_loop3A_849, %parallel_loop3A_850] {strides = array<i32>} : memref<24x768xf32, #tpu.memory_space<vmem>>, vector<1x16xf32>,
      %parallel_loop3A_852 = vector.shape_cast %parallel_loop3A_851 : vector<1x16xf32> to vector<16xf32>
      %parallel_loop3A_853 = arith.index_cast %parallel_loop3A_218 : i32 to index
      %parallel_loop3A_854 = arith.constant 720 : index
      %parallel_loop3A_855 = tpu.vector_load %arg8[%parallel_loop3A_853, %parallel_loop3A_854] {strides = array<i32>} : memref<24x768xf32, #tpu.memory_space<vmem>>, vector<1x16xf32>,
      %parallel_loop3A_856 = vector.shape_cast %parallel_loop3A_855 : vector<1x16xf32> to vector<16xf32>
      %parallel_loop3A_857 = arith.addf %parallel_loop3A_852, %parallel_loop3A_856 : vector<16xf32>
      %parallel_loop3A_858 = arith.index_cast %parallel_loop3A_218 : i32 to index
      %parallel_loop3A_859 = arith.constant 720 : index
      %parallel_loop3A_860 = tpu.vector_load %arg5[%parallel_loop3A_858, %parallel_loop3A_859] {strides = array<i32>} : memref<24x768xf32, #tpu.memory_space<vmem>>, vector<1x16xf32>,
      %parallel_loop3A_861 = vector.shape_cast %parallel_loop3A_860 : vector<1x16xf32> to vector<16xf32>
      %parallel_loop3A_862 = vector.shape_cast %parallel_loop3A_857 : vector<16xf32> to vector<1x16xf32>
      tpu.vector_store %arg5[%parallel_loop3A_858, %parallel_loop3A_859], %parallel_loop3A_862 {strides = array<i32>} : memref<24x768xf32, #tpu.memory_space<vmem>>, vector<1x16xf32>,
      %parallel_loop3A_863 = arith.index_cast %parallel_loop3A_218 : i32 to index
      %parallel_loop3A_864 = arith.constant 736 : index
      %parallel_loop3A_865 = tpu.vector_load %arg5[%parallel_loop3A_863, %parallel_loop3A_864] {strides = array<i32>} : memref<24x768xf32, #tpu.memory_space<vmem>>, vector<1x16xf32>,
      %parallel_loop3A_866 = vector.shape_cast %parallel_loop3A_865 : vector<1x16xf32> to vector<16xf32>
      %parallel_loop3A_867 = arith.index_cast %parallel_loop3A_218 : i32 to index
      %parallel_loop3A_868 = arith.constant 736 : index
      %parallel_loop3A_869 = tpu.vector_load %arg8[%parallel_loop3A_867, %parallel_loop3A_868] {strides = array<i32>} : memref<24x768xf32, #tpu.memory_space<vmem>>, vector<1x16xf32>,
      %parallel_loop3A_870 = vector.shape_cast %parallel_loop3A_869 : vector<1x16xf32> to vector<16xf32>
      %parallel_loop3A_871 = arith.addf %parallel_loop3A_866, %parallel_loop3A_870 : vector<16xf32>
      %parallel_loop3A_872 = arith.index_cast %parallel_loop3A_218 : i32 to index
      %parallel_loop3A_873 = arith.constant 736 : index
      %parallel_loop3A_874 = tpu.vector_load %arg5[%parallel_loop3A_872, %parallel_loop3A_873] {strides = array<i32>} : memref<24x768xf32, #tpu.memory_space<vmem>>, vector<1x16xf32>,
      %parallel_loop3A_875 = vector.shape_cast %parallel_loop3A_874 : vector<1x16xf32> to vector<16xf32>
      %parallel_loop3A_876 = vector.shape_cast %parallel_loop3A_871 : vector<16xf32> to vector<1x16xf32>
      tpu.vector_store %arg5[%parallel_loop3A_872, %parallel_loop3A_873], %parallel_loop3A_876 {strides = array<i32>} : memref<24x768xf32, #tpu.memory_space<vmem>>, vector<1x16xf32>,
      %parallel_loop3A_877 = arith.index_cast %parallel_loop3A_218 : i32 to index
      %parallel_loop3A_878 = arith.constant 752 : index
      %parallel_loop3A_879 = tpu.vector_load %arg5[%parallel_loop3A_877, %parallel_loop3A_878] {strides = array<i32>} : memref<24x768xf32, #tpu.memory_space<vmem>>, vector<1x16xf32>,
      %parallel_loop3A_880 = vector.shape_cast %parallel_loop3A_879 : vector<1x16xf32> to vector<16xf32>
      %parallel_loop3A_881 = arith.index_cast %parallel_loop3A_218 : i32 to index
      %parallel_loop3A_882 = arith.constant 752 : index
      %parallel_loop3A_883 = tpu.vector_load %arg8[%parallel_loop3A_881, %parallel_loop3A_882] {strides = array<i32>} : memref<24x768xf32, #tpu.memory_space<vmem>>, vector<1x16xf32>,
      %parallel_loop3A_884 = vector.shape_cast %parallel_loop3A_883 : vector<1x16xf32> to vector<16xf32>
      %parallel_loop3A_885 = arith.addf %parallel_loop3A_880, %parallel_loop3A_884 : vector<16xf32>
      %parallel_loop3A_886 = arith.index_cast %parallel_loop3A_218 : i32 to index
      %parallel_loop3A_887 = arith.constant 752 : index
      %parallel_loop3A_888 = tpu.vector_load %arg5[%parallel_loop3A_886, %parallel_loop3A_887] {strides = array<i32>} : memref<24x768xf32, #tpu.memory_space<vmem>>, vector<1x16xf32>,
      %parallel_loop3A_889 = vector.shape_cast %parallel_loop3A_888 : vector<1x16xf32> to vector<16xf32>
      %parallel_loop3A_890 = vector.shape_cast %parallel_loop3A_885 : vector<16xf32> to vector<1x16xf32>
      tpu.vector_store %arg5[%parallel_loop3A_886, %parallel_loop3A_887], %parallel_loop3A_890 {strides = array<i32>} : memref<24x768xf32, #tpu.memory_space<vmem>>, vector<1x16xf32>,
    } {sc.loop_unroll_factor = 1 : i64, sc.parallel_access}
    %sub3A_68 = arith.constant 124 : i32
    %sub3A_69 = arith.subi %add3A_18, %sub3A_68 : i32
    %mul3A_70 = arith.constant 24 : i32
    %mul3A_71 = arith.muli %add3A_54, %mul3A_70 : i32
    %add3A_72 = arith.addi %mul3A_34, %mul3A_71 : i32
    %dma_start3A_73 = arith.constant 0 : i32
    %dma_start3A_74 = tpu.memref_slice %arg4[%sub3A_69, %add3A_72, %dma_start3A_73] : memref<4x576x768xf32, #tpu.memory_space<hbm>> -> memref<1x24x768xf32, #tpu.memory_space<hbm>>
    %dma_start3A_75 = tpu.memref_squeeze %dma_start3A_74 : memref<1x24x768xf32, #tpu.memory_space<hbm>> -> memref<24x768xf32, #tpu.memory_space<hbm>>
    %dma_start3A_76 = arith.constant 0 : i32
    %dma_start3A_77 = tpu.memref_slice %arg4[%sub3A_69, %add3A_72, %dma_start3A_76] : memref<4x576x768xf32, #tpu.memory_space<hbm>> -> memref<1x24x768xf32, #tpu.memory_space<hbm>>
    %dma_start3A_78 = tpu.memref_squeeze %dma_start3A_77 : memref<1x24x768xf32, #tpu.memory_space<hbm>> -> memref<24x768xf32, #tpu.memory_space<hbm>>
    tpu.enqueue_dma source(%arg5 : memref<24x768xf32, #tpu.memory_space<vmem>>) target(%dma_start3A_78 : memref<24x768xf32, #tpu.memory_space<hbm>>) target_semaphore(%arg12 : memref<!tpu.dma_semaphore, #tpu.memory_space<semaphore_mem>>)
    %ge3A = arith.constant 1 : i32
    %ge3A_79 = arith.cmpi sge, %add3A_54, %ge3A : i32
    %add3A_80 = arith.constant 2 : i32
    %add3A_81 = arith.addi %add3A_54, %add3A_80 : i32
    %lt3A_82 = arith.constant 3 : i32
    %lt3A_83 = arith.cmpi slt, %add3A_81, %lt3A_82 : i32
    %and3A_84 = arith.andi %ge3A_79, %lt3A_83 : i1
    %convert_element_type3A = arith.extui %and3A_84 : i1 to i32
    %cond3A = arith.constant 0 : i32
    %cond3A_85 = arith.cmpi ne, %convert_element_type3A, %cond3A : i32
    scf.if %cond3A_85 {
      %sub3A_218 = arith.constant 1 : i32
      %sub3A_219 = arith.subi %add3A_54, %sub3A_218 : i32
      %sub3A_220 = arith.constant 124 : i32
      %sub3A_221 = arith.subi %add3A_18, %sub3A_220 : i32
      %mul3A_222 = arith.constant 24 : i32
      %mul3A_223 = arith.muli %sub3A_219, %mul3A_222 : i32
      %add3A_224 = arith.addi %mul3A_34, %mul3A_223 : i32
      %dma_wait3A_225 = arith.constant 0 : i32
      %dma_wait3A_226 = tpu.memref_slice %arg4[%sub3A_221, %add3A_224, %dma_wait3A_225] : memref<4x576x768xf32, #tpu.memory_space<hbm>> -> memref<1x24x768xf32, #tpu.memory_space<hbm>>
      %dma_wait3A_227 = tpu.memref_squeeze %dma_wait3A_226 : memref<1x24x768xf32, #tpu.memory_space<hbm>> -> memref<24x768xf32, #tpu.memory_space<hbm>>
      %dma_wait3A_228 = arith.constant 0 : i32
      %dma_wait3A_229 = tpu.memref_slice %arg4[%sub3A_221, %add3A_224, %dma_wait3A_228] : memref<4x576x768xf32, #tpu.memory_space<hbm>> -> memref<1x24x768xf32, #tpu.memory_space<hbm>>
      %dma_wait3A_230 = tpu.memref_squeeze %dma_wait3A_229 : memref<1x24x768xf32, #tpu.memory_space<hbm>> -> memref<24x768xf32, #tpu.memory_space<hbm>>
      tpu.wait_dma2 semaphore(%arg14 : memref<!tpu.dma_semaphore, #tpu.memory_space<semaphore_mem>>) src(%arg7 : memref<24x768xf32, #tpu.memory_space<vmem>>) dst(%dma_wait3A_230 : memref<24x768xf32, #tpu.memory_space<hbm>>)
    } else {
    }
    %add3A_86 = arith.constant 2 : i32
    %add3A_87 = arith.addi %add3A_54, %add3A_86 : i32
    %lt3A_88 = arith.constant 3 : i32
    %lt3A_89 = arith.cmpi slt, %add3A_87, %lt3A_88 : i32
    %convert_element_type3A_90 = arith.extui %lt3A_89 : i1 to i32
    %cond3A_91 = arith.constant 0 : i32
    %cond3A_92 = arith.cmpi ne, %convert_element_type3A_90, %cond3A_91 : i32
    scf.if %cond3A_92 {
      %add3A_218 = arith.constant 2 : i32
      %add3A_219 = arith.addi %add3A_54, %add3A_218 : i32
      %mul3A_220 = arith.constant 24 : i32
      %mul3A_221 = arith.muli %add3A_219, %mul3A_220 : i32
      %add3A_222 = arith.addi %mul3A_34, %mul3A_221 : i32
      %dma_start3A_223 = arith.constant 0 : i32
      %dma_start3A_224 = tpu.memref_slice %arg2[%add3A_18, %add3A_222, %dma_start3A_223] : memref<128x576x768xf32, #tpu.memory_space<hbm>> -> memref<1x24x768xf32, #tpu.memory_space<hbm>>
      %dma_start3A_225 = tpu.memref_squeeze %dma_start3A_224 : memref<1x24x768xf32, #tpu.memory_space<hbm>> -> memref<24x768xf32, #tpu.memory_space<hbm>>
      %dma_start3A_226 = arith.constant 0 : i32
      %dma_start3A_227 = tpu.memref_slice %arg2[%add3A_18, %add3A_222, %dma_start3A_226] : memref<128x576x768xf32, #tpu.memory_space<hbm>> -> memref<1x24x768xf32, #tpu.memory_space<hbm>>
      %dma_start3A_228 = tpu.memref_squeeze %dma_start3A_227 : memref<1x24x768xf32, #tpu.memory_space<hbm>> -> memref<24x768xf32, #tpu.memory_space<hbm>>
      tpu.enqueue_dma source(%dma_start3A_228 : memref<24x768xf32, #tpu.memory_space<hbm>>) target(%arg7 : memref<24x768xf32, #tpu.memory_space<vmem>>) target_semaphore(%arg11 : memref<!tpu.dma_semaphore, #tpu.memory_space<semaphore_mem>>)
    } else {
    }
    %mul3A_93 = arith.constant 3 : i32
    %mul3A_94 = arith.muli %scan3A_50, %mul3A_93 : i32
    %add3A_95 = arith.constant 1 : i32
    %add3A_96 = arith.addi %mul3A_94, %add3A_95 : i32
    %mul3A_97 = arith.constant 24 : i32
    %mul3A_98 = arith.muli %add3A_96, %mul3A_97 : i32
    %add3A_99 = arith.addi %mul3A_34, %mul3A_98 : i32
    "tpu.region"() ({
      %run_scoped3A = tpu.sem_alloc : memref<!tpu.dma_semaphore, #tpu.memory_space<semaphore_mem>>
      %dma_start3A_218 = arith.constant 0 : i32
      %dma_start3A_219 = tpu.memref_slice %arg3[%add3A_99, %dma_start3A_218] : memref<576x768xf32, #tpu.memory_space<hbm>> -> memref<24x768xf32, #tpu.memory_space<hbm>>
      %dma_start3A_220 = arith.constant 0 : i32
      %dma_start3A_221 = tpu.memref_slice %arg3[%add3A_99, %dma_start3A_220] : memref<576x768xf32, #tpu.memory_space<hbm>> -> memref<24x768xf32, #tpu.memory_space<hbm>>
      tpu.enqueue_dma source(%dma_start3A_221 : memref<24x768xf32, #tpu.memory_space<hbm>>) target(%arg8 : memref<24x768xf32, #tpu.memory_space<vmem>>) target_semaphore(%run_scoped3A : memref<!tpu.dma_semaphore, #tpu.memory_space<semaphore_mem>>)
      %dma_wait3A_222 = arith.constant 0 : i32
      %dma_wait3A_223 = tpu.memref_slice %arg3[%add3A_99, %dma_wait3A_222] : memref<576x768xf32, #tpu.memory_space<hbm>> -> memref<24x768xf32, #tpu.memory_space<hbm>>
      %dma_wait3A_224 = arith.constant 0 : i32
      %dma_wait3A_225 = tpu.memref_slice %arg3[%add3A_99, %dma_wait3A_224] : memref<576x768xf32, #tpu.memory_space<hbm>> -> memref<24x768xf32, #tpu.memory_space<hbm>>
      tpu.wait_dma2 semaphore(%run_scoped3A : memref<!tpu.dma_semaphore, #tpu.memory_space<semaphore_mem>>) src(%dma_wait3A_225 : memref<24x768xf32, #tpu.memory_space<hbm>>) dst(%arg8 : memref<24x768xf32, #tpu.memory_space<vmem>>)
      tpu.yield
    }) : () -> ()
    %mul3A_100 = arith.constant 24 : i32
    %mul3A_101 = arith.muli %add3A_96, %mul3A_100 : i32
    %add3A_102 = arith.addi %mul3A_34, %mul3A_101 : i32
    %dma_wait3A_103 = arith.constant 0 : i32
    %dma_wait3A_104 = tpu.memref_slice %arg2[%add3A_18, %add3A_102, %dma_wait3A_103] : memref<128x576x768xf32, #tpu.memory_space<hbm>> -> memref<1x24x768xf32, #tpu.memory_space<hbm>>
    %dma_wait3A_105 = tpu.memref_squeeze %dma_wait3A_104 : memref<1x24x768xf32, #tpu.memory_space<hbm>> -> memref<24x768xf32, #tpu.memory_space<hbm>>
    %dma_wait3A_106 = arith.constant 0 : i32
    %dma_wait3A_107 = tpu.memref_slice %arg2[%add3A_18, %add3A_102, %dma_wait3A_106] : memref<128x576x768xf32, #tpu.memory_space<hbm>> -> memref<1x24x768xf32, #tpu.memory_space<hbm>>
    %dma_wait3A_108 = tpu.memref_squeeze %dma_wait3A_107 : memref<1x24x768xf32, #tpu.memory_space<hbm>> -> memref<24x768xf32, #tpu.memory_space<hbm>>
    tpu.wait_dma2 semaphore(%arg10 : memref<!tpu.dma_semaphore, #tpu.memory_space<semaphore_mem>>) src(%dma_wait3A_108 : memref<24x768xf32, #tpu.memory_space<hbm>>) dst(%arg6 : memref<24x768xf32, #tpu.memory_space<vmem>>)
    %parallel_loop3A_109 = arith.constant 0 : i32
    %parallel_loop3A_110 = arith.constant 24 : i32
    %parallel_loop3A_111 = arith.constant 1 : i32
    scf.for %parallel_loop3A_218 = %parallel_loop3A_109 to %parallel_loop3A_110 step %parallel_loop3A_111  : i32 {
      %parallel_loop3A_219 = arith.index_cast %parallel_loop3A_218 : i32 to index
      %parallel_loop3A_220 = arith.constant 0 : index
      %parallel_loop3A_221 = tpu.vector_load %arg6[%parallel_loop3A_219, %parallel_loop3A_220] {strides = array<i32>} : memref<24x768xf32, #tpu.memory_space<vmem>>, vector<1x16xf32>,
      %parallel_loop3A_222 = vector.shape_cast %parallel_loop3A_221 : vector<1x16xf32> to vector<16xf32>
      %parallel_loop3A_223 = arith.index_cast %parallel_loop3A_218 : i32 to index
      %parallel_loop3A_224 = arith.constant 0 : index
      %parallel_loop3A_225 = tpu.vector_load %arg8[%parallel_loop3A_223, %parallel_loop3A_224] {strides = array<i32>} : memref<24x768xf32, #tpu.memory_space<vmem>>, vector<1x16xf32>,
      %parallel_loop3A_226 = vector.shape_cast %parallel_loop3A_225 : vector<1x16xf32> to vector<16xf32>
      %parallel_loop3A_227 = arith.addf %parallel_loop3A_222, %parallel_loop3A_226 : vector<16xf32>
      %parallel_loop3A_228 = arith.index_cast %parallel_loop3A_218 : i32 to index
      %parallel_loop3A_229 = arith.constant 0 : index
      %parallel_loop3A_230 = tpu.vector_load %arg6[%parallel_loop3A_228, %parallel_loop3A_229] {strides = array<i32>} : memref<24x768xf32, #tpu.memory_space<vmem>>, vector<1x16xf32>,
      %parallel_loop3A_231 = vector.shape_cast %parallel_loop3A_230 : vector<1x16xf32> to vector<16xf32>
      %parallel_loop3A_232 = vector.shape_cast %parallel_loop3A_227 : vector<16xf32> to vector<1x16xf32>
      tpu.vector_store %arg6[%parallel_loop3A_228, %parallel_loop3A_229], %parallel_loop3A_232 {strides = array<i32>} : memref<24x768xf32, #tpu.memory_space<vmem>>, vector<1x16xf32>,
      %parallel_loop3A_233 = arith.index_cast %parallel_loop3A_218 : i32 to index
      %parallel_loop3A_234 = arith.constant 16 : index
      %parallel_loop3A_235 = tpu.vector_load %arg6[%parallel_loop3A_233, %parallel_loop3A_234] {strides = array<i32>} : memref<24x768xf32, #tpu.memory_space<vmem>>, vector<1x16xf32>,
      %parallel_loop3A_236 = vector.shape_cast %parallel_loop3A_235 : vector<1x16xf32> to vector<16xf32>
      %parallel_loop3A_237 = arith.index_cast %parallel_loop3A_218 : i32 to index
      %parallel_loop3A_238 = arith.constant 16 : index
      %parallel_loop3A_239 = tpu.vector_load %arg8[%parallel_loop3A_237, %parallel_loop3A_238] {strides = array<i32>} : memref<24x768xf32, #tpu.memory_space<vmem>>, vector<1x16xf32>,
      %parallel_loop3A_240 = vector.shape_cast %parallel_loop3A_239 : vector<1x16xf32> to vector<16xf32>
      %parallel_loop3A_241 = arith.addf %parallel_loop3A_236, %parallel_loop3A_240 : vector<16xf32>
      %parallel_loop3A_242 = arith.index_cast %parallel_loop3A_218 : i32 to index
      %parallel_loop3A_243 = arith.constant 16 : index
      %parallel_loop3A_244 = tpu.vector_load %arg6[%parallel_loop3A_242, %parallel_loop3A_243] {strides = array<i32>} : memref<24x768xf32, #tpu.memory_space<vmem>>, vector<1x16xf32>,
      %parallel_loop3A_245 = vector.shape_cast %parallel_loop3A_244 : vector<1x16xf32> to vector<16xf32>
      %parallel_loop3A_246 = vector.shape_cast %parallel_loop3A_241 : vector<16xf32> to vector<1x16xf32>
      tpu.vector_store %arg6[%parallel_loop3A_242, %parallel_loop3A_243], %parallel_loop3A_246 {strides = array<i32>} : memref<24x768xf32, #tpu.memory_space<vmem>>, vector<1x16xf32>,
      %parallel_loop3A_247 = arith.index_cast %parallel_loop3A_218 : i32 to index
      %parallel_loop3A_248 = arith.constant 32 : index
      %parallel_loop3A_249 = tpu.vector_load %arg6[%parallel_loop3A_247, %parallel_loop3A_248] {strides = array<i32>} : memref<24x768xf32, #tpu.memory_space<vmem>>, vector<1x16xf32>,
      %parallel_loop3A_250 = vector.shape_cast %parallel_loop3A_249 : vector<1x16xf32> to vector<16xf32>
      %parallel_loop3A_251 = arith.index_cast %parallel_loop3A_218 : i32 to index
      %parallel_loop3A_252 = arith.constant 32 : index
      %parallel_loop3A_253 = tpu.vector_load %arg8[%parallel_loop3A_251, %parallel_loop3A_252] {strides = array<i32>} : memref<24x768xf32, #tpu.memory_space<vmem>>, vector<1x16xf32>,
      %parallel_loop3A_254 = vector.shape_cast %parallel_loop3A_253 : vector<1x16xf32> to vector<16xf32>
      %parallel_loop3A_255 = arith.addf %parallel_loop3A_250, %parallel_loop3A_254 : vector<16xf32>
      %parallel_loop3A_256 = arith.index_cast %parallel_loop3A_218 : i32 to index
      %parallel_loop3A_257 = arith.constant 32 : index
      %parallel_loop3A_258 = tpu.vector_load %arg6[%parallel_loop3A_256, %parallel_loop3A_257] {strides = array<i32>} : memref<24x768xf32, #tpu.memory_space<vmem>>, vector<1x16xf32>,
      %parallel_loop3A_259 = vector.shape_cast %parallel_loop3A_258 : vector<1x16xf32> to vector<16xf32>
      %parallel_loop3A_260 = vector.shape_cast %parallel_loop3A_255 : vector<16xf32> to vector<1x16xf32>
      tpu.vector_store %arg6[%parallel_loop3A_256, %parallel_loop3A_257], %parallel_loop3A_260 {strides = array<i32>} : memref<24x768xf32, #tpu.memory_space<vmem>>, vector<1x16xf32>,
      %parallel_loop3A_261 = arith.index_cast %parallel_loop3A_218 : i32 to index
      %parallel_loop3A_262 = arith.constant 48 : index
      %parallel_loop3A_263 = tpu.vector_load %arg6[%parallel_loop3A_261, %parallel_loop3A_262] {strides = array<i32>} : memref<24x768xf32, #tpu.memory_space<vmem>>, vector<1x16xf32>,
      %parallel_loop3A_264 = vector.shape_cast %parallel_loop3A_263 : vector<1x16xf32> to vector<16xf32>
      %parallel_loop3A_265 = arith.index_cast %parallel_loop3A_218 : i32 to index
      %parallel_loop3A_266 = arith.constant 48 : index
      %parallel_loop3A_267 = tpu.vector_load %arg8[%parallel_loop3A_265, %parallel_loop3A_266] {strides = array<i32>} : memref<24x768xf32, #tpu.memory_space<vmem>>, vector<1x16xf32>,
      %parallel_loop3A_268 = vector.shape_cast %parallel_loop3A_267 : vector<1x16xf32> to vector<16xf32>
      %parallel_loop3A_269 = arith.addf %parallel_loop3A_264, %parallel_loop3A_268 : vector<16xf32>
      %parallel_loop3A_270 = arith.index_cast %parallel_loop3A_218 : i32 to index
      %parallel_loop3A_271 = arith.constant 48 : index
      %parallel_loop3A_272 = tpu.vector_load %arg6[%parallel_loop3A_270, %parallel_loop3A_271] {strides = array<i32>} : memref<24x768xf32, #tpu.memory_space<vmem>>, vector<1x16xf32>,
      %parallel_loop3A_273 = vector.shape_cast %parallel_loop3A_272 : vector<1x16xf32> to vector<16xf32>
      %parallel_loop3A_274 = vector.shape_cast %parallel_loop3A_269 : vector<16xf32> to vector<1x16xf32>
      tpu.vector_store %arg6[%parallel_loop3A_270, %parallel_loop3A_271], %parallel_loop3A_274 {strides = array<i32>} : memref<24x768xf32, #tpu.memory_space<vmem>>, vector<1x16xf32>,
      %parallel_loop3A_275 = arith.index_cast %parallel_loop3A_218 : i32 to index
      %parallel_loop3A_276 = arith.constant 64 : index
      %parallel_loop3A_277 = tpu.vector_load %arg6[%parallel_loop3A_275, %parallel_loop3A_276] {strides = array<i32>} : memref<24x768xf32, #tpu.memory_space<vmem>>, vector<1x16xf32>,
      %parallel_loop3A_278 = vector.shape_cast %parallel_loop3A_277 : vector<1x16xf32> to vector<16xf32>
      %parallel_loop3A_279 = arith.index_cast %parallel_loop3A_218 : i32 to index
      %parallel_loop3A_280 = arith.constant 64 : index
      %parallel_loop3A_281 = tpu.vector_load %arg8[%parallel_loop3A_279, %parallel_loop3A_280] {strides = array<i32>} : memref<24x768xf32, #tpu.memory_space<vmem>>, vector<1x16xf32>,
      %parallel_loop3A_282 = vector.shape_cast %parallel_loop3A_281 : vector<1x16xf32> to vector<16xf32>
      %parallel_loop3A_283 = arith.addf %parallel_loop3A_278, %parallel_loop3A_282 : vector<16xf32>
      %parallel_loop3A_284 = arith.index_cast %parallel_loop3A_218 : i32 to index
      %parallel_loop3A_285 = arith.constant 64 : index
      %parallel_loop3A_286 = tpu.vector_load %arg6[%parallel_loop3A_284, %parallel_loop3A_285] {strides = array<i32>} : memref<24x768xf32, #tpu.memory_space<vmem>>, vector<1x16xf32>,
      %parallel_loop3A_287 = vector.shape_cast %parallel_loop3A_286 : vector<1x16xf32> to vector<16xf32>
      %parallel_loop3A_288 = vector.shape_cast %parallel_loop3A_283 : vector<16xf32> to vector<1x16xf32>
      tpu.vector_store %arg6[%parallel_loop3A_284, %parallel_loop3A_285], %parallel_loop3A_288 {strides = array<i32>} : memref<24x768xf32, #tpu.memory_space<vmem>>, vector<1x16xf32>,
      %parallel_loop3A_289 = arith.index_cast %parallel_loop3A_218 : i32 to index
      %parallel_loop3A_290 = arith.constant 80 : index
      %parallel_loop3A_291 = tpu.vector_load %arg6[%parallel_loop3A_289, %parallel_loop3A_290] {strides = array<i32>} : memref<24x768xf32, #tpu.memory_space<vmem>>, vector<1x16xf32>,
      %parallel_loop3A_292 = vector.shape_cast %parallel_loop3A_291 : vector<1x16xf32> to vector<16xf32>
      %parallel_loop3A_293 = arith.index_cast %parallel_loop3A_218 : i32 to index
      %parallel_loop3A_294 = arith.constant 80 : index
      %parallel_loop3A_295 = tpu.vector_load %arg8[%parallel_loop3A_293, %parallel_loop3A_294] {strides = array<i32>} : memref<24x768xf32, #tpu.memory_space<vmem>>, vector<1x16xf32>,
      %parallel_loop3A_296 = vector.shape_cast %parallel_loop3A_295 : vector<1x16xf32> to vector<16xf32>
      %parallel_loop3A_297 = arith.addf %parallel_loop3A_292, %parallel_loop3A_296 : vector<16xf32>
      %parallel_loop3A_298 = arith.index_cast %parallel_loop3A_218 : i32 to index
      %parallel_loop3A_299 = arith.constant 80 : index
      %parallel_loop3A_300 = tpu.vector_load %arg6[%parallel_loop3A_298, %parallel_loop3A_299] {strides = array<i32>} : memref<24x768xf32, #tpu.memory_space<vmem>>, vector<1x16xf32>,
      %parallel_loop3A_301 = vector.shape_cast %parallel_loop3A_300 : vector<1x16xf32> to vector<16xf32>
      %parallel_loop3A_302 = vector.shape_cast %parallel_loop3A_297 : vector<16xf32> to vector<1x16xf32>
      tpu.vector_store %arg6[%parallel_loop3A_298, %parallel_loop3A_299], %parallel_loop3A_302 {strides = array<i32>} : memref<24x768xf32, #tpu.memory_space<vmem>>, vector<1x16xf32>,
      %parallel_loop3A_303 = arith.index_cast %parallel_loop3A_218 : i32 to index
      %parallel_loop3A_304 = arith.constant 96 : index
      %parallel_loop3A_305 = tpu.vector_load %arg6[%parallel_loop3A_303, %parallel_loop3A_304] {strides = array<i32>} : memref<24x768xf32, #tpu.memory_space<vmem>>, vector<1x16xf32>,
      %parallel_loop3A_306 = vector.shape_cast %parallel_loop3A_305 : vector<1x16xf32> to vector<16xf32>
      %parallel_loop3A_307 = arith.index_cast %parallel_loop3A_218 : i32 to index
      %parallel_loop3A_308 = arith.constant 96 : index
      %parallel_loop3A_309 = tpu.vector_load %arg8[%parallel_loop3A_307, %parallel_loop3A_308] {strides = array<i32>} : memref<24x768xf32, #tpu.memory_space<vmem>>, vector<1x16xf32>,
      %parallel_loop3A_310 = vector.shape_cast %parallel_loop3A_309 : vector<1x16xf32> to vector<16xf32>
      %parallel_loop3A_311 = arith.addf %parallel_loop3A_306, %parallel_loop3A_310 : vector<16xf32>
      %parallel_loop3A_312 = arith.index_cast %parallel_loop3A_218 : i32 to index
      %parallel_loop3A_313 = arith.constant 96 : index
      %parallel_loop3A_314 = tpu.vector_load %arg6[%parallel_loop3A_312, %parallel_loop3A_313] {strides = array<i32>} : memref<24x768xf32, #tpu.memory_space<vmem>>, vector<1x16xf32>,
      %parallel_loop3A_315 = vector.shape_cast %parallel_loop3A_314 : vector<1x16xf32> to vector<16xf32>
      %parallel_loop3A_316 = vector.shape_cast %parallel_loop3A_311 : vector<16xf32> to vector<1x16xf32>
      tpu.vector_store %arg6[%parallel_loop3A_312, %parallel_loop3A_313], %parallel_loop3A_316 {strides = array<i32>} : memref<24x768xf32, #tpu.memory_space<vmem>>, vector<1x16xf32>,
      %parallel_loop3A_317 = arith.index_cast %parallel_loop3A_218 : i32 to index
      %parallel_loop3A_318 = arith.constant 112 : index
      %parallel_loop3A_319 = tpu.vector_load %arg6[%parallel_loop3A_317, %parallel_loop3A_318] {strides = array<i32>} : memref<24x768xf32, #tpu.memory_space<vmem>>, vector<1x16xf32>,
      %parallel_loop3A_320 = vector.shape_cast %parallel_loop3A_319 : vector<1x16xf32> to vector<16xf32>
      %parallel_loop3A_321 = arith.index_cast %parallel_loop3A_218 : i32 to index
      %parallel_loop3A_322 = arith.constant 112 : index
      %parallel_loop3A_323 = tpu.vector_load %arg8[%parallel_loop3A_321, %parallel_loop3A_322] {strides = array<i32>} : memref<24x768xf32, #tpu.memory_space<vmem>>, vector<1x16xf32>,
      %parallel_loop3A_324 = vector.shape_cast %parallel_loop3A_323 : vector<1x16xf32> to vector<16xf32>
      %parallel_loop3A_325 = arith.addf %parallel_loop3A_320, %parallel_loop3A_324 : vector<16xf32>
      %parallel_loop3A_326 = arith.index_cast %parallel_loop3A_218 : i32 to index
      %parallel_loop3A_327 = arith.constant 112 : index
      %parallel_loop3A_328 = tpu.vector_load %arg6[%parallel_loop3A_326, %parallel_loop3A_327] {strides = array<i32>} : memref<24x768xf32, #tpu.memory_space<vmem>>, vector<1x16xf32>,
      %parallel_loop3A_329 = vector.shape_cast %parallel_loop3A_328 : vector<1x16xf32> to vector<16xf32>
      %parallel_loop3A_330 = vector.shape_cast %parallel_loop3A_325 : vector<16xf32> to vector<1x16xf32>
      tpu.vector_store %arg6[%parallel_loop3A_326, %parallel_loop3A_327], %parallel_loop3A_330 {strides = array<i32>} : memref<24x768xf32, #tpu.memory_space<vmem>>, vector<1x16xf32>,
      %parallel_loop3A_331 = arith.index_cast %parallel_loop3A_218 : i32 to index
      %parallel_loop3A_332 = arith.constant 128 : index
      %parallel_loop3A_333 = tpu.vector_load %arg6[%parallel_loop3A_331, %parallel_loop3A_332] {strides = array<i32>} : memref<24x768xf32, #tpu.memory_space<vmem>>, vector<1x16xf32>,
      %parallel_loop3A_334 = vector.shape_cast %parallel_loop3A_333 : vector<1x16xf32> to vector<16xf32>
      %parallel_loop3A_335 = arith.index_cast %parallel_loop3A_218 : i32 to index
      %parallel_loop3A_336 = arith.constant 128 : index
      %parallel_loop3A_337 = tpu.vector_load %arg8[%parallel_loop3A_335, %parallel_loop3A_336] {strides = array<i32>} : memref<24x768xf32, #tpu.memory_space<vmem>>, vector<1x16xf32>,
      %parallel_loop3A_338 = vector.shape_cast %parallel_loop3A_337 : vector<1x16xf32> to vector<16xf32>
      %parallel_loop3A_339 = arith.addf %parallel_loop3A_334, %parallel_loop3A_338 : vector<16xf32>
      %parallel_loop3A_340 = arith.index_cast %parallel_loop3A_218 : i32 to index
      %parallel_loop3A_341 = arith.constant 128 : index
      %parallel_loop3A_342 = tpu.vector_load %arg6[%parallel_loop3A_340, %parallel_loop3A_341] {strides = array<i32>} : memref<24x768xf32, #tpu.memory_space<vmem>>, vector<1x16xf32>,
      %parallel_loop3A_343 = vector.shape_cast %parallel_loop3A_342 : vector<1x16xf32> to vector<16xf32>
      %parallel_loop3A_344 = vector.shape_cast %parallel_loop3A_339 : vector<16xf32> to vector<1x16xf32>
      tpu.vector_store %arg6[%parallel_loop3A_340, %parallel_loop3A_341], %parallel_loop3A_344 {strides = array<i32>} : memref<24x768xf32, #tpu.memory_space<vmem>>, vector<1x16xf32>,
      %parallel_loop3A_345 = arith.index_cast %parallel_loop3A_218 : i32 to index
      %parallel_loop3A_346 = arith.constant 144 : index
      %parallel_loop3A_347 = tpu.vector_load %arg6[%parallel_loop3A_345, %parallel_loop3A_346] {strides = array<i32>} : memref<24x768xf32, #tpu.memory_space<vmem>>, vector<1x16xf32>,
      %parallel_loop3A_348 = vector.shape_cast %parallel_loop3A_347 : vector<1x16xf32> to vector<16xf32>
      %parallel_loop3A_349 = arith.index_cast %parallel_loop3A_218 : i32 to index
      %parallel_loop3A_350 = arith.constant 144 : index
      %parallel_loop3A_351 = tpu.vector_load %arg8[%parallel_loop3A_349, %parallel_loop3A_350] {strides = array<i32>} : memref<24x768xf32, #tpu.memory_space<vmem>>, vector<1x16xf32>,
      %parallel_loop3A_352 = vector.shape_cast %parallel_loop3A_351 : vector<1x16xf32> to vector<16xf32>
      %parallel_loop3A_353 = arith.addf %parallel_loop3A_348, %parallel_loop3A_352 : vector<16xf32>
      %parallel_loop3A_354 = arith.index_cast %parallel_loop3A_218 : i32 to index
      %parallel_loop3A_355 = arith.constant 144 : index
      %parallel_loop3A_356 = tpu.vector_load %arg6[%parallel_loop3A_354, %parallel_loop3A_355] {strides = array<i32>} : memref<24x768xf32, #tpu.memory_space<vmem>>, vector<1x16xf32>,
      %parallel_loop3A_357 = vector.shape_cast %parallel_loop3A_356 : vector<1x16xf32> to vector<16xf32>
      %parallel_loop3A_358 = vector.shape_cast %parallel_loop3A_353 : vector<16xf32> to vector<1x16xf32>
      tpu.vector_store %arg6[%parallel_loop3A_354, %parallel_loop3A_355], %parallel_loop3A_358 {strides = array<i32>} : memref<24x768xf32, #tpu.memory_space<vmem>>, vector<1x16xf32>,
      %parallel_loop3A_359 = arith.index_cast %parallel_loop3A_218 : i32 to index
      %parallel_loop3A_360 = arith.constant 160 : index
      %parallel_loop3A_361 = tpu.vector_load %arg6[%parallel_loop3A_359, %parallel_loop3A_360] {strides = array<i32>} : memref<24x768xf32, #tpu.memory_space<vmem>>, vector<1x16xf32>,
      %parallel_loop3A_362 = vector.shape_cast %parallel_loop3A_361 : vector<1x16xf32> to vector<16xf32>
      %parallel_loop3A_363 = arith.index_cast %parallel_loop3A_218 : i32 to index
      %parallel_loop3A_364 = arith.constant 160 : index
      %parallel_loop3A_365 = tpu.vector_load %arg8[%parallel_loop3A_363, %parallel_loop3A_364] {strides = array<i32>} : memref<24x768xf32, #tpu.memory_space<vmem>>, vector<1x16xf32>,
      %parallel_loop3A_366 = vector.shape_cast %parallel_loop3A_365 : vector<1x16xf32> to vector<16xf32>
      %parallel_loop3A_367 = arith.addf %parallel_loop3A_362, %parallel_loop3A_366 : vector<16xf32>
      %parallel_loop3A_368 = arith.index_cast %parallel_loop3A_218 : i32 to index
      %parallel_loop3A_369 = arith.constant 160 : index
      %parallel_loop3A_370 = tpu.vector_load %arg6[%parallel_loop3A_368, %parallel_loop3A_369] {strides = array<i32>} : memref<24x768xf32, #tpu.memory_space<vmem>>, vector<1x16xf32>,
      %parallel_loop3A_371 = vector.shape_cast %parallel_loop3A_370 : vector<1x16xf32> to vector<16xf32>
      %parallel_loop3A_372 = vector.shape_cast %parallel_loop3A_367 : vector<16xf32> to vector<1x16xf32>
      tpu.vector_store %arg6[%parallel_loop3A_368, %parallel_loop3A_369], %parallel_loop3A_372 {strides = array<i32>} : memref<24x768xf32, #tpu.memory_space<vmem>>, vector<1x16xf32>,
      %parallel_loop3A_373 = arith.index_cast %parallel_loop3A_218 : i32 to index
      %parallel_loop3A_374 = arith.constant 176 : index
      %parallel_loop3A_375 = tpu.vector_load %arg6[%parallel_loop3A_373, %parallel_loop3A_374] {strides = array<i32>} : memref<24x768xf32, #tpu.memory_space<vmem>>, vector<1x16xf32>,
      %parallel_loop3A_376 = vector.shape_cast %parallel_loop3A_375 : vector<1x16xf32> to vector<16xf32>
      %parallel_loop3A_377 = arith.index_cast %parallel_loop3A_218 : i32 to index
      %parallel_loop3A_378 = arith.constant 176 : index
      %parallel_loop3A_379 = tpu.vector_load %arg8[%parallel_loop3A_377, %parallel_loop3A_378] {strides = array<i32>} : memref<24x768xf32, #tpu.memory_space<vmem>>, vector<1x16xf32>,
      %parallel_loop3A_380 = vector.shape_cast %parallel_loop3A_379 : vector<1x16xf32> to vector<16xf32>
      %parallel_loop3A_381 = arith.addf %parallel_loop3A_376, %parallel_loop3A_380 : vector<16xf32>
      %parallel_loop3A_382 = arith.index_cast %parallel_loop3A_218 : i32 to index
      %parallel_loop3A_383 = arith.constant 176 : index
      %parallel_loop3A_384 = tpu.vector_load %arg6[%parallel_loop3A_382, %parallel_loop3A_383] {strides = array<i32>} : memref<24x768xf32, #tpu.memory_space<vmem>>, vector<1x16xf32>,
      %parallel_loop3A_385 = vector.shape_cast %parallel_loop3A_384 : vector<1x16xf32> to vector<16xf32>
      %parallel_loop3A_386 = vector.shape_cast %parallel_loop3A_381 : vector<16xf32> to vector<1x16xf32>
      tpu.vector_store %arg6[%parallel_loop3A_382, %parallel_loop3A_383], %parallel_loop3A_386 {strides = array<i32>} : memref<24x768xf32, #tpu.memory_space<vmem>>, vector<1x16xf32>,
      %parallel_loop3A_387 = arith.index_cast %parallel_loop3A_218 : i32 to index
      %parallel_loop3A_388 = arith.constant 192 : index
      %parallel_loop3A_389 = tpu.vector_load %arg6[%parallel_loop3A_387, %parallel_loop3A_388] {strides = array<i32>} : memref<24x768xf32, #tpu.memory_space<vmem>>, vector<1x16xf32>,
      %parallel_loop3A_390 = vector.shape_cast %parallel_loop3A_389 : vector<1x16xf32> to vector<16xf32>
      %parallel_loop3A_391 = arith.index_cast %parallel_loop3A_218 : i32 to index
      %parallel_loop3A_392 = arith.constant 192 : index
      %parallel_loop3A_393 = tpu.vector_load %arg8[%parallel_loop3A_391, %parallel_loop3A_392] {strides = array<i32>} : memref<24x768xf32, #tpu.memory_space<vmem>>, vector<1x16xf32>,
      %parallel_loop3A_394 = vector.shape_cast %parallel_loop3A_393 : vector<1x16xf32> to vector<16xf32>
      %parallel_loop3A_395 = arith.addf %parallel_loop3A_390, %parallel_loop3A_394 : vector<16xf32>
      %parallel_loop3A_396 = arith.index_cast %parallel_loop3A_218 : i32 to index
      %parallel_loop3A_397 = arith.constant 192 : index
      %parallel_loop3A_398 = tpu.vector_load %arg6[%parallel_loop3A_396, %parallel_loop3A_397] {strides = array<i32>} : memref<24x768xf32, #tpu.memory_space<vmem>>, vector<1x16xf32>,
      %parallel_loop3A_399 = vector.shape_cast %parallel_loop3A_398 : vector<1x16xf32> to vector<16xf32>
      %parallel_loop3A_400 = vector.shape_cast %parallel_loop3A_395 : vector<16xf32> to vector<1x16xf32>
      tpu.vector_store %arg6[%parallel_loop3A_396, %parallel_loop3A_397], %parallel_loop3A_400 {strides = array<i32>} : memref<24x768xf32, #tpu.memory_space<vmem>>, vector<1x16xf32>,
      %parallel_loop3A_401 = arith.index_cast %parallel_loop3A_218 : i32 to index
      %parallel_loop3A_402 = arith.constant 208 : index
      %parallel_loop3A_403 = tpu.vector_load %arg6[%parallel_loop3A_401, %parallel_loop3A_402] {strides = array<i32>} : memref<24x768xf32, #tpu.memory_space<vmem>>, vector<1x16xf32>,
      %parallel_loop3A_404 = vector.shape_cast %parallel_loop3A_403 : vector<1x16xf32> to vector<16xf32>
      %parallel_loop3A_405 = arith.index_cast %parallel_loop3A_218 : i32 to index
      %parallel_loop3A_406 = arith.constant 208 : index
      %parallel_loop3A_407 = tpu.vector_load %arg8[%parallel_loop3A_405, %parallel_loop3A_406] {strides = array<i32>} : memref<24x768xf32, #tpu.memory_space<vmem>>, vector<1x16xf32>,
      %parallel_loop3A_408 = vector.shape_cast %parallel_loop3A_407 : vector<1x16xf32> to vector<16xf32>
      %parallel_loop3A_409 = arith.addf %parallel_loop3A_404, %parallel_loop3A_408 : vector<16xf32>
      %parallel_loop3A_410 = arith.index_cast %parallel_loop3A_218 : i32 to index
      %parallel_loop3A_411 = arith.constant 208 : index
      %parallel_loop3A_412 = tpu.vector_load %arg6[%parallel_loop3A_410, %parallel_loop3A_411] {strides = array<i32>} : memref<24x768xf32, #tpu.memory_space<vmem>>, vector<1x16xf32>,
      %parallel_loop3A_413 = vector.shape_cast %parallel_loop3A_412 : vector<1x16xf32> to vector<16xf32>
      %parallel_loop3A_414 = vector.shape_cast %parallel_loop3A_409 : vector<16xf32> to vector<1x16xf32>
      tpu.vector_store %arg6[%parallel_loop3A_410, %parallel_loop3A_411], %parallel_loop3A_414 {strides = array<i32>} : memref<24x768xf32, #tpu.memory_space<vmem>>, vector<1x16xf32>,
      %parallel_loop3A_415 = arith.index_cast %parallel_loop3A_218 : i32 to index
      %parallel_loop3A_416 = arith.constant 224 : index
      %parallel_loop3A_417 = tpu.vector_load %arg6[%parallel_loop3A_415, %parallel_loop3A_416] {strides = array<i32>} : memref<24x768xf32, #tpu.memory_space<vmem>>, vector<1x16xf32>,
      %parallel_loop3A_418 = vector.shape_cast %parallel_loop3A_417 : vector<1x16xf32> to vector<16xf32>
      %parallel_loop3A_419 = arith.index_cast %parallel_loop3A_218 : i32 to index
      %parallel_loop3A_420 = arith.constant 224 : index
      %parallel_loop3A_421 = tpu.vector_load %arg8[%parallel_loop3A_419, %parallel_loop3A_420] {strides = array<i32>} : memref<24x768xf32, #tpu.memory_space<vmem>>, vector<1x16xf32>,
      %parallel_loop3A_422 = vector.shape_cast %parallel_loop3A_421 : vector<1x16xf32> to vector<16xf32>
      %parallel_loop3A_423 = arith.addf %parallel_loop3A_418, %parallel_loop3A_422 : vector<16xf32>
      %parallel_loop3A_424 = arith.index_cast %parallel_loop3A_218 : i32 to index
      %parallel_loop3A_425 = arith.constant 224 : index
      %parallel_loop3A_426 = tpu.vector_load %arg6[%parallel_loop3A_424, %parallel_loop3A_425] {strides = array<i32>} : memref<24x768xf32, #tpu.memory_space<vmem>>, vector<1x16xf32>,
      %parallel_loop3A_427 = vector.shape_cast %parallel_loop3A_426 : vector<1x16xf32> to vector<16xf32>
      %parallel_loop3A_428 = vector.shape_cast %parallel_loop3A_423 : vector<16xf32> to vector<1x16xf32>
      tpu.vector_store %arg6[%parallel_loop3A_424, %parallel_loop3A_425], %parallel_loop3A_428 {strides = array<i32>} : memref<24x768xf32, #tpu.memory_space<vmem>>, vector<1x16xf32>,
      %parallel_loop3A_429 = arith.index_cast %parallel_loop3A_218 : i32 to index
      %parallel_loop3A_430 = arith.constant 240 : index
      %parallel_loop3A_431 = tpu.vector_load %arg6[%parallel_loop3A_429, %parallel_loop3A_430] {strides = array<i32>} : memref<24x768xf32, #tpu.memory_space<vmem>>, vector<1x16xf32>,
      %parallel_loop3A_432 = vector.shape_cast %parallel_loop3A_431 : vector<1x16xf32> to vector<16xf32>
      %parallel_loop3A_433 = arith.index_cast %parallel_loop3A_218 : i32 to index
      %parallel_loop3A_434 = arith.constant 240 : index
      %parallel_loop3A_435 = tpu.vector_load %arg8[%parallel_loop3A_433, %parallel_loop3A_434] {strides = array<i32>} : memref<24x768xf32, #tpu.memory_space<vmem>>, vector<1x16xf32>,
      %parallel_loop3A_436 = vector.shape_cast %parallel_loop3A_435 : vector<1x16xf32> to vector<16xf32>
      %parallel_loop3A_437 = arith.addf %parallel_loop3A_432, %parallel_loop3A_436 : vector<16xf32>
      %parallel_loop3A_438 = arith.index_cast %parallel_loop3A_218 : i32 to index
      %parallel_loop3A_439 = arith.constant 240 : index
      %parallel_loop3A_440 = tpu.vector_load %arg6[%parallel_loop3A_438, %parallel_loop3A_439] {strides = array<i32>} : memref<24x768xf32, #tpu.memory_space<vmem>>, vector<1x16xf32>,
      %parallel_loop3A_441 = vector.shape_cast %parallel_loop3A_440 : vector<1x16xf32> to vector<16xf32>
      %parallel_loop3A_442 = vector.shape_cast %parallel_loop3A_437 : vector<16xf32> to vector<1x16xf32>
      tpu.vector_store %arg6[%parallel_loop3A_438, %parallel_loop3A_439], %parallel_loop3A_442 {strides = array<i32>} : memref<24x768xf32, #tpu.memory_space<vmem>>, vector<1x16xf32>,
      %parallel_loop3A_443 = arith.index_cast %parallel_loop3A_218 : i32 to index
      %parallel_loop3A_444 = arith.constant 256 : index
      %parallel_loop3A_445 = tpu.vector_load %arg6[%parallel_loop3A_443, %parallel_loop3A_444] {strides = array<i32>} : memref<24x768xf32, #tpu.memory_space<vmem>>, vector<1x16xf32>,
      %parallel_loop3A_446 = vector.shape_cast %parallel_loop3A_445 : vector<1x16xf32> to vector<16xf32>
      %parallel_loop3A_447 = arith.index_cast %parallel_loop3A_218 : i32 to index
      %parallel_loop3A_448 = arith.constant 256 : index
      %parallel_loop3A_449 = tpu.vector_load %arg8[%parallel_loop3A_447, %parallel_loop3A_448] {strides = array<i32>} : memref<24x768xf32, #tpu.memory_space<vmem>>, vector<1x16xf32>,
      %parallel_loop3A_450 = vector.shape_cast %parallel_loop3A_449 : vector<1x16xf32> to vector<16xf32>
      %parallel_loop3A_451 = arith.addf %parallel_loop3A_446, %parallel_loop3A_450 : vector<16xf32>
      %parallel_loop3A_452 = arith.index_cast %parallel_loop3A_218 : i32 to index
      %parallel_loop3A_453 = arith.constant 256 : index
      %parallel_loop3A_454 = tpu.vector_load %arg6[%parallel_loop3A_452, %parallel_loop3A_453] {strides = array<i32>} : memref<24x768xf32, #tpu.memory_space<vmem>>, vector<1x16xf32>,
      %parallel_loop3A_455 = vector.shape_cast %parallel_loop3A_454 : vector<1x16xf32> to vector<16xf32>
      %parallel_loop3A_456 = vector.shape_cast %parallel_loop3A_451 : vector<16xf32> to vector<1x16xf32>
      tpu.vector_store %arg6[%parallel_loop3A_452, %parallel_loop3A_453], %parallel_loop3A_456 {strides = array<i32>} : memref<24x768xf32, #tpu.memory_space<vmem>>, vector<1x16xf32>,
      %parallel_loop3A_457 = arith.index_cast %parallel_loop3A_218 : i32 to index
      %parallel_loop3A_458 = arith.constant 272 : index
      %parallel_loop3A_459 = tpu.vector_load %arg6[%parallel_loop3A_457, %parallel_loop3A_458] {strides = array<i32>} : memref<24x768xf32, #tpu.memory_space<vmem>>, vector<1x16xf32>,
      %parallel_loop3A_460 = vector.shape_cast %parallel_loop3A_459 : vector<1x16xf32> to vector<16xf32>
      %parallel_loop3A_461 = arith.index_cast %parallel_loop3A_218 : i32 to index
      %parallel_loop3A_462 = arith.constant 272 : index
      %parallel_loop3A_463 = tpu.vector_load %arg8[%parallel_loop3A_461, %parallel_loop3A_462] {strides = array<i32>} : memref<24x768xf32, #tpu.memory_space<vmem>>, vector<1x16xf32>,
      %parallel_loop3A_464 = vector.shape_cast %parallel_loop3A_463 : vector<1x16xf32> to vector<16xf32>
      %parallel_loop3A_465 = arith.addf %parallel_loop3A_460, %parallel_loop3A_464 : vector<16xf32>
      %parallel_loop3A_466 = arith.index_cast %parallel_loop3A_218 : i32 to index
      %parallel_loop3A_467 = arith.constant 272 : index
      %parallel_loop3A_468 = tpu.vector_load %arg6[%parallel_loop3A_466, %parallel_loop3A_467] {strides = array<i32>} : memref<24x768xf32, #tpu.memory_space<vmem>>, vector<1x16xf32>,
      %parallel_loop3A_469 = vector.shape_cast %parallel_loop3A_468 : vector<1x16xf32> to vector<16xf32>
      %parallel_loop3A_470 = vector.shape_cast %parallel_loop3A_465 : vector<16xf32> to vector<1x16xf32>
      tpu.vector_store %arg6[%parallel_loop3A_466, %parallel_loop3A_467], %parallel_loop3A_470 {strides = array<i32>} : memref<24x768xf32, #tpu.memory_space<vmem>>, vector<1x16xf32>,
      %parallel_loop3A_471 = arith.index_cast %parallel_loop3A_218 : i32 to index
      %parallel_loop3A_472 = arith.constant 288 : index
      %parallel_loop3A_473 = tpu.vector_load %arg6[%parallel_loop3A_471, %parallel_loop3A_472] {strides = array<i32>} : memref<24x768xf32, #tpu.memory_space<vmem>>, vector<1x16xf32>,
      %parallel_loop3A_474 = vector.shape_cast %parallel_loop3A_473 : vector<1x16xf32> to vector<16xf32>
      %parallel_loop3A_475 = arith.index_cast %parallel_loop3A_218 : i32 to index
      %parallel_loop3A_476 = arith.constant 288 : index
      %parallel_loop3A_477 = tpu.vector_load %arg8[%parallel_loop3A_475, %parallel_loop3A_476] {strides = array<i32>} : memref<24x768xf32, #tpu.memory_space<vmem>>, vector<1x16xf32>,
      %parallel_loop3A_478 = vector.shape_cast %parallel_loop3A_477 : vector<1x16xf32> to vector<16xf32>
      %parallel_loop3A_479 = arith.addf %parallel_loop3A_474, %parallel_loop3A_478 : vector<16xf32>
      %parallel_loop3A_480 = arith.index_cast %parallel_loop3A_218 : i32 to index
      %parallel_loop3A_481 = arith.constant 288 : index
      %parallel_loop3A_482 = tpu.vector_load %arg6[%parallel_loop3A_480, %parallel_loop3A_481] {strides = array<i32>} : memref<24x768xf32, #tpu.memory_space<vmem>>, vector<1x16xf32>,
      %parallel_loop3A_483 = vector.shape_cast %parallel_loop3A_482 : vector<1x16xf32> to vector<16xf32>
      %parallel_loop3A_484 = vector.shape_cast %parallel_loop3A_479 : vector<16xf32> to vector<1x16xf32>
      tpu.vector_store %arg6[%parallel_loop3A_480, %parallel_loop3A_481], %parallel_loop3A_484 {strides = array<i32>} : memref<24x768xf32, #tpu.memory_space<vmem>>, vector<1x16xf32>,
      %parallel_loop3A_485 = arith.index_cast %parallel_loop3A_218 : i32 to index
      %parallel_loop3A_486 = arith.constant 304 : index
      %parallel_loop3A_487 = tpu.vector_load %arg6[%parallel_loop3A_485, %parallel_loop3A_486] {strides = array<i32>} : memref<24x768xf32, #tpu.memory_space<vmem>>, vector<1x16xf32>,
      %parallel_loop3A_488 = vector.shape_cast %parallel_loop3A_487 : vector<1x16xf32> to vector<16xf32>
      %parallel_loop3A_489 = arith.index_cast %parallel_loop3A_218 : i32 to index
      %parallel_loop3A_490 = arith.constant 304 : index
      %parallel_loop3A_491 = tpu.vector_load %arg8[%parallel_loop3A_489, %parallel_loop3A_490] {strides = array<i32>} : memref<24x768xf32, #tpu.memory_space<vmem>>, vector<1x16xf32>,
      %parallel_loop3A_492 = vector.shape_cast %parallel_loop3A_491 : vector<1x16xf32> to vector<16xf32>
      %parallel_loop3A_493 = arith.addf %parallel_loop3A_488, %parallel_loop3A_492 : vector<16xf32>
      %parallel_loop3A_494 = arith.index_cast %parallel_loop3A_218 : i32 to index
      %parallel_loop3A_495 = arith.constant 304 : index
      %parallel_loop3A_496 = tpu.vector_load %arg6[%parallel_loop3A_494, %parallel_loop3A_495] {strides = array<i32>} : memref<24x768xf32, #tpu.memory_space<vmem>>, vector<1x16xf32>,
      %parallel_loop3A_497 = vector.shape_cast %parallel_loop3A_496 : vector<1x16xf32> to vector<16xf32>
      %parallel_loop3A_498 = vector.shape_cast %parallel_loop3A_493 : vector<16xf32> to vector<1x16xf32>
      tpu.vector_store %arg6[%parallel_loop3A_494, %parallel_loop3A_495], %parallel_loop3A_498 {strides = array<i32>} : memref<24x768xf32, #tpu.memory_space<vmem>>, vector<1x16xf32>,
      %parallel_loop3A_499 = arith.index_cast %parallel_loop3A_218 : i32 to index
      %parallel_loop3A_500 = arith.constant 320 : index
      %parallel_loop3A_501 = tpu.vector_load %arg6[%parallel_loop3A_499, %parallel_loop3A_500] {strides = array<i32>} : memref<24x768xf32, #tpu.memory_space<vmem>>, vector<1x16xf32>,
      %parallel_loop3A_502 = vector.shape_cast %parallel_loop3A_501 : vector<1x16xf32> to vector<16xf32>
      %parallel_loop3A_503 = arith.index_cast %parallel_loop3A_218 : i32 to index
      %parallel_loop3A_504 = arith.constant 320 : index
      %parallel_loop3A_505 = tpu.vector_load %arg8[%parallel_loop3A_503, %parallel_loop3A_504] {strides = array<i32>} : memref<24x768xf32, #tpu.memory_space<vmem>>, vector<1x16xf32>,
      %parallel_loop3A_506 = vector.shape_cast %parallel_loop3A_505 : vector<1x16xf32> to vector<16xf32>
      %parallel_loop3A_507 = arith.addf %parallel_loop3A_502, %parallel_loop3A_506 : vector<16xf32>
      %parallel_loop3A_508 = arith.index_cast %parallel_loop3A_218 : i32 to index
      %parallel_loop3A_509 = arith.constant 320 : index
      %parallel_loop3A_510 = tpu.vector_load %arg6[%parallel_loop3A_508, %parallel_loop3A_509] {strides = array<i32>} : memref<24x768xf32, #tpu.memory_space<vmem>>, vector<1x16xf32>,
      %parallel_loop3A_511 = vector.shape_cast %parallel_loop3A_510 : vector<1x16xf32> to vector<16xf32>
      %parallel_loop3A_512 = vector.shape_cast %parallel_loop3A_507 : vector<16xf32> to vector<1x16xf32>
      tpu.vector_store %arg6[%parallel_loop3A_508, %parallel_loop3A_509], %parallel_loop3A_512 {strides = array<i32>} : memref<24x768xf32, #tpu.memory_space<vmem>>, vector<1x16xf32>,
      %parallel_loop3A_513 = arith.index_cast %parallel_loop3A_218 : i32 to index
      %parallel_loop3A_514 = arith.constant 336 : index
      %parallel_loop3A_515 = tpu.vector_load %arg6[%parallel_loop3A_513, %parallel_loop3A_514] {strides = array<i32>} : memref<24x768xf32, #tpu.memory_space<vmem>>, vector<1x16xf32>,
      %parallel_loop3A_516 = vector.shape_cast %parallel_loop3A_515 : vector<1x16xf32> to vector<16xf32>
      %parallel_loop3A_517 = arith.index_cast %parallel_loop3A_218 : i32 to index
      %parallel_loop3A_518 = arith.constant 336 : index
      %parallel_loop3A_519 = tpu.vector_load %arg8[%parallel_loop3A_517, %parallel_loop3A_518] {strides = array<i32>} : memref<24x768xf32, #tpu.memory_space<vmem>>, vector<1x16xf32>,
      %parallel_loop3A_520 = vector.shape_cast %parallel_loop3A_519 : vector<1x16xf32> to vector<16xf32>
      %parallel_loop3A_521 = arith.addf %parallel_loop3A_516, %parallel_loop3A_520 : vector<16xf32>
      %parallel_loop3A_522 = arith.index_cast %parallel_loop3A_218 : i32 to index
      %parallel_loop3A_523 = arith.constant 336 : index
      %parallel_loop3A_524 = tpu.vector_load %arg6[%parallel_loop3A_522, %parallel_loop3A_523] {strides = array<i32>} : memref<24x768xf32, #tpu.memory_space<vmem>>, vector<1x16xf32>,
      %parallel_loop3A_525 = vector.shape_cast %parallel_loop3A_524 : vector<1x16xf32> to vector<16xf32>
      %parallel_loop3A_526 = vector.shape_cast %parallel_loop3A_521 : vector<16xf32> to vector<1x16xf32>
      tpu.vector_store %arg6[%parallel_loop3A_522, %parallel_loop3A_523], %parallel_loop3A_526 {strides = array<i32>} : memref<24x768xf32, #tpu.memory_space<vmem>>, vector<1x16xf32>,
      %parallel_loop3A_527 = arith.index_cast %parallel_loop3A_218 : i32 to index
      %parallel_loop3A_528 = arith.constant 352 : index
      %parallel_loop3A_529 = tpu.vector_load %arg6[%parallel_loop3A_527, %parallel_loop3A_528] {strides = array<i32>} : memref<24x768xf32, #tpu.memory_space<vmem>>, vector<1x16xf32>,
      %parallel_loop3A_530 = vector.shape_cast %parallel_loop3A_529 : vector<1x16xf32> to vector<16xf32>
      %parallel_loop3A_531 = arith.index_cast %parallel_loop3A_218 : i32 to index
      %parallel_loop3A_532 = arith.constant 352 : index
      %parallel_loop3A_533 = tpu.vector_load %arg8[%parallel_loop3A_531, %parallel_loop3A_532] {strides = array<i32>} : memref<24x768xf32, #tpu.memory_space<vmem>>, vector<1x16xf32>,
      %parallel_loop3A_534 = vector.shape_cast %parallel_loop3A_533 : vector<1x16xf32> to vector<16xf32>
      %parallel_loop3A_535 = arith.addf %parallel_loop3A_530, %parallel_loop3A_534 : vector<16xf32>
      %parallel_loop3A_536 = arith.index_cast %parallel_loop3A_218 : i32 to index
      %parallel_loop3A_537 = arith.constant 352 : index
      %parallel_loop3A_538 = tpu.vector_load %arg6[%parallel_loop3A_536, %parallel_loop3A_537] {strides = array<i32>} : memref<24x768xf32, #tpu.memory_space<vmem>>, vector<1x16xf32>,
      %parallel_loop3A_539 = vector.shape_cast %parallel_loop3A_538 : vector<1x16xf32> to vector<16xf32>
      %parallel_loop3A_540 = vector.shape_cast %parallel_loop3A_535 : vector<16xf32> to vector<1x16xf32>
      tpu.vector_store %arg6[%parallel_loop3A_536, %parallel_loop3A_537], %parallel_loop3A_540 {strides = array<i32>} : memref<24x768xf32, #tpu.memory_space<vmem>>, vector<1x16xf32>,
      %parallel_loop3A_541 = arith.index_cast %parallel_loop3A_218 : i32 to index
      %parallel_loop3A_542 = arith.constant 368 : index
      %parallel_loop3A_543 = tpu.vector_load %arg6[%parallel_loop3A_541, %parallel_loop3A_542] {strides = array<i32>} : memref<24x768xf32, #tpu.memory_space<vmem>>, vector<1x16xf32>,
      %parallel_loop3A_544 = vector.shape_cast %parallel_loop3A_543 : vector<1x16xf32> to vector<16xf32>
      %parallel_loop3A_545 = arith.index_cast %parallel_loop3A_218 : i32 to index
      %parallel_loop3A_546 = arith.constant 368 : index
      %parallel_loop3A_547 = tpu.vector_load %arg8[%parallel_loop3A_545, %parallel_loop3A_546] {strides = array<i32>} : memref<24x768xf32, #tpu.memory_space<vmem>>, vector<1x16xf32>,
      %parallel_loop3A_548 = vector.shape_cast %parallel_loop3A_547 : vector<1x16xf32> to vector<16xf32>
      %parallel_loop3A_549 = arith.addf %parallel_loop3A_544, %parallel_loop3A_548 : vector<16xf32>
      %parallel_loop3A_550 = arith.index_cast %parallel_loop3A_218 : i32 to index
      %parallel_loop3A_551 = arith.constant 368 : index
      %parallel_loop3A_552 = tpu.vector_load %arg6[%parallel_loop3A_550, %parallel_loop3A_551] {strides = array<i32>} : memref<24x768xf32, #tpu.memory_space<vmem>>, vector<1x16xf32>,
      %parallel_loop3A_553 = vector.shape_cast %parallel_loop3A_552 : vector<1x16xf32> to vector<16xf32>
      %parallel_loop3A_554 = vector.shape_cast %parallel_loop3A_549 : vector<16xf32> to vector<1x16xf32>
      tpu.vector_store %arg6[%parallel_loop3A_550, %parallel_loop3A_551], %parallel_loop3A_554 {strides = array<i32>} : memref<24x768xf32, #tpu.memory_space<vmem>>, vector<1x16xf32>,
      %parallel_loop3A_555 = arith.index_cast %parallel_loop3A_218 : i32 to index
      %parallel_loop3A_556 = arith.constant 384 : index
      %parallel_loop3A_557 = tpu.vector_load %arg6[%parallel_loop3A_555, %parallel_loop3A_556] {strides = array<i32>} : memref<24x768xf32, #tpu.memory_space<vmem>>, vector<1x16xf32>,
      %parallel_loop3A_558 = vector.shape_cast %parallel_loop3A_557 : vector<1x16xf32> to vector<16xf32>
      %parallel_loop3A_559 = arith.index_cast %parallel_loop3A_218 : i32 to index
      %parallel_loop3A_560 = arith.constant 384 : index
      %parallel_loop3A_561 = tpu.vector_load %arg8[%parallel_loop3A_559, %parallel_loop3A_560] {strides = array<i32>} : memref<24x768xf32, #tpu.memory_space<vmem>>, vector<1x16xf32>,
      %parallel_loop3A_562 = vector.shape_cast %parallel_loop3A_561 : vector<1x16xf32> to vector<16xf32>
      %parallel_loop3A_563 = arith.addf %parallel_loop3A_558, %parallel_loop3A_562 : vector<16xf32>
      %parallel_loop3A_564 = arith.index_cast %parallel_loop3A_218 : i32 to index
      %parallel_loop3A_565 = arith.constant 384 : index
      %parallel_loop3A_566 = tpu.vector_load %arg6[%parallel_loop3A_564, %parallel_loop3A_565] {strides = array<i32>} : memref<24x768xf32, #tpu.memory_space<vmem>>, vector<1x16xf32>,
      %parallel_loop3A_567 = vector.shape_cast %parallel_loop3A_566 : vector<1x16xf32> to vector<16xf32>
      %parallel_loop3A_568 = vector.shape_cast %parallel_loop3A_563 : vector<16xf32> to vector<1x16xf32>
      tpu.vector_store %arg6[%parallel_loop3A_564, %parallel_loop3A_565], %parallel_loop3A_568 {strides = array<i32>} : memref<24x768xf32, #tpu.memory_space<vmem>>, vector<1x16xf32>,
      %parallel_loop3A_569 = arith.index_cast %parallel_loop3A_218 : i32 to index
      %parallel_loop3A_570 = arith.constant 400 : index
      %parallel_loop3A_571 = tpu.vector_load %arg6[%parallel_loop3A_569, %parallel_loop3A_570] {strides = array<i32>} : memref<24x768xf32, #tpu.memory_space<vmem>>, vector<1x16xf32>,
      %parallel_loop3A_572 = vector.shape_cast %parallel_loop3A_571 : vector<1x16xf32> to vector<16xf32>
      %parallel_loop3A_573 = arith.index_cast %parallel_loop3A_218 : i32 to index
      %parallel_loop3A_574 = arith.constant 400 : index
      %parallel_loop3A_575 = tpu.vector_load %arg8[%parallel_loop3A_573, %parallel_loop3A_574] {strides = array<i32>} : memref<24x768xf32, #tpu.memory_space<vmem>>, vector<1x16xf32>,
      %parallel_loop3A_576 = vector.shape_cast %parallel_loop3A_575 : vector<1x16xf32> to vector<16xf32>
      %parallel_loop3A_577 = arith.addf %parallel_loop3A_572, %parallel_loop3A_576 : vector<16xf32>
      %parallel_loop3A_578 = arith.index_cast %parallel_loop3A_218 : i32 to index
      %parallel_loop3A_579 = arith.constant 400 : index
      %parallel_loop3A_580 = tpu.vector_load %arg6[%parallel_loop3A_578, %parallel_loop3A_579] {strides = array<i32>} : memref<24x768xf32, #tpu.memory_space<vmem>>, vector<1x16xf32>,
      %parallel_loop3A_581 = vector.shape_cast %parallel_loop3A_580 : vector<1x16xf32> to vector<16xf32>
      %parallel_loop3A_582 = vector.shape_cast %parallel_loop3A_577 : vector<16xf32> to vector<1x16xf32>
      tpu.vector_store %arg6[%parallel_loop3A_578, %parallel_loop3A_579], %parallel_loop3A_582 {strides = array<i32>} : memref<24x768xf32, #tpu.memory_space<vmem>>, vector<1x16xf32>,
      %parallel_loop3A_583 = arith.index_cast %parallel_loop3A_218 : i32 to index
      %parallel_loop3A_584 = arith.constant 416 : index
      %parallel_loop3A_585 = tpu.vector_load %arg6[%parallel_loop3A_583, %parallel_loop3A_584] {strides = array<i32>} : memref<24x768xf32, #tpu.memory_space<vmem>>, vector<1x16xf32>,
      %parallel_loop3A_586 = vector.shape_cast %parallel_loop3A_585 : vector<1x16xf32> to vector<16xf32>
      %parallel_loop3A_587 = arith.index_cast %parallel_loop3A_218 : i32 to index
      %parallel_loop3A_588 = arith.constant 416 : index
      %parallel_loop3A_589 = tpu.vector_load %arg8[%parallel_loop3A_587, %parallel_loop3A_588] {strides = array<i32>} : memref<24x768xf32, #tpu.memory_space<vmem>>, vector<1x16xf32>,
      %parallel_loop3A_590 = vector.shape_cast %parallel_loop3A_589 : vector<1x16xf32> to vector<16xf32>
      %parallel_loop3A_591 = arith.addf %parallel_loop3A_586, %parallel_loop3A_590 : vector<16xf32>
      %parallel_loop3A_592 = arith.index_cast %parallel_loop3A_218 : i32 to index
      %parallel_loop3A_593 = arith.constant 416 : index
      %parallel_loop3A_594 = tpu.vector_load %arg6[%parallel_loop3A_592, %parallel_loop3A_593] {strides = array<i32>} : memref<24x768xf32, #tpu.memory_space<vmem>>, vector<1x16xf32>,
      %parallel_loop3A_595 = vector.shape_cast %parallel_loop3A_594 : vector<1x16xf32> to vector<16xf32>
      %parallel_loop3A_596 = vector.shape_cast %parallel_loop3A_591 : vector<16xf32> to vector<1x16xf32>
      tpu.vector_store %arg6[%parallel_loop3A_592, %parallel_loop3A_593], %parallel_loop3A_596 {strides = array<i32>} : memref<24x768xf32, #tpu.memory_space<vmem>>, vector<1x16xf32>,
      %parallel_loop3A_597 = arith.index_cast %parallel_loop3A_218 : i32 to index
      %parallel_loop3A_598 = arith.constant 432 : index
      %parallel_loop3A_599 = tpu.vector_load %arg6[%parallel_loop3A_597, %parallel_loop3A_598] {strides = array<i32>} : memref<24x768xf32, #tpu.memory_space<vmem>>, vector<1x16xf32>,
      %parallel_loop3A_600 = vector.shape_cast %parallel_loop3A_599 : vector<1x16xf32> to vector<16xf32>
      %parallel_loop3A_601 = arith.index_cast %parallel_loop3A_218 : i32 to index
      %parallel_loop3A_602 = arith.constant 432 : index
      %parallel_loop3A_603 = tpu.vector_load %arg8[%parallel_loop3A_601, %parallel_loop3A_602] {strides = array<i32>} : memref<24x768xf32, #tpu.memory_space<vmem>>, vector<1x16xf32>,
      %parallel_loop3A_604 = vector.shape_cast %parallel_loop3A_603 : vector<1x16xf32> to vector<16xf32>
      %parallel_loop3A_605 = arith.addf %parallel_loop3A_600, %parallel_loop3A_604 : vector<16xf32>
      %parallel_loop3A_606 = arith.index_cast %parallel_loop3A_218 : i32 to index
      %parallel_loop3A_607 = arith.constant 432 : index
      %parallel_loop3A_608 = tpu.vector_load %arg6[%parallel_loop3A_606, %parallel_loop3A_607] {strides = array<i32>} : memref<24x768xf32, #tpu.memory_space<vmem>>, vector<1x16xf32>,
      %parallel_loop3A_609 = vector.shape_cast %parallel_loop3A_608 : vector<1x16xf32> to vector<16xf32>
      %parallel_loop3A_610 = vector.shape_cast %parallel_loop3A_605 : vector<16xf32> to vector<1x16xf32>
      tpu.vector_store %arg6[%parallel_loop3A_606, %parallel_loop3A_607], %parallel_loop3A_610 {strides = array<i32>} : memref<24x768xf32, #tpu.memory_space<vmem>>, vector<1x16xf32>,
      %parallel_loop3A_611 = arith.index_cast %parallel_loop3A_218 : i32 to index
      %parallel_loop3A_612 = arith.constant 448 : index
      %parallel_loop3A_613 = tpu.vector_load %arg6[%parallel_loop3A_611, %parallel_loop3A_612] {strides = array<i32>} : memref<24x768xf32, #tpu.memory_space<vmem>>, vector<1x16xf32>,
      %parallel_loop3A_614 = vector.shape_cast %parallel_loop3A_613 : vector<1x16xf32> to vector<16xf32>
      %parallel_loop3A_615 = arith.index_cast %parallel_loop3A_218 : i32 to index
      %parallel_loop3A_616 = arith.constant 448 : index
      %parallel_loop3A_617 = tpu.vector_load %arg8[%parallel_loop3A_615, %parallel_loop3A_616] {strides = array<i32>} : memref<24x768xf32, #tpu.memory_space<vmem>>, vector<1x16xf32>,
      %parallel_loop3A_618 = vector.shape_cast %parallel_loop3A_617 : vector<1x16xf32> to vector<16xf32>
      %parallel_loop3A_619 = arith.addf %parallel_loop3A_614, %parallel_loop3A_618 : vector<16xf32>
      %parallel_loop3A_620 = arith.index_cast %parallel_loop3A_218 : i32 to index
      %parallel_loop3A_621 = arith.constant 448 : index
      %parallel_loop3A_622 = tpu.vector_load %arg6[%parallel_loop3A_620, %parallel_loop3A_621] {strides = array<i32>} : memref<24x768xf32, #tpu.memory_space<vmem>>, vector<1x16xf32>,
      %parallel_loop3A_623 = vector.shape_cast %parallel_loop3A_622 : vector<1x16xf32> to vector<16xf32>
      %parallel_loop3A_624 = vector.shape_cast %parallel_loop3A_619 : vector<16xf32> to vector<1x16xf32>
      tpu.vector_store %arg6[%parallel_loop3A_620, %parallel_loop3A_621], %parallel_loop3A_624 {strides = array<i32>} : memref<24x768xf32, #tpu.memory_space<vmem>>, vector<1x16xf32>,
      %parallel_loop3A_625 = arith.index_cast %parallel_loop3A_218 : i32 to index
      %parallel_loop3A_626 = arith.constant 464 : index
      %parallel_loop3A_627 = tpu.vector_load %arg6[%parallel_loop3A_625, %parallel_loop3A_626] {strides = array<i32>} : memref<24x768xf32, #tpu.memory_space<vmem>>, vector<1x16xf32>,
      %parallel_loop3A_628 = vector.shape_cast %parallel_loop3A_627 : vector<1x16xf32> to vector<16xf32>
      %parallel_loop3A_629 = arith.index_cast %parallel_loop3A_218 : i32 to index
      %parallel_loop3A_630 = arith.constant 464 : index
      %parallel_loop3A_631 = tpu.vector_load %arg8[%parallel_loop3A_629, %parallel_loop3A_630] {strides = array<i32>} : memref<24x768xf32, #tpu.memory_space<vmem>>, vector<1x16xf32>,
      %parallel_loop3A_632 = vector.shape_cast %parallel_loop3A_631 : vector<1x16xf32> to vector<16xf32>
      %parallel_loop3A_633 = arith.addf %parallel_loop3A_628, %parallel_loop3A_632 : vector<16xf32>
      %parallel_loop3A_634 = arith.index_cast %parallel_loop3A_218 : i32 to index
      %parallel_loop3A_635 = arith.constant 464 : index
      %parallel_loop3A_636 = tpu.vector_load %arg6[%parallel_loop3A_634, %parallel_loop3A_635] {strides = array<i32>} : memref<24x768xf32, #tpu.memory_space<vmem>>, vector<1x16xf32>,
      %parallel_loop3A_637 = vector.shape_cast %parallel_loop3A_636 : vector<1x16xf32> to vector<16xf32>
      %parallel_loop3A_638 = vector.shape_cast %parallel_loop3A_633 : vector<16xf32> to vector<1x16xf32>
      tpu.vector_store %arg6[%parallel_loop3A_634, %parallel_loop3A_635], %parallel_loop3A_638 {strides = array<i32>} : memref<24x768xf32, #tpu.memory_space<vmem>>, vector<1x16xf32>,
      %parallel_loop3A_639 = arith.index_cast %parallel_loop3A_218 : i32 to index
      %parallel_loop3A_640 = arith.constant 480 : index
      %parallel_loop3A_641 = tpu.vector_load %arg6[%parallel_loop3A_639, %parallel_loop3A_640] {strides = array<i32>} : memref<24x768xf32, #tpu.memory_space<vmem>>, vector<1x16xf32>,
      %parallel_loop3A_642 = vector.shape_cast %parallel_loop3A_641 : vector<1x16xf32> to vector<16xf32>
      %parallel_loop3A_643 = arith.index_cast %parallel_loop3A_218 : i32 to index
      %parallel_loop3A_644 = arith.constant 480 : index
      %parallel_loop3A_645 = tpu.vector_load %arg8[%parallel_loop3A_643, %parallel_loop3A_644] {strides = array<i32>} : memref<24x768xf32, #tpu.memory_space<vmem>>, vector<1x16xf32>,
      %parallel_loop3A_646 = vector.shape_cast %parallel_loop3A_645 : vector<1x16xf32> to vector<16xf32>
      %parallel_loop3A_647 = arith.addf %parallel_loop3A_642, %parallel_loop3A_646 : vector<16xf32>
      %parallel_loop3A_648 = arith.index_cast %parallel_loop3A_218 : i32 to index
      %parallel_loop3A_649 = arith.constant 480 : index
      %parallel_loop3A_650 = tpu.vector_load %arg6[%parallel_loop3A_648, %parallel_loop3A_649] {strides = array<i32>} : memref<24x768xf32, #tpu.memory_space<vmem>>, vector<1x16xf32>,
      %parallel_loop3A_651 = vector.shape_cast %parallel_loop3A_650 : vector<1x16xf32> to vector<16xf32>
      %parallel_loop3A_652 = vector.shape_cast %parallel_loop3A_647 : vector<16xf32> to vector<1x16xf32>
      tpu.vector_store %arg6[%parallel_loop3A_648, %parallel_loop3A_649], %parallel_loop3A_652 {strides = array<i32>} : memref<24x768xf32, #tpu.memory_space<vmem>>, vector<1x16xf32>,
      %parallel_loop3A_653 = arith.index_cast %parallel_loop3A_218 : i32 to index
      %parallel_loop3A_654 = arith.constant 496 : index
      %parallel_loop3A_655 = tpu.vector_load %arg6[%parallel_loop3A_653, %parallel_loop3A_654] {strides = array<i32>} : memref<24x768xf32, #tpu.memory_space<vmem>>, vector<1x16xf32>,
      %parallel_loop3A_656 = vector.shape_cast %parallel_loop3A_655 : vector<1x16xf32> to vector<16xf32>
      %parallel_loop3A_657 = arith.index_cast %parallel_loop3A_218 : i32 to index
      %parallel_loop3A_658 = arith.constant 496 : index
      %parallel_loop3A_659 = tpu.vector_load %arg8[%parallel_loop3A_657, %parallel_loop3A_658] {strides = array<i32>} : memref<24x768xf32, #tpu.memory_space<vmem>>, vector<1x16xf32>,
      %parallel_loop3A_660 = vector.shape_cast %parallel_loop3A_659 : vector<1x16xf32> to vector<16xf32>
      %parallel_loop3A_661 = arith.addf %parallel_loop3A_656, %parallel_loop3A_660 : vector<16xf32>
      %parallel_loop3A_662 = arith.index_cast %parallel_loop3A_218 : i32 to index
      %parallel_loop3A_663 = arith.constant 496 : index
      %parallel_loop3A_664 = tpu.vector_load %arg6[%parallel_loop3A_662, %parallel_loop3A_663] {strides = array<i32>} : memref<24x768xf32, #tpu.memory_space<vmem>>, vector<1x16xf32>,
      %parallel_loop3A_665 = vector.shape_cast %parallel_loop3A_664 : vector<1x16xf32> to vector<16xf32>
      %parallel_loop3A_666 = vector.shape_cast %parallel_loop3A_661 : vector<16xf32> to vector<1x16xf32>
      tpu.vector_store %arg6[%parallel_loop3A_662, %parallel_loop3A_663], %parallel_loop3A_666 {strides = array<i32>} : memref<24x768xf32, #tpu.memory_space<vmem>>, vector<1x16xf32>,
      %parallel_loop3A_667 = arith.index_cast %parallel_loop3A_218 : i32 to index
      %parallel_loop3A_668 = arith.constant 512 : index
      %parallel_loop3A_669 = tpu.vector_load %arg6[%parallel_loop3A_667, %parallel_loop3A_668] {strides = array<i32>} : memref<24x768xf32, #tpu.memory_space<vmem>>, vector<1x16xf32>,
      %parallel_loop3A_670 = vector.shape_cast %parallel_loop3A_669 : vector<1x16xf32> to vector<16xf32>
      %parallel_loop3A_671 = arith.index_cast %parallel_loop3A_218 : i32 to index
      %parallel_loop3A_672 = arith.constant 512 : index
      %parallel_loop3A_673 = tpu.vector_load %arg8[%parallel_loop3A_671, %parallel_loop3A_672] {strides = array<i32>} : memref<24x768xf32, #tpu.memory_space<vmem>>, vector<1x16xf32>,
      %parallel_loop3A_674 = vector.shape_cast %parallel_loop3A_673 : vector<1x16xf32> to vector<16xf32>
      %parallel_loop3A_675 = arith.addf %parallel_loop3A_670, %parallel_loop3A_674 : vector<16xf32>
      %parallel_loop3A_676 = arith.index_cast %parallel_loop3A_218 : i32 to index
      %parallel_loop3A_677 = arith.constant 512 : index
      %parallel_loop3A_678 = tpu.vector_load %arg6[%parallel_loop3A_676, %parallel_loop3A_677] {strides = array<i32>} : memref<24x768xf32, #tpu.memory_space<vmem>>, vector<1x16xf32>,
      %parallel_loop3A_679 = vector.shape_cast %parallel_loop3A_678 : vector<1x16xf32> to vector<16xf32>
      %parallel_loop3A_680 = vector.shape_cast %parallel_loop3A_675 : vector<16xf32> to vector<1x16xf32>
      tpu.vector_store %arg6[%parallel_loop3A_676, %parallel_loop3A_677], %parallel_loop3A_680 {strides = array<i32>} : memref<24x768xf32, #tpu.memory_space<vmem>>, vector<1x16xf32>,
      %parallel_loop3A_681 = arith.index_cast %parallel_loop3A_218 : i32 to index
      %parallel_loop3A_682 = arith.constant 528 : index
      %parallel_loop3A_683 = tpu.vector_load %arg6[%parallel_loop3A_681, %parallel_loop3A_682] {strides = array<i32>} : memref<24x768xf32, #tpu.memory_space<vmem>>, vector<1x16xf32>,
      %parallel_loop3A_684 = vector.shape_cast %parallel_loop3A_683 : vector<1x16xf32> to vector<16xf32>
      %parallel_loop3A_685 = arith.index_cast %parallel_loop3A_218 : i32 to index
      %parallel_loop3A_686 = arith.constant 528 : index
      %parallel_loop3A_687 = tpu.vector_load %arg8[%parallel_loop3A_685, %parallel_loop3A_686] {strides = array<i32>} : memref<24x768xf32, #tpu.memory_space<vmem>>, vector<1x16xf32>,
      %parallel_loop3A_688 = vector.shape_cast %parallel_loop3A_687 : vector<1x16xf32> to vector<16xf32>
      %parallel_loop3A_689 = arith.addf %parallel_loop3A_684, %parallel_loop3A_688 : vector<16xf32>
      %parallel_loop3A_690 = arith.index_cast %parallel_loop3A_218 : i32 to index
      %parallel_loop3A_691 = arith.constant 528 : index
      %parallel_loop3A_692 = tpu.vector_load %arg6[%parallel_loop3A_690, %parallel_loop3A_691] {strides = array<i32>} : memref<24x768xf32, #tpu.memory_space<vmem>>, vector<1x16xf32>,
      %parallel_loop3A_693 = vector.shape_cast %parallel_loop3A_692 : vector<1x16xf32> to vector<16xf32>
      %parallel_loop3A_694 = vector.shape_cast %parallel_loop3A_689 : vector<16xf32> to vector<1x16xf32>
      tpu.vector_store %arg6[%parallel_loop3A_690, %parallel_loop3A_691], %parallel_loop3A_694 {strides = array<i32>} : memref<24x768xf32, #tpu.memory_space<vmem>>, vector<1x16xf32>,
      %parallel_loop3A_695 = arith.index_cast %parallel_loop3A_218 : i32 to index
      %parallel_loop3A_696 = arith.constant 544 : index
      %parallel_loop3A_697 = tpu.vector_load %arg6[%parallel_loop3A_695, %parallel_loop3A_696] {strides = array<i32>} : memref<24x768xf32, #tpu.memory_space<vmem>>, vector<1x16xf32>,
      %parallel_loop3A_698 = vector.shape_cast %parallel_loop3A_697 : vector<1x16xf32> to vector<16xf32>
      %parallel_loop3A_699 = arith.index_cast %parallel_loop3A_218 : i32 to index
      %parallel_loop3A_700 = arith.constant 544 : index
      %parallel_loop3A_701 = tpu.vector_load %arg8[%parallel_loop3A_699, %parallel_loop3A_700] {strides = array<i32>} : memref<24x768xf32, #tpu.memory_space<vmem>>, vector<1x16xf32>,
      %parallel_loop3A_702 = vector.shape_cast %parallel_loop3A_701 : vector<1x16xf32> to vector<16xf32>
      %parallel_loop3A_703 = arith.addf %parallel_loop3A_698, %parallel_loop3A_702 : vector<16xf32>
      %parallel_loop3A_704 = arith.index_cast %parallel_loop3A_218 : i32 to index
      %parallel_loop3A_705 = arith.constant 544 : index
      %parallel_loop3A_706 = tpu.vector_load %arg6[%parallel_loop3A_704, %parallel_loop3A_705] {strides = array<i32>} : memref<24x768xf32, #tpu.memory_space<vmem>>, vector<1x16xf32>,
      %parallel_loop3A_707 = vector.shape_cast %parallel_loop3A_706 : vector<1x16xf32> to vector<16xf32>
      %parallel_loop3A_708 = vector.shape_cast %parallel_loop3A_703 : vector<16xf32> to vector<1x16xf32>
      tpu.vector_store %arg6[%parallel_loop3A_704, %parallel_loop3A_705], %parallel_loop3A_708 {strides = array<i32>} : memref<24x768xf32, #tpu.memory_space<vmem>>, vector<1x16xf32>,
      %parallel_loop3A_709 = arith.index_cast %parallel_loop3A_218 : i32 to index
      %parallel_loop3A_710 = arith.constant 560 : index
      %parallel_loop3A_711 = tpu.vector_load %arg6[%parallel_loop3A_709, %parallel_loop3A_710] {strides = array<i32>} : memref<24x768xf32, #tpu.memory_space<vmem>>, vector<1x16xf32>,
      %parallel_loop3A_712 = vector.shape_cast %parallel_loop3A_711 : vector<1x16xf32> to vector<16xf32>
      %parallel_loop3A_713 = arith.index_cast %parallel_loop3A_218 : i32 to index
      %parallel_loop3A_714 = arith.constant 560 : index
      %parallel_loop3A_715 = tpu.vector_load %arg8[%parallel_loop3A_713, %parallel_loop3A_714] {strides = array<i32>} : memref<24x768xf32, #tpu.memory_space<vmem>>, vector<1x16xf32>,
      %parallel_loop3A_716 = vector.shape_cast %parallel_loop3A_715 : vector<1x16xf32> to vector<16xf32>
      %parallel_loop3A_717 = arith.addf %parallel_loop3A_712, %parallel_loop3A_716 : vector<16xf32>
      %parallel_loop3A_718 = arith.index_cast %parallel_loop3A_218 : i32 to index
      %parallel_loop3A_719 = arith.constant 560 : index
      %parallel_loop3A_720 = tpu.vector_load %arg6[%parallel_loop3A_718, %parallel_loop3A_719] {strides = array<i32>} : memref<24x768xf32, #tpu.memory_space<vmem>>, vector<1x16xf32>,
      %parallel_loop3A_721 = vector.shape_cast %parallel_loop3A_720 : vector<1x16xf32> to vector<16xf32>
      %parallel_loop3A_722 = vector.shape_cast %parallel_loop3A_717 : vector<16xf32> to vector<1x16xf32>
      tpu.vector_store %arg6[%parallel_loop3A_718, %parallel_loop3A_719], %parallel_loop3A_722 {strides = array<i32>} : memref<24x768xf32, #tpu.memory_space<vmem>>, vector<1x16xf32>,
      %parallel_loop3A_723 = arith.index_cast %parallel_loop3A_218 : i32 to index
      %parallel_loop3A_724 = arith.constant 576 : index
      %parallel_loop3A_725 = tpu.vector_load %arg6[%parallel_loop3A_723, %parallel_loop3A_724] {strides = array<i32>} : memref<24x768xf32, #tpu.memory_space<vmem>>, vector<1x16xf32>,
      %parallel_loop3A_726 = vector.shape_cast %parallel_loop3A_725 : vector<1x16xf32> to vector<16xf32>
      %parallel_loop3A_727 = arith.index_cast %parallel_loop3A_218 : i32 to index
      %parallel_loop3A_728 = arith.constant 576 : index
      %parallel_loop3A_729 = tpu.vector_load %arg8[%parallel_loop3A_727, %parallel_loop3A_728] {strides = array<i32>} : memref<24x768xf32, #tpu.memory_space<vmem>>, vector<1x16xf32>,
      %parallel_loop3A_730 = vector.shape_cast %parallel_loop3A_729 : vector<1x16xf32> to vector<16xf32>
      %parallel_loop3A_731 = arith.addf %parallel_loop3A_726, %parallel_loop3A_730 : vector<16xf32>
      %parallel_loop3A_732 = arith.index_cast %parallel_loop3A_218 : i32 to index
      %parallel_loop3A_733 = arith.constant 576 : index
      %parallel_loop3A_734 = tpu.vector_load %arg6[%parallel_loop3A_732, %parallel_loop3A_733] {strides = array<i32>} : memref<24x768xf32, #tpu.memory_space<vmem>>, vector<1x16xf32>,
      %parallel_loop3A_735 = vector.shape_cast %parallel_loop3A_734 : vector<1x16xf32> to vector<16xf32>
      %parallel_loop3A_736 = vector.shape_cast %parallel_loop3A_731 : vector<16xf32> to vector<1x16xf32>
      tpu.vector_store %arg6[%parallel_loop3A_732, %parallel_loop3A_733], %parallel_loop3A_736 {strides = array<i32>} : memref<24x768xf32, #tpu.memory_space<vmem>>, vector<1x16xf32>,
      %parallel_loop3A_737 = arith.index_cast %parallel_loop3A_218 : i32 to index
      %parallel_loop3A_738 = arith.constant 592 : index
      %parallel_loop3A_739 = tpu.vector_load %arg6[%parallel_loop3A_737, %parallel_loop3A_738] {strides = array<i32>} : memref<24x768xf32, #tpu.memory_space<vmem>>, vector<1x16xf32>,
      %parallel_loop3A_740 = vector.shape_cast %parallel_loop3A_739 : vector<1x16xf32> to vector<16xf32>
      %parallel_loop3A_741 = arith.index_cast %parallel_loop3A_218 : i32 to index
      %parallel_loop3A_742 = arith.constant 592 : index
      %parallel_loop3A_743 = tpu.vector_load %arg8[%parallel_loop3A_741, %parallel_loop3A_742] {strides = array<i32>} : memref<24x768xf32, #tpu.memory_space<vmem>>, vector<1x16xf32>,
      %parallel_loop3A_744 = vector.shape_cast %parallel_loop3A_743 : vector<1x16xf32> to vector<16xf32>
      %parallel_loop3A_745 = arith.addf %parallel_loop3A_740, %parallel_loop3A_744 : vector<16xf32>
      %parallel_loop3A_746 = arith.index_cast %parallel_loop3A_218 : i32 to index
      %parallel_loop3A_747 = arith.constant 592 : index
      %parallel_loop3A_748 = tpu.vector_load %arg6[%parallel_loop3A_746, %parallel_loop3A_747] {strides = array<i32>} : memref<24x768xf32, #tpu.memory_space<vmem>>, vector<1x16xf32>,
      %parallel_loop3A_749 = vector.shape_cast %parallel_loop3A_748 : vector<1x16xf32> to vector<16xf32>
      %parallel_loop3A_750 = vector.shape_cast %parallel_loop3A_745 : vector<16xf32> to vector<1x16xf32>
      tpu.vector_store %arg6[%parallel_loop3A_746, %parallel_loop3A_747], %parallel_loop3A_750 {strides = array<i32>} : memref<24x768xf32, #tpu.memory_space<vmem>>, vector<1x16xf32>,
      %parallel_loop3A_751 = arith.index_cast %parallel_loop3A_218 : i32 to index
      %parallel_loop3A_752 = arith.constant 608 : index
      %parallel_loop3A_753 = tpu.vector_load %arg6[%parallel_loop3A_751, %parallel_loop3A_752] {strides = array<i32>} : memref<24x768xf32, #tpu.memory_space<vmem>>, vector<1x16xf32>,
      %parallel_loop3A_754 = vector.shape_cast %parallel_loop3A_753 : vector<1x16xf32> to vector<16xf32>
      %parallel_loop3A_755 = arith.index_cast %parallel_loop3A_218 : i32 to index
      %parallel_loop3A_756 = arith.constant 608 : index
      %parallel_loop3A_757 = tpu.vector_load %arg8[%parallel_loop3A_755, %parallel_loop3A_756] {strides = array<i32>} : memref<24x768xf32, #tpu.memory_space<vmem>>, vector<1x16xf32>,
      %parallel_loop3A_758 = vector.shape_cast %parallel_loop3A_757 : vector<1x16xf32> to vector<16xf32>
      %parallel_loop3A_759 = arith.addf %parallel_loop3A_754, %parallel_loop3A_758 : vector<16xf32>
      %parallel_loop3A_760 = arith.index_cast %parallel_loop3A_218 : i32 to index
      %parallel_loop3A_761 = arith.constant 608 : index
      %parallel_loop3A_762 = tpu.vector_load %arg6[%parallel_loop3A_760, %parallel_loop3A_761] {strides = array<i32>} : memref<24x768xf32, #tpu.memory_space<vmem>>, vector<1x16xf32>,
      %parallel_loop3A_763 = vector.shape_cast %parallel_loop3A_762 : vector<1x16xf32> to vector<16xf32>
      %parallel_loop3A_764 = vector.shape_cast %parallel_loop3A_759 : vector<16xf32> to vector<1x16xf32>
      tpu.vector_store %arg6[%parallel_loop3A_760, %parallel_loop3A_761], %parallel_loop3A_764 {strides = array<i32>} : memref<24x768xf32, #tpu.memory_space<vmem>>, vector<1x16xf32>,
      %parallel_loop3A_765 = arith.index_cast %parallel_loop3A_218 : i32 to index
      %parallel_loop3A_766 = arith.constant 624 : index
      %parallel_loop3A_767 = tpu.vector_load %arg6[%parallel_loop3A_765, %parallel_loop3A_766] {strides = array<i32>} : memref<24x768xf32, #tpu.memory_space<vmem>>, vector<1x16xf32>,
      %parallel_loop3A_768 = vector.shape_cast %parallel_loop3A_767 : vector<1x16xf32> to vector<16xf32>
      %parallel_loop3A_769 = arith.index_cast %parallel_loop3A_218 : i32 to index
      %parallel_loop3A_770 = arith.constant 624 : index
      %parallel_loop3A_771 = tpu.vector_load %arg8[%parallel_loop3A_769, %parallel_loop3A_770] {strides = array<i32>} : memref<24x768xf32, #tpu.memory_space<vmem>>, vector<1x16xf32>,
      %parallel_loop3A_772 = vector.shape_cast %parallel_loop3A_771 : vector<1x16xf32> to vector<16xf32>
      %parallel_loop3A_773 = arith.addf %parallel_loop3A_768, %parallel_loop3A_772 : vector<16xf32>
      %parallel_loop3A_774 = arith.index_cast %parallel_loop3A_218 : i32 to index
      %parallel_loop3A_775 = arith.constant 624 : index
      %parallel_loop3A_776 = tpu.vector_load %arg6[%parallel_loop3A_774, %parallel_loop3A_775] {strides = array<i32>} : memref<24x768xf32, #tpu.memory_space<vmem>>, vector<1x16xf32>,
      %parallel_loop3A_777 = vector.shape_cast %parallel_loop3A_776 : vector<1x16xf32> to vector<16xf32>
      %parallel_loop3A_778 = vector.shape_cast %parallel_loop3A_773 : vector<16xf32> to vector<1x16xf32>
      tpu.vector_store %arg6[%parallel_loop3A_774, %parallel_loop3A_775], %parallel_loop3A_778 {strides = array<i32>} : memref<24x768xf32, #tpu.memory_space<vmem>>, vector<1x16xf32>,
      %parallel_loop3A_779 = arith.index_cast %parallel_loop3A_218 : i32 to index
      %parallel_loop3A_780 = arith.constant 640 : index
      %parallel_loop3A_781 = tpu.vector_load %arg6[%parallel_loop3A_779, %parallel_loop3A_780] {strides = array<i32>} : memref<24x768xf32, #tpu.memory_space<vmem>>, vector<1x16xf32>,
      %parallel_loop3A_782 = vector.shape_cast %parallel_loop3A_781 : vector<1x16xf32> to vector<16xf32>
      %parallel_loop3A_783 = arith.index_cast %parallel_loop3A_218 : i32 to index
      %parallel_loop3A_784 = arith.constant 640 : index
      %parallel_loop3A_785 = tpu.vector_load %arg8[%parallel_loop3A_783, %parallel_loop3A_784] {strides = array<i32>} : memref<24x768xf32, #tpu.memory_space<vmem>>, vector<1x16xf32>,
      %parallel_loop3A_786 = vector.shape_cast %parallel_loop3A_785 : vector<1x16xf32> to vector<16xf32>
      %parallel_loop3A_787 = arith.addf %parallel_loop3A_782, %parallel_loop3A_786 : vector<16xf32>
      %parallel_loop3A_788 = arith.index_cast %parallel_loop3A_218 : i32 to index
      %parallel_loop3A_789 = arith.constant 640 : index
      %parallel_loop3A_790 = tpu.vector_load %arg6[%parallel_loop3A_788, %parallel_loop3A_789] {strides = array<i32>} : memref<24x768xf32, #tpu.memory_space<vmem>>, vector<1x16xf32>,
      %parallel_loop3A_791 = vector.shape_cast %parallel_loop3A_790 : vector<1x16xf32> to vector<16xf32>
      %parallel_loop3A_792 = vector.shape_cast %parallel_loop3A_787 : vector<16xf32> to vector<1x16xf32>
      tpu.vector_store %arg6[%parallel_loop3A_788, %parallel_loop3A_789], %parallel_loop3A_792 {strides = array<i32>} : memref<24x768xf32, #tpu.memory_space<vmem>>, vector<1x16xf32>,
      %parallel_loop3A_793 = arith.index_cast %parallel_loop3A_218 : i32 to index
      %parallel_loop3A_794 = arith.constant 656 : index
      %parallel_loop3A_795 = tpu.vector_load %arg6[%parallel_loop3A_793, %parallel_loop3A_794] {strides = array<i32>} : memref<24x768xf32, #tpu.memory_space<vmem>>, vector<1x16xf32>,
      %parallel_loop3A_796 = vector.shape_cast %parallel_loop3A_795 : vector<1x16xf32> to vector<16xf32>
      %parallel_loop3A_797 = arith.index_cast %parallel_loop3A_218 : i32 to index
      %parallel_loop3A_798 = arith.constant 656 : index
      %parallel_loop3A_799 = tpu.vector_load %arg8[%parallel_loop3A_797, %parallel_loop3A_798] {strides = array<i32>} : memref<24x768xf32, #tpu.memory_space<vmem>>, vector<1x16xf32>,
      %parallel_loop3A_800 = vector.shape_cast %parallel_loop3A_799 : vector<1x16xf32> to vector<16xf32>
      %parallel_loop3A_801 = arith.addf %parallel_loop3A_796, %parallel_loop3A_800 : vector<16xf32>
      %parallel_loop3A_802 = arith.index_cast %parallel_loop3A_218 : i32 to index
      %parallel_loop3A_803 = arith.constant 656 : index
      %parallel_loop3A_804 = tpu.vector_load %arg6[%parallel_loop3A_802, %parallel_loop3A_803] {strides = array<i32>} : memref<24x768xf32, #tpu.memory_space<vmem>>, vector<1x16xf32>,
      %parallel_loop3A_805 = vector.shape_cast %parallel_loop3A_804 : vector<1x16xf32> to vector<16xf32>
      %parallel_loop3A_806 = vector.shape_cast %parallel_loop3A_801 : vector<16xf32> to vector<1x16xf32>
      tpu.vector_store %arg6[%parallel_loop3A_802, %parallel_loop3A_803], %parallel_loop3A_806 {strides = array<i32>} : memref<24x768xf32, #tpu.memory_space<vmem>>, vector<1x16xf32>,
      %parallel_loop3A_807 = arith.index_cast %parallel_loop3A_218 : i32 to index
      %parallel_loop3A_808 = arith.constant 672 : index
      %parallel_loop3A_809 = tpu.vector_load %arg6[%parallel_loop3A_807, %parallel_loop3A_808] {strides = array<i32>} : memref<24x768xf32, #tpu.memory_space<vmem>>, vector<1x16xf32>,
      %parallel_loop3A_810 = vector.shape_cast %parallel_loop3A_809 : vector<1x16xf32> to vector<16xf32>
      %parallel_loop3A_811 = arith.index_cast %parallel_loop3A_218 : i32 to index
      %parallel_loop3A_812 = arith.constant 672 : index
      %parallel_loop3A_813 = tpu.vector_load %arg8[%parallel_loop3A_811, %parallel_loop3A_812] {strides = array<i32>} : memref<24x768xf32, #tpu.memory_space<vmem>>, vector<1x16xf32>,
      %parallel_loop3A_814 = vector.shape_cast %parallel_loop3A_813 : vector<1x16xf32> to vector<16xf32>
      %parallel_loop3A_815 = arith.addf %parallel_loop3A_810, %parallel_loop3A_814 : vector<16xf32>
      %parallel_loop3A_816 = arith.index_cast %parallel_loop3A_218 : i32 to index
      %parallel_loop3A_817 = arith.constant 672 : index
      %parallel_loop3A_818 = tpu.vector_load %arg6[%parallel_loop3A_816, %parallel_loop3A_817] {strides = array<i32>} : memref<24x768xf32, #tpu.memory_space<vmem>>, vector<1x16xf32>,
      %parallel_loop3A_819 = vector.shape_cast %parallel_loop3A_818 : vector<1x16xf32> to vector<16xf32>
      %parallel_loop3A_820 = vector.shape_cast %parallel_loop3A_815 : vector<16xf32> to vector<1x16xf32>
      tpu.vector_store %arg6[%parallel_loop3A_816, %parallel_loop3A_817], %parallel_loop3A_820 {strides = array<i32>} : memref<24x768xf32, #tpu.memory_space<vmem>>, vector<1x16xf32>,
      %parallel_loop3A_821 = arith.index_cast %parallel_loop3A_218 : i32 to index
      %parallel_loop3A_822 = arith.constant 688 : index
      %parallel_loop3A_823 = tpu.vector_load %arg6[%parallel_loop3A_821, %parallel_loop3A_822] {strides = array<i32>} : memref<24x768xf32, #tpu.memory_space<vmem>>, vector<1x16xf32>,
      %parallel_loop3A_824 = vector.shape_cast %parallel_loop3A_823 : vector<1x16xf32> to vector<16xf32>
      %parallel_loop3A_825 = arith.index_cast %parallel_loop3A_218 : i32 to index
      %parallel_loop3A_826 = arith.constant 688 : index
      %parallel_loop3A_827 = tpu.vector_load %arg8[%parallel_loop3A_825, %parallel_loop3A_826] {strides = array<i32>} : memref<24x768xf32, #tpu.memory_space<vmem>>, vector<1x16xf32>,
      %parallel_loop3A_828 = vector.shape_cast %parallel_loop3A_827 : vector<1x16xf32> to vector<16xf32>
      %parallel_loop3A_829 = arith.addf %parallel_loop3A_824, %parallel_loop3A_828 : vector<16xf32>
      %parallel_loop3A_830 = arith.index_cast %parallel_loop3A_218 : i32 to index
      %parallel_loop3A_831 = arith.constant 688 : index
      %parallel_loop3A_832 = tpu.vector_load %arg6[%parallel_loop3A_830, %parallel_loop3A_831] {strides = array<i32>} : memref<24x768xf32, #tpu.memory_space<vmem>>, vector<1x16xf32>,
      %parallel_loop3A_833 = vector.shape_cast %parallel_loop3A_832 : vector<1x16xf32> to vector<16xf32>
      %parallel_loop3A_834 = vector.shape_cast %parallel_loop3A_829 : vector<16xf32> to vector<1x16xf32>
      tpu.vector_store %arg6[%parallel_loop3A_830, %parallel_loop3A_831], %parallel_loop3A_834 {strides = array<i32>} : memref<24x768xf32, #tpu.memory_space<vmem>>, vector<1x16xf32>,
      %parallel_loop3A_835 = arith.index_cast %parallel_loop3A_218 : i32 to index
      %parallel_loop3A_836 = arith.constant 704 : index
      %parallel_loop3A_837 = tpu.vector_load %arg6[%parallel_loop3A_835, %parallel_loop3A_836] {strides = array<i32>} : memref<24x768xf32, #tpu.memory_space<vmem>>, vector<1x16xf32>,
      %parallel_loop3A_838 = vector.shape_cast %parallel_loop3A_837 : vector<1x16xf32> to vector<16xf32>
      %parallel_loop3A_839 = arith.index_cast %parallel_loop3A_218 : i32 to index
      %parallel_loop3A_840 = arith.constant 704 : index
      %parallel_loop3A_841 = tpu.vector_load %arg8[%parallel_loop3A_839, %parallel_loop3A_840] {strides = array<i32>} : memref<24x768xf32, #tpu.memory_space<vmem>>, vector<1x16xf32>,
      %parallel_loop3A_842 = vector.shape_cast %parallel_loop3A_841 : vector<1x16xf32> to vector<16xf32>
      %parallel_loop3A_843 = arith.addf %parallel_loop3A_838, %parallel_loop3A_842 : vector<16xf32>
      %parallel_loop3A_844 = arith.index_cast %parallel_loop3A_218 : i32 to index
      %parallel_loop3A_845 = arith.constant 704 : index
      %parallel_loop3A_846 = tpu.vector_load %arg6[%parallel_loop3A_844, %parallel_loop3A_845] {strides = array<i32>} : memref<24x768xf32, #tpu.memory_space<vmem>>, vector<1x16xf32>,
      %parallel_loop3A_847 = vector.shape_cast %parallel_loop3A_846 : vector<1x16xf32> to vector<16xf32>
      %parallel_loop3A_848 = vector.shape_cast %parallel_loop3A_843 : vector<16xf32> to vector<1x16xf32>
      tpu.vector_store %arg6[%parallel_loop3A_844, %parallel_loop3A_845], %parallel_loop3A_848 {strides = array<i32>} : memref<24x768xf32, #tpu.memory_space<vmem>>, vector<1x16xf32>,
      %parallel_loop3A_849 = arith.index_cast %parallel_loop3A_218 : i32 to index
      %parallel_loop3A_850 = arith.constant 720 : index
      %parallel_loop3A_851 = tpu.vector_load %arg6[%parallel_loop3A_849, %parallel_loop3A_850] {strides = array<i32>} : memref<24x768xf32, #tpu.memory_space<vmem>>, vector<1x16xf32>,
      %parallel_loop3A_852 = vector.shape_cast %parallel_loop3A_851 : vector<1x16xf32> to vector<16xf32>
      %parallel_loop3A_853 = arith.index_cast %parallel_loop3A_218 : i32 to index
      %parallel_loop3A_854 = arith.constant 720 : index
      %parallel_loop3A_855 = tpu.vector_load %arg8[%parallel_loop3A_853, %parallel_loop3A_854] {strides = array<i32>} : memref<24x768xf32, #tpu.memory_space<vmem>>, vector<1x16xf32>,
      %parallel_loop3A_856 = vector.shape_cast %parallel_loop3A_855 : vector<1x16xf32> to vector<16xf32>
      %parallel_loop3A_857 = arith.addf %parallel_loop3A_852, %parallel_loop3A_856 : vector<16xf32>
      %parallel_loop3A_858 = arith.index_cast %parallel_loop3A_218 : i32 to index
      %parallel_loop3A_859 = arith.constant 720 : index
      %parallel_loop3A_860 = tpu.vector_load %arg6[%parallel_loop3A_858, %parallel_loop3A_859] {strides = array<i32>} : memref<24x768xf32, #tpu.memory_space<vmem>>, vector<1x16xf32>,
      %parallel_loop3A_861 = vector.shape_cast %parallel_loop3A_860 : vector<1x16xf32> to vector<16xf32>
      %parallel_loop3A_862 = vector.shape_cast %parallel_loop3A_857 : vector<16xf32> to vector<1x16xf32>
      tpu.vector_store %arg6[%parallel_loop3A_858, %parallel_loop3A_859], %parallel_loop3A_862 {strides = array<i32>} : memref<24x768xf32, #tpu.memory_space<vmem>>, vector<1x16xf32>,
      %parallel_loop3A_863 = arith.index_cast %parallel_loop3A_218 : i32 to index
      %parallel_loop3A_864 = arith.constant 736 : index
      %parallel_loop3A_865 = tpu.vector_load %arg6[%parallel_loop3A_863, %parallel_loop3A_864] {strides = array<i32>} : memref<24x768xf32, #tpu.memory_space<vmem>>, vector<1x16xf32>,
      %parallel_loop3A_866 = vector.shape_cast %parallel_loop3A_865 : vector<1x16xf32> to vector<16xf32>
      %parallel_loop3A_867 = arith.index_cast %parallel_loop3A_218 : i32 to index
      %parallel_loop3A_868 = arith.constant 736 : index
      %parallel_loop3A_869 = tpu.vector_load %arg8[%parallel_loop3A_867, %parallel_loop3A_868] {strides = array<i32>} : memref<24x768xf32, #tpu.memory_space<vmem>>, vector<1x16xf32>,
      %parallel_loop3A_870 = vector.shape_cast %parallel_loop3A_869 : vector<1x16xf32> to vector<16xf32>
      %parallel_loop3A_871 = arith.addf %parallel_loop3A_866, %parallel_loop3A_870 : vector<16xf32>
      %parallel_loop3A_872 = arith.index_cast %parallel_loop3A_218 : i32 to index
      %parallel_loop3A_873 = arith.constant 736 : index
      %parallel_loop3A_874 = tpu.vector_load %arg6[%parallel_loop3A_872, %parallel_loop3A_873] {strides = array<i32>} : memref<24x768xf32, #tpu.memory_space<vmem>>, vector<1x16xf32>,
      %parallel_loop3A_875 = vector.shape_cast %parallel_loop3A_874 : vector<1x16xf32> to vector<16xf32>
      %parallel_loop3A_876 = vector.shape_cast %parallel_loop3A_871 : vector<16xf32> to vector<1x16xf32>
      tpu.vector_store %arg6[%parallel_loop3A_872, %parallel_loop3A_873], %parallel_loop3A_876 {strides = array<i32>} : memref<24x768xf32, #tpu.memory_space<vmem>>, vector<1x16xf32>,
      %parallel_loop3A_877 = arith.index_cast %parallel_loop3A_218 : i32 to index
      %parallel_loop3A_878 = arith.constant 752 : index
      %parallel_loop3A_879 = tpu.vector_load %arg6[%parallel_loop3A_877, %parallel_loop3A_878] {strides = array<i32>} : memref<24x768xf32, #tpu.memory_space<vmem>>, vector<1x16xf32>,
      %parallel_loop3A_880 = vector.shape_cast %parallel_loop3A_879 : vector<1x16xf32> to vector<16xf32>
      %parallel_loop3A_881 = arith.index_cast %parallel_loop3A_218 : i32 to index
      %parallel_loop3A_882 = arith.constant 752 : index
      %parallel_loop3A_883 = tpu.vector_load %arg8[%parallel_loop3A_881, %parallel_loop3A_882] {strides = array<i32>} : memref<24x768xf32, #tpu.memory_space<vmem>>, vector<1x16xf32>,
      %parallel_loop3A_884 = vector.shape_cast %parallel_loop3A_883 : vector<1x16xf32> to vector<16xf32>
      %parallel_loop3A_885 = arith.addf %parallel_loop3A_880, %parallel_loop3A_884 : vector<16xf32>
      %parallel_loop3A_886 = arith.index_cast %parallel_loop3A_218 : i32 to index
      %parallel_loop3A_887 = arith.constant 752 : index
      %parallel_loop3A_888 = tpu.vector_load %arg6[%parallel_loop3A_886, %parallel_loop3A_887] {strides = array<i32>} : memref<24x768xf32, #tpu.memory_space<vmem>>, vector<1x16xf32>,
      %parallel_loop3A_889 = vector.shape_cast %parallel_loop3A_888 : vector<1x16xf32> to vector<16xf32>
      %parallel_loop3A_890 = vector.shape_cast %parallel_loop3A_885 : vector<16xf32> to vector<1x16xf32>
      tpu.vector_store %arg6[%parallel_loop3A_886, %parallel_loop3A_887], %parallel_loop3A_890 {strides = array<i32>} : memref<24x768xf32, #tpu.memory_space<vmem>>, vector<1x16xf32>,
    } {sc.loop_unroll_factor = 1 : i64, sc.parallel_access}
    %sub3A_112 = arith.constant 124 : i32
    %sub3A_113 = arith.subi %add3A_18, %sub3A_112 : i32
    %mul3A_114 = arith.constant 24 : i32
    %mul3A_115 = arith.muli %add3A_96, %mul3A_114 : i32
    %add3A_116 = arith.addi %mul3A_34, %mul3A_115 : i32
    %dma_start3A_117 = arith.constant 0 : i32
    %dma_start3A_118 = tpu.memref_slice %arg4[%sub3A_113, %add3A_116, %dma_start3A_117] : memref<4x576x768xf32, #tpu.memory_space<hbm>> -> memref<1x24x768xf32, #tpu.memory_space<hbm>>
    %dma_start3A_119 = tpu.memref_squeeze %dma_start3A_118 : memref<1x24x768xf32, #tpu.memory_space<hbm>> -> memref<24x768xf32, #tpu.memory_space<hbm>>
    %dma_start3A_120 = arith.constant 0 : i32
    %dma_start3A_121 = tpu.memref_slice %arg4[%sub3A_113, %add3A_116, %dma_start3A_120] : memref<4x576x768xf32, #tpu.memory_space<hbm>> -> memref<1x24x768xf32, #tpu.memory_space<hbm>>
    %dma_start3A_122 = tpu.memref_squeeze %dma_start3A_121 : memref<1x24x768xf32, #tpu.memory_space<hbm>> -> memref<24x768xf32, #tpu.memory_space<hbm>>
    tpu.enqueue_dma source(%arg6 : memref<24x768xf32, #tpu.memory_space<vmem>>) target(%dma_start3A_122 : memref<24x768xf32, #tpu.memory_space<hbm>>) target_semaphore(%arg13 : memref<!tpu.dma_semaphore, #tpu.memory_space<semaphore_mem>>)
    %ge3A_123 = arith.constant 1 : i32
    %ge3A_124 = arith.cmpi sge, %add3A_96, %ge3A_123 : i32
    %add3A_125 = arith.constant 2 : i32
    %add3A_126 = arith.addi %add3A_96, %add3A_125 : i32
    %lt3A_127 = arith.constant 3 : i32
    %lt3A_128 = arith.cmpi slt, %add3A_126, %lt3A_127 : i32
    %and3A_129 = arith.andi %ge3A_124, %lt3A_128 : i1
    %convert_element_type3A_130 = arith.extui %and3A_129 : i1 to i32
    %cond3A_131 = arith.constant 0 : i32
    %cond3A_132 = arith.cmpi ne, %convert_element_type3A_130, %cond3A_131 : i32
    scf.if %cond3A_132 {
      %sub3A_218 = arith.constant 1 : i32
      %sub3A_219 = arith.subi %add3A_96, %sub3A_218 : i32
      %sub3A_220 = arith.constant 124 : i32
      %sub3A_221 = arith.subi %add3A_18, %sub3A_220 : i32
      %mul3A_222 = arith.constant 24 : i32
      %mul3A_223 = arith.muli %sub3A_219, %mul3A_222 : i32
      %add3A_224 = arith.addi %mul3A_34, %mul3A_223 : i32
      %dma_wait3A_225 = arith.constant 0 : i32
      %dma_wait3A_226 = tpu.memref_slice %arg4[%sub3A_221, %add3A_224, %dma_wait3A_225] : memref<4x576x768xf32, #tpu.memory_space<hbm>> -> memref<1x24x768xf32, #tpu.memory_space<hbm>>
      %dma_wait3A_227 = tpu.memref_squeeze %dma_wait3A_226 : memref<1x24x768xf32, #tpu.memory_space<hbm>> -> memref<24x768xf32, #tpu.memory_space<hbm>>
      %dma_wait3A_228 = arith.constant 0 : i32
      %dma_wait3A_229 = tpu.memref_slice %arg4[%sub3A_221, %add3A_224, %dma_wait3A_228] : memref<4x576x768xf32, #tpu.memory_space<hbm>> -> memref<1x24x768xf32, #tpu.memory_space<hbm>>
      %dma_wait3A_230 = tpu.memref_squeeze %dma_wait3A_229 : memref<1x24x768xf32, #tpu.memory_space<hbm>> -> memref<24x768xf32, #tpu.memory_space<hbm>>
      tpu.wait_dma2 semaphore(%arg12 : memref<!tpu.dma_semaphore, #tpu.memory_space<semaphore_mem>>) src(%arg5 : memref<24x768xf32, #tpu.memory_space<vmem>>) dst(%dma_wait3A_230 : memref<24x768xf32, #tpu.memory_space<hbm>>)
    } else {
    }
    %add3A_133 = arith.constant 2 : i32
    %add3A_134 = arith.addi %add3A_96, %add3A_133 : i32
    %lt3A_135 = arith.constant 3 : i32
    %lt3A_136 = arith.cmpi slt, %add3A_134, %lt3A_135 : i32
    %convert_element_type3A_137 = arith.extui %lt3A_136 : i1 to i32
    %cond3A_138 = arith.constant 0 : i32
    %cond3A_139 = arith.cmpi ne, %convert_element_type3A_137, %cond3A_138 : i32
    scf.if %cond3A_139 {
      %add3A_218 = arith.constant 2 : i32
      %add3A_219 = arith.addi %add3A_96, %add3A_218 : i32
      %mul3A_220 = arith.constant 24 : i32
      %mul3A_221 = arith.muli %add3A_219, %mul3A_220 : i32
      %add3A_222 = arith.addi %mul3A_34, %mul3A_221 : i32
      %dma_start3A_223 = arith.constant 0 : i32
      %dma_start3A_224 = tpu.memref_slice %arg2[%add3A_18, %add3A_222, %dma_start3A_223] : memref<128x576x768xf32, #tpu.memory_space<hbm>> -> memref<1x24x768xf32, #tpu.memory_space<hbm>>
      %dma_start3A_225 = tpu.memref_squeeze %dma_start3A_224 : memref<1x24x768xf32, #tpu.memory_space<hbm>> -> memref<24x768xf32, #tpu.memory_space<hbm>>
      %dma_start3A_226 = arith.constant 0 : i32
      %dma_start3A_227 = tpu.memref_slice %arg2[%add3A_18, %add3A_222, %dma_start3A_226] : memref<128x576x768xf32, #tpu.memory_space<hbm>> -> memref<1x24x768xf32, #tpu.memory_space<hbm>>
      %dma_start3A_228 = tpu.memref_squeeze %dma_start3A_227 : memref<1x24x768xf32, #tpu.memory_space<hbm>> -> memref<24x768xf32, #tpu.memory_space<hbm>>
      tpu.enqueue_dma source(%dma_start3A_228 : memref<24x768xf32, #tpu.memory_space<hbm>>) target(%arg5 : memref<24x768xf32, #tpu.memory_space<vmem>>) target_semaphore(%arg9 : memref<!tpu.dma_semaphore, #tpu.memory_space<semaphore_mem>>)
    } else {
    }
    %mul3A_140 = arith.constant 3 : i32
    %mul3A_141 = arith.muli %scan3A_50, %mul3A_140 : i32
    %add3A_142 = arith.constant 2 : i32
    %add3A_143 = arith.addi %mul3A_141, %add3A_142 : i32
    %mul3A_144 = arith.constant 24 : i32
    %mul3A_145 = arith.muli %add3A_143, %mul3A_144 : i32
    %add3A_146 = arith.addi %mul3A_34, %mul3A_145 : i32
    "tpu.region"() ({
      %run_scoped3A = tpu.sem_alloc : memref<!tpu.dma_semaphore, #tpu.memory_space<semaphore_mem>>
      %dma_start3A_218 = arith.constant 0 : i32
      %dma_start3A_219 = tpu.memref_slice %arg3[%add3A_146, %dma_start3A_218] : memref<576x768xf32, #tpu.memory_space<hbm>> -> memref<24x768xf32, #tpu.memory_space<hbm>>
      %dma_start3A_220 = arith.constant 0 : i32
      %dma_start3A_221 = tpu.memref_slice %arg3[%add3A_146, %dma_start3A_220] : memref<576x768xf32, #tpu.memory_space<hbm>> -> memref<24x768xf32, #tpu.memory_space<hbm>>
      tpu.enqueue_dma source(%dma_start3A_221 : memref<24x768xf32, #tpu.memory_space<hbm>>) target(%arg8 : memref<24x768xf32, #tpu.memory_space<vmem>>) target_semaphore(%run_scoped3A : memref<!tpu.dma_semaphore, #tpu.memory_space<semaphore_mem>>)
      %dma_wait3A_222 = arith.constant 0 : i32
      %dma_wait3A_223 = tpu.memref_slice %arg3[%add3A_146, %dma_wait3A_222] : memref<576x768xf32, #tpu.memory_space<hbm>> -> memref<24x768xf32, #tpu.memory_space<hbm>>
      %dma_wait3A_224 = arith.constant 0 : i32
      %dma_wait3A_225 = tpu.memref_slice %arg3[%add3A_146, %dma_wait3A_224] : memref<576x768xf32, #tpu.memory_space<hbm>> -> memref<24x768xf32, #tpu.memory_space<hbm>>
      tpu.wait_dma2 semaphore(%run_scoped3A : memref<!tpu.dma_semaphore, #tpu.memory_space<semaphore_mem>>) src(%dma_wait3A_225 : memref<24x768xf32, #tpu.memory_space<hbm>>) dst(%arg8 : memref<24x768xf32, #tpu.memory_space<vmem>>)
      tpu.yield
    }) : () -> ()
    %mul3A_147 = arith.constant 24 : i32
    %mul3A_148 = arith.muli %add3A_143, %mul3A_147 : i32
    %add3A_149 = arith.addi %mul3A_34, %mul3A_148 : i32
    %dma_wait3A_150 = arith.constant 0 : i32
    %dma_wait3A_151 = tpu.memref_slice %arg2[%add3A_18, %add3A_149, %dma_wait3A_150] : memref<128x576x768xf32, #tpu.memory_space<hbm>> -> memref<1x24x768xf32, #tpu.memory_space<hbm>>
    %dma_wait3A_152 = tpu.memref_squeeze %dma_wait3A_151 : memref<1x24x768xf32, #tpu.memory_space<hbm>> -> memref<24x768xf32, #tpu.memory_space<hbm>>
    %dma_wait3A_153 = arith.constant 0 : i32
    %dma_wait3A_154 = tpu.memref_slice %arg2[%add3A_18, %add3A_149, %dma_wait3A_153] : memref<128x576x768xf32, #tpu.memory_space<hbm>> -> memref<1x24x768xf32, #tpu.memory_space<hbm>>
    %dma_wait3A_155 = tpu.memref_squeeze %dma_wait3A_154 : memref<1x24x768xf32, #tpu.memory_space<hbm>> -> memref<24x768xf32, #tpu.memory_space<hbm>>
    tpu.wait_dma2 semaphore(%arg11 : memref<!tpu.dma_semaphore, #tpu.memory_space<semaphore_mem>>) src(%dma_wait3A_155 : memref<24x768xf32, #tpu.memory_space<hbm>>) dst(%arg7 : memref<24x768xf32, #tpu.memory_space<vmem>>)
    %parallel_loop3A_156 = arith.constant 0 : i32
    %parallel_loop3A_157 = arith.constant 24 : i32
    %parallel_loop3A_158 = arith.constant 1 : i32
    scf.for %parallel_loop3A_218 = %parallel_loop3A_156 to %parallel_loop3A_157 step %parallel_loop3A_158  : i32 {
      %parallel_loop3A_219 = arith.index_cast %parallel_loop3A_218 : i32 to index
      %parallel_loop3A_220 = arith.constant 0 : index
      %parallel_loop3A_221 = tpu.vector_load %arg7[%parallel_loop3A_219, %parallel_loop3A_220] {strides = array<i32>} : memref<24x768xf32, #tpu.memory_space<vmem>>, vector<1x16xf32>,
      %parallel_loop3A_222 = vector.shape_cast %parallel_loop3A_221 : vector<1x16xf32> to vector<16xf32>
      %parallel_loop3A_223 = arith.index_cast %parallel_loop3A_218 : i32 to index
      %parallel_loop3A_224 = arith.constant 0 : index
      %parallel_loop3A_225 = tpu.vector_load %arg8[%parallel_loop3A_223, %parallel_loop3A_224] {strides = array<i32>} : memref<24x768xf32, #tpu.memory_space<vmem>>, vector<1x16xf32>,
      %parallel_loop3A_226 = vector.shape_cast %parallel_loop3A_225 : vector<1x16xf32> to vector<16xf32>
      %parallel_loop3A_227 = arith.addf %parallel_loop3A_222, %parallel_loop3A_226 : vector<16xf32>
      %parallel_loop3A_228 = arith.index_cast %parallel_loop3A_218 : i32 to index
      %parallel_loop3A_229 = arith.constant 0 : index
      %parallel_loop3A_230 = tpu.vector_load %arg7[%parallel_loop3A_228, %parallel_loop3A_229] {strides = array<i32>} : memref<24x768xf32, #tpu.memory_space<vmem>>, vector<1x16xf32>,
      %parallel_loop3A_231 = vector.shape_cast %parallel_loop3A_230 : vector<1x16xf32> to vector<16xf32>
      %parallel_loop3A_232 = vector.shape_cast %parallel_loop3A_227 : vector<16xf32> to vector<1x16xf32>
      tpu.vector_store %arg7[%parallel_loop3A_228, %parallel_loop3A_229], %parallel_loop3A_232 {strides = array<i32>} : memref<24x768xf32, #tpu.memory_space<vmem>>, vector<1x16xf32>,
      %parallel_loop3A_233 = arith.index_cast %parallel_loop3A_218 : i32 to index
      %parallel_loop3A_234 = arith.constant 16 : index
      %parallel_loop3A_235 = tpu.vector_load %arg7[%parallel_loop3A_233, %parallel_loop3A_234] {strides = array<i32>} : memref<24x768xf32, #tpu.memory_space<vmem>>, vector<1x16xf32>,
      %parallel_loop3A_236 = vector.shape_cast %parallel_loop3A_235 : vector<1x16xf32> to vector<16xf32>
      %parallel_loop3A_237 = arith.index_cast %parallel_loop3A_218 : i32 to index
      %parallel_loop3A_238 = arith.constant 16 : index
      %parallel_loop3A_239 = tpu.vector_load %arg8[%parallel_loop3A_237, %parallel_loop3A_238] {strides = array<i32>} : memref<24x768xf32, #tpu.memory_space<vmem>>, vector<1x16xf32>,
      %parallel_loop3A_240 = vector.shape_cast %parallel_loop3A_239 : vector<1x16xf32> to vector<16xf32>
      %parallel_loop3A_241 = arith.addf %parallel_loop3A_236, %parallel_loop3A_240 : vector<16xf32>
      %parallel_loop3A_242 = arith.index_cast %parallel_loop3A_218 : i32 to index
      %parallel_loop3A_243 = arith.constant 16 : index
      %parallel_loop3A_244 = tpu.vector_load %arg7[%parallel_loop3A_242, %parallel_loop3A_243] {strides = array<i32>} : memref<24x768xf32, #tpu.memory_space<vmem>>, vector<1x16xf32>,
      %parallel_loop3A_245 = vector.shape_cast %parallel_loop3A_244 : vector<1x16xf32> to vector<16xf32>
      %parallel_loop3A_246 = vector.shape_cast %parallel_loop3A_241 : vector<16xf32> to vector<1x16xf32>
      tpu.vector_store %arg7[%parallel_loop3A_242, %parallel_loop3A_243], %parallel_loop3A_246 {strides = array<i32>} : memref<24x768xf32, #tpu.memory_space<vmem>>, vector<1x16xf32>,
      %parallel_loop3A_247 = arith.index_cast %parallel_loop3A_218 : i32 to index
      %parallel_loop3A_248 = arith.constant 32 : index
      %parallel_loop3A_249 = tpu.vector_load %arg7[%parallel_loop3A_247, %parallel_loop3A_248] {strides = array<i32>} : memref<24x768xf32, #tpu.memory_space<vmem>>, vector<1x16xf32>,
      %parallel_loop3A_250 = vector.shape_cast %parallel_loop3A_249 : vector<1x16xf32> to vector<16xf32>
      %parallel_loop3A_251 = arith.index_cast %parallel_loop3A_218 : i32 to index
      %parallel_loop3A_252 = arith.constant 32 : index
      %parallel_loop3A_253 = tpu.vector_load %arg8[%parallel_loop3A_251, %parallel_loop3A_252] {strides = array<i32>} : memref<24x768xf32, #tpu.memory_space<vmem>>, vector<1x16xf32>,
      %parallel_loop3A_254 = vector.shape_cast %parallel_loop3A_253 : vector<1x16xf32> to vector<16xf32>
      %parallel_loop3A_255 = arith.addf %parallel_loop3A_250, %parallel_loop3A_254 : vector<16xf32>
      %parallel_loop3A_256 = arith.index_cast %parallel_loop3A_218 : i32 to index
      %parallel_loop3A_257 = arith.constant 32 : index
      %parallel_loop3A_258 = tpu.vector_load %arg7[%parallel_loop3A_256, %parallel_loop3A_257] {strides = array<i32>} : memref<24x768xf32, #tpu.memory_space<vmem>>, vector<1x16xf32>,
      %parallel_loop3A_259 = vector.shape_cast %parallel_loop3A_258 : vector<1x16xf32> to vector<16xf32>
      %parallel_loop3A_260 = vector.shape_cast %parallel_loop3A_255 : vector<16xf32> to vector<1x16xf32>
      tpu.vector_store %arg7[%parallel_loop3A_256, %parallel_loop3A_257], %parallel_loop3A_260 {strides = array<i32>} : memref<24x768xf32, #tpu.memory_space<vmem>>, vector<1x16xf32>,
      %parallel_loop3A_261 = arith.index_cast %parallel_loop3A_218 : i32 to index
      %parallel_loop3A_262 = arith.constant 48 : index
      %parallel_loop3A_263 = tpu.vector_load %arg7[%parallel_loop3A_261, %parallel_loop3A_262] {strides = array<i32>} : memref<24x768xf32, #tpu.memory_space<vmem>>, vector<1x16xf32>,
      %parallel_loop3A_264 = vector.shape_cast %parallel_loop3A_263 : vector<1x16xf32> to vector<16xf32>
      %parallel_loop3A_265 = arith.index_cast %parallel_loop3A_218 : i32 to index
      %parallel_loop3A_266 = arith.constant 48 : index
      %parallel_loop3A_267 = tpu.vector_load %arg8[%parallel_loop3A_265, %parallel_loop3A_266] {strides = array<i32>} : memref<24x768xf32, #tpu.memory_space<vmem>>, vector<1x16xf32>,
      %parallel_loop3A_268 = vector.shape_cast %parallel_loop3A_267 : vector<1x16xf32> to vector<16xf32>
      %parallel_loop3A_269 = arith.addf %parallel_loop3A_264, %parallel_loop3A_268 : vector<16xf32>
      %parallel_loop3A_270 = arith.index_cast %parallel_loop3A_218 : i32 to index
      %parallel_loop3A_271 = arith.constant 48 : index
      %parallel_loop3A_272 = tpu.vector_load %arg7[%parallel_loop3A_270, %parallel_loop3A_271] {strides = array<i32>} : memref<24x768xf32, #tpu.memory_space<vmem>>, vector<1x16xf32>,
      %parallel_loop3A_273 = vector.shape_cast %parallel_loop3A_272 : vector<1x16xf32> to vector<16xf32>
      %parallel_loop3A_274 = vector.shape_cast %parallel_loop3A_269 : vector<16xf32> to vector<1x16xf32>
      tpu.vector_store %arg7[%parallel_loop3A_270, %parallel_loop3A_271], %parallel_loop3A_274 {strides = array<i32>} : memref<24x768xf32, #tpu.memory_space<vmem>>, vector<1x16xf32>,
      %parallel_loop3A_275 = arith.index_cast %parallel_loop3A_218 : i32 to index
      %parallel_loop3A_276 = arith.constant 64 : index
      %parallel_loop3A_277 = tpu.vector_load %arg7[%parallel_loop3A_275, %parallel_loop3A_276] {strides = array<i32>} : memref<24x768xf32, #tpu.memory_space<vmem>>, vector<1x16xf32>,
      %parallel_loop3A_278 = vector.shape_cast %parallel_loop3A_277 : vector<1x16xf32> to vector<16xf32>
      %parallel_loop3A_279 = arith.index_cast %parallel_loop3A_218 : i32 to index
      %parallel_loop3A_280 = arith.constant 64 : index
      %parallel_loop3A_281 = tpu.vector_load %arg8[%parallel_loop3A_279, %parallel_loop3A_280] {strides = array<i32>} : memref<24x768xf32, #tpu.memory_space<vmem>>, vector<1x16xf32>,
      %parallel_loop3A_282 = vector.shape_cast %parallel_loop3A_281 : vector<1x16xf32> to vector<16xf32>
      %parallel_loop3A_283 = arith.addf %parallel_loop3A_278, %parallel_loop3A_282 : vector<16xf32>
      %parallel_loop3A_284 = arith.index_cast %parallel_loop3A_218 : i32 to index
      %parallel_loop3A_285 = arith.constant 64 : index
      %parallel_loop3A_286 = tpu.vector_load %arg7[%parallel_loop3A_284, %parallel_loop3A_285] {strides = array<i32>} : memref<24x768xf32, #tpu.memory_space<vmem>>, vector<1x16xf32>,
      %parallel_loop3A_287 = vector.shape_cast %parallel_loop3A_286 : vector<1x16xf32> to vector<16xf32>
      %parallel_loop3A_288 = vector.shape_cast %parallel_loop3A_283 : vector<16xf32> to vector<1x16xf32>
      tpu.vector_store %arg7[%parallel_loop3A_284, %parallel_loop3A_285], %parallel_loop3A_288 {strides = array<i32>} : memref<24x768xf32, #tpu.memory_space<vmem>>, vector<1x16xf32>,
      %parallel_loop3A_289 = arith.index_cast %parallel_loop3A_218 : i32 to index
      %parallel_loop3A_290 = arith.constant 80 : index
      %parallel_loop3A_291 = tpu.vector_load %arg7[%parallel_loop3A_289, %parallel_loop3A_290] {strides = array<i32>} : memref<24x768xf32, #tpu.memory_space<vmem>>, vector<1x16xf32>,
      %parallel_loop3A_292 = vector.shape_cast %parallel_loop3A_291 : vector<1x16xf32> to vector<16xf32>
      %parallel_loop3A_293 = arith.index_cast %parallel_loop3A_218 : i32 to index
      %parallel_loop3A_294 = arith.constant 80 : index
      %parallel_loop3A_295 = tpu.vector_load %arg8[%parallel_loop3A_293, %parallel_loop3A_294] {strides = array<i32>} : memref<24x768xf32, #tpu.memory_space<vmem>>, vector<1x16xf32>,
      %parallel_loop3A_296 = vector.shape_cast %parallel_loop3A_295 : vector<1x16xf32> to vector<16xf32>
      %parallel_loop3A_297 = arith.addf %parallel_loop3A_292, %parallel_loop3A_296 : vector<16xf32>
      %parallel_loop3A_298 = arith.index_cast %parallel_loop3A_218 : i32 to index
      %parallel_loop3A_299 = arith.constant 80 : index
      %parallel_loop3A_300 = tpu.vector_load %arg7[%parallel_loop3A_298, %parallel_loop3A_299] {strides = array<i32>} : memref<24x768xf32, #tpu.memory_space<vmem>>, vector<1x16xf32>,
      %parallel_loop3A_301 = vector.shape_cast %parallel_loop3A_300 : vector<1x16xf32> to vector<16xf32>
      %parallel_loop3A_302 = vector.shape_cast %parallel_loop3A_297 : vector<16xf32> to vector<1x16xf32>
      tpu.vector_store %arg7[%parallel_loop3A_298, %parallel_loop3A_299], %parallel_loop3A_302 {strides = array<i32>} : memref<24x768xf32, #tpu.memory_space<vmem>>, vector<1x16xf32>,
      %parallel_loop3A_303 = arith.index_cast %parallel_loop3A_218 : i32 to index
      %parallel_loop3A_304 = arith.constant 96 : index
      %parallel_loop3A_305 = tpu.vector_load %arg7[%parallel_loop3A_303, %parallel_loop3A_304] {strides = array<i32>} : memref<24x768xf32, #tpu.memory_space<vmem>>, vector<1x16xf32>,
      %parallel_loop3A_306 = vector.shape_cast %parallel_loop3A_305 : vector<1x16xf32> to vector<16xf32>
      %parallel_loop3A_307 = arith.index_cast %parallel_loop3A_218 : i32 to index
      %parallel_loop3A_308 = arith.constant 96 : index
      %parallel_loop3A_309 = tpu.vector_load %arg8[%parallel_loop3A_307, %parallel_loop3A_308] {strides = array<i32>} : memref<24x768xf32, #tpu.memory_space<vmem>>, vector<1x16xf32>,
      %parallel_loop3A_310 = vector.shape_cast %parallel_loop3A_309 : vector<1x16xf32> to vector<16xf32>
      %parallel_loop3A_311 = arith.addf %parallel_loop3A_306, %parallel_loop3A_310 : vector<16xf32>
      %parallel_loop3A_312 = arith.index_cast %parallel_loop3A_218 : i32 to index
      %parallel_loop3A_313 = arith.constant 96 : index
      %parallel_loop3A_314 = tpu.vector_load %arg7[%parallel_loop3A_312, %parallel_loop3A_313] {strides = array<i32>} : memref<24x768xf32, #tpu.memory_space<vmem>>, vector<1x16xf32>,
      %parallel_loop3A_315 = vector.shape_cast %parallel_loop3A_314 : vector<1x16xf32> to vector<16xf32>
      %parallel_loop3A_316 = vector.shape_cast %parallel_loop3A_311 : vector<16xf32> to vector<1x16xf32>
      tpu.vector_store %arg7[%parallel_loop3A_312, %parallel_loop3A_313], %parallel_loop3A_316 {strides = array<i32>} : memref<24x768xf32, #tpu.memory_space<vmem>>, vector<1x16xf32>,
      %parallel_loop3A_317 = arith.index_cast %parallel_loop3A_218 : i32 to index
      %parallel_loop3A_318 = arith.constant 112 : index
      %parallel_loop3A_319 = tpu.vector_load %arg7[%parallel_loop3A_317, %parallel_loop3A_318] {strides = array<i32>} : memref<24x768xf32, #tpu.memory_space<vmem>>, vector<1x16xf32>,
      %parallel_loop3A_320 = vector.shape_cast %parallel_loop3A_319 : vector<1x16xf32> to vector<16xf32>
      %parallel_loop3A_321 = arith.index_cast %parallel_loop3A_218 : i32 to index
      %parallel_loop3A_322 = arith.constant 112 : index
      %parallel_loop3A_323 = tpu.vector_load %arg8[%parallel_loop3A_321, %parallel_loop3A_322] {strides = array<i32>} : memref<24x768xf32, #tpu.memory_space<vmem>>, vector<1x16xf32>,
      %parallel_loop3A_324 = vector.shape_cast %parallel_loop3A_323 : vector<1x16xf32> to vector<16xf32>
      %parallel_loop3A_325 = arith.addf %parallel_loop3A_320, %parallel_loop3A_324 : vector<16xf32>
      %parallel_loop3A_326 = arith.index_cast %parallel_loop3A_218 : i32 to index
      %parallel_loop3A_327 = arith.constant 112 : index
      %parallel_loop3A_328 = tpu.vector_load %arg7[%parallel_loop3A_326, %parallel_loop3A_327] {strides = array<i32>} : memref<24x768xf32, #tpu.memory_space<vmem>>, vector<1x16xf32>,
      %parallel_loop3A_329 = vector.shape_cast %parallel_loop3A_328 : vector<1x16xf32> to vector<16xf32>
      %parallel_loop3A_330 = vector.shape_cast %parallel_loop3A_325 : vector<16xf32> to vector<1x16xf32>
      tpu.vector_store %arg7[%parallel_loop3A_326, %parallel_loop3A_327], %parallel_loop3A_330 {strides = array<i32>} : memref<24x768xf32, #tpu.memory_space<vmem>>, vector<1x16xf32>,
      %parallel_loop3A_331 = arith.index_cast %parallel_loop3A_218 : i32 to index
      %parallel_loop3A_332 = arith.constant 128 : index
      %parallel_loop3A_333 = tpu.vector_load %arg7[%parallel_loop3A_331, %parallel_loop3A_332] {strides = array<i32>} : memref<24x768xf32, #tpu.memory_space<vmem>>, vector<1x16xf32>,
      %parallel_loop3A_334 = vector.shape_cast %parallel_loop3A_333 : vector<1x16xf32> to vector<16xf32>
      %parallel_loop3A_335 = arith.index_cast %parallel_loop3A_218 : i32 to index
      %parallel_loop3A_336 = arith.constant 128 : index
      %parallel_loop3A_337 = tpu.vector_load %arg8[%parallel_loop3A_335, %parallel_loop3A_336] {strides = array<i32>} : memref<24x768xf32, #tpu.memory_space<vmem>>, vector<1x16xf32>,
      %parallel_loop3A_338 = vector.shape_cast %parallel_loop3A_337 : vector<1x16xf32> to vector<16xf32>
      %parallel_loop3A_339 = arith.addf %parallel_loop3A_334, %parallel_loop3A_338 : vector<16xf32>
      %parallel_loop3A_340 = arith.index_cast %parallel_loop3A_218 : i32 to index
      %parallel_loop3A_341 = arith.constant 128 : index
      %parallel_loop3A_342 = tpu.vector_load %arg7[%parallel_loop3A_340, %parallel_loop3A_341] {strides = array<i32>} : memref<24x768xf32, #tpu.memory_space<vmem>>, vector<1x16xf32>,
      %parallel_loop3A_343 = vector.shape_cast %parallel_loop3A_342 : vector<1x16xf32> to vector<16xf32>
      %parallel_loop3A_344 = vector.shape_cast %parallel_loop3A_339 : vector<16xf32> to vector<1x16xf32>
      tpu.vector_store %arg7[%parallel_loop3A_340, %parallel_loop3A_341], %parallel_loop3A_344 {strides = array<i32>} : memref<24x768xf32, #tpu.memory_space<vmem>>, vector<1x16xf32>,
      %parallel_loop3A_345 = arith.index_cast %parallel_loop3A_218 : i32 to index
      %parallel_loop3A_346 = arith.constant 144 : index
      %parallel_loop3A_347 = tpu.vector_load %arg7[%parallel_loop3A_345, %parallel_loop3A_346] {strides = array<i32>} : memref<24x768xf32, #tpu.memory_space<vmem>>, vector<1x16xf32>,
      %parallel_loop3A_348 = vector.shape_cast %parallel_loop3A_347 : vector<1x16xf32> to vector<16xf32>
      %parallel_loop3A_349 = arith.index_cast %parallel_loop3A_218 : i32 to index
      %parallel_loop3A_350 = arith.constant 144 : index
      %parallel_loop3A_351 = tpu.vector_load %arg8[%parallel_loop3A_349, %parallel_loop3A_350] {strides = array<i32>} : memref<24x768xf32, #tpu.memory_space<vmem>>, vector<1x16xf32>,
      %parallel_loop3A_352 = vector.shape_cast %parallel_loop3A_351 : vector<1x16xf32> to vector<16xf32>
      %parallel_loop3A_353 = arith.addf %parallel_loop3A_348, %parallel_loop3A_352 : vector<16xf32>
      %parallel_loop3A_354 = arith.index_cast %parallel_loop3A_218 : i32 to index
      %parallel_loop3A_355 = arith.constant 144 : index
      %parallel_loop3A_356 = tpu.vector_load %arg7[%parallel_loop3A_354, %parallel_loop3A_355] {strides = array<i32>} : memref<24x768xf32, #tpu.memory_space<vmem>>, vector<1x16xf32>,
      %parallel_loop3A_357 = vector.shape_cast %parallel_loop3A_356 : vector<1x16xf32> to vector<16xf32>
      %parallel_loop3A_358 = vector.shape_cast %parallel_loop3A_353 : vector<16xf32> to vector<1x16xf32>
      tpu.vector_store %arg7[%parallel_loop3A_354, %parallel_loop3A_355], %parallel_loop3A_358 {strides = array<i32>} : memref<24x768xf32, #tpu.memory_space<vmem>>, vector<1x16xf32>,
      %parallel_loop3A_359 = arith.index_cast %parallel_loop3A_218 : i32 to index
      %parallel_loop3A_360 = arith.constant 160 : index
      %parallel_loop3A_361 = tpu.vector_load %arg7[%parallel_loop3A_359, %parallel_loop3A_360] {strides = array<i32>} : memref<24x768xf32, #tpu.memory_space<vmem>>, vector<1x16xf32>,
      %parallel_loop3A_362 = vector.shape_cast %parallel_loop3A_361 : vector<1x16xf32> to vector<16xf32>
      %parallel_loop3A_363 = arith.index_cast %parallel_loop3A_218 : i32 to index
      %parallel_loop3A_364 = arith.constant 160 : index
      %parallel_loop3A_365 = tpu.vector_load %arg8[%parallel_loop3A_363, %parallel_loop3A_364] {strides = array<i32>} : memref<24x768xf32, #tpu.memory_space<vmem>>, vector<1x16xf32>,
      %parallel_loop3A_366 = vector.shape_cast %parallel_loop3A_365 : vector<1x16xf32> to vector<16xf32>
      %parallel_loop3A_367 = arith.addf %parallel_loop3A_362, %parallel_loop3A_366 : vector<16xf32>
      %parallel_loop3A_368 = arith.index_cast %parallel_loop3A_218 : i32 to index
      %parallel_loop3A_369 = arith.constant 160 : index
      %parallel_loop3A_370 = tpu.vector_load %arg7[%parallel_loop3A_368, %parallel_loop3A_369] {strides = array<i32>} : memref<24x768xf32, #tpu.memory_space<vmem>>, vector<1x16xf32>,
      %parallel_loop3A_371 = vector.shape_cast %parallel_loop3A_370 : vector<1x16xf32> to vector<16xf32>
      %parallel_loop3A_372 = vector.shape_cast %parallel_loop3A_367 : vector<16xf32> to vector<1x16xf32>
      tpu.vector_store %arg7[%parallel_loop3A_368, %parallel_loop3A_369], %parallel_loop3A_372 {strides = array<i32>} : memref<24x768xf32, #tpu.memory_space<vmem>>, vector<1x16xf32>,
      %parallel_loop3A_373 = arith.index_cast %parallel_loop3A_218 : i32 to index
      %parallel_loop3A_374 = arith.constant 176 : index
      %parallel_loop3A_375 = tpu.vector_load %arg7[%parallel_loop3A_373, %parallel_loop3A_374] {strides = array<i32>} : memref<24x768xf32, #tpu.memory_space<vmem>>, vector<1x16xf32>,
      %parallel_loop3A_376 = vector.shape_cast %parallel_loop3A_375 : vector<1x16xf32> to vector<16xf32>
      %parallel_loop3A_377 = arith.index_cast %parallel_loop3A_218 : i32 to index
      %parallel_loop3A_378 = arith.constant 176 : index
      %parallel_loop3A_379 = tpu.vector_load %arg8[%parallel_loop3A_377, %parallel_loop3A_378] {strides = array<i32>} : memref<24x768xf32, #tpu.memory_space<vmem>>, vector<1x16xf32>,
      %parallel_loop3A_380 = vector.shape_cast %parallel_loop3A_379 : vector<1x16xf32> to vector<16xf32>
      %parallel_loop3A_381 = arith.addf %parallel_loop3A_376, %parallel_loop3A_380 : vector<16xf32>
      %parallel_loop3A_382 = arith.index_cast %parallel_loop3A_218 : i32 to index
      %parallel_loop3A_383 = arith.constant 176 : index
      %parallel_loop3A_384 = tpu.vector_load %arg7[%parallel_loop3A_382, %parallel_loop3A_383] {strides = array<i32>} : memref<24x768xf32, #tpu.memory_space<vmem>>, vector<1x16xf32>,
      %parallel_loop3A_385 = vector.shape_cast %parallel_loop3A_384 : vector<1x16xf32> to vector<16xf32>
      %parallel_loop3A_386 = vector.shape_cast %parallel_loop3A_381 : vector<16xf32> to vector<1x16xf32>
      tpu.vector_store %arg7[%parallel_loop3A_382, %parallel_loop3A_383], %parallel_loop3A_386 {strides = array<i32>} : memref<24x768xf32, #tpu.memory_space<vmem>>, vector<1x16xf32>,
      %parallel_loop3A_387 = arith.index_cast %parallel_loop3A_218 : i32 to index
      %parallel_loop3A_388 = arith.constant 192 : index
      %parallel_loop3A_389 = tpu.vector_load %arg7[%parallel_loop3A_387, %parallel_loop3A_388] {strides = array<i32>} : memref<24x768xf32, #tpu.memory_space<vmem>>, vector<1x16xf32>,
      %parallel_loop3A_390 = vector.shape_cast %parallel_loop3A_389 : vector<1x16xf32> to vector<16xf32>
      %parallel_loop3A_391 = arith.index_cast %parallel_loop3A_218 : i32 to index
      %parallel_loop3A_392 = arith.constant 192 : index
      %parallel_loop3A_393 = tpu.vector_load %arg8[%parallel_loop3A_391, %parallel_loop3A_392] {strides = array<i32>} : memref<24x768xf32, #tpu.memory_space<vmem>>, vector<1x16xf32>,
      %parallel_loop3A_394 = vector.shape_cast %parallel_loop3A_393 : vector<1x16xf32> to vector<16xf32>
      %parallel_loop3A_395 = arith.addf %parallel_loop3A_390, %parallel_loop3A_394 : vector<16xf32>
      %parallel_loop3A_396 = arith.index_cast %parallel_loop3A_218 : i32 to index
      %parallel_loop3A_397 = arith.constant 192 : index
      %parallel_loop3A_398 = tpu.vector_load %arg7[%parallel_loop3A_396, %parallel_loop3A_397] {strides = array<i32>} : memref<24x768xf32, #tpu.memory_space<vmem>>, vector<1x16xf32>,
      %parallel_loop3A_399 = vector.shape_cast %parallel_loop3A_398 : vector<1x16xf32> to vector<16xf32>
      %parallel_loop3A_400 = vector.shape_cast %parallel_loop3A_395 : vector<16xf32> to vector<1x16xf32>
      tpu.vector_store %arg7[%parallel_loop3A_396, %parallel_loop3A_397], %parallel_loop3A_400 {strides = array<i32>} : memref<24x768xf32, #tpu.memory_space<vmem>>, vector<1x16xf32>,
      %parallel_loop3A_401 = arith.index_cast %parallel_loop3A_218 : i32 to index
      %parallel_loop3A_402 = arith.constant 208 : index
      %parallel_loop3A_403 = tpu.vector_load %arg7[%parallel_loop3A_401, %parallel_loop3A_402] {strides = array<i32>} : memref<24x768xf32, #tpu.memory_space<vmem>>, vector<1x16xf32>,
      %parallel_loop3A_404 = vector.shape_cast %parallel_loop3A_403 : vector<1x16xf32> to vector<16xf32>
      %parallel_loop3A_405 = arith.index_cast %parallel_loop3A_218 : i32 to index
      %parallel_loop3A_406 = arith.constant 208 : index
      %parallel_loop3A_407 = tpu.vector_load %arg8[%parallel_loop3A_405, %parallel_loop3A_406] {strides = array<i32>} : memref<24x768xf32, #tpu.memory_space<vmem>>, vector<1x16xf32>,
      %parallel_loop3A_408 = vector.shape_cast %parallel_loop3A_407 : vector<1x16xf32> to vector<16xf32>
      %parallel_loop3A_409 = arith.addf %parallel_loop3A_404, %parallel_loop3A_408 : vector<16xf32>
      %parallel_loop3A_410 = arith.index_cast %parallel_loop3A_218 : i32 to index
      %parallel_loop3A_411 = arith.constant 208 : index
      %parallel_loop3A_412 = tpu.vector_load %arg7[%parallel_loop3A_410, %parallel_loop3A_411] {strides = array<i32>} : memref<24x768xf32, #tpu.memory_space<vmem>>, vector<1x16xf32>,
      %parallel_loop3A_413 = vector.shape_cast %parallel_loop3A_412 : vector<1x16xf32> to vector<16xf32>
      %parallel_loop3A_414 = vector.shape_cast %parallel_loop3A_409 : vector<16xf32> to vector<1x16xf32>
      tpu.vector_store %arg7[%parallel_loop3A_410, %parallel_loop3A_411], %parallel_loop3A_414 {strides = array<i32>} : memref<24x768xf32, #tpu.memory_space<vmem>>, vector<1x16xf32>,
      %parallel_loop3A_415 = arith.index_cast %parallel_loop3A_218 : i32 to index
      %parallel_loop3A_416 = arith.constant 224 : index
      %parallel_loop3A_417 = tpu.vector_load %arg7[%parallel_loop3A_415, %parallel_loop3A_416] {strides = array<i32>} : memref<24x768xf32, #tpu.memory_space<vmem>>, vector<1x16xf32>,
      %parallel_loop3A_418 = vector.shape_cast %parallel_loop3A_417 : vector<1x16xf32> to vector<16xf32>
      %parallel_loop3A_419 = arith.index_cast %parallel_loop3A_218 : i32 to index
      %parallel_loop3A_420 = arith.constant 224 : index
      %parallel_loop3A_421 = tpu.vector_load %arg8[%parallel_loop3A_419, %parallel_loop3A_420] {strides = array<i32>} : memref<24x768xf32, #tpu.memory_space<vmem>>, vector<1x16xf32>,
      %parallel_loop3A_422 = vector.shape_cast %parallel_loop3A_421 : vector<1x16xf32> to vector<16xf32>
      %parallel_loop3A_423 = arith.addf %parallel_loop3A_418, %parallel_loop3A_422 : vector<16xf32>
      %parallel_loop3A_424 = arith.index_cast %parallel_loop3A_218 : i32 to index
      %parallel_loop3A_425 = arith.constant 224 : index
      %parallel_loop3A_426 = tpu.vector_load %arg7[%parallel_loop3A_424, %parallel_loop3A_425] {strides = array<i32>} : memref<24x768xf32, #tpu.memory_space<vmem>>, vector<1x16xf32>,
      %parallel_loop3A_427 = vector.shape_cast %parallel_loop3A_426 : vector<1x16xf32> to vector<16xf32>
      %parallel_loop3A_428 = vector.shape_cast %parallel_loop3A_423 : vector<16xf32> to vector<1x16xf32>
      tpu.vector_store %arg7[%parallel_loop3A_424, %parallel_loop3A_425], %parallel_loop3A_428 {strides = array<i32>} : memref<24x768xf32, #tpu.memory_space<vmem>>, vector<1x16xf32>,
      %parallel_loop3A_429 = arith.index_cast %parallel_loop3A_218 : i32 to index
      %parallel_loop3A_430 = arith.constant 240 : index
      %parallel_loop3A_431 = tpu.vector_load %arg7[%parallel_loop3A_429, %parallel_loop3A_430] {strides = array<i32>} : memref<24x768xf32, #tpu.memory_space<vmem>>, vector<1x16xf32>,
      %parallel_loop3A_432 = vector.shape_cast %parallel_loop3A_431 : vector<1x16xf32> to vector<16xf32>
      %parallel_loop3A_433 = arith.index_cast %parallel_loop3A_218 : i32 to index
      %parallel_loop3A_434 = arith.constant 240 : index
      %parallel_loop3A_435 = tpu.vector_load %arg8[%parallel_loop3A_433, %parallel_loop3A_434] {strides = array<i32>} : memref<24x768xf32, #tpu.memory_space<vmem>>, vector<1x16xf32>,
      %parallel_loop3A_436 = vector.shape_cast %parallel_loop3A_435 : vector<1x16xf32> to vector<16xf32>
      %parallel_loop3A_437 = arith.addf %parallel_loop3A_432, %parallel_loop3A_436 : vector<16xf32>
      %parallel_loop3A_438 = arith.index_cast %parallel_loop3A_218 : i32 to index
      %parallel_loop3A_439 = arith.constant 240 : index
      %parallel_loop3A_440 = tpu.vector_load %arg7[%parallel_loop3A_438, %parallel_loop3A_439] {strides = array<i32>} : memref<24x768xf32, #tpu.memory_space<vmem>>, vector<1x16xf32>,
      %parallel_loop3A_441 = vector.shape_cast %parallel_loop3A_440 : vector<1x16xf32> to vector<16xf32>
      %parallel_loop3A_442 = vector.shape_cast %parallel_loop3A_437 : vector<16xf32> to vector<1x16xf32>
      tpu.vector_store %arg7[%parallel_loop3A_438, %parallel_loop3A_439], %parallel_loop3A_442 {strides = array<i32>} : memref<24x768xf32, #tpu.memory_space<vmem>>, vector<1x16xf32>,
      %parallel_loop3A_443 = arith.index_cast %parallel_loop3A_218 : i32 to index
      %parallel_loop3A_444 = arith.constant 256 : index
      %parallel_loop3A_445 = tpu.vector_load %arg7[%parallel_loop3A_443, %parallel_loop3A_444] {strides = array<i32>} : memref<24x768xf32, #tpu.memory_space<vmem>>, vector<1x16xf32>,
      %parallel_loop3A_446 = vector.shape_cast %parallel_loop3A_445 : vector<1x16xf32> to vector<16xf32>
      %parallel_loop3A_447 = arith.index_cast %parallel_loop3A_218 : i32 to index
      %parallel_loop3A_448 = arith.constant 256 : index
      %parallel_loop3A_449 = tpu.vector_load %arg8[%parallel_loop3A_447, %parallel_loop3A_448] {strides = array<i32>} : memref<24x768xf32, #tpu.memory_space<vmem>>, vector<1x16xf32>,
      %parallel_loop3A_450 = vector.shape_cast %parallel_loop3A_449 : vector<1x16xf32> to vector<16xf32>
      %parallel_loop3A_451 = arith.addf %parallel_loop3A_446, %parallel_loop3A_450 : vector<16xf32>
      %parallel_loop3A_452 = arith.index_cast %parallel_loop3A_218 : i32 to index
      %parallel_loop3A_453 = arith.constant 256 : index
      %parallel_loop3A_454 = tpu.vector_load %arg7[%parallel_loop3A_452, %parallel_loop3A_453] {strides = array<i32>} : memref<24x768xf32, #tpu.memory_space<vmem>>, vector<1x16xf32>,
      %parallel_loop3A_455 = vector.shape_cast %parallel_loop3A_454 : vector<1x16xf32> to vector<16xf32>
      %parallel_loop3A_456 = vector.shape_cast %parallel_loop3A_451 : vector<16xf32> to vector<1x16xf32>
      tpu.vector_store %arg7[%parallel_loop3A_452, %parallel_loop3A_453], %parallel_loop3A_456 {strides = array<i32>} : memref<24x768xf32, #tpu.memory_space<vmem>>, vector<1x16xf32>,
      %parallel_loop3A_457 = arith.index_cast %parallel_loop3A_218 : i32 to index
      %parallel_loop3A_458 = arith.constant 272 : index
      %parallel_loop3A_459 = tpu.vector_load %arg7[%parallel_loop3A_457, %parallel_loop3A_458] {strides = array<i32>} : memref<24x768xf32, #tpu.memory_space<vmem>>, vector<1x16xf32>,
      %parallel_loop3A_460 = vector.shape_cast %parallel_loop3A_459 : vector<1x16xf32> to vector<16xf32>
      %parallel_loop3A_461 = arith.index_cast %parallel_loop3A_218 : i32 to index
      %parallel_loop3A_462 = arith.constant 272 : index
      %parallel_loop3A_463 = tpu.vector_load %arg8[%parallel_loop3A_461, %parallel_loop3A_462] {strides = array<i32>} : memref<24x768xf32, #tpu.memory_space<vmem>>, vector<1x16xf32>,
      %parallel_loop3A_464 = vector.shape_cast %parallel_loop3A_463 : vector<1x16xf32> to vector<16xf32>
      %parallel_loop3A_465 = arith.addf %parallel_loop3A_460, %parallel_loop3A_464 : vector<16xf32>
      %parallel_loop3A_466 = arith.index_cast %parallel_loop3A_218 : i32 to index
      %parallel_loop3A_467 = arith.constant 272 : index
      %parallel_loop3A_468 = tpu.vector_load %arg7[%parallel_loop3A_466, %parallel_loop3A_467] {strides = array<i32>} : memref<24x768xf32, #tpu.memory_space<vmem>>, vector<1x16xf32>,
      %parallel_loop3A_469 = vector.shape_cast %parallel_loop3A_468 : vector<1x16xf32> to vector<16xf32>
      %parallel_loop3A_470 = vector.shape_cast %parallel_loop3A_465 : vector<16xf32> to vector<1x16xf32>
      tpu.vector_store %arg7[%parallel_loop3A_466, %parallel_loop3A_467], %parallel_loop3A_470 {strides = array<i32>} : memref<24x768xf32, #tpu.memory_space<vmem>>, vector<1x16xf32>,
      %parallel_loop3A_471 = arith.index_cast %parallel_loop3A_218 : i32 to index
      %parallel_loop3A_472 = arith.constant 288 : index
      %parallel_loop3A_473 = tpu.vector_load %arg7[%parallel_loop3A_471, %parallel_loop3A_472] {strides = array<i32>} : memref<24x768xf32, #tpu.memory_space<vmem>>, vector<1x16xf32>,
      %parallel_loop3A_474 = vector.shape_cast %parallel_loop3A_473 : vector<1x16xf32> to vector<16xf32>
      %parallel_loop3A_475 = arith.index_cast %parallel_loop3A_218 : i32 to index
      %parallel_loop3A_476 = arith.constant 288 : index
      %parallel_loop3A_477 = tpu.vector_load %arg8[%parallel_loop3A_475, %parallel_loop3A_476] {strides = array<i32>} : memref<24x768xf32, #tpu.memory_space<vmem>>, vector<1x16xf32>,
      %parallel_loop3A_478 = vector.shape_cast %parallel_loop3A_477 : vector<1x16xf32> to vector<16xf32>
      %parallel_loop3A_479 = arith.addf %parallel_loop3A_474, %parallel_loop3A_478 : vector<16xf32>
      %parallel_loop3A_480 = arith.index_cast %parallel_loop3A_218 : i32 to index
      %parallel_loop3A_481 = arith.constant 288 : index
      %parallel_loop3A_482 = tpu.vector_load %arg7[%parallel_loop3A_480, %parallel_loop3A_481] {strides = array<i32>} : memref<24x768xf32, #tpu.memory_space<vmem>>, vector<1x16xf32>,
      %parallel_loop3A_483 = vector.shape_cast %parallel_loop3A_482 : vector<1x16xf32> to vector<16xf32>
      %parallel_loop3A_484 = vector.shape_cast %parallel_loop3A_479 : vector<16xf32> to vector<1x16xf32>
      tpu.vector_store %arg7[%parallel_loop3A_480, %parallel_loop3A_481], %parallel_loop3A_484 {strides = array<i32>} : memref<24x768xf32, #tpu.memory_space<vmem>>, vector<1x16xf32>,
      %parallel_loop3A_485 = arith.index_cast %parallel_loop3A_218 : i32 to index
      %parallel_loop3A_486 = arith.constant 304 : index
      %parallel_loop3A_487 = tpu.vector_load %arg7[%parallel_loop3A_485, %parallel_loop3A_486] {strides = array<i32>} : memref<24x768xf32, #tpu.memory_space<vmem>>, vector<1x16xf32>,
      %parallel_loop3A_488 = vector.shape_cast %parallel_loop3A_487 : vector<1x16xf32> to vector<16xf32>
      %parallel_loop3A_489 = arith.index_cast %parallel_loop3A_218 : i32 to index
      %parallel_loop3A_490 = arith.constant 304 : index
      %parallel_loop3A_491 = tpu.vector_load %arg8[%parallel_loop3A_489, %parallel_loop3A_490] {strides = array<i32>} : memref<24x768xf32, #tpu.memory_space<vmem>>, vector<1x16xf32>,
      %parallel_loop3A_492 = vector.shape_cast %parallel_loop3A_491 : vector<1x16xf32> to vector<16xf32>
      %parallel_loop3A_493 = arith.addf %parallel_loop3A_488, %parallel_loop3A_492 : vector<16xf32>
      %parallel_loop3A_494 = arith.index_cast %parallel_loop3A_218 : i32 to index
      %parallel_loop3A_495 = arith.constant 304 : index
      %parallel_loop3A_496 = tpu.vector_load %arg7[%parallel_loop3A_494, %parallel_loop3A_495] {strides = array<i32>} : memref<24x768xf32, #tpu.memory_space<vmem>>, vector<1x16xf32>,
      %parallel_loop3A_497 = vector.shape_cast %parallel_loop3A_496 : vector<1x16xf32> to vector<16xf32>
      %parallel_loop3A_498 = vector.shape_cast %parallel_loop3A_493 : vector<16xf32> to vector<1x16xf32>
      tpu.vector_store %arg7[%parallel_loop3A_494, %parallel_loop3A_495], %parallel_loop3A_498 {strides = array<i32>} : memref<24x768xf32, #tpu.memory_space<vmem>>, vector<1x16xf32>,
      %parallel_loop3A_499 = arith.index_cast %parallel_loop3A_218 : i32 to index
      %parallel_loop3A_500 = arith.constant 320 : index
      %parallel_loop3A_501 = tpu.vector_load %arg7[%parallel_loop3A_499, %parallel_loop3A_500] {strides = array<i32>} : memref<24x768xf32, #tpu.memory_space<vmem>>, vector<1x16xf32>,
      %parallel_loop3A_502 = vector.shape_cast %parallel_loop3A_501 : vector<1x16xf32> to vector<16xf32>
      %parallel_loop3A_503 = arith.index_cast %parallel_loop3A_218 : i32 to index
      %parallel_loop3A_504 = arith.constant 320 : index
      %parallel_loop3A_505 = tpu.vector_load %arg8[%parallel_loop3A_503, %parallel_loop3A_504] {strides = array<i32>} : memref<24x768xf32, #tpu.memory_space<vmem>>, vector<1x16xf32>,
      %parallel_loop3A_506 = vector.shape_cast %parallel_loop3A_505 : vector<1x16xf32> to vector<16xf32>
      %parallel_loop3A_507 = arith.addf %parallel_loop3A_502, %parallel_loop3A_506 : vector<16xf32>
      %parallel_loop3A_508 = arith.index_cast %parallel_loop3A_218 : i32 to index
      %parallel_loop3A_509 = arith.constant 320 : index
      %parallel_loop3A_510 = tpu.vector_load %arg7[%parallel_loop3A_508, %parallel_loop3A_509] {strides = array<i32>} : memref<24x768xf32, #tpu.memory_space<vmem>>, vector<1x16xf32>,
      %parallel_loop3A_511 = vector.shape_cast %parallel_loop3A_510 : vector<1x16xf32> to vector<16xf32>
      %parallel_loop3A_512 = vector.shape_cast %parallel_loop3A_507 : vector<16xf32> to vector<1x16xf32>
      tpu.vector_store %arg7[%parallel_loop3A_508, %parallel_loop3A_509], %parallel_loop3A_512 {strides = array<i32>} : memref<24x768xf32, #tpu.memory_space<vmem>>, vector<1x16xf32>,
      %parallel_loop3A_513 = arith.index_cast %parallel_loop3A_218 : i32 to index
      %parallel_loop3A_514 = arith.constant 336 : index
      %parallel_loop3A_515 = tpu.vector_load %arg7[%parallel_loop3A_513, %parallel_loop3A_514] {strides = array<i32>} : memref<24x768xf32, #tpu.memory_space<vmem>>, vector<1x16xf32>,
      %parallel_loop3A_516 = vector.shape_cast %parallel_loop3A_515 : vector<1x16xf32> to vector<16xf32>
      %parallel_loop3A_517 = arith.index_cast %parallel_loop3A_218 : i32 to index
      %parallel_loop3A_518 = arith.constant 336 : index
      %parallel_loop3A_519 = tpu.vector_load %arg8[%parallel_loop3A_517, %parallel_loop3A_518] {strides = array<i32>} : memref<24x768xf32, #tpu.memory_space<vmem>>, vector<1x16xf32>,
      %parallel_loop3A_520 = vector.shape_cast %parallel_loop3A_519 : vector<1x16xf32> to vector<16xf32>
      %parallel_loop3A_521 = arith.addf %parallel_loop3A_516, %parallel_loop3A_520 : vector<16xf32>
      %parallel_loop3A_522 = arith.index_cast %parallel_loop3A_218 : i32 to index
      %parallel_loop3A_523 = arith.constant 336 : index
      %parallel_loop3A_524 = tpu.vector_load %arg7[%parallel_loop3A_522, %parallel_loop3A_523] {strides = array<i32>} : memref<24x768xf32, #tpu.memory_space<vmem>>, vector<1x16xf32>,
      %parallel_loop3A_525 = vector.shape_cast %parallel_loop3A_524 : vector<1x16xf32> to vector<16xf32>
      %parallel_loop3A_526 = vector.shape_cast %parallel_loop3A_521 : vector<16xf32> to vector<1x16xf32>
      tpu.vector_store %arg7[%parallel_loop3A_522, %parallel_loop3A_523], %parallel_loop3A_526 {strides = array<i32>} : memref<24x768xf32, #tpu.memory_space<vmem>>, vector<1x16xf32>,
      %parallel_loop3A_527 = arith.index_cast %parallel_loop3A_218 : i32 to index
      %parallel_loop3A_528 = arith.constant 352 : index
      %parallel_loop3A_529 = tpu.vector_load %arg7[%parallel_loop3A_527, %parallel_loop3A_528] {strides = array<i32>} : memref<24x768xf32, #tpu.memory_space<vmem>>, vector<1x16xf32>,
      %parallel_loop3A_530 = vector.shape_cast %parallel_loop3A_529 : vector<1x16xf32> to vector<16xf32>
      %parallel_loop3A_531 = arith.index_cast %parallel_loop3A_218 : i32 to index
      %parallel_loop3A_532 = arith.constant 352 : index
      %parallel_loop3A_533 = tpu.vector_load %arg8[%parallel_loop3A_531, %parallel_loop3A_532] {strides = array<i32>} : memref<24x768xf32, #tpu.memory_space<vmem>>, vector<1x16xf32>,
      %parallel_loop3A_534 = vector.shape_cast %parallel_loop3A_533 : vector<1x16xf32> to vector<16xf32>
      %parallel_loop3A_535 = arith.addf %parallel_loop3A_530, %parallel_loop3A_534 : vector<16xf32>
      %parallel_loop3A_536 = arith.index_cast %parallel_loop3A_218 : i32 to index
      %parallel_loop3A_537 = arith.constant 352 : index
      %parallel_loop3A_538 = tpu.vector_load %arg7[%parallel_loop3A_536, %parallel_loop3A_537] {strides = array<i32>} : memref<24x768xf32, #tpu.memory_space<vmem>>, vector<1x16xf32>,
      %parallel_loop3A_539 = vector.shape_cast %parallel_loop3A_538 : vector<1x16xf32> to vector<16xf32>
      %parallel_loop3A_540 = vector.shape_cast %parallel_loop3A_535 : vector<16xf32> to vector<1x16xf32>
      tpu.vector_store %arg7[%parallel_loop3A_536, %parallel_loop3A_537], %parallel_loop3A_540 {strides = array<i32>} : memref<24x768xf32, #tpu.memory_space<vmem>>, vector<1x16xf32>,
      %parallel_loop3A_541 = arith.index_cast %parallel_loop3A_218 : i32 to index
      %parallel_loop3A_542 = arith.constant 368 : index
      %parallel_loop3A_543 = tpu.vector_load %arg7[%parallel_loop3A_541, %parallel_loop3A_542] {strides = array<i32>} : memref<24x768xf32, #tpu.memory_space<vmem>>, vector<1x16xf32>,
      %parallel_loop3A_544 = vector.shape_cast %parallel_loop3A_543 : vector<1x16xf32> to vector<16xf32>
      %parallel_loop3A_545 = arith.index_cast %parallel_loop3A_218 : i32 to index
      %parallel_loop3A_546 = arith.constant 368 : index
      %parallel_loop3A_547 = tpu.vector_load %arg8[%parallel_loop3A_545, %parallel_loop3A_546] {strides = array<i32>} : memref<24x768xf32, #tpu.memory_space<vmem>>, vector<1x16xf32>,
      %parallel_loop3A_548 = vector.shape_cast %parallel_loop3A_547 : vector<1x16xf32> to vector<16xf32>
      %parallel_loop3A_549 = arith.addf %parallel_loop3A_544, %parallel_loop3A_548 : vector<16xf32>
      %parallel_loop3A_550 = arith.index_cast %parallel_loop3A_218 : i32 to index
      %parallel_loop3A_551 = arith.constant 368 : index
      %parallel_loop3A_552 = tpu.vector_load %arg7[%parallel_loop3A_550, %parallel_loop3A_551] {strides = array<i32>} : memref<24x768xf32, #tpu.memory_space<vmem>>, vector<1x16xf32>,
      %parallel_loop3A_553 = vector.shape_cast %parallel_loop3A_552 : vector<1x16xf32> to vector<16xf32>
      %parallel_loop3A_554 = vector.shape_cast %parallel_loop3A_549 : vector<16xf32> to vector<1x16xf32>
      tpu.vector_store %arg7[%parallel_loop3A_550, %parallel_loop3A_551], %parallel_loop3A_554 {strides = array<i32>} : memref<24x768xf32, #tpu.memory_space<vmem>>, vector<1x16xf32>,
      %parallel_loop3A_555 = arith.index_cast %parallel_loop3A_218 : i32 to index
      %parallel_loop3A_556 = arith.constant 384 : index
      %parallel_loop3A_557 = tpu.vector_load %arg7[%parallel_loop3A_555, %parallel_loop3A_556] {strides = array<i32>} : memref<24x768xf32, #tpu.memory_space<vmem>>, vector<1x16xf32>,
      %parallel_loop3A_558 = vector.shape_cast %parallel_loop3A_557 : vector<1x16xf32> to vector<16xf32>
      %parallel_loop3A_559 = arith.index_cast %parallel_loop3A_218 : i32 to index
      %parallel_loop3A_560 = arith.constant 384 : index
      %parallel_loop3A_561 = tpu.vector_load %arg8[%parallel_loop3A_559, %parallel_loop3A_560] {strides = array<i32>} : memref<24x768xf32, #tpu.memory_space<vmem>>, vector<1x16xf32>,
      %parallel_loop3A_562 = vector.shape_cast %parallel_loop3A_561 : vector<1x16xf32> to vector<16xf32>
      %parallel_loop3A_563 = arith.addf %parallel_loop3A_558, %parallel_loop3A_562 : vector<16xf32>
      %parallel_loop3A_564 = arith.index_cast %parallel_loop3A_218 : i32 to index
      %parallel_loop3A_565 = arith.constant 384 : index
      %parallel_loop3A_566 = tpu.vector_load %arg7[%parallel_loop3A_564, %parallel_loop3A_565] {strides = array<i32>} : memref<24x768xf32, #tpu.memory_space<vmem>>, vector<1x16xf32>,
      %parallel_loop3A_567 = vector.shape_cast %parallel_loop3A_566 : vector<1x16xf32> to vector<16xf32>
      %parallel_loop3A_568 = vector.shape_cast %parallel_loop3A_563 : vector<16xf32> to vector<1x16xf32>
      tpu.vector_store %arg7[%parallel_loop3A_564, %parallel_loop3A_565], %parallel_loop3A_568 {strides = array<i32>} : memref<24x768xf32, #tpu.memory_space<vmem>>, vector<1x16xf32>,
      %parallel_loop3A_569 = arith.index_cast %parallel_loop3A_218 : i32 to index
      %parallel_loop3A_570 = arith.constant 400 : index
      %parallel_loop3A_571 = tpu.vector_load %arg7[%parallel_loop3A_569, %parallel_loop3A_570] {strides = array<i32>} : memref<24x768xf32, #tpu.memory_space<vmem>>, vector<1x16xf32>,
      %parallel_loop3A_572 = vector.shape_cast %parallel_loop3A_571 : vector<1x16xf32> to vector<16xf32>
      %parallel_loop3A_573 = arith.index_cast %parallel_loop3A_218 : i32 to index
      %parallel_loop3A_574 = arith.constant 400 : index
      %parallel_loop3A_575 = tpu.vector_load %arg8[%parallel_loop3A_573, %parallel_loop3A_574] {strides = array<i32>} : memref<24x768xf32, #tpu.memory_space<vmem>>, vector<1x16xf32>,
      %parallel_loop3A_576 = vector.shape_cast %parallel_loop3A_575 : vector<1x16xf32> to vector<16xf32>
      %parallel_loop3A_577 = arith.addf %parallel_loop3A_572, %parallel_loop3A_576 : vector<16xf32>
      %parallel_loop3A_578 = arith.index_cast %parallel_loop3A_218 : i32 to index
      %parallel_loop3A_579 = arith.constant 400 : index
      %parallel_loop3A_580 = tpu.vector_load %arg7[%parallel_loop3A_578, %parallel_loop3A_579] {strides = array<i32>} : memref<24x768xf32, #tpu.memory_space<vmem>>, vector<1x16xf32>,
      %parallel_loop3A_581 = vector.shape_cast %parallel_loop3A_580 : vector<1x16xf32> to vector<16xf32>
      %parallel_loop3A_582 = vector.shape_cast %parallel_loop3A_577 : vector<16xf32> to vector<1x16xf32>
      tpu.vector_store %arg7[%parallel_loop3A_578, %parallel_loop3A_579], %parallel_loop3A_582 {strides = array<i32>} : memref<24x768xf32, #tpu.memory_space<vmem>>, vector<1x16xf32>,
      %parallel_loop3A_583 = arith.index_cast %parallel_loop3A_218 : i32 to index
      %parallel_loop3A_584 = arith.constant 416 : index
      %parallel_loop3A_585 = tpu.vector_load %arg7[%parallel_loop3A_583, %parallel_loop3A_584] {strides = array<i32>} : memref<24x768xf32, #tpu.memory_space<vmem>>, vector<1x16xf32>,
      %parallel_loop3A_586 = vector.shape_cast %parallel_loop3A_585 : vector<1x16xf32> to vector<16xf32>
      %parallel_loop3A_587 = arith.index_cast %parallel_loop3A_218 : i32 to index
      %parallel_loop3A_588 = arith.constant 416 : index
      %parallel_loop3A_589 = tpu.vector_load %arg8[%parallel_loop3A_587, %parallel_loop3A_588] {strides = array<i32>} : memref<24x768xf32, #tpu.memory_space<vmem>>, vector<1x16xf32>,
      %parallel_loop3A_590 = vector.shape_cast %parallel_loop3A_589 : vector<1x16xf32> to vector<16xf32>
      %parallel_loop3A_591 = arith.addf %parallel_loop3A_586, %parallel_loop3A_590 : vector<16xf32>
      %parallel_loop3A_592 = arith.index_cast %parallel_loop3A_218 : i32 to index
      %parallel_loop3A_593 = arith.constant 416 : index
      %parallel_loop3A_594 = tpu.vector_load %arg7[%parallel_loop3A_592, %parallel_loop3A_593] {strides = array<i32>} : memref<24x768xf32, #tpu.memory_space<vmem>>, vector<1x16xf32>,
      %parallel_loop3A_595 = vector.shape_cast %parallel_loop3A_594 : vector<1x16xf32> to vector<16xf32>
      %parallel_loop3A_596 = vector.shape_cast %parallel_loop3A_591 : vector<16xf32> to vector<1x16xf32>
      tpu.vector_store %arg7[%parallel_loop3A_592, %parallel_loop3A_593], %parallel_loop3A_596 {strides = array<i32>} : memref<24x768xf32, #tpu.memory_space<vmem>>, vector<1x16xf32>,
      %parallel_loop3A_597 = arith.index_cast %parallel_loop3A_218 : i32 to index
      %parallel_loop3A_598 = arith.constant 432 : index
      %parallel_loop3A_599 = tpu.vector_load %arg7[%parallel_loop3A_597, %parallel_loop3A_598] {strides = array<i32>} : memref<24x768xf32, #tpu.memory_space<vmem>>, vector<1x16xf32>,
      %parallel_loop3A_600 = vector.shape_cast %parallel_loop3A_599 : vector<1x16xf32> to vector<16xf32>
      %parallel_loop3A_601 = arith.index_cast %parallel_loop3A_218 : i32 to index
      %parallel_loop3A_602 = arith.constant 432 : index
      %parallel_loop3A_603 = tpu.vector_load %arg8[%parallel_loop3A_601, %parallel_loop3A_602] {strides = array<i32>} : memref<24x768xf32, #tpu.memory_space<vmem>>, vector<1x16xf32>,
      %parallel_loop3A_604 = vector.shape_cast %parallel_loop3A_603 : vector<1x16xf32> to vector<16xf32>
      %parallel_loop3A_605 = arith.addf %parallel_loop3A_600, %parallel_loop3A_604 : vector<16xf32>
      %parallel_loop3A_606 = arith.index_cast %parallel_loop3A_218 : i32 to index
      %parallel_loop3A_607 = arith.constant 432 : index
      %parallel_loop3A_608 = tpu.vector_load %arg7[%parallel_loop3A_606, %parallel_loop3A_607] {strides = array<i32>} : memref<24x768xf32, #tpu.memory_space<vmem>>, vector<1x16xf32>,
      %parallel_loop3A_609 = vector.shape_cast %parallel_loop3A_608 : vector<1x16xf32> to vector<16xf32>
      %parallel_loop3A_610 = vector.shape_cast %parallel_loop3A_605 : vector<16xf32> to vector<1x16xf32>
      tpu.vector_store %arg7[%parallel_loop3A_606, %parallel_loop3A_607], %parallel_loop3A_610 {strides = array<i32>} : memref<24x768xf32, #tpu.memory_space<vmem>>, vector<1x16xf32>,
      %parallel_loop3A_611 = arith.index_cast %parallel_loop3A_218 : i32 to index
      %parallel_loop3A_612 = arith.constant 448 : index
      %parallel_loop3A_613 = tpu.vector_load %arg7[%parallel_loop3A_611, %parallel_loop3A_612] {strides = array<i32>} : memref<24x768xf32, #tpu.memory_space<vmem>>, vector<1x16xf32>,
      %parallel_loop3A_614 = vector.shape_cast %parallel_loop3A_613 : vector<1x16xf32> to vector<16xf32>
      %parallel_loop3A_615 = arith.index_cast %parallel_loop3A_218 : i32 to index
      %parallel_loop3A_616 = arith.constant 448 : index
      %parallel_loop3A_617 = tpu.vector_load %arg8[%parallel_loop3A_615, %parallel_loop3A_616] {strides = array<i32>} : memref<24x768xf32, #tpu.memory_space<vmem>>, vector<1x16xf32>,
      %parallel_loop3A_618 = vector.shape_cast %parallel_loop3A_617 : vector<1x16xf32> to vector<16xf32>
      %parallel_loop3A_619 = arith.addf %parallel_loop3A_614, %parallel_loop3A_618 : vector<16xf32>
      %parallel_loop3A_620 = arith.index_cast %parallel_loop3A_218 : i32 to index
      %parallel_loop3A_621 = arith.constant 448 : index
      %parallel_loop3A_622 = tpu.vector_load %arg7[%parallel_loop3A_620, %parallel_loop3A_621] {strides = array<i32>} : memref<24x768xf32, #tpu.memory_space<vmem>>, vector<1x16xf32>,
      %parallel_loop3A_623 = vector.shape_cast %parallel_loop3A_622 : vector<1x16xf32> to vector<16xf32>
      %parallel_loop3A_624 = vector.shape_cast %parallel_loop3A_619 : vector<16xf32> to vector<1x16xf32>
      tpu.vector_store %arg7[%parallel_loop3A_620, %parallel_loop3A_621], %parallel_loop3A_624 {strides = array<i32>} : memref<24x768xf32, #tpu.memory_space<vmem>>, vector<1x16xf32>,
      %parallel_loop3A_625 = arith.index_cast %parallel_loop3A_218 : i32 to index
      %parallel_loop3A_626 = arith.constant 464 : index
      %parallel_loop3A_627 = tpu.vector_load %arg7[%parallel_loop3A_625, %parallel_loop3A_626] {strides = array<i32>} : memref<24x768xf32, #tpu.memory_space<vmem>>, vector<1x16xf32>,
      %parallel_loop3A_628 = vector.shape_cast %parallel_loop3A_627 : vector<1x16xf32> to vector<16xf32>
      %parallel_loop3A_629 = arith.index_cast %parallel_loop3A_218 : i32 to index
      %parallel_loop3A_630 = arith.constant 464 : index
      %parallel_loop3A_631 = tpu.vector_load %arg8[%parallel_loop3A_629, %parallel_loop3A_630] {strides = array<i32>} : memref<24x768xf32, #tpu.memory_space<vmem>>, vector<1x16xf32>,
      %parallel_loop3A_632 = vector.shape_cast %parallel_loop3A_631 : vector<1x16xf32> to vector<16xf32>
      %parallel_loop3A_633 = arith.addf %parallel_loop3A_628, %parallel_loop3A_632 : vector<16xf32>
      %parallel_loop3A_634 = arith.index_cast %parallel_loop3A_218 : i32 to index
      %parallel_loop3A_635 = arith.constant 464 : index
      %parallel_loop3A_636 = tpu.vector_load %arg7[%parallel_loop3A_634, %parallel_loop3A_635] {strides = array<i32>} : memref<24x768xf32, #tpu.memory_space<vmem>>, vector<1x16xf32>,
      %parallel_loop3A_637 = vector.shape_cast %parallel_loop3A_636 : vector<1x16xf32> to vector<16xf32>
      %parallel_loop3A_638 = vector.shape_cast %parallel_loop3A_633 : vector<16xf32> to vector<1x16xf32>
      tpu.vector_store %arg7[%parallel_loop3A_634, %parallel_loop3A_635], %parallel_loop3A_638 {strides = array<i32>} : memref<24x768xf32, #tpu.memory_space<vmem>>, vector<1x16xf32>,
      %parallel_loop3A_639 = arith.index_cast %parallel_loop3A_218 : i32 to index
      %parallel_loop3A_640 = arith.constant 480 : index
      %parallel_loop3A_641 = tpu.vector_load %arg7[%parallel_loop3A_639, %parallel_loop3A_640] {strides = array<i32>} : memref<24x768xf32, #tpu.memory_space<vmem>>, vector<1x16xf32>,
      %parallel_loop3A_642 = vector.shape_cast %parallel_loop3A_641 : vector<1x16xf32> to vector<16xf32>
      %parallel_loop3A_643 = arith.index_cast %parallel_loop3A_218 : i32 to index
      %parallel_loop3A_644 = arith.constant 480 : index
      %parallel_loop3A_645 = tpu.vector_load %arg8[%parallel_loop3A_643, %parallel_loop3A_644] {strides = array<i32>} : memref<24x768xf32, #tpu.memory_space<vmem>>, vector<1x16xf32>,
      %parallel_loop3A_646 = vector.shape_cast %parallel_loop3A_645 : vector<1x16xf32> to vector<16xf32>
      %parallel_loop3A_647 = arith.addf %parallel_loop3A_642, %parallel_loop3A_646 : vector<16xf32>
      %parallel_loop3A_648 = arith.index_cast %parallel_loop3A_218 : i32 to index
      %parallel_loop3A_649 = arith.constant 480 : index
      %parallel_loop3A_650 = tpu.vector_load %arg7[%parallel_loop3A_648, %parallel_loop3A_649] {strides = array<i32>} : memref<24x768xf32, #tpu.memory_space<vmem>>, vector<1x16xf32>,
      %parallel_loop3A_651 = vector.shape_cast %parallel_loop3A_650 : vector<1x16xf32> to vector<16xf32>
      %parallel_loop3A_652 = vector.shape_cast %parallel_loop3A_647 : vector<16xf32> to vector<1x16xf32>
      tpu.vector_store %arg7[%parallel_loop3A_648, %parallel_loop3A_649], %parallel_loop3A_652 {strides = array<i32>} : memref<24x768xf32, #tpu.memory_space<vmem>>, vector<1x16xf32>,
      %parallel_loop3A_653 = arith.index_cast %parallel_loop3A_218 : i32 to index
      %parallel_loop3A_654 = arith.constant 496 : index
      %parallel_loop3A_655 = tpu.vector_load %arg7[%parallel_loop3A_653, %parallel_loop3A_654] {strides = array<i32>} : memref<24x768xf32, #tpu.memory_space<vmem>>, vector<1x16xf32>,
      %parallel_loop3A_656 = vector.shape_cast %parallel_loop3A_655 : vector<1x16xf32> to vector<16xf32>
      %parallel_loop3A_657 = arith.index_cast %parallel_loop3A_218 : i32 to index
      %parallel_loop3A_658 = arith.constant 496 : index
      %parallel_loop3A_659 = tpu.vector_load %arg8[%parallel_loop3A_657, %parallel_loop3A_658] {strides = array<i32>} : memref<24x768xf32, #tpu.memory_space<vmem>>, vector<1x16xf32>,
      %parallel_loop3A_660 = vector.shape_cast %parallel_loop3A_659 : vector<1x16xf32> to vector<16xf32>
      %parallel_loop3A_661 = arith.addf %parallel_loop3A_656, %parallel_loop3A_660 : vector<16xf32>
      %parallel_loop3A_662 = arith.index_cast %parallel_loop3A_218 : i32 to index
      %parallel_loop3A_663 = arith.constant 496 : index
      %parallel_loop3A_664 = tpu.vector_load %arg7[%parallel_loop3A_662, %parallel_loop3A_663] {strides = array<i32>} : memref<24x768xf32, #tpu.memory_space<vmem>>, vector<1x16xf32>,
      %parallel_loop3A_665 = vector.shape_cast %parallel_loop3A_664 : vector<1x16xf32> to vector<16xf32>
      %parallel_loop3A_666 = vector.shape_cast %parallel_loop3A_661 : vector<16xf32> to vector<1x16xf32>
      tpu.vector_store %arg7[%parallel_loop3A_662, %parallel_loop3A_663], %parallel_loop3A_666 {strides = array<i32>} : memref<24x768xf32, #tpu.memory_space<vmem>>, vector<1x16xf32>,
      %parallel_loop3A_667 = arith.index_cast %parallel_loop3A_218 : i32 to index
      %parallel_loop3A_668 = arith.constant 512 : index
      %parallel_loop3A_669 = tpu.vector_load %arg7[%parallel_loop3A_667, %parallel_loop3A_668] {strides = array<i32>} : memref<24x768xf32, #tpu.memory_space<vmem>>, vector<1x16xf32>,
      %parallel_loop3A_670 = vector.shape_cast %parallel_loop3A_669 : vector<1x16xf32> to vector<16xf32>
      %parallel_loop3A_671 = arith.index_cast %parallel_loop3A_218 : i32 to index
      %parallel_loop3A_672 = arith.constant 512 : index
      %parallel_loop3A_673 = tpu.vector_load %arg8[%parallel_loop3A_671, %parallel_loop3A_672] {strides = array<i32>} : memref<24x768xf32, #tpu.memory_space<vmem>>, vector<1x16xf32>,
      %parallel_loop3A_674 = vector.shape_cast %parallel_loop3A_673 : vector<1x16xf32> to vector<16xf32>
      %parallel_loop3A_675 = arith.addf %parallel_loop3A_670, %parallel_loop3A_674 : vector<16xf32>
      %parallel_loop3A_676 = arith.index_cast %parallel_loop3A_218 : i32 to index
      %parallel_loop3A_677 = arith.constant 512 : index
      %parallel_loop3A_678 = tpu.vector_load %arg7[%parallel_loop3A_676, %parallel_loop3A_677] {strides = array<i32>} : memref<24x768xf32, #tpu.memory_space<vmem>>, vector<1x16xf32>,
      %parallel_loop3A_679 = vector.shape_cast %parallel_loop3A_678 : vector<1x16xf32> to vector<16xf32>
      %parallel_loop3A_680 = vector.shape_cast %parallel_loop3A_675 : vector<16xf32> to vector<1x16xf32>
      tpu.vector_store %arg7[%parallel_loop3A_676, %parallel_loop3A_677], %parallel_loop3A_680 {strides = array<i32>} : memref<24x768xf32, #tpu.memory_space<vmem>>, vector<1x16xf32>,
      %parallel_loop3A_681 = arith.index_cast %parallel_loop3A_218 : i32 to index
      %parallel_loop3A_682 = arith.constant 528 : index
      %parallel_loop3A_683 = tpu.vector_load %arg7[%parallel_loop3A_681, %parallel_loop3A_682] {strides = array<i32>} : memref<24x768xf32, #tpu.memory_space<vmem>>, vector<1x16xf32>,
      %parallel_loop3A_684 = vector.shape_cast %parallel_loop3A_683 : vector<1x16xf32> to vector<16xf32>
      %parallel_loop3A_685 = arith.index_cast %parallel_loop3A_218 : i32 to index
      %parallel_loop3A_686 = arith.constant 528 : index
      %parallel_loop3A_687 = tpu.vector_load %arg8[%parallel_loop3A_685, %parallel_loop3A_686] {strides = array<i32>} : memref<24x768xf32, #tpu.memory_space<vmem>>, vector<1x16xf32>,
      %parallel_loop3A_688 = vector.shape_cast %parallel_loop3A_687 : vector<1x16xf32> to vector<16xf32>
      %parallel_loop3A_689 = arith.addf %parallel_loop3A_684, %parallel_loop3A_688 : vector<16xf32>
      %parallel_loop3A_690 = arith.index_cast %parallel_loop3A_218 : i32 to index
      %parallel_loop3A_691 = arith.constant 528 : index
      %parallel_loop3A_692 = tpu.vector_load %arg7[%parallel_loop3A_690, %parallel_loop3A_691] {strides = array<i32>} : memref<24x768xf32, #tpu.memory_space<vmem>>, vector<1x16xf32>,
      %parallel_loop3A_693 = vector.shape_cast %parallel_loop3A_692 : vector<1x16xf32> to vector<16xf32>
      %parallel_loop3A_694 = vector.shape_cast %parallel_loop3A_689 : vector<16xf32> to vector<1x16xf32>
      tpu.vector_store %arg7[%parallel_loop3A_690, %parallel_loop3A_691], %parallel_loop3A_694 {strides = array<i32>} : memref<24x768xf32, #tpu.memory_space<vmem>>, vector<1x16xf32>,
      %parallel_loop3A_695 = arith.index_cast %parallel_loop3A_218 : i32 to index
      %parallel_loop3A_696 = arith.constant 544 : index
      %parallel_loop3A_697 = tpu.vector_load %arg7[%parallel_loop3A_695, %parallel_loop3A_696] {strides = array<i32>} : memref<24x768xf32, #tpu.memory_space<vmem>>, vector<1x16xf32>,
      %parallel_loop3A_698 = vector.shape_cast %parallel_loop3A_697 : vector<1x16xf32> to vector<16xf32>
      %parallel_loop3A_699 = arith.index_cast %parallel_loop3A_218 : i32 to index
      %parallel_loop3A_700 = arith.constant 544 : index
      %parallel_loop3A_701 = tpu.vector_load %arg8[%parallel_loop3A_699, %parallel_loop3A_700] {strides = array<i32>} : memref<24x768xf32, #tpu.memory_space<vmem>>, vector<1x16xf32>,
      %parallel_loop3A_702 = vector.shape_cast %parallel_loop3A_701 : vector<1x16xf32> to vector<16xf32>
      %parallel_loop3A_703 = arith.addf %parallel_loop3A_698, %parallel_loop3A_702 : vector<16xf32>
      %parallel_loop3A_704 = arith.index_cast %parallel_loop3A_218 : i32 to index
      %parallel_loop3A_705 = arith.constant 544 : index
      %parallel_loop3A_706 = tpu.vector_load %arg7[%parallel_loop3A_704, %parallel_loop3A_705] {strides = array<i32>} : memref<24x768xf32, #tpu.memory_space<vmem>>, vector<1x16xf32>,
      %parallel_loop3A_707 = vector.shape_cast %parallel_loop3A_706 : vector<1x16xf32> to vector<16xf32>
      %parallel_loop3A_708 = vector.shape_cast %parallel_loop3A_703 : vector<16xf32> to vector<1x16xf32>
      tpu.vector_store %arg7[%parallel_loop3A_704, %parallel_loop3A_705], %parallel_loop3A_708 {strides = array<i32>} : memref<24x768xf32, #tpu.memory_space<vmem>>, vector<1x16xf32>,
      %parallel_loop3A_709 = arith.index_cast %parallel_loop3A_218 : i32 to index
      %parallel_loop3A_710 = arith.constant 560 : index
      %parallel_loop3A_711 = tpu.vector_load %arg7[%parallel_loop3A_709, %parallel_loop3A_710] {strides = array<i32>} : memref<24x768xf32, #tpu.memory_space<vmem>>, vector<1x16xf32>,
      %parallel_loop3A_712 = vector.shape_cast %parallel_loop3A_711 : vector<1x16xf32> to vector<16xf32>
      %parallel_loop3A_713 = arith.index_cast %parallel_loop3A_218 : i32 to index
      %parallel_loop3A_714 = arith.constant 560 : index
      %parallel_loop3A_715 = tpu.vector_load %arg8[%parallel_loop3A_713, %parallel_loop3A_714] {strides = array<i32>} : memref<24x768xf32, #tpu.memory_space<vmem>>, vector<1x16xf32>,
      %parallel_loop3A_716 = vector.shape_cast %parallel_loop3A_715 : vector<1x16xf32> to vector<16xf32>
      %parallel_loop3A_717 = arith.addf %parallel_loop3A_712, %parallel_loop3A_716 : vector<16xf32>
      %parallel_loop3A_718 = arith.index_cast %parallel_loop3A_218 : i32 to index
      %parallel_loop3A_719 = arith.constant 560 : index
      %parallel_loop3A_720 = tpu.vector_load %arg7[%parallel_loop3A_718, %parallel_loop3A_719] {strides = array<i32>} : memref<24x768xf32, #tpu.memory_space<vmem>>, vector<1x16xf32>,
      %parallel_loop3A_721 = vector.shape_cast %parallel_loop3A_720 : vector<1x16xf32> to vector<16xf32>
      %parallel_loop3A_722 = vector.shape_cast %parallel_loop3A_717 : vector<16xf32> to vector<1x16xf32>
      tpu.vector_store %arg7[%parallel_loop3A_718, %parallel_loop3A_719], %parallel_loop3A_722 {strides = array<i32>} : memref<24x768xf32, #tpu.memory_space<vmem>>, vector<1x16xf32>,
      %parallel_loop3A_723 = arith.index_cast %parallel_loop3A_218 : i32 to index
      %parallel_loop3A_724 = arith.constant 576 : index
      %parallel_loop3A_725 = tpu.vector_load %arg7[%parallel_loop3A_723, %parallel_loop3A_724] {strides = array<i32>} : memref<24x768xf32, #tpu.memory_space<vmem>>, vector<1x16xf32>,
      %parallel_loop3A_726 = vector.shape_cast %parallel_loop3A_725 : vector<1x16xf32> to vector<16xf32>
      %parallel_loop3A_727 = arith.index_cast %parallel_loop3A_218 : i32 to index
      %parallel_loop3A_728 = arith.constant 576 : index
      %parallel_loop3A_729 = tpu.vector_load %arg8[%parallel_loop3A_727, %parallel_loop3A_728] {strides = array<i32>} : memref<24x768xf32, #tpu.memory_space<vmem>>, vector<1x16xf32>,
      %parallel_loop3A_730 = vector.shape_cast %parallel_loop3A_729 : vector<1x16xf32> to vector<16xf32>
      %parallel_loop3A_731 = arith.addf %parallel_loop3A_726, %parallel_loop3A_730 : vector<16xf32>
      %parallel_loop3A_732 = arith.index_cast %parallel_loop3A_218 : i32 to index
      %parallel_loop3A_733 = arith.constant 576 : index
      %parallel_loop3A_734 = tpu.vector_load %arg7[%parallel_loop3A_732, %parallel_loop3A_733] {strides = array<i32>} : memref<24x768xf32, #tpu.memory_space<vmem>>, vector<1x16xf32>,
      %parallel_loop3A_735 = vector.shape_cast %parallel_loop3A_734 : vector<1x16xf32> to vector<16xf32>
      %parallel_loop3A_736 = vector.shape_cast %parallel_loop3A_731 : vector<16xf32> to vector<1x16xf32>
      tpu.vector_store %arg7[%parallel_loop3A_732, %parallel_loop3A_733], %parallel_loop3A_736 {strides = array<i32>} : memref<24x768xf32, #tpu.memory_space<vmem>>, vector<1x16xf32>,
      %parallel_loop3A_737 = arith.index_cast %parallel_loop3A_218 : i32 to index
      %parallel_loop3A_738 = arith.constant 592 : index
      %parallel_loop3A_739 = tpu.vector_load %arg7[%parallel_loop3A_737, %parallel_loop3A_738] {strides = array<i32>} : memref<24x768xf32, #tpu.memory_space<vmem>>, vector<1x16xf32>,
      %parallel_loop3A_740 = vector.shape_cast %parallel_loop3A_739 : vector<1x16xf32> to vector<16xf32>
      %parallel_loop3A_741 = arith.index_cast %parallel_loop3A_218 : i32 to index
      %parallel_loop3A_742 = arith.constant 592 : index
      %parallel_loop3A_743 = tpu.vector_load %arg8[%parallel_loop3A_741, %parallel_loop3A_742] {strides = array<i32>} : memref<24x768xf32, #tpu.memory_space<vmem>>, vector<1x16xf32>,
      %parallel_loop3A_744 = vector.shape_cast %parallel_loop3A_743 : vector<1x16xf32> to vector<16xf32>
      %parallel_loop3A_745 = arith.addf %parallel_loop3A_740, %parallel_loop3A_744 : vector<16xf32>
      %parallel_loop3A_746 = arith.index_cast %parallel_loop3A_218 : i32 to index
      %parallel_loop3A_747 = arith.constant 592 : index
      %parallel_loop3A_748 = tpu.vector_load %arg7[%parallel_loop3A_746, %parallel_loop3A_747] {strides = array<i32>} : memref<24x768xf32, #tpu.memory_space<vmem>>, vector<1x16xf32>,
      %parallel_loop3A_749 = vector.shape_cast %parallel_loop3A_748 : vector<1x16xf32> to vector<16xf32>
      %parallel_loop3A_750 = vector.shape_cast %parallel_loop3A_745 : vector<16xf32> to vector<1x16xf32>
      tpu.vector_store %arg7[%parallel_loop3A_746, %parallel_loop3A_747], %parallel_loop3A_750 {strides = array<i32>} : memref<24x768xf32, #tpu.memory_space<vmem>>, vector<1x16xf32>,
      %parallel_loop3A_751 = arith.index_cast %parallel_loop3A_218 : i32 to index
      %parallel_loop3A_752 = arith.constant 608 : index
      %parallel_loop3A_753 = tpu.vector_load %arg7[%parallel_loop3A_751, %parallel_loop3A_752] {strides = array<i32>} : memref<24x768xf32, #tpu.memory_space<vmem>>, vector<1x16xf32>,
      %parallel_loop3A_754 = vector.shape_cast %parallel_loop3A_753 : vector<1x16xf32> to vector<16xf32>
      %parallel_loop3A_755 = arith.index_cast %parallel_loop3A_218 : i32 to index
      %parallel_loop3A_756 = arith.constant 608 : index
      %parallel_loop3A_757 = tpu.vector_load %arg8[%parallel_loop3A_755, %parallel_loop3A_756] {strides = array<i32>} : memref<24x768xf32, #tpu.memory_space<vmem>>, vector<1x16xf32>,
      %parallel_loop3A_758 = vector.shape_cast %parallel_loop3A_757 : vector<1x16xf32> to vector<16xf32>
      %parallel_loop3A_759 = arith.addf %parallel_loop3A_754, %parallel_loop3A_758 : vector<16xf32>
      %parallel_loop3A_760 = arith.index_cast %parallel_loop3A_218 : i32 to index
      %parallel_loop3A_761 = arith.constant 608 : index
      %parallel_loop3A_762 = tpu.vector_load %arg7[%parallel_loop3A_760, %parallel_loop3A_761] {strides = array<i32>} : memref<24x768xf32, #tpu.memory_space<vmem>>, vector<1x16xf32>,
      %parallel_loop3A_763 = vector.shape_cast %parallel_loop3A_762 : vector<1x16xf32> to vector<16xf32>
      %parallel_loop3A_764 = vector.shape_cast %parallel_loop3A_759 : vector<16xf32> to vector<1x16xf32>
      tpu.vector_store %arg7[%parallel_loop3A_760, %parallel_loop3A_761], %parallel_loop3A_764 {strides = array<i32>} : memref<24x768xf32, #tpu.memory_space<vmem>>, vector<1x16xf32>,
      %parallel_loop3A_765 = arith.index_cast %parallel_loop3A_218 : i32 to index
      %parallel_loop3A_766 = arith.constant 624 : index
      %parallel_loop3A_767 = tpu.vector_load %arg7[%parallel_loop3A_765, %parallel_loop3A_766] {strides = array<i32>} : memref<24x768xf32, #tpu.memory_space<vmem>>, vector<1x16xf32>,
      %parallel_loop3A_768 = vector.shape_cast %parallel_loop3A_767 : vector<1x16xf32> to vector<16xf32>
      %parallel_loop3A_769 = arith.index_cast %parallel_loop3A_218 : i32 to index
      %parallel_loop3A_770 = arith.constant 624 : index
      %parallel_loop3A_771 = tpu.vector_load %arg8[%parallel_loop3A_769, %parallel_loop3A_770] {strides = array<i32>} : memref<24x768xf32, #tpu.memory_space<vmem>>, vector<1x16xf32>,
      %parallel_loop3A_772 = vector.shape_cast %parallel_loop3A_771 : vector<1x16xf32> to vector<16xf32>
      %parallel_loop3A_773 = arith.addf %parallel_loop3A_768, %parallel_loop3A_772 : vector<16xf32>
      %parallel_loop3A_774 = arith.index_cast %parallel_loop3A_218 : i32 to index
      %parallel_loop3A_775 = arith.constant 624 : index
      %parallel_loop3A_776 = tpu.vector_load %arg7[%parallel_loop3A_774, %parallel_loop3A_775] {strides = array<i32>} : memref<24x768xf32, #tpu.memory_space<vmem>>, vector<1x16xf32>,
      %parallel_loop3A_777 = vector.shape_cast %parallel_loop3A_776 : vector<1x16xf32> to vector<16xf32>
      %parallel_loop3A_778 = vector.shape_cast %parallel_loop3A_773 : vector<16xf32> to vector<1x16xf32>
      tpu.vector_store %arg7[%parallel_loop3A_774, %parallel_loop3A_775], %parallel_loop3A_778 {strides = array<i32>} : memref<24x768xf32, #tpu.memory_space<vmem>>, vector<1x16xf32>,
      %parallel_loop3A_779 = arith.index_cast %parallel_loop3A_218 : i32 to index
      %parallel_loop3A_780 = arith.constant 640 : index
      %parallel_loop3A_781 = tpu.vector_load %arg7[%parallel_loop3A_779, %parallel_loop3A_780] {strides = array<i32>} : memref<24x768xf32, #tpu.memory_space<vmem>>, vector<1x16xf32>,
      %parallel_loop3A_782 = vector.shape_cast %parallel_loop3A_781 : vector<1x16xf32> to vector<16xf32>
      %parallel_loop3A_783 = arith.index_cast %parallel_loop3A_218 : i32 to index
      %parallel_loop3A_784 = arith.constant 640 : index
      %parallel_loop3A_785 = tpu.vector_load %arg8[%parallel_loop3A_783, %parallel_loop3A_784] {strides = array<i32>} : memref<24x768xf32, #tpu.memory_space<vmem>>, vector<1x16xf32>,
      %parallel_loop3A_786 = vector.shape_cast %parallel_loop3A_785 : vector<1x16xf32> to vector<16xf32>
      %parallel_loop3A_787 = arith.addf %parallel_loop3A_782, %parallel_loop3A_786 : vector<16xf32>
      %parallel_loop3A_788 = arith.index_cast %parallel_loop3A_218 : i32 to index
      %parallel_loop3A_789 = arith.constant 640 : index
      %parallel_loop3A_790 = tpu.vector_load %arg7[%parallel_loop3A_788, %parallel_loop3A_789] {strides = array<i32>} : memref<24x768xf32, #tpu.memory_space<vmem>>, vector<1x16xf32>,
      %parallel_loop3A_791 = vector.shape_cast %parallel_loop3A_790 : vector<1x16xf32> to vector<16xf32>
      %parallel_loop3A_792 = vector.shape_cast %parallel_loop3A_787 : vector<16xf32> to vector<1x16xf32>
      tpu.vector_store %arg7[%parallel_loop3A_788, %parallel_loop3A_789], %parallel_loop3A_792 {strides = array<i32>} : memref<24x768xf32, #tpu.memory_space<vmem>>, vector<1x16xf32>,
      %parallel_loop3A_793 = arith.index_cast %parallel_loop3A_218 : i32 to index
      %parallel_loop3A_794 = arith.constant 656 : index
      %parallel_loop3A_795 = tpu.vector_load %arg7[%parallel_loop3A_793, %parallel_loop3A_794] {strides = array<i32>} : memref<24x768xf32, #tpu.memory_space<vmem>>, vector<1x16xf32>,
      %parallel_loop3A_796 = vector.shape_cast %parallel_loop3A_795 : vector<1x16xf32> to vector<16xf32>
      %parallel_loop3A_797 = arith.index_cast %parallel_loop3A_218 : i32 to index
      %parallel_loop3A_798 = arith.constant 656 : index
      %parallel_loop3A_799 = tpu.vector_load %arg8[%parallel_loop3A_797, %parallel_loop3A_798] {strides = array<i32>} : memref<24x768xf32, #tpu.memory_space<vmem>>, vector<1x16xf32>,
      %parallel_loop3A_800 = vector.shape_cast %parallel_loop3A_799 : vector<1x16xf32> to vector<16xf32>
      %parallel_loop3A_801 = arith.addf %parallel_loop3A_796, %parallel_loop3A_800 : vector<16xf32>
      %parallel_loop3A_802 = arith.index_cast %parallel_loop3A_218 : i32 to index
      %parallel_loop3A_803 = arith.constant 656 : index
      %parallel_loop3A_804 = tpu.vector_load %arg7[%parallel_loop3A_802, %parallel_loop3A_803] {strides = array<i32>} : memref<24x768xf32, #tpu.memory_space<vmem>>, vector<1x16xf32>,
      %parallel_loop3A_805 = vector.shape_cast %parallel_loop3A_804 : vector<1x16xf32> to vector<16xf32>
      %parallel_loop3A_806 = vector.shape_cast %parallel_loop3A_801 : vector<16xf32> to vector<1x16xf32>
      tpu.vector_store %arg7[%parallel_loop3A_802, %parallel_loop3A_803], %parallel_loop3A_806 {strides = array<i32>} : memref<24x768xf32, #tpu.memory_space<vmem>>, vector<1x16xf32>,
      %parallel_loop3A_807 = arith.index_cast %parallel_loop3A_218 : i32 to index
      %parallel_loop3A_808 = arith.constant 672 : index
      %parallel_loop3A_809 = tpu.vector_load %arg7[%parallel_loop3A_807, %parallel_loop3A_808] {strides = array<i32>} : memref<24x768xf32, #tpu.memory_space<vmem>>, vector<1x16xf32>,
      %parallel_loop3A_810 = vector.shape_cast %parallel_loop3A_809 : vector<1x16xf32> to vector<16xf32>
      %parallel_loop3A_811 = arith.index_cast %parallel_loop3A_218 : i32 to index
      %parallel_loop3A_812 = arith.constant 672 : index
      %parallel_loop3A_813 = tpu.vector_load %arg8[%parallel_loop3A_811, %parallel_loop3A_812] {strides = array<i32>} : memref<24x768xf32, #tpu.memory_space<vmem>>, vector<1x16xf32>,
      %parallel_loop3A_814 = vector.shape_cast %parallel_loop3A_813 : vector<1x16xf32> to vector<16xf32>
      %parallel_loop3A_815 = arith.addf %parallel_loop3A_810, %parallel_loop3A_814 : vector<16xf32>
      %parallel_loop3A_816 = arith.index_cast %parallel_loop3A_218 : i32 to index
      %parallel_loop3A_817 = arith.constant 672 : index
      %parallel_loop3A_818 = tpu.vector_load %arg7[%parallel_loop3A_816, %parallel_loop3A_817] {strides = array<i32>} : memref<24x768xf32, #tpu.memory_space<vmem>>, vector<1x16xf32>,
      %parallel_loop3A_819 = vector.shape_cast %parallel_loop3A_818 : vector<1x16xf32> to vector<16xf32>
      %parallel_loop3A_820 = vector.shape_cast %parallel_loop3A_815 : vector<16xf32> to vector<1x16xf32>
      tpu.vector_store %arg7[%parallel_loop3A_816, %parallel_loop3A_817], %parallel_loop3A_820 {strides = array<i32>} : memref<24x768xf32, #tpu.memory_space<vmem>>, vector<1x16xf32>,
      %parallel_loop3A_821 = arith.index_cast %parallel_loop3A_218 : i32 to index
      %parallel_loop3A_822 = arith.constant 688 : index
      %parallel_loop3A_823 = tpu.vector_load %arg7[%parallel_loop3A_821, %parallel_loop3A_822] {strides = array<i32>} : memref<24x768xf32, #tpu.memory_space<vmem>>, vector<1x16xf32>,
      %parallel_loop3A_824 = vector.shape_cast %parallel_loop3A_823 : vector<1x16xf32> to vector<16xf32>
      %parallel_loop3A_825 = arith.index_cast %parallel_loop3A_218 : i32 to index
      %parallel_loop3A_826 = arith.constant 688 : index
      %parallel_loop3A_827 = tpu.vector_load %arg8[%parallel_loop3A_825, %parallel_loop3A_826] {strides = array<i32>} : memref<24x768xf32, #tpu.memory_space<vmem>>, vector<1x16xf32>,
      %parallel_loop3A_828 = vector.shape_cast %parallel_loop3A_827 : vector<1x16xf32> to vector<16xf32>
      %parallel_loop3A_829 = arith.addf %parallel_loop3A_824, %parallel_loop3A_828 : vector<16xf32>
      %parallel_loop3A_830 = arith.index_cast %parallel_loop3A_218 : i32 to index
      %parallel_loop3A_831 = arith.constant 688 : index
      %parallel_loop3A_832 = tpu.vector_load %arg7[%parallel_loop3A_830, %parallel_loop3A_831] {strides = array<i32>} : memref<24x768xf32, #tpu.memory_space<vmem>>, vector<1x16xf32>,
      %parallel_loop3A_833 = vector.shape_cast %parallel_loop3A_832 : vector<1x16xf32> to vector<16xf32>
      %parallel_loop3A_834 = vector.shape_cast %parallel_loop3A_829 : vector<16xf32> to vector<1x16xf32>
      tpu.vector_store %arg7[%parallel_loop3A_830, %parallel_loop3A_831], %parallel_loop3A_834 {strides = array<i32>} : memref<24x768xf32, #tpu.memory_space<vmem>>, vector<1x16xf32>,
      %parallel_loop3A_835 = arith.index_cast %parallel_loop3A_218 : i32 to index
      %parallel_loop3A_836 = arith.constant 704 : index
      %parallel_loop3A_837 = tpu.vector_load %arg7[%parallel_loop3A_835, %parallel_loop3A_836] {strides = array<i32>} : memref<24x768xf32, #tpu.memory_space<vmem>>, vector<1x16xf32>,
      %parallel_loop3A_838 = vector.shape_cast %parallel_loop3A_837 : vector<1x16xf32> to vector<16xf32>
      %parallel_loop3A_839 = arith.index_cast %parallel_loop3A_218 : i32 to index
      %parallel_loop3A_840 = arith.constant 704 : index
      %parallel_loop3A_841 = tpu.vector_load %arg8[%parallel_loop3A_839, %parallel_loop3A_840] {strides = array<i32>} : memref<24x768xf32, #tpu.memory_space<vmem>>, vector<1x16xf32>,
      %parallel_loop3A_842 = vector.shape_cast %parallel_loop3A_841 : vector<1x16xf32> to vector<16xf32>
      %parallel_loop3A_843 = arith.addf %parallel_loop3A_838, %parallel_loop3A_842 : vector<16xf32>
      %parallel_loop3A_844 = arith.index_cast %parallel_loop3A_218 : i32 to index
      %parallel_loop3A_845 = arith.constant 704 : index
      %parallel_loop3A_846 = tpu.vector_load %arg7[%parallel_loop3A_844, %parallel_loop3A_845] {strides = array<i32>} : memref<24x768xf32, #tpu.memory_space<vmem>>, vector<1x16xf32>,
      %parallel_loop3A_847 = vector.shape_cast %parallel_loop3A_846 : vector<1x16xf32> to vector<16xf32>
      %parallel_loop3A_848 = vector.shape_cast %parallel_loop3A_843 : vector<16xf32> to vector<1x16xf32>
      tpu.vector_store %arg7[%parallel_loop3A_844, %parallel_loop3A_845], %parallel_loop3A_848 {strides = array<i32>} : memref<24x768xf32, #tpu.memory_space<vmem>>, vector<1x16xf32>,
      %parallel_loop3A_849 = arith.index_cast %parallel_loop3A_218 : i32 to index
      %parallel_loop3A_850 = arith.constant 720 : index
      %parallel_loop3A_851 = tpu.vector_load %arg7[%parallel_loop3A_849, %parallel_loop3A_850] {strides = array<i32>} : memref<24x768xf32, #tpu.memory_space<vmem>>, vector<1x16xf32>,
      %parallel_loop3A_852 = vector.shape_cast %parallel_loop3A_851 : vector<1x16xf32> to vector<16xf32>
      %parallel_loop3A_853 = arith.index_cast %parallel_loop3A_218 : i32 to index
      %parallel_loop3A_854 = arith.constant 720 : index
      %parallel_loop3A_855 = tpu.vector_load %arg8[%parallel_loop3A_853, %parallel_loop3A_854] {strides = array<i32>} : memref<24x768xf32, #tpu.memory_space<vmem>>, vector<1x16xf32>,
      %parallel_loop3A_856 = vector.shape_cast %parallel_loop3A_855 : vector<1x16xf32> to vector<16xf32>
      %parallel_loop3A_857 = arith.addf %parallel_loop3A_852, %parallel_loop3A_856 : vector<16xf32>
      %parallel_loop3A_858 = arith.index_cast %parallel_loop3A_218 : i32 to index
      %parallel_loop3A_859 = arith.constant 720 : index
      %parallel_loop3A_860 = tpu.vector_load %arg7[%parallel_loop3A_858, %parallel_loop3A_859] {strides = array<i32>} : memref<24x768xf32, #tpu.memory_space<vmem>>, vector<1x16xf32>,
      %parallel_loop3A_861 = vector.shape_cast %parallel_loop3A_860 : vector<1x16xf32> to vector<16xf32>
      %parallel_loop3A_862 = vector.shape_cast %parallel_loop3A_857 : vector<16xf32> to vector<1x16xf32>
      tpu.vector_store %arg7[%parallel_loop3A_858, %parallel_loop3A_859], %parallel_loop3A_862 {strides = array<i32>} : memref<24x768xf32, #tpu.memory_space<vmem>>, vector<1x16xf32>,
      %parallel_loop3A_863 = arith.index_cast %parallel_loop3A_218 : i32 to index
      %parallel_loop3A_864 = arith.constant 736 : index
      %parallel_loop3A_865 = tpu.vector_load %arg7[%parallel_loop3A_863, %parallel_loop3A_864] {strides = array<i32>} : memref<24x768xf32, #tpu.memory_space<vmem>>, vector<1x16xf32>,
      %parallel_loop3A_866 = vector.shape_cast %parallel_loop3A_865 : vector<1x16xf32> to vector<16xf32>
      %parallel_loop3A_867 = arith.index_cast %parallel_loop3A_218 : i32 to index
      %parallel_loop3A_868 = arith.constant 736 : index
      %parallel_loop3A_869 = tpu.vector_load %arg8[%parallel_loop3A_867, %parallel_loop3A_868] {strides = array<i32>} : memref<24x768xf32, #tpu.memory_space<vmem>>, vector<1x16xf32>,
      %parallel_loop3A_870 = vector.shape_cast %parallel_loop3A_869 : vector<1x16xf32> to vector<16xf32>
      %parallel_loop3A_871 = arith.addf %parallel_loop3A_866, %parallel_loop3A_870 : vector<16xf32>
      %parallel_loop3A_872 = arith.index_cast %parallel_loop3A_218 : i32 to index
      %parallel_loop3A_873 = arith.constant 736 : index
      %parallel_loop3A_874 = tpu.vector_load %arg7[%parallel_loop3A_872, %parallel_loop3A_873] {strides = array<i32>} : memref<24x768xf32, #tpu.memory_space<vmem>>, vector<1x16xf32>,
      %parallel_loop3A_875 = vector.shape_cast %parallel_loop3A_874 : vector<1x16xf32> to vector<16xf32>
      %parallel_loop3A_876 = vector.shape_cast %parallel_loop3A_871 : vector<16xf32> to vector<1x16xf32>
      tpu.vector_store %arg7[%parallel_loop3A_872, %parallel_loop3A_873], %parallel_loop3A_876 {strides = array<i32>} : memref<24x768xf32, #tpu.memory_space<vmem>>, vector<1x16xf32>,
      %parallel_loop3A_877 = arith.index_cast %parallel_loop3A_218 : i32 to index
      %parallel_loop3A_878 = arith.constant 752 : index
      %parallel_loop3A_879 = tpu.vector_load %arg7[%parallel_loop3A_877, %parallel_loop3A_878] {strides = array<i32>} : memref<24x768xf32, #tpu.memory_space<vmem>>, vector<1x16xf32>,
      %parallel_loop3A_880 = vector.shape_cast %parallel_loop3A_879 : vector<1x16xf32> to vector<16xf32>
      %parallel_loop3A_881 = arith.index_cast %parallel_loop3A_218 : i32 to index
      %parallel_loop3A_882 = arith.constant 752 : index
      %parallel_loop3A_883 = tpu.vector_load %arg8[%parallel_loop3A_881, %parallel_loop3A_882] {strides = array<i32>} : memref<24x768xf32, #tpu.memory_space<vmem>>, vector<1x16xf32>,
      %parallel_loop3A_884 = vector.shape_cast %parallel_loop3A_883 : vector<1x16xf32> to vector<16xf32>
      %parallel_loop3A_885 = arith.addf %parallel_loop3A_880, %parallel_loop3A_884 : vector<16xf32>
      %parallel_loop3A_886 = arith.index_cast %parallel_loop3A_218 : i32 to index
      %parallel_loop3A_887 = arith.constant 752 : index
      %parallel_loop3A_888 = tpu.vector_load %arg7[%parallel_loop3A_886, %parallel_loop3A_887] {strides = array<i32>} : memref<24x768xf32, #tpu.memory_space<vmem>>, vector<1x16xf32>,
      %parallel_loop3A_889 = vector.shape_cast %parallel_loop3A_888 : vector<1x16xf32> to vector<16xf32>
      %parallel_loop3A_890 = vector.shape_cast %parallel_loop3A_885 : vector<16xf32> to vector<1x16xf32>
      tpu.vector_store %arg7[%parallel_loop3A_886, %parallel_loop3A_887], %parallel_loop3A_890 {strides = array<i32>} : memref<24x768xf32, #tpu.memory_space<vmem>>, vector<1x16xf32>,
    } {sc.loop_unroll_factor = 1 : i64, sc.parallel_access}
    %sub3A_159 = arith.constant 124 : i32
    %sub3A_160 = arith.subi %add3A_18, %sub3A_159 : i32
    %mul3A_161 = arith.constant 24 : i32
    %mul3A_162 = arith.muli %add3A_143, %mul3A_161 : i32
    %add3A_163 = arith.addi %mul3A_34, %mul3A_162 : i32
    %dma_start3A_164 = arith.constant 0 : i32
    %dma_start3A_165 = tpu.memref_slice %arg4[%sub3A_160, %add3A_163, %dma_start3A_164] : memref<4x576x768xf32, #tpu.memory_space<hbm>> -> memref<1x24x768xf32, #tpu.memory_space<hbm>>
    %dma_start3A_166 = tpu.memref_squeeze %dma_start3A_165 : memref<1x24x768xf32, #tpu.memory_space<hbm>> -> memref<24x768xf32, #tpu.memory_space<hbm>>
    %dma_start3A_167 = arith.constant 0 : i32
    %dma_start3A_168 = tpu.memref_slice %arg4[%sub3A_160, %add3A_163, %dma_start3A_167] : memref<4x576x768xf32, #tpu.memory_space<hbm>> -> memref<1x24x768xf32, #tpu.memory_space<hbm>>
    %dma_start3A_169 = tpu.memref_squeeze %dma_start3A_168 : memref<1x24x768xf32, #tpu.memory_space<hbm>> -> memref<24x768xf32, #tpu.memory_space<hbm>>
    tpu.enqueue_dma source(%arg7 : memref<24x768xf32, #tpu.memory_space<vmem>>) target(%dma_start3A_169 : memref<24x768xf32, #tpu.memory_space<hbm>>) target_semaphore(%arg14 : memref<!tpu.dma_semaphore, #tpu.memory_space<semaphore_mem>>)
    %ge3A_170 = arith.constant 1 : i32
    %ge3A_171 = arith.cmpi sge, %add3A_143, %ge3A_170 : i32
    %add3A_172 = arith.constant 2 : i32
    %add3A_173 = arith.addi %add3A_143, %add3A_172 : i32
    %lt3A_174 = arith.constant 3 : i32
    %lt3A_175 = arith.cmpi slt, %add3A_173, %lt3A_174 : i32
    %and3A_176 = arith.andi %ge3A_171, %lt3A_175 : i1
    %convert_element_type3A_177 = arith.extui %and3A_176 : i1 to i32
    %cond3A_178 = arith.constant 0 : i32
    %cond3A_179 = arith.cmpi ne, %convert_element_type3A_177, %cond3A_178 : i32
    scf.if %cond3A_179 {
      %sub3A_218 = arith.constant 1 : i32
      %sub3A_219 = arith.subi %add3A_143, %sub3A_218 : i32
      %sub3A_220 = arith.constant 124 : i32
      %sub3A_221 = arith.subi %add3A_18, %sub3A_220 : i32
      %mul3A_222 = arith.constant 24 : i32
      %mul3A_223 = arith.muli %sub3A_219, %mul3A_222 : i32
      %add3A_224 = arith.addi %mul3A_34, %mul3A_223 : i32
      %dma_wait3A_225 = arith.constant 0 : i32
      %dma_wait3A_226 = tpu.memref_slice %arg4[%sub3A_221, %add3A_224, %dma_wait3A_225] : memref<4x576x768xf32, #tpu.memory_space<hbm>> -> memref<1x24x768xf32, #tpu.memory_space<hbm>>
      %dma_wait3A_227 = tpu.memref_squeeze %dma_wait3A_226 : memref<1x24x768xf32, #tpu.memory_space<hbm>> -> memref<24x768xf32, #tpu.memory_space<hbm>>
      %dma_wait3A_228 = arith.constant 0 : i32
      %dma_wait3A_229 = tpu.memref_slice %arg4[%sub3A_221, %add3A_224, %dma_wait3A_228] : memref<4x576x768xf32, #tpu.memory_space<hbm>> -> memref<1x24x768xf32, #tpu.memory_space<hbm>>
      %dma_wait3A_230 = tpu.memref_squeeze %dma_wait3A_229 : memref<1x24x768xf32, #tpu.memory_space<hbm>> -> memref<24x768xf32, #tpu.memory_space<hbm>>
      tpu.wait_dma2 semaphore(%arg13 : memref<!tpu.dma_semaphore, #tpu.memory_space<semaphore_mem>>) src(%arg6 : memref<24x768xf32, #tpu.memory_space<vmem>>) dst(%dma_wait3A_230 : memref<24x768xf32, #tpu.memory_space<hbm>>)
    } else {
    }
    %add3A_180 = arith.constant 2 : i32
    %add3A_181 = arith.addi %add3A_143, %add3A_180 : i32
    %lt3A_182 = arith.constant 3 : i32
    %lt3A_183 = arith.cmpi slt, %add3A_181, %lt3A_182 : i32
    %convert_element_type3A_184 = arith.extui %lt3A_183 : i1 to i32
    %cond3A_185 = arith.constant 0 : i32
    %cond3A_186 = arith.cmpi ne, %convert_element_type3A_184, %cond3A_185 : i32
    scf.if %cond3A_186 {
      %add3A_218 = arith.constant 2 : i32
      %add3A_219 = arith.addi %add3A_143, %add3A_218 : i32
      %mul3A_220 = arith.constant 24 : i32
      %mul3A_221 = arith.muli %add3A_219, %mul3A_220 : i32
      %add3A_222 = arith.addi %mul3A_34, %mul3A_221 : i32
      %dma_start3A_223 = arith.constant 0 : i32
      %dma_start3A_224 = tpu.memref_slice %arg2[%add3A_18, %add3A_222, %dma_start3A_223] : memref<128x576x768xf32, #tpu.memory_space<hbm>> -> memref<1x24x768xf32, #tpu.memory_space<hbm>>
      %dma_start3A_225 = tpu.memref_squeeze %dma_start3A_224 : memref<1x24x768xf32, #tpu.memory_space<hbm>> -> memref<24x768xf32, #tpu.memory_space<hbm>>
      %dma_start3A_226 = arith.constant 0 : i32
      %dma_start3A_227 = tpu.memref_slice %arg2[%add3A_18, %add3A_222, %dma_start3A_226] : memref<128x576x768xf32, #tpu.memory_space<hbm>> -> memref<1x24x768xf32, #tpu.memory_space<hbm>>
      %dma_start3A_228 = tpu.memref_squeeze %dma_start3A_227 : memref<1x24x768xf32, #tpu.memory_space<hbm>> -> memref<24x768xf32, #tpu.memory_space<hbm>>
      tpu.enqueue_dma source(%dma_start3A_228 : memref<24x768xf32, #tpu.memory_space<hbm>>) target(%arg6 : memref<24x768xf32, #tpu.memory_space<vmem>>) target_semaphore(%arg10 : memref<!tpu.dma_semaphore, #tpu.memory_space<semaphore_mem>>)
    } else {
    }
    %scan3A_187 = arith.constant 1 : i32
    %sub3A_188 = arith.constant 124 : i32
    %sub3A_189 = arith.subi %add3A_18, %sub3A_188 : i32
    %add3A_190 = arith.constant 0 : i32
    %add3A_191 = arith.addi %mul3A_34, %add3A_190 : i32
    %dma_wait3A_192 = arith.constant 0 : i32
    %dma_wait3A_193 = tpu.memref_slice %arg4[%sub3A_189, %add3A_191, %dma_wait3A_192] : memref<4x576x768xf32, #tpu.memory_space<hbm>> -> memref<1x24x768xf32, #tpu.memory_space<hbm>>
    %dma_wait3A_194 = tpu.memref_squeeze %dma_wait3A_193 : memref<1x24x768xf32, #tpu.memory_space<hbm>> -> memref<24x768xf32, #tpu.memory_space<hbm>>
    %dma_wait3A_195 = arith.constant 0 : i32
    %dma_wait3A_196 = tpu.memref_slice %arg4[%sub3A_189, %add3A_191, %dma_wait3A_195] : memref<4x576x768xf32, #tpu.memory_space<hbm>> -> memref<1x24x768xf32, #tpu.memory_space<hbm>>
    %dma_wait3A_197 = tpu.memref_squeeze %dma_wait3A_196 : memref<1x24x768xf32, #tpu.memory_space<hbm>> -> memref<24x768xf32, #tpu.memory_space<hbm>>
    tpu.wait_dma2 semaphore(%arg12 : memref<!tpu.dma_semaphore, #tpu.memory_space<semaphore_mem>>) src(%arg5 : memref<24x768xf32, #tpu.memory_space<vmem>>) dst(%dma_wait3A_197 : memref<24x768xf32, #tpu.memory_space<hbm>>)
    %sub3A_198 = arith.constant 124 : i32
    %sub3A_199 = arith.subi %add3A_18, %sub3A_198 : i32
    %add3A_200 = arith.constant 24 : i32
    %add3A_201 = arith.addi %mul3A_34, %add3A_200 : i32
    %dma_wait3A_202 = arith.constant 0 : i32
    %dma_wait3A_203 = tpu.memref_slice %arg4[%sub3A_199, %add3A_201, %dma_wait3A_202] : memref<4x576x768xf32, #tpu.memory_space<hbm>> -> memref<1x24x768xf32, #tpu.memory_space<hbm>>
    %dma_wait3A_204 = tpu.memref_squeeze %dma_wait3A_203 : memref<1x24x768xf32, #tpu.memory_space<hbm>> -> memref<24x768xf32, #tpu.memory_space<hbm>>
    %dma_wait3A_205 = arith.constant 0 : i32
    %dma_wait3A_206 = tpu.memref_slice %arg4[%sub3A_199, %add3A_201, %dma_wait3A_205] : memref<4x576x768xf32, #tpu.memory_space<hbm>> -> memref<1x24x768xf32, #tpu.memory_space<hbm>>
    %dma_wait3A_207 = tpu.memref_squeeze %dma_wait3A_206 : memref<1x24x768xf32, #tpu.memory_space<hbm>> -> memref<24x768xf32, #tpu.memory_space<hbm>>
    tpu.wait_dma2 semaphore(%arg13 : memref<!tpu.dma_semaphore, #tpu.memory_space<semaphore_mem>>) src(%arg6 : memref<24x768xf32, #tpu.memory_space<vmem>>) dst(%dma_wait3A_207 : memref<24x768xf32, #tpu.memory_space<hbm>>)
    %sub3A_208 = arith.constant 124 : i32
    %sub3A_209 = arith.subi %add3A_18, %sub3A_208 : i32
    %add3A_210 = arith.constant 48 : i32
    %add3A_211 = arith.addi %mul3A_34, %add3A_210 : i32
    %dma_wait3A_212 = arith.constant 0 : i32
    %dma_wait3A_213 = tpu.memref_slice %arg4[%sub3A_209, %add3A_211, %dma_wait3A_212] : memref<4x576x768xf32, #tpu.memory_space<hbm>> -> memref<1x24x768xf32, #tpu.memory_space<hbm>>
    %dma_wait3A_214 = tpu.memref_squeeze %dma_wait3A_213 : memref<1x24x768xf32, #tpu.memory_space<hbm>> -> memref<24x768xf32, #tpu.memory_space<hbm>>
    %dma_wait3A_215 = arith.constant 0 : i32
    %dma_wait3A_216 = tpu.memref_slice %arg4[%sub3A_209, %add3A_211, %dma_wait3A_215] : memref<4x576x768xf32, #tpu.memory_space<hbm>> -> memref<1x24x768xf32, #tpu.memory_space<hbm>>
    %dma_wait3A_217 = tpu.memref_squeeze %dma_wait3A_216 : memref<1x24x768xf32, #tpu.memory_space<hbm>> -> memref<24x768xf32, #tpu.memory_space<hbm>>
    tpu.wait_dma2 semaphore(%arg14 : memref<!tpu.dma_semaphore, #tpu.memory_space<semaphore_mem>>) src(%arg7 : memref<24x768xf32, #tpu.memory_space<vmem>>) dst(%dma_wait3A_217 : memref<24x768xf32, #tpu.memory_space<hbm>>)
    return
  }
}

module attributes {stable_mosaic.version = 14 : i64} {
  func.func @_tc_add_body(%arg0: i32, %arg1: memref<4x576x768xf32, #tpu.memory_space<vmem>>, %arg2: memref<576x768xf32, #tpu.memory_space<vmem>>, %arg3: memref<4x576x768xf32, #tpu.memory_space<vmem>>) attributes {dimension_semantics = [#tpu.dimension_semantics<arbitrary>], iteration_bounds = array<i64: 31>, scalar_prefetch = 0 : i64, scratch_operands = 0 : i64, tpu.core_type = #tpu.core_type<tc>, window_params = [{transform_indices = @transform_0, window_bounds = array<i64: 4, 576, 768>}, {pipeline_mode = #tpu.pipeline_mode<synchronous>, transform_indices = @transform_1, window_bounds = array<i64: 576, 768>}, {transform_indices = @transform_2, window_bounds = array<i64: 4, 576, 768>}]} {
    %get3A = arith.constant 0 : index
    %get3A_0 = arith.constant 0 : index
    %get3A_1 = arith.constant 0 : index
    %get3A_2 = vector.load %arg1[%get3A, %get3A_0, %get3A_1] : memref<4x576x768xf32, #tpu.memory_space<vmem>>, vector<4x576x768xf32>
    %get3A_3 = arith.constant 0 : index
    %get3A_4 = arith.constant 0 : index
    %get3A_5 = vector.load %arg2[%get3A_3, %get3A_4] : memref<576x768xf32, #tpu.memory_space<vmem>>, vector<576x768xf32>
    %broadcast_in_dim3A = vector.shape_cast %get3A_5 : vector<576x768xf32> to vector<1x576x768xf32>
    %add3A = vector.broadcast %broadcast_in_dim3A : vector<1x576x768xf32> to vector<4x576x768xf32>
    %add3A_6 = arith.addf %get3A_2, %add3A : vector<4x576x768xf32>
    %swap3A = arith.constant 0 : index
    %swap3A_7 = arith.constant 0 : index
    %swap3A_8 = arith.constant 0 : index
    %swap3A_9 = vector.load %arg3[%swap3A, %swap3A_7, %swap3A_8] : memref<4x576x768xf32, #tpu.memory_space<vmem>>, vector<4x576x768xf32>
    tpu.vector_store %arg3[%swap3A, %swap3A_7, %swap3A_8], %add3A_6 {strides = array<i32>} : memref<4x576x768xf32, #tpu.memory_space<vmem>>, vector<4x576x768xf32>,
    return
  }
  func.func @transform_0(%arg0: i32) -> (i32, i32, i32) {
    %c0_i32 = arith.constant 0 : i32
    %c0_i32_0 = arith.constant 0 : i32
    %c0_i32_1 = arith.constant 0 : i32
    return %arg0, %c0_i32, %c0_i32_0 : i32, i32, i32
  }
  func.func @transform_1(%arg0: i32) -> (i32, i32) {
    %c0_i32 = arith.constant 0 : i32
    %c0_i32_0 = arith.constant 0 : i32
    %c0_i32_1 = arith.constant 0 : i32
    return %c0_i32, %c0_i32_0 : i32, i32
  }
  func.func @transform_2(%arg0: i32) -> (i32, i32, i32) {
    %c0_i32 = arith.constant 0 : i32
    %c0_i32_0 = arith.constant 0 : i32
    %c0_i32_1 = arith.constant 0 : i32
    return %arg0, %c0_i32, %c0_i32_0 : i32, i32, i32
  }
}

</mosaic_0001>

<sc_bundles>
// kernel: kernel.4.cloned.1.call-start
scs
__scs_entry_jumppad:
0x0: {  	(pc) =	sbr.rel $0x88, $3  }
0x1: {  	(tag) =	ssettag $0x0;
	lr =	simm.s32 $0x1  }
0x2: {  	[smem:$0x3F9F] =	sst lr;
	_ =	strace $0xD0000000  }
0x3: {  	_ = 	snop  }
0x4: {  	_ = 	snop  }
0x5: {  	_ = 	snop  }
0x6: {  	_ = 	snop  }
0x7: {  	_ = 	snop  }
__scs_overlays_trampoline_lowered:
0x8: {  	[smem:$0x3FAE] =	sst s0  }
0x9: {  	[smem:$0x3FAF] =	sst s1  }
0xa: {  	[smem:$0x3FB0] =	sst s2  }
0xb: {  	[smem:$0x3FB1] =	sst s3  }
0xc: {  	[smem:$0x3FB2] =	sst s4  }
0xd: {  	[smem:$0x3FB3] =	sst s5  }
0xe: {  	[smem:$0x3FB4] =	sst s6  }
0xf: {  	[smem:$0x3FB5] =	sst s7  }
0x10: {  	[smem:$0x3FB6] =	sst s8  }
0x11: {  	[smem:$0x3FB7] =	sst s9;
	s0 =	simm.s32 @!p0 $0x0  }
0x12: {  	s1 =	sld [smem:$0x3F9D];
	s0 =	simm.s32 @p0 $0x1  }
0x13: {  	[smem:$0x3FB8] =	sst s0;
	s0 =	simm.s32 @!p1 $0x0  }
0x14: {  	s2 =	sld [smem:$0x3F9C];
	s0 =	simm.s32 @p1 $0x1  }
0x15: {  	[smem:$0x3FB9] =	sst s0;
	s0 =	simm.s32 @!p2 $0x0  }
0x16: {  	s3 =	sld [smem:$0x3FDB];
	s0 =	simm.s32 @p2 $0x1  }
0x17: {  	s4 =	simm.s32 $0x1BF5;
	[smem:$0x3FBB] =	sst s0  }
0x18: {  	s0 =	sld [smem:$0x3F9E];
	_ =	swait.ge [sflag:s4], $0x0  }
0x19: {  	s7 =	sld [smem:$0x3F9F]  }
0x1a: {  	s8 =	sadd.s32 $0xFFFFE003, lr  }
0x1b: {  	s9 =	sadd.s32 $0xFFFFFEF7, lr;
	s5 =	simm.s32 $0xFFFFFFFF;
	p2 =	slt.u32 s8, $0xFFFFF086  }
0x1c: {  	p1 =	slt.u32 s9, $0xF7A;
	s5 =	simm.s32 @!p2 $0x0  }
0x1d: {  	s5 =	simm.s32 @p1 $0x1;
	p0 =	seq.s32 s7, s2  }
0x1e: {  	s7 =	smul.u32 @!p0 $0xF7A, s2;
	p2 =	seq.s32 @!p0 s5, $0x0  }
0x1f: {  	s9 =	smul.u32 $0xF7A, s1;
	s8 =	simm.s32 @!p0 $0x1BF5;
	p2 =	por !p2, p0  }
0x20: {  	[sflag:s8] =	ssyncset.s32 @!p0 $0xFFFFF086;
	s6 =	sadd.s32 @!p0 s3, s7;
	s7 =	simm.s32 @!p0 $0x108  }
0x21: {  	s3 =	sadd.s32 s3, s9;
	s6 =	sadd.s32 @!p0 $0x88, s6;
	s7 =	simm.s32 @p2 $0x1082  }
0x22: {  	[simem:s7], [sflag:s8] =	dma.local @!p0 [hbm:s6], $0xF7A  }
0x23: {  	s9 =	sor.u32 $0xD0000000, s2;
	s6 =	simm.s32 $0x108;
	_ =	swait.ge @!p0 [sflag:s8], $0x0  }
0x24: {  	s3 =	sadd.s32 $0x88, s3;
	s6 =	simm.s32 @!p1 $0x1082;
	[sflag:s4] =	ssyncset.s32 $0xFFFFF086  }
0x25: {  	[simem:s6], [sflag:s4] =	dma.local [hbm:s3], $0xF7A  }
0x26: {  	[smem:$0x3F9F] =	sst s1;
	(tag) =	ssettag s2;
	_ =	strace s9  }
0x27: {  	s1 =	sld [smem:$0x3FAF]  }
0x28: {  	s2 =	sld [smem:$0x3FB0]  }
0x29: {  	s4 =	sld [smem:$0x3FB2]  }
0x2a: {  	p0 =	seq.s32 s5, $0x0;
	s5 =	sld [smem:$0x3FB3]  }
0x2b: {  	s6 =	sld [smem:$0x3FB4]  }
0x2c: {  	s7 =	sld [smem:$0x3FB5]  }
0x2d: {  	s3 =	simm.s32 $0x108;
	s8 =	sld [smem:$0x3FB6]  }
0x2e: {  	s3 =	simm.s32 @!p0 $0x1082;
	s9 =	sld [smem:$0x3FB7]  }
0x2f: {  	lr =	sadd.s32 s0, s3;
	s0 =	sld [smem:$0x3FAE]  }
0x30: {  	s3 =	sld [smem:$0x3FB1]  }
0x31: {  	[smem:$0x3FBA] =	sst s10  }
0x32: {  	s10 =	sld [smem:$0x3FB8];
	_ =	sdelay $0x3  }
0x33: {  	p0 =	seq.s32 s10, $0x1;
	s10 =	sld [smem:$0x3FBA];
	_ =	sdelay $0x3  }
0x34: {  	[smem:$0x3FBA] =	sst s10  }
0x35: {  	s10 =	sld [smem:$0x3FB9];
	_ =	sdelay $0x3  }
0x36: {  	p1 =	seq.s32 s10, $0x1;
	s10 =	sld [smem:$0x3FBA];
	_ =	sdelay $0x3  }
0x37: {  	[smem:$0x3FBA] =	sst s10  }
0x38: {  	s10 =	sld [smem:$0x3FBB]  }
0x39: {  	_ = 	snop;
	(pc) =	sbr.ind lr, $3  }
0x3a: {  	_ = 	snop  }
0x3b: {  	_ = 	snop  }
0x3c: {  	p2 =	seq.s32 s10, $0x1;
	s10 =	sld [smem:$0x3FBA]  }
0x3d: {  	_ =	shalt  }
0x3e: {  	_ =	shalt  }
0x3f: {  	_ =	shalt  }
0x40: {  	_ =	shalt  }
0x41: {  	_ =	shalt  }
0x42: {  	_ =	shalt  }
0x43: {  	_ =	shalt  }
0x44: {  	_ =	shalt  }
0x45: {  	_ =	shalt  }
0x46: {  	_ =	shalt  }
0x47: {  	_ =	shalt  }
0x48: {  	_ =	shalt  }
0x49: {  	_ =	shalt  }
0x4a: {  	_ =	shalt  }
0x4b: {  	_ =	shalt  }
0x4c: {  	_ =	shalt  }
0x4d: {  	_ =	shalt  }
0x4e: {  	_ =	shalt  }
0x4f: {  	_ =	shalt  }
0x50: {  	_ =	shalt  }
0x51: {  	_ =	shalt  }
0x52: {  	_ =	shalt  }
0x53: {  	_ =	shalt  }
0x54: {  	_ =	shalt  }
0x55: {  	_ =	shalt  }
0x56: {  	_ =	shalt  }
0x57: {  	_ =	shalt  }
0x58: {  	_ =	shalt  }
0x59: {  	_ =	shalt  }
0x5a: {  	_ =	shalt  }
0x5b: {  	_ =	shalt  }
0x5c: {  	_ =	shalt  }
0x5d: {  	_ =	shalt  }
0x5e: {  	_ =	shalt  }
0x5f: {  	_ =	shalt  }
0x60: {  	_ =	shalt  }
0x61: {  	_ =	shalt  }
0x62: {  	_ =	shalt  }
0x63: {  	_ =	shalt  }
0x64: {  	_ =	shalt  }
0x65: {  	_ =	shalt  }
0x66: {  	_ =	shalt  }
0x67: {  	_ =	shalt  }
0x68: {  	_ =	shalt  }
0x69: {  	_ =	shalt  }
0x6a: {  	_ =	shalt  }
0x6b: {  	_ =	shalt  }
0x6c: {  	_ =	shalt  }
0x6d: {  	_ =	shalt  }
0x6e: {  	_ =	shalt  }
0x6f: {  	_ =	shalt  }
0x70: {  	_ =	shalt  }
0x71: {  	_ =	shalt  }
0x72: {  	_ =	shalt  }
0x73: {  	_ =	shalt  }
0x74: {  	_ =	shalt  }
0x75: {  	_ =	shalt  }
0x76: {  	_ =	shalt  }
0x77: {  	_ =	shalt  }
0x78: {  	_ =	shalt  }
0x79: {  	_ =	shalt  }
0x7a: {  	_ =	shalt  }
0x7b: {  	_ =	shalt  }
0x7c: {  	_ =	shalt  }
0x7d: {  	_ =	shalt  }
0x7e: {  	_ =	shalt  }
0x7f: {  	_ =	shalt  }
0x80: {  	_ =	shalt  }
0x81: {  	_ =	shalt  }
0x82: {  	_ =	shalt  }
0x83: {  	_ =	shalt  }
0x84: {  	_ =	shalt  }
0x85: {  	_ =	shalt  }
0x86: {  	_ =	shalt  }
0x87: {  	_ =	shalt  }
.Lfunc_end0:
.L_simem_size_0:
called_computation_lowered:
.L_overlay_start_0:
0x88: {  	s2 =	sld [smem:$0x3FD9]  }
0x89: {  	s3 =	sld [smem:$0x3FFE];
	_ =	sdelay $0x1  }
0x8a: {  	s1 =	srdreg.scid  }
0x8b: {  	s0 =	sand.u32 $0x1, s1  }
0x8c: {  	s17 =	sshll.u32 s0, $0xA;
	s2 =	sadd.s32 s3, s2  }
0x8d: {  	s2 =	sadd.s32 s2, s17  }
0x8e: {  	[smem:$0x3FC6] =	sst s2  }
0x8f: {  	_ = 	snop  }
0x90: {  	s2 =	sld [smem:$0x3FC9]  }
0x91: {  	s18 =	sld [smem:$0x3FC8];
	(tm) =	ssettm $0x1  }
0x92: {  	s4 =	sld [smem:$0x3FFB];
	_ =	sdelay $0x3  }
0x93: {  	_ =	strace s4  }
0x94: {  	s4 =	sld [smem:$0x3FFC];
	_ =	sdelay $0x3  }
0x95: {  	_ =	strace s4  }
0x96: {  	s4 =	sld [smem:$0x3FFD];
	_ =	sdelay $0x3  }
0x97: {  	_ =	strace s4  }
0x98: {  	_ =	strace $0x8FFFFFFF  }
0x99: {  	s19 =	sld [smem:$0x3FDB];
	_ =	sdelay $0x1  }
0x9a: {  	s5 =	simm.s32 $_scs_section_size  }
0x9b: {  	s6 =	simm.s32 $_size__tile_overlayer_lowered;
	s7 =	simm.s32 $_tile_overlayer_lowered  }
0x9c: {  	s22 =	simm.s32 $0x1BFF;
	s21 =	sshll.u32 s7, $0x1;
	s4 =	sadd.s32 s5, s19  }
0x9d: {  	s8 =	simm.s32 $0x0;
	s20 =	sshll.u32 s6, $0x1;
	s6 =	sadd.s32 s21, s4  }
0x9e: {  	[timem:s8], [sflag:s22] =	dma.local [hbm:s6], s20  }
0x9f: {  	_ =	swait.ge [sflag:s22], s20  }
0xa0: {  	s5 =	ssub.s32 $0x0, s20;
	[sflag:s22] =	ssyncset.done $0x0  }
0xa1: {  	[sflag:s22] =	ssyncadd.s32 s5;
	_ =	sdelay $0x1  }
0xa2: {  	s23 =	simm.s32 $0x1B8B  }
0xa3: {  	_ =	swait.ge [sflag:s23], $0x1  }
0xa4: {  	[sflag:s23] =	ssyncset.done $0x0  }
0xa5: {  	s25 =	simm.s32 $0x1B8E;
	s24 =	sld [smem:$0x3FFE];
	[sflag:s23] =	ssyncadd.s32 $0xFFFFFFFF  }
0xa6: {  	s26 =	simm.s32 $execute0_lowered;
	[smem:$0x3FD2] =	sst s25  }
0xa7: {  	s6 =	sshll.u32 s26, $0x1;
	_ =	strace $0x80000046;
	[dreg:$0x1] =	wrdreg $0xFFFFFFFF  }
0xa8: {  	s28 =	simm.s32 $_size_execute0_lowered;
	s4 =	sadd.s32 s4, s6;
	[dreg:$0x0] =	wrdreg $0x0  }
0xa9: {  	s6 =	sshll.u32 s28, $0x1;
	[dreg:$0x2] =	wrdreg s4  }
0xaa: {  	[dreg:$0x3] =	wrdreg s6  }
0xab: {  	[dreg:$0x4] =	wrdreg $0xC0  }
0xac: {  	_ =	task [dreg:s8], $0x5FFFF  }
0xad: {  	[dreg:$0x1] =	wrdreg $0xFFFFFFFF  }
0xae: {  	[dreg:$0x0] =	wrdreg $0x60  }
0xaf: {  	[dreg:$0x2] =	wrdreg s2  }
0xb0: {  	[dreg:$0x3] =	wrdreg s18  }
0xb1: {  	[dreg:$0x4] =	wrdreg s24  }
0xb2: {  	[dreg:$0x5] =	wrdreg $0x9  }
0xb3: {  	_ =	task.clear_ibuf [dreg:s8], $0x6FFFF;
	_ =	strace $0x90000046  }
0xb4: {  	s29 =	simm.s32 $0x9;
	_ =	strace $0x80000048  }
0xb5: {  	_ =	swait.ge [sflag:s29], $0x1  }
0xb6: {  	[sflag:s29] =	ssyncadd.s32 $0xFFFFFFFF  }
0xb7: {  	_ =	strace $0x90000048  }
0xb8: {  	_ =	sfence  }
0xb9: {  	s30 =	sld [smem:$0x0];
	_ =	sdelay $0x2  }
0xba: {  	s31 =	sshll.u32 s1, $0xD;
	s1 =	sshrl.u32 s1, $0x2  }
0xbb: {  	s3 =	sand.u32 $0x4000, s31;
	s1 =	sadd.s32 s1, s30  }
0xbc: {  	s0 =	sor.u32 s3, s0;
	s1 =	sshll.u32 s1, $0x11  }
0xbd: {  	s0 =	sor.u32 s1, s0  }
0xbe: {  	s0 =	sadd.s32 $0x8F2B, s0  }
0xbf: {  	[sflag:s0] =	ssyncadd.remote.s32 $0x1  }
0xc0: {  	_ =	sfence.sel $0xFFFF  }
0xc1: {  	[dreg:$0x0] =	wrdreg $0xFFFFFFFF;
	(pc) =	sbr.abs _section_cstart, $3  }
0xc2: {  	[dreg:$0x1] =	wrdreg $0xFFFFFFFF  }
0xc3: {  	_ =	task.clear_ibuf [dreg:s8], $0x2FFFF;
	_ =	strace $0x9FFFFFFF  }
0xc4: {  	(tm) =	ssettm $0x7FFFFFFF  }
0xc5: {  	_ =	shalt  }
tec
execute0_lowered:
.L_overlay_start_1:
0x0: {  	(tag) =	ssettag $0x1  }
0x1: {  	s0 =	stileid.u32;
	s7 =	rddreg [dreg:$0x0]  }
0x2: {  	s1 =	srdreg.scid;
	s10 =	rddreg [dreg:$0x1]  }
0x3: {  	s5 =	rddreg [dreg:$0x2];
	s2 =	sshll.u32 s0, $0x1;
	s3 =	sand.u32 $0x1, s1  }
0x4: {  	s1 =	rddreg [dreg:$0x3];
	s8 =	sshrl.u32 s0, $0x2;
	s13 =	sand.u32 $0x6, s2  }
0x5: {  	s2 =	simm.s32 $0x0;
	s9 =	smul.u32 $0x6C000, s8;
	s4 =	sor.u32 s3, s13  }
0x6: {  	s12 =	sadd.s32 $0x600, s5;
	[smem:$0x7FF] =	sst s2;
	s6 =	smul.u32 $0x48, s4  }
0x7: {  	s3 =	ssub.s32 $0x2, s3;
	_ =	strace $0x80000047;
	s11 =	smul.u32 $0xD800, s4  }
0x8: {  	s16 =	sshrl.u32 s3, $0x1;
	s17 =	sadd.s32 $0x3450000, s9;
	s14 =	sadd.s32 $0x18, s6  }
0x9: {  	s6 =	sshrl.u32 s6, $0x3;
	s18 =	sadd.s32 s17, s11;
	s22 =	sshrl.u32 s11, $0x3  }
0xa: {  	s23 =	sadd.s32 s9, s11;
	s15 =	sshrl.u32 s14, $0x3;
	s6 =	smul.u32 $0x1800, s6  }
0xb: {  	s19 =	sshrl.u32 s18, $0x3;
	s5 =	sadd.s32 s10, s22;
	s25 =	sshrl.u32 s23, $0x3  }
0xc: {  	s18 =	simm.s32 $0x2;
	s22 =	simm.s32 $0x6;
	s23 =	simm.s32 $0x0  }
0xd: {  	s13 =	smul.u32 $0x1800, s15;
	s15 =	ssub.s32 s3, s16;
	s3 =	sadd.s32 s7, s19  }
0xe: {  	s16 =	simm.s32 $0x1;
	s19 =	simm.s32 $0x3;
	s21 =	sadd.s32 $0x9000, s6  }
0xf: {  	s6 =	sadd.s32 s12, s25;
	s14 =	sadd.s32 s17, s13;
	s24 =	sadd.s32 s17, s21  }
0x10: {  	s28 =	sshrl.u32 s13, $0x3;
	s29 =	sadd.s32 s9, s13;
	s9 =	sadd.s32 s9, s21  }
0x11: {  	s30 =	sshrl.u32 s21, $0x3;
	s13 =	simm.s32 $0x4800;
	s17 =	simm.s32 $0x9000  }
0x12: {  	s21 =	simm.s32 $0x5;
	s20 =	sshrl.u32 s14, $0x3;
	s26 =	sshrl.u32 s24, $0x3  }
0x13: {  	s8 =	sadd.s32 s10, s28;
	s11 =	sshrl.u32 s29, $0x3;
	s31 =	sshrl.u32 s9, $0x3  }
0x14: {  	s10 =	sadd.s32 s10, s30;
	s14 =	simm.s32 $0xD800;
	s4 =	sadd.s32 s7, s20  }
0x15: {  	s7 =	sadd.s32 s7, s26;
	s9 =	sadd.s32 s12, s11;
	s11 =	sadd.s32 s12, s31  }
0x16: {  	s12 =	smax.u32 s15, $0x1;
	s15 =	simm.s32 $0x7;
	s20 =	simm.s32 $0x4  }
.LBB2_1:
0x17: {  	[tilespmem:s2], [sflag:$0x1] =	stream.linear.gather [hbm4b:s3+s2], $0x4800, $0x38;
	[tilespmem:$0x12000] =	vst v63  }
0x18: {  	_ = 	snop  }
0x19: {  	[tilespmem:s13], [sflag:$0x2] =	stream.linear.gather [hbm4b:s4+s2], $0x4800, $0x38;
	[tilespmem:$0x12000] =	vst v63  }
0x1a: {  	_ = 	snop  }
0x1b: {  	[tilespmem:s14], [sflag:$0x7] =	stream.linear.gather [hbm4b:s5+s2], $0x4800, $0x38;
	[tilespmem:$0x12000] =	vst v63  }
0x1c: {  	_ =	swait.ge [sflag:s15], $0x4800  }
0x1d: {  	[sflag:s15] =	ssyncset.done $0x0  }
0x1e: {  	s24 =	simm.s32 $0x0;
	[sflag:s15] =	ssyncadd.s32 $0xFFFFB800  }
0x1f: {  	s24 =	smul.u32 $0x1800, s24;
	_ =	swait.ge [sflag:s16], $0x4800  }
0x20: {  	s25 =	sand.u32 $0x380, s2;
	[sflag:s16] =	ssyncset.done $0x0  }
0x21: {  	s24 =	sor.u32 s25, s24;
	[sflag:s16] =	ssyncadd.s32 $0xFFFFB800  }
0x22: {  	v0 =	vld [tilespmem:s24+$0x1470]  }
0x23: {  	v1 =	vld [tilespmem:s24+$0xEC70]  }
0x24: {  	v2 =	vld [tilespmem:s24+$0x0]  }
0x25: {  	v3 =	vld [tilespmem:s24+$0xD800]  }
0x26: {  	v4 =	vld [tilespmem:s24+$0x10]  }
0x27: {  	v5 =	vld [tilespmem:s24+$0xD810]  }
0x28: {  	v6 =	vld [tilespmem:s24+$0x20]  }
0x29: {  	v7 =	vld [tilespmem:s24+$0x30];
	v0 =	vadd.f32 v1, v0  }
0x2a: {  	v1 =	vld [tilespmem:s24+$0xD820]  }
0x2b: {  	v2 =	vadd.f32 v3, v2;
	[tilespmem:s24+$0x1470] =	vst v0;
	v0 =	vld [tilespmem:s24+$0xD830]  }
0x2c: {  	v3 =	vld [tilespmem:s24+$0x40]  }
0x2d: {  	[tilespmem:s24+$0x0] =	vst v2;
	v2 =	vadd.f32 v5, v4;
	v4 =	vld [tilespmem:s24+$0xD840]  }
0x2e: {  	v5 =	vld [tilespmem:s24+$0xD850]  }
0x2f: {  	[tilespmem:s24+$0x10] =	vst v2;
	v2 =	vld [tilespmem:s24+$0x50];
	v1 =	vadd.f32 v1, v6  }
0x30: {  	v6 =	vld [tilespmem:s24+$0xD860];
	v0 =	vadd.f32 v0, v7  }
0x31: {  	[tilespmem:s24+$0x20] =	vst v1;
	v1 =	vld [tilespmem:s24+$0x60]  }
0x32: {  	[tilespmem:s24+$0x30] =	vst v0;
	v0 =	vadd.f32 v4, v3;
	v3 =	vld [tilespmem:s24+$0x70]  }
0x33: {  	v4 =	vld [tilespmem:s24+$0xD870]  }
0x34: {  	[tilespmem:s24+$0x40] =	vst v0;
	v0 =	vadd.f32 v5, v2;
	v2 =	vld [tilespmem:s24+$0x400]  }
0x35: {  	v5 =	vld [tilespmem:s24+$0xDC00]  }
0x36: {  	[tilespmem:s24+$0x50] =	vst v0;
	v0 =	vadd.f32 v6, v1;
	v1 =	vld [tilespmem:s24+$0x410]  }
0x37: {  	v6 =	vld [tilespmem:s24+$0xDC10]  }
0x38: {  	[tilespmem:s24+$0x60] =	vst v0;
	v0 =	vadd.f32 v4, v3;
	v3 =	vld [tilespmem:s24+$0x420]  }
0x39: {  	v4 =	vld [tilespmem:s24+$0xDC20]  }
0x3a: {  	[tilespmem:s24+$0x70] =	vst v0;
	v0 =	vadd.f32 v5, v2;
	v2 =	vld [tilespmem:s24+$0x430]  }
0x3b: {  	v5 =	vld [tilespmem:s24+$0xDC30]  }
0x3c: {  	[tilespmem:s24+$0x400] =	vst v0;
	v0 =	vadd.f32 v6, v1;
	v1 =	vld [tilespmem:s24+$0x440]  }
0x3d: {  	v6 =	vld [tilespmem:s24+$0xDC40]  }
0x3e: {  	[tilespmem:s24+$0x410] =	vst v0;
	v0 =	vadd.f32 v4, v3;
	v3 =	vld [tilespmem:s24+$0x450]  }
0x3f: {  	v4 =	vld [tilespmem:s24+$0xDC50]  }
0x40: {  	[tilespmem:s24+$0x420] =	vst v0;
	v0 =	vadd.f32 v5, v2;
	v2 =	vld [tilespmem:s24+$0x460]  }
0x41: {  	v5 =	vld [tilespmem:s24+$0xDC60]  }
0x42: {  	[tilespmem:s24+$0x430] =	vst v0;
	v0 =	vadd.f32 v6, v1;
	v1 =	vld [tilespmem:s24+$0x470]  }
0x43: {  	v6 =	vld [tilespmem:s24+$0xDC70]  }
0x44: {  	[tilespmem:s24+$0x440] =	vst v0;
	v0 =	vadd.f32 v4, v3;
	v3 =	vld [tilespmem:s24+$0x800]  }
0x45: {  	v4 =	vld [tilespmem:s24+$0xE000]  }
0x46: {  	[tilespmem:s24+$0x450] =	vst v0;
	v0 =	vadd.f32 v5, v2;
	v2 =	vld [tilespmem:s24+$0x810]  }
0x47: {  	v5 =	vld [tilespmem:s24+$0xE010]  }
0x48: {  	[tilespmem:s24+$0x460] =	vst v0;
	v0 =	vadd.f32 v6, v1;
	v1 =	vld [tilespmem:s24+$0x820]  }
0x49: {  	v6 =	vld [tilespmem:s24+$0xE020]  }
0x4a: {  	[tilespmem:s24+$0x470] =	vst v0;
	v0 =	vadd.f32 v4, v3;
	v3 =	vld [tilespmem:s24+$0x830]  }
0x4b: {  	v4 =	vld [tilespmem:s24+$0xE030]  }
0x4c: {  	[tilespmem:s24+$0x800] =	vst v0;
	v0 =	vadd.f32 v5, v2;
	v2 =	vld [tilespmem:s24+$0x840]  }
0x4d: {  	v5 =	vld [tilespmem:s24+$0xE040]  }
0x4e: {  	[tilespmem:s24+$0x810] =	vst v0;
	v0 =	vadd.f32 v6, v1;
	v1 =	vld [tilespmem:s24+$0x850]  }
0x4f: {  	v6 =	vld [tilespmem:s24+$0xE050]  }
0x50: {  	[tilespmem:s24+$0x820] =	vst v0;
	v0 =	vadd.f32 v4, v3;
	v3 =	vld [tilespmem:s24+$0x860]  }
0x51: {  	v4 =	vld [tilespmem:s24+$0xE060]  }
0x52: {  	[tilespmem:s24+$0x830] =	vst v0;
	v0 =	vadd.f32 v5, v2;
	v2 =	vld [tilespmem:s24+$0x870]  }
0x53: {  	v5 =	vld [tilespmem:s24+$0xE070]  }
0x54: {  	[tilespmem:s24+$0x840] =	vst v0;
	v0 =	vadd.f32 v6, v1;
	v1 =	vld [tilespmem:s24+$0xC00]  }
0x55: {  	v6 =	vld [tilespmem:s24+$0xE400]  }
0x56: {  	[tilespmem:s24+$0x850] =	vst v0;
	v0 =	vadd.f32 v4, v3;
	v3 =	vld [tilespmem:s24+$0xC10]  }
0x57: {  	v4 =	vld [tilespmem:s24+$0xE410]  }
0x58: {  	[tilespmem:s24+$0x860] =	vst v0;
	v0 =	vadd.f32 v5, v2;
	v2 =	vld [tilespmem:s24+$0xC20]  }
0x59: {  	v5 =	vld [tilespmem:s24+$0xE420]  }
0x5a: {  	[tilespmem:s24+$0x870] =	vst v0;
	v0 =	vadd.f32 v6, v1;
	v1 =	vld [tilespmem:s24+$0xC30]  }
0x5b: {  	v6 =	vld [tilespmem:s24+$0xE430]  }
0x5c: {  	[tilespmem:s24+$0xC00] =	vst v0;
	v0 =	vadd.f32 v4, v3;
	v3 =	vld [tilespmem:s24+$0xC40]  }
0x5d: {  	v4 =	vld [tilespmem:s24+$0xE440]  }
0x5e: {  	[tilespmem:s24+$0xC10] =	vst v0;
	v0 =	vadd.f32 v5, v2;
	v2 =	vld [tilespmem:s24+$0xC50]  }
0x5f: {  	v5 =	vld [tilespmem:s24+$0xE450]  }
0x60: {  	[tilespmem:s24+$0xC20] =	vst v0;
	v0 =	vadd.f32 v6, v1;
	v1 =	vld [tilespmem:s24+$0xC60]  }
0x61: {  	v6 =	vld [tilespmem:s24+$0xE460]  }
0x62: {  	[tilespmem:s24+$0xC30] =	vst v0;
	v0 =	vadd.f32 v4, v3;
	v3 =	vld [tilespmem:s24+$0xC70]  }
0x63: {  	v4 =	vld [tilespmem:s24+$0xE470]  }
0x64: {  	[tilespmem:s24+$0xC40] =	vst v0;
	v0 =	vadd.f32 v5, v2;
	v2 =	vld [tilespmem:s24+$0x1000]  }
0x65: {  	v5 =	vld [tilespmem:s24+$0xE800]  }
0x66: {  	[tilespmem:s24+$0xC50] =	vst v0;
	v0 =	vadd.f32 v6, v1;
	v1 =	vld [tilespmem:s24+$0x1010]  }
0x67: {  	v6 =	vld [tilespmem:s24+$0xE810]  }
0x68: {  	[tilespmem:s24+$0xC60] =	vst v0;
	v0 =	vadd.f32 v4, v3;
	v3 =	vld [tilespmem:s24+$0x1020]  }
0x69: {  	v4 =	vld [tilespmem:s24+$0xE820]  }
0x6a: {  	[tilespmem:s24+$0xC70] =	vst v0;
	v0 =	vadd.f32 v5, v2;
	v2 =	vld [tilespmem:s24+$0x1030]  }
0x6b: {  	v5 =	vld [tilespmem:s24+$0xE830]  }
0x6c: {  	[tilespmem:s24+$0x1000] =	vst v0;
	v0 =	vadd.f32 v6, v1;
	v1 =	vld [tilespmem:s24+$0x1040]  }
0x6d: {  	v6 =	vld [tilespmem:s24+$0xE840]  }
0x6e: {  	[tilespmem:s24+$0x1010] =	vst v0;
	v0 =	vadd.f32 v4, v3;
	v3 =	vld [tilespmem:s24+$0x1050]  }
0x6f: {  	v4 =	vld [tilespmem:s24+$0xE850]  }
0x70: {  	[tilespmem:s24+$0x1020] =	vst v0;
	v0 =	vadd.f32 v5, v2;
	v2 =	vld [tilespmem:s24+$0x1060]  }
0x71: {  	v5 =	vld [tilespmem:s24+$0xE860]  }
0x72: {  	[tilespmem:s24+$0x1030] =	vst v0;
	v0 =	vadd.f32 v6, v1;
	v1 =	vld [tilespmem:s24+$0x1070]  }
0x73: {  	v6 =	vld [tilespmem:s24+$0xE870]  }
0x74: {  	[tilespmem:s24+$0x1040] =	vst v0;
	v0 =	vadd.f32 v4, v3;
	v3 =	vld [tilespmem:s24+$0x1400]  }
0x75: {  	v4 =	vld [tilespmem:s24+$0xEC00]  }
0x76: {  	v7 =	vld [tilespmem:s24+$0xEC20]  }
0x77: {  	[tilespmem:s24+$0x1050] =	vst v0;
	v0 =	vadd.f32 v5, v2;
	v2 =	vld [tilespmem:s24+$0x1410]  }
0x78: {  	v5 =	vld [tilespmem:s24+$0xEC10]  }
0x79: {  	[tilespmem:s24+$0x1060] =	vst v0;
	v0 =	vadd.f32 v6, v1;
	v6 =	vld [tilespmem:s24+$0x1420]  }
0x7a: {  	v1 =	vadd.f32 v4, v3;
	v3 =	vld [tilespmem:s24+$0xEC30]  }
0x7b: {  	[tilespmem:s24+$0x1070] =	vst v0;
	v0 =	vld [tilespmem:s24+$0x1430]  }
0x7c: {  	v4 =	vld [tilespmem:s24+$0xEC40]  }
0x7d: {  	[tilespmem:s24+$0x1400] =	vst v1;
	v2 =	vadd.f32 v5, v2;
	v1 =	vld [tilespmem:s24+$0x1440]  }
0x7e: {  	s31 =	simm.s32 $0x0;
	v5 =	vld [tilespmem:s24+$0xEC50];
	v6 =	vadd.f32 v7, v6  }
0x7f: {  	s26 =	simm.s32 $0x2;
	s28 =	smul.u32 $0x1800, s31;
	s25 =	simm.s32 $0x80;
	[tilespmem:s24+$0x1410] =	vst v2;
	v2 =	vld [tilespmem:s24+$0x1450]  }
.LBB2_2:
0x80: {  	p0 =	sne.s32 s26, $0x17;
	s29 =	sand.u32 $0x380, s25;
	[tilespmem:s24+$0x1420] =	vst v6;
	v0 =	vadd.f32 v3, v0;
	v3 =	vld [tilespmem:s24+$0x1460]  }
0x81: {  	s28 =	sor.u32 s29, s28;
	v6 =	vld [tilespmem:s24+$0xEC60]  }
0x82: {  	v7 =	vld [tilespmem:s28+$0x1470];
	[tilespmem:s24+$0x1430] =	vst v0;
	v0 =	vadd.f32 v4, v1  }
0x83: {  	v1 =	vld [tilespmem:s28+$0xEC70]  }
0x84: {  	v4 =	vld [tilespmem:s28+$0x0];
	[tilespmem:s24+$0x1440] =	vst v0;
	v0 =	vadd.f32 v5, v2  }
0x85: {  	v2 =	vld [tilespmem:s28+$0xD800]  }
0x86: {  	v5 =	vld [tilespmem:s28+$0x10];
	[tilespmem:s24+$0x1450] =	vst v0;
	v0 =	vadd.f32 v6, v3  }
0x87: {  	v3 =	vld [tilespmem:s28+$0xD810]  }
0x88: {  	v6 =	vld [tilespmem:s28+$0x20];
	v1 =	vadd.f32 v1, v7;
	[tilespmem:s24+$0x1460] =	vst v0;
	s24 =	smov.u32 s28  }
0x89: {  	v0 =	vld [tilespmem:s24+$0xD820]  }
0x8a: {  	v2 =	vadd.f32 v2, v4;
	v4 =	vld [tilespmem:s24+$0x30];
	[tilespmem:s24+$0x1470] =	vst v1  }
0x8b: {  	v1 =	vld [tilespmem:s24+$0xD830]  }
0x8c: {  	[tilespmem:s24+$0x0] =	vst v2;
	v2 =	vadd.f32 v3, v5;
	v3 =	vld [tilespmem:s24+$0x40]  }
0x8d: {  	v5 =	vld [tilespmem:s24+$0xD840]  }
0x8e: {  	[tilespmem:s24+$0x10] =	vst v2;
	v0 =	vadd.f32 v0, v6;
	v2 =	vld [tilespmem:s24+$0x50]  }
0x8f: {  	v6 =	vld [tilespmem:s24+$0xD850]  }
0x90: {  	[tilespmem:s24+$0x20] =	vst v0;
	v0 =	vadd.f32 v1, v4;
	v1 =	vld [tilespmem:s24+$0x60]  }
0x91: {  	v4 =	vld [tilespmem:s24+$0xD860]  }
0x92: {  	[tilespmem:s24+$0x30] =	vst v0;
	v0 =	vadd.f32 v5, v3;
	v3 =	vld [tilespmem:s24+$0x70]  }
0x93: {  	v5 =	vld [tilespmem:s24+$0xD870]  }
0x94: {  	[tilespmem:s24+$0x40] =	vst v0;
	v0 =	vadd.f32 v6, v2;
	v2 =	vld [tilespmem:s24+$0x400]  }
0x95: {  	v6 =	vld [tilespmem:s24+$0xDC00]  }
0x96: {  	[tilespmem:s24+$0x50] =	vst v0;
	v0 =	vadd.f32 v4, v1;
	v1 =	vld [tilespmem:s24+$0x410]  }
0x97: {  	v4 =	vld [tilespmem:s24+$0xDC10]  }
0x98: {  	[tilespmem:s24+$0x60] =	vst v0;
	v0 =	vadd.f32 v5, v3;
	v3 =	vld [tilespmem:s24+$0x420]  }
0x99: {  	v5 =	vld [tilespmem:s24+$0xDC20]  }
0x9a: {  	[tilespmem:s24+$0x70] =	vst v0;
	v0 =	vadd.f32 v6, v2;
	v2 =	vld [tilespmem:s24+$0x430]  }
0x9b: {  	v6 =	vld [tilespmem:s24+$0xDC30]  }
0x9c: {  	[tilespmem:s24+$0x400] =	vst v0;
	v0 =	vadd.f32 v4, v1;
	v1 =	vld [tilespmem:s24+$0x440]  }
0x9d: {  	v4 =	vld [tilespmem:s24+$0xDC40]  }
0x9e: {  	[tilespmem:s24+$0x410] =	vst v0;
	v0 =	vadd.f32 v5, v3;
	v3 =	vld [tilespmem:s24+$0x450]  }
0x9f: {  	v5 =	vld [tilespmem:s24+$0xDC50]  }
0xa0: {  	[tilespmem:s24+$0x420] =	vst v0;
	v0 =	vadd.f32 v6, v2;
	v2 =	vld [tilespmem:s24+$0x460]  }
0xa1: {  	v6 =	vld [tilespmem:s24+$0xDC60]  }
0xa2: {  	[tilespmem:s24+$0x430] =	vst v0;
	v0 =	vadd.f32 v4, v1;
	v1 =	vld [tilespmem:s24+$0x470]  }
0xa3: {  	v4 =	vld [tilespmem:s24+$0xDC70]  }
0xa4: {  	[tilespmem:s24+$0x440] =	vst v0;
	v0 =	vadd.f32 v5, v3;
	v3 =	vld [tilespmem:s24+$0x800]  }
0xa5: {  	v5 =	vld [tilespmem:s24+$0xE000]  }
0xa6: {  	[tilespmem:s24+$0x450] =	vst v0;
	v0 =	vadd.f32 v6, v2;
	v2 =	vld [tilespmem:s24+$0x810]  }
0xa7: {  	v6 =	vld [tilespmem:s24+$0xE010]  }
0xa8: {  	[tilespmem:s24+$0x460] =	vst v0;
	v0 =	vadd.f32 v4, v1;
	v1 =	vld [tilespmem:s24+$0x820]  }
0xa9: {  	v4 =	vld [tilespmem:s24+$0xE020]  }
0xaa: {  	[tilespmem:s24+$0x470] =	vst v0;
	v0 =	vadd.f32 v5, v3;
	v3 =	vld [tilespmem:s24+$0x830]  }
0xab: {  	v5 =	vld [tilespmem:s24+$0xE030]  }
0xac: {  	[tilespmem:s24+$0x800] =	vst v0;
	v0 =	vadd.f32 v6, v2;
	v2 =	vld [tilespmem:s24+$0x840]  }
0xad: {  	v6 =	vld [tilespmem:s24+$0xE040]  }
0xae: {  	[tilespmem:s24+$0x810] =	vst v0;
	v0 =	vadd.f32 v4, v1;
	v1 =	vld [tilespmem:s24+$0x850]  }
0xaf: {  	v4 =	vld [tilespmem:s24+$0xE050]  }
0xb0: {  	[tilespmem:s24+$0x820] =	vst v0;
	v0 =	vadd.f32 v5, v3;
	v3 =	vld [tilespmem:s24+$0x860]  }
0xb1: {  	v5 =	vld [tilespmem:s24+$0xE060]  }
0xb2: {  	[tilespmem:s24+$0x830] =	vst v0;
	v0 =	vadd.f32 v6, v2;
	v2 =	vld [tilespmem:s24+$0x870]  }
0xb3: {  	v6 =	vld [tilespmem:s24+$0xE070]  }
0xb4: {  	[tilespmem:s24+$0x840] =	vst v0;
	v0 =	vadd.f32 v4, v1;
	v1 =	vld [tilespmem:s24+$0xC00]  }
0xb5: {  	v4 =	vld [tilespmem:s24+$0xE400]  }
0xb6: {  	[tilespmem:s24+$0x850] =	vst v0;
	v0 =	vadd.f32 v5, v3;
	v3 =	vld [tilespmem:s24+$0xC10]  }
0xb7: {  	v5 =	vld [tilespmem:s24+$0xE410]  }
0xb8: {  	[tilespmem:s24+$0x860] =	vst v0;
	v0 =	vadd.f32 v6, v2;
	v2 =	vld [tilespmem:s24+$0xC20]  }
0xb9: {  	v6 =	vld [tilespmem:s24+$0xE420]  }
0xba: {  	[tilespmem:s24+$0x870] =	vst v0;
	v0 =	vadd.f32 v4, v1;
	v1 =	vld [tilespmem:s24+$0xC30]  }
0xbb: {  	v4 =	vld [tilespmem:s24+$0xE430]  }
0xbc: {  	[tilespmem:s24+$0xC00] =	vst v0;
	v0 =	vadd.f32 v5, v3;
	v3 =	vld [tilespmem:s24+$0xC40]  }
0xbd: {  	v5 =	vld [tilespmem:s24+$0xE440]  }
0xbe: {  	[tilespmem:s24+$0xC10] =	vst v0;
	v0 =	vadd.f32 v6, v2;
	v2 =	vld [tilespmem:s24+$0xC50]  }
0xbf: {  	v6 =	vld [tilespmem:s24+$0xE450]  }
0xc0: {  	[tilespmem:s24+$0xC20] =	vst v0;
	v0 =	vadd.f32 v4, v1;
	v1 =	vld [tilespmem:s24+$0xC60]  }
0xc1: {  	v4 =	vld [tilespmem:s24+$0xE460]  }
0xc2: {  	[tilespmem:s24+$0xC30] =	vst v0;
	v0 =	vadd.f32 v5, v3;
	v3 =	vld [tilespmem:s24+$0xC70]  }
0xc3: {  	v5 =	vld [tilespmem:s24+$0xE470]  }
0xc4: {  	[tilespmem:s24+$0xC40] =	vst v0;
	v0 =	vadd.f32 v6, v2;
	v2 =	vld [tilespmem:s24+$0x1000]  }
0xc5: {  	v6 =	vld [tilespmem:s24+$0xE800]  }
0xc6: {  	[tilespmem:s24+$0xC50] =	vst v0;
	v0 =	vadd.f32 v4, v1;
	v1 =	vld [tilespmem:s24+$0x1010]  }
0xc7: {  	v4 =	vld [tilespmem:s24+$0xE810]  }
0xc8: {  	[tilespmem:s24+$0xC60] =	vst v0;
	v0 =	vadd.f32 v5, v3;
	v3 =	vld [tilespmem:s24+$0x1020]  }
0xc9: {  	v5 =	vld [tilespmem:s24+$0xE820]  }
0xca: {  	[tilespmem:s24+$0xC70] =	vst v0;
	v0 =	vadd.f32 v6, v2;
	v2 =	vld [tilespmem:s24+$0x1030]  }
0xcb: {  	v6 =	vld [tilespmem:s24+$0xE830]  }
0xcc: {  	[tilespmem:s24+$0x1000] =	vst v0;
	v0 =	vadd.f32 v4, v1;
	v1 =	vld [tilespmem:s24+$0x1040]  }
0xcd: {  	v4 =	vld [tilespmem:s24+$0xE840]  }
0xce: {  	[tilespmem:s24+$0x1010] =	vst v0;
	v0 =	vadd.f32 v5, v3;
	v3 =	vld [tilespmem:s24+$0x1050]  }
0xcf: {  	v5 =	vld [tilespmem:s24+$0xE850]  }
0xd0: {  	[tilespmem:s24+$0x1020] =	vst v0;
	v0 =	vadd.f32 v6, v2;
	v2 =	vld [tilespmem:s24+$0x1060]  }
0xd1: {  	v6 =	vld [tilespmem:s24+$0xE860]  }
0xd2: {  	[tilespmem:s24+$0x1030] =	vst v0;
	v0 =	vadd.f32 v4, v1;
	v1 =	vld [tilespmem:s24+$0x1070]  }
0xd3: {  	v4 =	vld [tilespmem:s24+$0xE870]  }
0xd4: {  	[tilespmem:s24+$0x1040] =	vst v0;
	v0 =	vadd.f32 v5, v3;
	v3 =	vld [tilespmem:s24+$0x1400]  }
0xd5: {  	v5 =	vld [tilespmem:s24+$0xEC00]  }
0xd6: {  	[tilespmem:s24+$0x1050] =	vst v0;
	v0 =	vadd.f32 v6, v2;
	v2 =	vld [tilespmem:s24+$0x1410]  }
0xd7: {  	v6 =	vld [tilespmem:s24+$0xEC10]  }
0xd8: {  	[tilespmem:s24+$0x1060] =	vst v0;
	v0 =	vadd.f32 v4, v1;
	v7 =	vld [tilespmem:s24+$0x1420]  }
0xd9: {  	v8 =	vld [tilespmem:s24+$0xEC20]  }
0xda: {  	[tilespmem:s24+$0x1070] =	vst v0;
	v1 =	vadd.f32 v5, v3;
	v0 =	vld [tilespmem:s24+$0x1430]  }
.Ltmp0:
0xdb: {  	v3 =	vld [tilespmem:s24+$0xEC30];
	(pc) =	sbr.rel @p0 .LBB2_2-.Ltmp0, $4  }
0xdc: {  	[tilespmem:s24+$0x1400] =	vst v1;
	v2 =	vadd.f32 v6, v2;
	v1 =	vld [tilespmem:s24+$0x1440]  }
0xdd: {  	v4 =	vld [tilespmem:s24+$0xEC40]  }
0xde: {  	s28 =	sshrl.u32 s26, $0x3;
	[tilespmem:s24+$0x1410] =	vst v2;
	v6 =	vadd.f32 v8, v7;
	v2 =	vld [tilespmem:s24+$0x1450]  }
0xdf: {  	s25 =	sadd.s32 $0x80, s25;
	s26 =	sadd.s32 $0x1, s26;
	s28 =	smul.u32 $0x1800, s28;
	v5 =	vld [tilespmem:s24+$0xEC50]  }
0xe0: {  	[tilespmem:s24+$0x1420] =	vst v6;
	s25 =	sand.u32 $0x380, s25;
	v6 =	vld [tilespmem:s24+$0x1460]  }
0xe1: {  	v7 =	vld [tilespmem:s24+$0xEC60];
	s25 =	sor.u32 s25, s28  }
0xe2: {  	v8 =	vld [tilespmem:s25+$0x1470]  }
0xe3: {  	v9 =	vld [tilespmem:s25+$0xEC70]  }
0xe4: {  	v10 =	vld [tilespmem:s25+$0x0]  }
0xe5: {  	v11 =	vld [tilespmem:s25+$0xD800]  }
0xe6: {  	v12 =	vld [tilespmem:s25+$0x10]  }
0xe7: {  	v13 =	vld [tilespmem:s25+$0xD810]  }
0xe8: {  	v14 =	vld [tilespmem:s25+$0x20]  }
0xe9: {  	v15 =	vld [tilespmem:s25+$0xD820]  }
0xea: {  	v16 =	vld [tilespmem:s25+$0x30]  }
0xeb: {  	v17 =	vld [tilespmem:s25+$0xD830]  }
0xec: {  	v18 =	vld [tilespmem:s25+$0x40]  }
0xed: {  	v19 =	vld [tilespmem:s25+$0xD840]  }
0xee: {  	v20 =	vld [tilespmem:s25+$0x50]  }
0xef: {  	v21 =	vld [tilespmem:s25+$0xD850]  }
0xf0: {  	v22 =	vld [tilespmem:s25+$0x60]  }
0xf1: {  	v23 =	vld [tilespmem:s25+$0xD860]  }
0xf2: {  	v24 =	vld [tilespmem:s25+$0x70]  }
0xf3: {  	v25 =	vld [tilespmem:s25+$0xD870]  }
0xf4: {  	v26 =	vld [tilespmem:s25+$0x400]  }
0xf5: {  	v27 =	vld [tilespmem:s25+$0xDC00]  }
0xf6: {  	v28 =	vld [tilespmem:s25+$0x410]  }
0xf7: {  	v29 =	vld [tilespmem:s25+$0xDC10]  }
0xf8: {  	v30 =	vld [tilespmem:s25+$0x420]  }
0xf9: {  	v31 =	vld [tilespmem:s25+$0xDC20]  }
0xfa: {  	v32 =	vld [tilespmem:s25+$0x430]  }
0xfb: {  	v33 =	vld [tilespmem:s25+$0xDC30]  }
0xfc: {  	v34 =	vld [tilespmem:s25+$0x440]  }
0xfd: {  	v35 =	vld [tilespmem:s25+$0xDC40]  }
0xfe: {  	v36 =	vld [tilespmem:s25+$0x450]  }
0xff: {  	v37 =	vld [tilespmem:s25+$0xDC50]  }
0x100: {  	v38 =	vld [tilespmem:s25+$0x460]  }
0x101: {  	v39 =	vld [tilespmem:s25+$0xDC60]  }
0x102: {  	v40 =	vld [tilespmem:s25+$0x470]  }
0x103: {  	v41 =	vld [tilespmem:s25+$0xDC70]  }
0x104: {  	v42 =	vld [tilespmem:s25+$0x800]  }
0x105: {  	v43 =	vld [tilespmem:s25+$0xE000]  }
0x106: {  	v44 =	vld [tilespmem:s25+$0x810]  }
0x107: {  	v45 =	vld [tilespmem:s25+$0xE010]  }
0x108: {  	v46 =	vld [tilespmem:s25+$0x820]  }
0x109: {  	v47 =	vld [tilespmem:s25+$0xE020]  }
0x10a: {  	v48 =	vld [tilespmem:s25+$0x830]  }
0x10b: {  	v49 =	vld [tilespmem:s25+$0xE030]  }
0x10c: {  	v50 =	vld [tilespmem:s25+$0x840]  }
0x10d: {  	v51 =	vld [tilespmem:s25+$0xE040]  }
0x10e: {  	v52 =	vld [tilespmem:s25+$0x850]  }
0x10f: {  	v53 =	vld [tilespmem:s25+$0xE050]  }
0x110: {  	v54 =	vld [tilespmem:s25+$0x860]  }
0x111: {  	v55 =	vld [tilespmem:s25+$0xE060]  }
0x112: {  	v56 =	vld [tilespmem:s25+$0x870]  }
0x113: {  	v0 =	vadd.f32 v3, v0;
	v3 =	vld [tilespmem:s25+$0xE070]  }
0x114: {  	v1 =	vadd.f32 v4, v1;
	v4 =	vld [tilespmem:s25+$0xC00]  }
0x115: {  	[tilespmem:s24+$0x1430] =	vst v0;
	v57 =	vld [tilespmem:s25+$0xC40];
	v0 =	vadd.f32 v5, v2  }
0x116: {  	v58 =	vld [tilespmem:s25+$0xE440];
	[tilespmem:s24+$0x1440] =	vst v1;
	v1 =	vadd.f32 v7, v6  }
0x117: {  	v59 =	vld [tilespmem:s25+$0xC50];
	[tilespmem:s24+$0x1450] =	vst v0;
	v0 =	vadd.f32 v9, v8  }
0x118: {  	v60 =	vld [tilespmem:s25+$0xE450];
	[tilespmem:s24+$0x1460] =	vst v1;
	v1 =	vadd.f32 v11, v10  }
0x119: {  	v61 =	vld [tilespmem:s25+$0xC60];
	[tilespmem:s25+$0x1470] =	vst v0;
	v0 =	vadd.f32 v13, v12  }
0x11a: {  	v62 =	vld [tilespmem:s25+$0xE460];
	[tilespmem:s25+$0x0] =	vst v1;
	v1 =	vadd.f32 v15, v14  }
0x11b: {  	v63 =	vld [tilespmem:s25+$0xC70];
	[tilespmem:s25+$0x10] =	vst v0;
	v0 =	vadd.f32 v17, v16  }
0x11c: {  	v2 =	vld [tilespmem:s25+$0xE400];
	[tilespmem:s25+$0x20] =	vst v1;
	v1 =	vadd.f32 v19, v18  }
0x11d: {  	v5 =	vld [tilespmem:s25+$0xC10];
	[tilespmem:s25+$0x30] =	vst v0;
	v0 =	vadd.f32 v21, v20  }
0x11e: {  	v6 =	vld [tilespmem:s25+$0xE410];
	[tilespmem:s25+$0x40] =	vst v1;
	v1 =	vadd.f32 v23, v22  }
0x11f: {  	v7 =	vld [tilespmem:s25+$0xC20];
	[tilespmem:s25+$0x50] =	vst v0;
	v0 =	vadd.f32 v25, v24  }
0x120: {  	v8 =	vld [tilespmem:s25+$0xE420];
	[tilespmem:s25+$0x60] =	vst v1;
	v1 =	vadd.f32 v27, v26  }
0x121: {  	v9 =	vld [tilespmem:s25+$0xC30];
	[tilespmem:s25+$0x70] =	vst v0;
	v0 =	vadd.f32 v29, v28  }
0x122: {  	v10 =	vld [tilespmem:s25+$0xE430];
	[tilespmem:s25+$0x400] =	vst v1;
	v1 =	vadd.f32 v31, v30  }
0x123: {  	[tilespmem:s25+$0x410] =	vst v0;
	v0 =	vadd.f32 v33, v32;
	v33 =	vld [tilespmem:s25+$0xE470]  }
0x124: {  	[tilespmem:s25+$0x420] =	vst v1;
	v1 =	vadd.f32 v35, v34;
	v35 =	vld [tilespmem:s25+$0x1000]  }
0x125: {  	[tilespmem:s25+$0x430] =	vst v0;
	v0 =	vadd.f32 v37, v36;
	v37 =	vld [tilespmem:s25+$0xE800]  }
0x126: {  	[tilespmem:s25+$0x440] =	vst v1;
	v1 =	vadd.f32 v39, v38;
	v39 =	vld [tilespmem:s25+$0x1010]  }
0x127: {  	[tilespmem:s25+$0x450] =	vst v0;
	v0 =	vadd.f32 v41, v40;
	v41 =	vld [tilespmem:s25+$0xE810]  }
0x128: {  	[tilespmem:s25+$0x460] =	vst v1;
	v1 =	vadd.f32 v43, v42;
	v43 =	vld [tilespmem:s25+$0x1020]  }
0x129: {  	[tilespmem:s25+$0x470] =	vst v0;
	v0 =	vadd.f32 v45, v44;
	v45 =	vld [tilespmem:s25+$0xE820]  }
0x12a: {  	[tilespmem:s25+$0x800] =	vst v1;
	v1 =	vadd.f32 v47, v46;
	v47 =	vld [tilespmem:s25+$0x1030]  }
0x12b: {  	[tilespmem:s25+$0x810] =	vst v0;
	v0 =	vadd.f32 v49, v48;
	v49 =	vld [tilespmem:s25+$0xE830]  }
0x12c: {  	[tilespmem:s25+$0x820] =	vst v1;
	v1 =	vadd.f32 v51, v50;
	v51 =	vld [tilespmem:s25+$0x1040]  }
0x12d: {  	[tilespmem:s25+$0x830] =	vst v0;
	v0 =	vadd.f32 v53, v52;
	v53 =	vld [tilespmem:s25+$0xE840]  }
0x12e: {  	[tilespmem:s25+$0x840] =	vst v1;
	v1 =	vadd.f32 v55, v54;
	v55 =	vld [tilespmem:s25+$0x1050]  }
0x12f: {  	[tilespmem:s25+$0x850] =	vst v0;
	v0 =	vadd.f32 v3, v56;
	v3 =	vld [tilespmem:s25+$0xE850]  }
0x130: {  	[tilespmem:s25+$0x860] =	vst v1;
	v1 =	vadd.f32 v2, v4;
	v2 =	vld [tilespmem:s25+$0x1060]  }
0x131: {  	v4 =	vld [tilespmem:s25+$0xE860];
	[tilespmem:s25+$0x870] =	vst v0;
	v0 =	vadd.f32 v6, v5  }
0x132: {  	[tilespmem:s25+$0xC00] =	vst v1;
	v1 =	vadd.f32 v8, v7;
	v5 =	vld [tilespmem:s25+$0x1070]  }
0x133: {  	v6 =	vld [tilespmem:s25+$0xE870];
	[tilespmem:s25+$0xC10] =	vst v0;
	v0 =	vadd.f32 v10, v9  }
0x134: {  	v7 =	vld [tilespmem:s25+$0x1400];
	[tilespmem:s25+$0xC20] =	vst v1;
	v1 =	vadd.f32 v58, v57  }
0x135: {  	v8 =	vld [tilespmem:s25+$0xEC00];
	[tilespmem:s25+$0xC30] =	vst v0;
	v0 =	vadd.f32 v60, v59  }
0x136: {  	v57 =	vld [tilespmem:s25+$0x1410];
	[tilespmem:s25+$0xC40] =	vst v1;
	v1 =	vadd.f32 v62, v61  }
0x137: {  	v58 =	vld [tilespmem:s25+$0xEC10];
	[tilespmem:s25+$0xC50] =	vst v0;
	v0 =	vadd.f32 v33, v63  }
0x138: {  	v59 =	vld [tilespmem:s25+$0x1420];
	[tilespmem:s25+$0xC60] =	vst v1;
	v1 =	vadd.f32 v37, v35  }
0x139: {  	v60 =	vld [tilespmem:s25+$0xEC20];
	[tilespmem:s25+$0xC70] =	vst v0;
	v0 =	vadd.f32 v41, v39  }
0x13a: {  	v61 =	vld [tilespmem:s25+$0x1430];
	[tilespmem:s25+$0x1000] =	vst v1;
	v1 =	vadd.f32 v45, v43  }
0x13b: {  	v62 =	vld [tilespmem:s25+$0xEC30];
	[tilespmem:s25+$0x1010] =	vst v0;
	v0 =	vadd.f32 v49, v47  }
0x13c: {  	v63 =	vld [tilespmem:s25+$0x1440];
	[tilespmem:s25+$0x1020] =	vst v1;
	v1 =	vadd.f32 v53, v51  }
0x13d: {  	[tilespmem:s25+$0x1030] =	vst v0;
	v0 =	vadd.f32 v3, v55;
	v3 =	vld [tilespmem:s25+$0xEC40]  }
0x13e: {  	[tilespmem:s25+$0x1040] =	vst v1;
	v1 =	vadd.f32 v4, v2;
	v2 =	vld [tilespmem:s25+$0x1450]  }
0x13f: {  	v4 =	vld [tilespmem:s25+$0xEC50];
	[tilespmem:s25+$0x1050] =	vst v0;
	v0 =	vadd.f32 v6, v5  }
0x140: {  	[tilespmem:s25+$0x1060] =	vst v1;
	v1 =	vadd.f32 v8, v7;
	v5 =	vld [tilespmem:s25+$0x1460]  }
0x141: {  	v6 =	vld [tilespmem:s25+$0xEC60];
	[tilespmem:s25+$0x1070] =	vst v0;
	v0 =	vadd.f32 v58, v57  }
0x142: {  	[tilespmem:s25+$0x1400] =	vst v1;
	v1 =	vadd.f32 v60, v59  }
0x143: {  	[tilespmem:s25+$0x1410] =	vst v0;
	v0 =	vadd.f32 v62, v61  }
0x144: {  	[tilespmem:s25+$0x1420] =	vst v1;
	v1 =	vadd.f32 v3, v63  }
0x145: {  	[tilespmem:s25+$0x1430] =	vst v0;
	v0 =	vadd.f32 v4, v2  }
0x146: {  	[tilespmem:s25+$0x1440] =	vst v1;
	v1 =	vadd.f32 v6, v5  }
0x147: {  	[tilespmem:s25+$0x1450] =	vst v0  }
0x148: {  	s29 =	simm.s32 $0x0;
	[tilespmem:s25+$0x1460] =	vst v1  }
0x149: {  	[hbm4b:s6+s29] =	stream.linear.scatter [tilespmem:s29], [sflag:$0x4], $0x4800, $0x38;
	[tilespmem:$0x12000] =	vst v63  }
0x14a: {  	_ = 	snop  }
0x14b: {  	[tilespmem:s17], [sflag:$0x3] =	stream.linear.gather [hbm4b:s7+s29], $0x4800, $0x38;
	[tilespmem:$0x12000] =	vst v63  }
0x14c: {  	_ = 	snop  }
0x14d: {  	[tilespmem:s14], [sflag:$0x7] =	stream.linear.gather [hbm4b:s8+s29], $0x4800, $0x38;
	[tilespmem:$0x12000] =	vst v63  }
0x14e: {  	_ =	swait.ge [sflag:s15], $0x4800  }
0x14f: {  	[sflag:s15] =	ssyncset.done $0x0  }
0x150: {  	s30 =	simm.s32 $0x0;
	[sflag:s15] =	ssyncadd.s32 $0xFFFFB800  }
0x151: {  	s25 =	smul.u32 $0x1800, s30;
	_ =	swait.ge [sflag:s18], $0x4800  }
0x152: {  	s24 =	sand.u32 $0x380, s29;
	[sflag:s18] =	ssyncset.done $0x0  }
0x153: {  	s24 =	sor.u32 s24, s25;
	[sflag:s18] =	ssyncadd.s32 $0xFFFFB800  }
0x154: {  	v0 =	vld [tilespmem:s24+$0x5C70]  }
0x155: {  	v1 =	vld [tilespmem:s24+$0xEC70]  }
0x156: {  	v2 =	vld [tilespmem:s24+$0x4800]  }
0x157: {  	v3 =	vld [tilespmem:s24+$0xD800]  }
0x158: {  	v4 =	vld [tilespmem:s24+$0x4810]  }
0x159: {  	v5 =	vld [tilespmem:s24+$0xD810]  }
0x15a: {  	v6 =	vld [tilespmem:s24+$0x4820]  }
0x15b: {  	v7 =	vld [tilespmem:s24+$0x4830];
	v0 =	vadd.f32 v1, v0  }
0x15c: {  	v1 =	vld [tilespmem:s24+$0xD820]  }
0x15d: {  	v2 =	vadd.f32 v3, v2;
	[tilespmem:s24+$0x5C70] =	vst v0;
	v0 =	vld [tilespmem:s24+$0xD830]  }
0x15e: {  	v3 =	vld [tilespmem:s24+$0x4840]  }
0x15f: {  	[tilespmem:s24+$0x4800] =	vst v2;
	v2 =	vadd.f32 v5, v4;
	v4 =	vld [tilespmem:s24+$0xD840]  }
0x160: {  	v5 =	vld [tilespmem:s24+$0xD850]  }
0x161: {  	[tilespmem:s24+$0x4810] =	vst v2;
	v2 =	vld [tilespmem:s24+$0x4850];
	v1 =	vadd.f32 v1, v6  }
0x162: {  	v6 =	vld [tilespmem:s24+$0xD860];
	v0 =	vadd.f32 v0, v7  }
0x163: {  	[tilespmem:s24+$0x4820] =	vst v1;
	v1 =	vld [tilespmem:s24+$0x4860]  }
0x164: {  	[tilespmem:s24+$0x4830] =	vst v0;
	v0 =	vadd.f32 v4, v3;
	v3 =	vld [tilespmem:s24+$0x4870]  }
0x165: {  	v4 =	vld [tilespmem:s24+$0xD870]  }
0x166: {  	[tilespmem:s24+$0x4840] =	vst v0;
	v0 =	vadd.f32 v5, v2;
	v2 =	vld [tilespmem:s24+$0x4C00]  }
0x167: {  	v5 =	vld [tilespmem:s24+$0xDC00]  }
0x168: {  	[tilespmem:s24+$0x4850] =	vst v0;
	v0 =	vadd.f32 v6, v1;
	v1 =	vld [tilespmem:s24+$0x4C10]  }
0x169: {  	v6 =	vld [tilespmem:s24+$0xDC10]  }
0x16a: {  	[tilespmem:s24+$0x4860] =	vst v0;
	v0 =	vadd.f32 v4, v3;
	v3 =	vld [tilespmem:s24+$0x4C20]  }
0x16b: {  	v4 =	vld [tilespmem:s24+$0xDC20]  }
0x16c: {  	[tilespmem:s24+$0x4870] =	vst v0;
	v0 =	vadd.f32 v5, v2;
	v2 =	vld [tilespmem:s24+$0x4C30]  }
0x16d: {  	v5 =	vld [tilespmem:s24+$0xDC30]  }
0x16e: {  	[tilespmem:s24+$0x4C00] =	vst v0;
	v0 =	vadd.f32 v6, v1;
	v1 =	vld [tilespmem:s24+$0x4C40]  }
0x16f: {  	v6 =	vld [tilespmem:s24+$0xDC40]  }
0x170: {  	[tilespmem:s24+$0x4C10] =	vst v0;
	v0 =	vadd.f32 v4, v3;
	v3 =	vld [tilespmem:s24+$0x4C50]  }
0x171: {  	v4 =	vld [tilespmem:s24+$0xDC50]  }
0x172: {  	[tilespmem:s24+$0x4C20] =	vst v0;
	v0 =	vadd.f32 v5, v2;
	v2 =	vld [tilespmem:s24+$0x4C60]  }
0x173: {  	v5 =	vld [tilespmem:s24+$0xDC60]  }
0x174: {  	[tilespmem:s24+$0x4C30] =	vst v0;
	v0 =	vadd.f32 v6, v1;
	v1 =	vld [tilespmem:s24+$0x4C70]  }
0x175: {  	v6 =	vld [tilespmem:s24+$0xDC70]  }
0x176: {  	[tilespmem:s24+$0x4C40] =	vst v0;
	v0 =	vadd.f32 v4, v3;
	v3 =	vld [tilespmem:s24+$0x5000]  }
0x177: {  	v4 =	vld [tilespmem:s24+$0xE000]  }
0x178: {  	[tilespmem:s24+$0x4C50] =	vst v0;
	v0 =	vadd.f32 v5, v2;
	v2 =	vld [tilespmem:s24+$0x5010]  }
0x179: {  	v5 =	vld [tilespmem:s24+$0xE010]  }
0x17a: {  	[tilespmem:s24+$0x4C60] =	vst v0;
	v0 =	vadd.f32 v6, v1;
	v1 =	vld [tilespmem:s24+$0x5020]  }
0x17b: {  	v6 =	vld [tilespmem:s24+$0xE020]  }
0x17c: {  	[tilespmem:s24+$0x4C70] =	vst v0;
	v0 =	vadd.f32 v4, v3;
	v3 =	vld [tilespmem:s24+$0x5030]  }
0x17d: {  	v4 =	vld [tilespmem:s24+$0xE030]  }
0x17e: {  	[tilespmem:s24+$0x5000] =	vst v0;
	v0 =	vadd.f32 v5, v2;
	v2 =	vld [tilespmem:s24+$0x5040]  }
0x17f: {  	v5 =	vld [tilespmem:s24+$0xE040]  }
0x180: {  	[tilespmem:s24+$0x5010] =	vst v0;
	v0 =	vadd.f32 v6, v1;
	v1 =	vld [tilespmem:s24+$0x5050]  }
0x181: {  	v6 =	vld [tilespmem:s24+$0xE050]  }
0x182: {  	[tilespmem:s24+$0x5020] =	vst v0;
	v0 =	vadd.f32 v4, v3;
	v3 =	vld [tilespmem:s24+$0x5060]  }
0x183: {  	v4 =	vld [tilespmem:s24+$0xE060]  }
0x184: {  	[tilespmem:s24+$0x5030] =	vst v0;
	v0 =	vadd.f32 v5, v2;
	v2 =	vld [tilespmem:s24+$0x5070]  }
0x185: {  	v5 =	vld [tilespmem:s24+$0xE070]  }
0x186: {  	[tilespmem:s24+$0x5040] =	vst v0;
	v0 =	vadd.f32 v6, v1;
	v1 =	vld [tilespmem:s24+$0x5400]  }
0x187: {  	v6 =	vld [tilespmem:s24+$0xE400]  }
0x188: {  	[tilespmem:s24+$0x5050] =	vst v0;
	v0 =	vadd.f32 v4, v3;
	v3 =	vld [tilespmem:s24+$0x5410]  }
0x189: {  	v4 =	vld [tilespmem:s24+$0xE410]  }
0x18a: {  	[tilespmem:s24+$0x5060] =	vst v0;
	v0 =	vadd.f32 v5, v2;
	v2 =	vld [tilespmem:s24+$0x5420]  }
0x18b: {  	v5 =	vld [tilespmem:s24+$0xE420]  }
0x18c: {  	[tilespmem:s24+$0x5070] =	vst v0;
	v0 =	vadd.f32 v6, v1;
	v1 =	vld [tilespmem:s24+$0x5430]  }
0x18d: {  	v6 =	vld [tilespmem:s24+$0xE430]  }
0x18e: {  	[tilespmem:s24+$0x5400] =	vst v0;
	v0 =	vadd.f32 v4, v3;
	v3 =	vld [tilespmem:s24+$0x5440]  }
0x18f: {  	v4 =	vld [tilespmem:s24+$0xE440]  }
0x190: {  	[tilespmem:s24+$0x5410] =	vst v0;
	v0 =	vadd.f32 v5, v2;
	v2 =	vld [tilespmem:s24+$0x5450]  }
0x191: {  	v5 =	vld [tilespmem:s24+$0xE450]  }
0x192: {  	[tilespmem:s24+$0x5420] =	vst v0;
	v0 =	vadd.f32 v6, v1;
	v1 =	vld [tilespmem:s24+$0x5460]  }
0x193: {  	v6 =	vld [tilespmem:s24+$0xE460]  }
0x194: {  	[tilespmem:s24+$0x5430] =	vst v0;
	v0 =	vadd.f32 v4, v3;
	v3 =	vld [tilespmem:s24+$0x5470]  }
0x195: {  	v4 =	vld [tilespmem:s24+$0xE470]  }
0x196: {  	[tilespmem:s24+$0x5440] =	vst v0;
	v0 =	vadd.f32 v5, v2;
	v2 =	vld [tilespmem:s24+$0x5800]  }
0x197: {  	v5 =	vld [tilespmem:s24+$0xE800]  }
0x198: {  	[tilespmem:s24+$0x5450] =	vst v0;
	v0 =	vadd.f32 v6, v1;
	v1 =	vld [tilespmem:s24+$0x5810]  }
0x199: {  	v6 =	vld [tilespmem:s24+$0xE810]  }
0x19a: {  	[tilespmem:s24+$0x5460] =	vst v0;
	v0 =	vadd.f32 v4, v3;
	v3 =	vld [tilespmem:s24+$0x5820]  }
0x19b: {  	v4 =	vld [tilespmem:s24+$0xE820]  }
0x19c: {  	[tilespmem:s24+$0x5470] =	vst v0;
	v0 =	vadd.f32 v5, v2;
	v2 =	vld [tilespmem:s24+$0x5830]  }
0x19d: {  	v5 =	vld [tilespmem:s24+$0xE830]  }
0x19e: {  	[tilespmem:s24+$0x5800] =	vst v0;
	v0 =	vadd.f32 v6, v1;
	v1 =	vld [tilespmem:s24+$0x5840]  }
0x19f: {  	v6 =	vld [tilespmem:s24+$0xE840]  }
0x1a0: {  	[tilespmem:s24+$0x5810] =	vst v0;
	v0 =	vadd.f32 v4, v3;
	v3 =	vld [tilespmem:s24+$0x5850]  }
0x1a1: {  	v4 =	vld [tilespmem:s24+$0xE850]  }
0x1a2: {  	[tilespmem:s24+$0x5820] =	vst v0;
	v0 =	vadd.f32 v5, v2;
	v2 =	vld [tilespmem:s24+$0x5860]  }
0x1a3: {  	v5 =	vld [tilespmem:s24+$0xE860]  }
0x1a4: {  	[tilespmem:s24+$0x5830] =	vst v0;
	v0 =	vadd.f32 v6, v1;
	v1 =	vld [tilespmem:s24+$0x5870]  }
0x1a5: {  	v6 =	vld [tilespmem:s24+$0xE870]  }
0x1a6: {  	[tilespmem:s24+$0x5840] =	vst v0;
	v0 =	vadd.f32 v4, v3;
	v3 =	vld [tilespmem:s24+$0x5C00]  }
0x1a7: {  	v4 =	vld [tilespmem:s24+$0xEC00]  }
0x1a8: {  	v7 =	vld [tilespmem:s24+$0xEC20]  }
0x1a9: {  	[tilespmem:s24+$0x5850] =	vst v0;
	v0 =	vadd.f32 v5, v2;
	v2 =	vld [tilespmem:s24+$0x5C10]  }
0x1aa: {  	v5 =	vld [tilespmem:s24+$0xEC10]  }
0x1ab: {  	[tilespmem:s24+$0x5860] =	vst v0;
	v0 =	vadd.f32 v6, v1;
	v6 =	vld [tilespmem:s24+$0x5C20]  }
0x1ac: {  	v1 =	vadd.f32 v4, v3;
	v3 =	vld [tilespmem:s24+$0xEC30]  }
0x1ad: {  	[tilespmem:s24+$0x5870] =	vst v0;
	v0 =	vld [tilespmem:s24+$0x5C30]  }
0x1ae: {  	v4 =	vld [tilespmem:s24+$0xEC40]  }
0x1af: {  	[tilespmem:s24+$0x5C00] =	vst v1;
	v2 =	vadd.f32 v5, v2;
	v1 =	vld [tilespmem:s24+$0x5C40]  }
0x1b0: {  	s31 =	simm.s32 $0x0;
	v5 =	vld [tilespmem:s24+$0xEC50];
	v6 =	vadd.f32 v7, v6  }
0x1b1: {  	s26 =	simm.s32 $0x2;
	s28 =	smul.u32 $0x1800, s31;
	s25 =	simm.s32 $0x80;
	[tilespmem:s24+$0x5C10] =	vst v2;
	v2 =	vld [tilespmem:s24+$0x5C50]  }
.LBB2_4:
0x1b2: {  	p0 =	sne.s32 s26, $0x17;
	s29 =	sand.u32 $0x380, s25;
	[tilespmem:s24+$0x5C20] =	vst v6;
	v0 =	vadd.f32 v3, v0;
	v3 =	vld [tilespmem:s24+$0x5C60]  }
0x1b3: {  	s28 =	sor.u32 s29, s28;
	v6 =	vld [tilespmem:s24+$0xEC60]  }
0x1b4: {  	v7 =	vld [tilespmem:s28+$0x5C70];
	[tilespmem:s24+$0x5C30] =	vst v0;
	v0 =	vadd.f32 v4, v1  }
0x1b5: {  	v1 =	vld [tilespmem:s28+$0xEC70]  }
0x1b6: {  	v4 =	vld [tilespmem:s28+$0x4800];
	[tilespmem:s24+$0x5C40] =	vst v0;
	v0 =	vadd.f32 v5, v2  }
0x1b7: {  	v2 =	vld [tilespmem:s28+$0xD800]  }
0x1b8: {  	v5 =	vld [tilespmem:s28+$0x4810];
	[tilespmem:s24+$0x5C50] =	vst v0;
	v0 =	vadd.f32 v6, v3  }
0x1b9: {  	v3 =	vld [tilespmem:s28+$0xD810]  }
0x1ba: {  	v6 =	vld [tilespmem:s28+$0x4820];
	v1 =	vadd.f32 v1, v7;
	[tilespmem:s24+$0x5C60] =	vst v0;
	s24 =	smov.u32 s28  }
0x1bb: {  	v0 =	vld [tilespmem:s24+$0xD820]  }
0x1bc: {  	v2 =	vadd.f32 v2, v4;
	v4 =	vld [tilespmem:s24+$0x4830];
	[tilespmem:s24+$0x5C70] =	vst v1  }
0x1bd: {  	v1 =	vld [tilespmem:s24+$0xD830]  }
0x1be: {  	[tilespmem:s24+$0x4800] =	vst v2;
	v2 =	vadd.f32 v3, v5;
	v3 =	vld [tilespmem:s24+$0x4840]  }
0x1bf: {  	v5 =	vld [tilespmem:s24+$0xD840]  }
0x1c0: {  	[tilespmem:s24+$0x4810] =	vst v2;
	v0 =	vadd.f32 v0, v6;
	v2 =	vld [tilespmem:s24+$0x4850]  }
0x1c1: {  	v6 =	vld [tilespmem:s24+$0xD850]  }
0x1c2: {  	[tilespmem:s24+$0x4820] =	vst v0;
	v0 =	vadd.f32 v1, v4;
	v1 =	vld [tilespmem:s24+$0x4860]  }
0x1c3: {  	v4 =	vld [tilespmem:s24+$0xD860]  }
0x1c4: {  	[tilespmem:s24+$0x4830] =	vst v0;
	v0 =	vadd.f32 v5, v3;
	v3 =	vld [tilespmem:s24+$0x4870]  }
0x1c5: {  	v5 =	vld [tilespmem:s24+$0xD870]  }
0x1c6: {  	[tilespmem:s24+$0x4840] =	vst v0;
	v0 =	vadd.f32 v6, v2;
	v2 =	vld [tilespmem:s24+$0x4C00]  }
0x1c7: {  	v6 =	vld [tilespmem:s24+$0xDC00]  }
0x1c8: {  	[tilespmem:s24+$0x4850] =	vst v0;
	v0 =	vadd.f32 v4, v1;
	v1 =	vld [tilespmem:s24+$0x4C10]  }
0x1c9: {  	v4 =	vld [tilespmem:s24+$0xDC10]  }
0x1ca: {  	[tilespmem:s24+$0x4860] =	vst v0;
	v0 =	vadd.f32 v5, v3;
	v3 =	vld [tilespmem:s24+$0x4C20]  }
0x1cb: {  	v5 =	vld [tilespmem:s24+$0xDC20]  }
0x1cc: {  	[tilespmem:s24+$0x4870] =	vst v0;
	v0 =	vadd.f32 v6, v2;
	v2 =	vld [tilespmem:s24+$0x4C30]  }
0x1cd: {  	v6 =	vld [tilespmem:s24+$0xDC30]  }
0x1ce: {  	[tilespmem:s24+$0x4C00] =	vst v0;
	v0 =	vadd.f32 v4, v1;
	v1 =	vld [tilespmem:s24+$0x4C40]  }
0x1cf: {  	v4 =	vld [tilespmem:s24+$0xDC40]  }
0x1d0: {  	[tilespmem:s24+$0x4C10] =	vst v0;
	v0 =	vadd.f32 v5, v3;
	v3 =	vld [tilespmem:s24+$0x4C50]  }
0x1d1: {  	v5 =	vld [tilespmem:s24+$0xDC50]  }
0x1d2: {  	[tilespmem:s24+$0x4C20] =	vst v0;
	v0 =	vadd.f32 v6, v2;
	v2 =	vld [tilespmem:s24+$0x4C60]  }
0x1d3: {  	v6 =	vld [tilespmem:s24+$0xDC60]  }
0x1d4: {  	[tilespmem:s24+$0x4C30] =	vst v0;
	v0 =	vadd.f32 v4, v1;
	v1 =	vld [tilespmem:s24+$0x4C70]  }
0x1d5: {  	v4 =	vld [tilespmem:s24+$0xDC70]  }
0x1d6: {  	[tilespmem:s24+$0x4C40] =	vst v0;
	v0 =	vadd.f32 v5, v3;
	v3 =	vld [tilespmem:s24+$0x5000]  }
0x1d7: {  	v5 =	vld [tilespmem:s24+$0xE000]  }
0x1d8: {  	[tilespmem:s24+$0x4C50] =	vst v0;
	v0 =	vadd.f32 v6, v2;
	v2 =	vld [tilespmem:s24+$0x5010]  }
0x1d9: {  	v6 =	vld [tilespmem:s24+$0xE010]  }
0x1da: {  	[tilespmem:s24+$0x4C60] =	vst v0;
	v0 =	vadd.f32 v4, v1;
	v1 =	vld [tilespmem:s24+$0x5020]  }
0x1db: {  	v4 =	vld [tilespmem:s24+$0xE020]  }
0x1dc: {  	[tilespmem:s24+$0x4C70] =	vst v0;
	v0 =	vadd.f32 v5, v3;
	v3 =	vld [tilespmem:s24+$0x5030]  }
0x1dd: {  	v5 =	vld [tilespmem:s24+$0xE030]  }
0x1de: {  	[tilespmem:s24+$0x5000] =	vst v0;
	v0 =	vadd.f32 v6, v2;
	v2 =	vld [tilespmem:s24+$0x5040]  }
0x1df: {  	v6 =	vld [tilespmem:s24+$0xE040]  }
0x1e0: {  	[tilespmem:s24+$0x5010] =	vst v0;
	v0 =	vadd.f32 v4, v1;
	v1 =	vld [tilespmem:s24+$0x5050]  }
0x1e1: {  	v4 =	vld [tilespmem:s24+$0xE050]  }
0x1e2: {  	[tilespmem:s24+$0x5020] =	vst v0;
	v0 =	vadd.f32 v5, v3;
	v3 =	vld [tilespmem:s24+$0x5060]  }
0x1e3: {  	v5 =	vld [tilespmem:s24+$0xE060]  }
0x1e4: {  	[tilespmem:s24+$0x5030] =	vst v0;
	v0 =	vadd.f32 v6, v2;
	v2 =	vld [tilespmem:s24+$0x5070]  }
0x1e5: {  	v6 =	vld [tilespmem:s24+$0xE070]  }
0x1e6: {  	[tilespmem:s24+$0x5040] =	vst v0;
	v0 =	vadd.f32 v4, v1;
	v1 =	vld [tilespmem:s24+$0x5400]  }
0x1e7: {  	v4 =	vld [tilespmem:s24+$0xE400]  }
0x1e8: {  	[tilespmem:s24+$0x5050] =	vst v0;
	v0 =	vadd.f32 v5, v3;
	v3 =	vld [tilespmem:s24+$0x5410]  }
0x1e9: {  	v5 =	vld [tilespmem:s24+$0xE410]  }
0x1ea: {  	[tilespmem:s24+$0x5060] =	vst v0;
	v0 =	vadd.f32 v6, v2;
	v2 =	vld [tilespmem:s24+$0x5420]  }
0x1eb: {  	v6 =	vld [tilespmem:s24+$0xE420]  }
0x1ec: {  	[tilespmem:s24+$0x5070] =	vst v0;
	v0 =	vadd.f32 v4, v1;
	v1 =	vld [tilespmem:s24+$0x5430]  }
0x1ed: {  	v4 =	vld [tilespmem:s24+$0xE430]  }
0x1ee: {  	[tilespmem:s24+$0x5400] =	vst v0;
	v0 =	vadd.f32 v5, v3;
	v3 =	vld [tilespmem:s24+$0x5440]  }
0x1ef: {  	v5 =	vld [tilespmem:s24+$0xE440]  }
0x1f0: {  	[tilespmem:s24+$0x5410] =	vst v0;
	v0 =	vadd.f32 v6, v2;
	v2 =	vld [tilespmem:s24+$0x5450]  }
0x1f1: {  	v6 =	vld [tilespmem:s24+$0xE450]  }
0x1f2: {  	[tilespmem:s24+$0x5420] =	vst v0;
	v0 =	vadd.f32 v4, v1;
	v1 =	vld [tilespmem:s24+$0x5460]  }
0x1f3: {  	v4 =	vld [tilespmem:s24+$0xE460]  }
0x1f4: {  	[tilespmem:s24+$0x5430] =	vst v0;
	v0 =	vadd.f32 v5, v3;
	v3 =	vld [tilespmem:s24+$0x5470]  }
0x1f5: {  	v5 =	vld [tilespmem:s24+$0xE470]  }
0x1f6: {  	[tilespmem:s24+$0x5440] =	vst v0;
	v0 =	vadd.f32 v6, v2;
	v2 =	vld [tilespmem:s24+$0x5800]  }
0x1f7: {  	v6 =	vld [tilespmem:s24+$0xE800]  }
0x1f8: {  	[tilespmem:s24+$0x5450] =	vst v0;
	v0 =	vadd.f32 v4, v1;
	v1 =	vld [tilespmem:s24+$0x5810]  }
0x1f9: {  	v4 =	vld [tilespmem:s24+$0xE810]  }
0x1fa: {  	[tilespmem:s24+$0x5460] =	vst v0;
	v0 =	vadd.f32 v5, v3;
	v3 =	vld [tilespmem:s24+$0x5820]  }
0x1fb: {  	v5 =	vld [tilespmem:s24+$0xE820]  }
0x1fc: {  	[tilespmem:s24+$0x5470] =	vst v0;
	v0 =	vadd.f32 v6, v2;
	v2 =	vld [tilespmem:s24+$0x5830]  }
0x1fd: {  	v6 =	vld [tilespmem:s24+$0xE830]  }
0x1fe: {  	[tilespmem:s24+$0x5800] =	vst v0;
	v0 =	vadd.f32 v4, v1;
	v1 =	vld [tilespmem:s24+$0x5840]  }
0x1ff: {  	v4 =	vld [tilespmem:s24+$0xE840]  }
0x200: {  	[tilespmem:s24+$0x5810] =	vst v0;
	v0 =	vadd.f32 v5, v3;
	v3 =	vld [tilespmem:s24+$0x5850]  }
0x201: {  	v5 =	vld [tilespmem:s24+$0xE850]  }
0x202: {  	[tilespmem:s24+$0x5820] =	vst v0;
	v0 =	vadd.f32 v6, v2;
	v2 =	vld [tilespmem:s24+$0x5860]  }
0x203: {  	v6 =	vld [tilespmem:s24+$0xE860]  }
0x204: {  	[tilespmem:s24+$0x5830] =	vst v0;
	v0 =	vadd.f32 v4, v1;
	v1 =	vld [tilespmem:s24+$0x5870]  }
0x205: {  	v4 =	vld [tilespmem:s24+$0xE870]  }
0x206: {  	[tilespmem:s24+$0x5840] =	vst v0;
	v0 =	vadd.f32 v5, v3;
	v3 =	vld [tilespmem:s24+$0x5C00]  }
0x207: {  	v5 =	vld [tilespmem:s24+$0xEC00]  }
0x208: {  	[tilespmem:s24+$0x5850] =	vst v0;
	v0 =	vadd.f32 v6, v2;
	v2 =	vld [tilespmem:s24+$0x5C10]  }
0x209: {  	v6 =	vld [tilespmem:s24+$0xEC10]  }
0x20a: {  	[tilespmem:s24+$0x5860] =	vst v0;
	v0 =	vadd.f32 v4, v1;
	v7 =	vld [tilespmem:s24+$0x5C20]  }
0x20b: {  	v8 =	vld [tilespmem:s24+$0xEC20]  }
0x20c: {  	[tilespmem:s24+$0x5870] =	vst v0;
	v1 =	vadd.f32 v5, v3;
	v0 =	vld [tilespmem:s24+$0x5C30]  }
.Ltmp1:
0x20d: {  	v3 =	vld [tilespmem:s24+$0xEC30];
	(pc) =	sbr.rel @p0 .LBB2_4-.Ltmp1, $4  }
0x20e: {  	[tilespmem:s24+$0x5C00] =	vst v1;
	v2 =	vadd.f32 v6, v2;
	v1 =	vld [tilespmem:s24+$0x5C40]  }
0x20f: {  	v4 =	vld [tilespmem:s24+$0xEC40]  }
0x210: {  	s28 =	sshrl.u32 s26, $0x3;
	[tilespmem:s24+$0x5C10] =	vst v2;
	v6 =	vadd.f32 v8, v7;
	v2 =	vld [tilespmem:s24+$0x5C50]  }
0x211: {  	s25 =	sadd.s32 $0x80, s25;
	s26 =	sadd.s32 $0x1, s26;
	s28 =	smul.u32 $0x1800, s28;
	v5 =	vld [tilespmem:s24+$0xEC50]  }
0x212: {  	[tilespmem:s24+$0x5C20] =	vst v6;
	s25 =	sand.u32 $0x380, s25;
	v6 =	vld [tilespmem:s24+$0x5C60]  }
0x213: {  	v7 =	vld [tilespmem:s24+$0xEC60];
	s25 =	sor.u32 s25, s28  }
0x214: {  	v8 =	vld [tilespmem:s25+$0x5C70]  }
0x215: {  	v9 =	vld [tilespmem:s25+$0xEC70]  }
0x216: {  	v10 =	vld [tilespmem:s25+$0x4800]  }
0x217: {  	v11 =	vld [tilespmem:s25+$0xD800]  }
0x218: {  	v12 =	vld [tilespmem:s25+$0x4810]  }
0x219: {  	v13 =	vld [tilespmem:s25+$0xD810]  }
0x21a: {  	v14 =	vld [tilespmem:s25+$0x4820]  }
0x21b: {  	v15 =	vld [tilespmem:s25+$0xD820]  }
0x21c: {  	v16 =	vld [tilespmem:s25+$0x4830]  }
0x21d: {  	v17 =	vld [tilespmem:s25+$0xD830]  }
0x21e: {  	v18 =	vld [tilespmem:s25+$0x4840]  }
0x21f: {  	v19 =	vld [tilespmem:s25+$0xD840]  }
0x220: {  	v20 =	vld [tilespmem:s25+$0x4850]  }
0x221: {  	v21 =	vld [tilespmem:s25+$0xD850]  }
0x222: {  	v22 =	vld [tilespmem:s25+$0x4860]  }
0x223: {  	v23 =	vld [tilespmem:s25+$0xD860]  }
0x224: {  	v24 =	vld [tilespmem:s25+$0x4870]  }
0x225: {  	v25 =	vld [tilespmem:s25+$0xD870]  }
0x226: {  	v26 =	vld [tilespmem:s25+$0x4C00]  }
0x227: {  	v27 =	vld [tilespmem:s25+$0xDC00]  }
0x228: {  	v28 =	vld [tilespmem:s25+$0x4C10]  }
0x229: {  	v29 =	vld [tilespmem:s25+$0xDC10]  }
0x22a: {  	v30 =	vld [tilespmem:s25+$0x4C20]  }
0x22b: {  	v31 =	vld [tilespmem:s25+$0xDC20]  }
0x22c: {  	v32 =	vld [tilespmem:s25+$0x4C30]  }
0x22d: {  	v33 =	vld [tilespmem:s25+$0xDC30]  }
0x22e: {  	v34 =	vld [tilespmem:s25+$0x4C40]  }
0x22f: {  	v35 =	vld [tilespmem:s25+$0xDC40]  }
0x230: {  	v36 =	vld [tilespmem:s25+$0x4C50]  }
0x231: {  	v37 =	vld [tilespmem:s25+$0xDC50]  }
0x232: {  	v38 =	vld [tilespmem:s25+$0x4C60]  }
0x233: {  	v39 =	vld [tilespmem:s25+$0xDC60]  }
0x234: {  	v40 =	vld [tilespmem:s25+$0x4C70]  }
0x235: {  	v41 =	vld [tilespmem:s25+$0xDC70]  }
0x236: {  	v42 =	vld [tilespmem:s25+$0x5000]  }
0x237: {  	v43 =	vld [tilespmem:s25+$0xE000]  }
0x238: {  	v44 =	vld [tilespmem:s25+$0x5010]  }
0x239: {  	v45 =	vld [tilespmem:s25+$0xE010]  }
0x23a: {  	v46 =	vld [tilespmem:s25+$0x5020]  }
0x23b: {  	v47 =	vld [tilespmem:s25+$0xE020]  }
0x23c: {  	v48 =	vld [tilespmem:s25+$0x5030]  }
0x23d: {  	v49 =	vld [tilespmem:s25+$0xE030]  }
0x23e: {  	v50 =	vld [tilespmem:s25+$0x5040]  }
0x23f: {  	v51 =	vld [tilespmem:s25+$0xE040]  }
0x240: {  	v52 =	vld [tilespmem:s25+$0x5050]  }
0x241: {  	v53 =	vld [tilespmem:s25+$0xE050]  }
0x242: {  	v54 =	vld [tilespmem:s25+$0x5060]  }
0x243: {  	v55 =	vld [tilespmem:s25+$0xE060]  }
0x244: {  	v56 =	vld [tilespmem:s25+$0x5070]  }
0x245: {  	v0 =	vadd.f32 v3, v0;
	v3 =	vld [tilespmem:s25+$0xE070]  }
0x246: {  	v1 =	vadd.f32 v4, v1;
	v4 =	vld [tilespmem:s25+$0x5400]  }
0x247: {  	[tilespmem:s24+$0x5C30] =	vst v0;
	v57 =	vld [tilespmem:s25+$0x5440];
	v0 =	vadd.f32 v5, v2  }
0x248: {  	v58 =	vld [tilespmem:s25+$0xE440];
	[tilespmem:s24+$0x5C40] =	vst v1;
	v1 =	vadd.f32 v7, v6  }
0x249: {  	v59 =	vld [tilespmem:s25+$0x5450];
	[tilespmem:s24+$0x5C50] =	vst v0;
	v0 =	vadd.f32 v9, v8  }
0x24a: {  	v60 =	vld [tilespmem:s25+$0xE450];
	[tilespmem:s24+$0x5C60] =	vst v1;
	v1 =	vadd.f32 v11, v10  }
0x24b: {  	v61 =	vld [tilespmem:s25+$0x5460];
	[tilespmem:s25+$0x5C70] =	vst v0;
	v0 =	vadd.f32 v13, v12  }
0x24c: {  	v62 =	vld [tilespmem:s25+$0xE460];
	[tilespmem:s25+$0x4800] =	vst v1;
	v1 =	vadd.f32 v15, v14  }
0x24d: {  	v63 =	vld [tilespmem:s25+$0x5470];
	[tilespmem:s25+$0x4810] =	vst v0;
	v0 =	vadd.f32 v17, v16  }
0x24e: {  	v2 =	vld [tilespmem:s25+$0xE400];
	[tilespmem:s25+$0x4820] =	vst v1;
	v1 =	vadd.f32 v19, v18  }
0x24f: {  	v5 =	vld [tilespmem:s25+$0x5410];
	[tilespmem:s25+$0x4830] =	vst v0;
	v0 =	vadd.f32 v21, v20  }
0x250: {  	v6 =	vld [tilespmem:s25+$0xE410];
	[tilespmem:s25+$0x4840] =	vst v1;
	v1 =	vadd.f32 v23, v22  }
0x251: {  	v7 =	vld [tilespmem:s25+$0x5420];
	[tilespmem:s25+$0x4850] =	vst v0;
	v0 =	vadd.f32 v25, v24  }
0x252: {  	v8 =	vld [tilespmem:s25+$0xE420];
	[tilespmem:s25+$0x4860] =	vst v1;
	v1 =	vadd.f32 v27, v26  }
0x253: {  	v9 =	vld [tilespmem:s25+$0x5430];
	[tilespmem:s25+$0x4870] =	vst v0;
	v0 =	vadd.f32 v29, v28  }
0x254: {  	v10 =	vld [tilespmem:s25+$0xE430];
	[tilespmem:s25+$0x4C00] =	vst v1;
	v1 =	vadd.f32 v31, v30  }
0x255: {  	[tilespmem:s25+$0x4C10] =	vst v0;
	v0 =	vadd.f32 v33, v32;
	v33 =	vld [tilespmem:s25+$0xE470]  }
0x256: {  	[tilespmem:s25+$0x4C20] =	vst v1;
	v1 =	vadd.f32 v35, v34;
	v35 =	vld [tilespmem:s25+$0x5800]  }
0x257: {  	[tilespmem:s25+$0x4C30] =	vst v0;
	v0 =	vadd.f32 v37, v36;
	v37 =	vld [tilespmem:s25+$0xE800]  }
0x258: {  	[tilespmem:s25+$0x4C40] =	vst v1;
	v1 =	vadd.f32 v39, v38;
	v39 =	vld [tilespmem:s25+$0x5810]  }
0x259: {  	[tilespmem:s25+$0x4C50] =	vst v0;
	v0 =	vadd.f32 v41, v40;
	v41 =	vld [tilespmem:s25+$0xE810]  }
0x25a: {  	[tilespmem:s25+$0x4C60] =	vst v1;
	v1 =	vadd.f32 v43, v42;
	v43 =	vld [tilespmem:s25+$0x5820]  }
0x25b: {  	[tilespmem:s25+$0x4C70] =	vst v0;
	v0 =	vadd.f32 v45, v44;
	v45 =	vld [tilespmem:s25+$0xE820]  }
0x25c: {  	[tilespmem:s25+$0x5000] =	vst v1;
	v1 =	vadd.f32 v47, v46;
	v47 =	vld [tilespmem:s25+$0x5830]  }
0x25d: {  	[tilespmem:s25+$0x5010] =	vst v0;
	v0 =	vadd.f32 v49, v48;
	v49 =	vld [tilespmem:s25+$0xE830]  }
0x25e: {  	[tilespmem:s25+$0x5020] =	vst v1;
	v1 =	vadd.f32 v51, v50;
	v51 =	vld [tilespmem:s25+$0x5840]  }
0x25f: {  	[tilespmem:s25+$0x5030] =	vst v0;
	v0 =	vadd.f32 v53, v52;
	v53 =	vld [tilespmem:s25+$0xE840]  }
0x260: {  	[tilespmem:s25+$0x5040] =	vst v1;
	v1 =	vadd.f32 v55, v54;
	v55 =	vld [tilespmem:s25+$0x5850]  }
0x261: {  	[tilespmem:s25+$0x5050] =	vst v0;
	v0 =	vadd.f32 v3, v56;
	v3 =	vld [tilespmem:s25+$0xE850]  }
0x262: {  	[tilespmem:s25+$0x5060] =	vst v1;
	v1 =	vadd.f32 v2, v4;
	v2 =	vld [tilespmem:s25+$0x5860]  }
0x263: {  	v4 =	vld [tilespmem:s25+$0xE860];
	[tilespmem:s25+$0x5070] =	vst v0;
	v0 =	vadd.f32 v6, v5  }
0x264: {  	[tilespmem:s25+$0x5400] =	vst v1;
	v1 =	vadd.f32 v8, v7;
	v5 =	vld [tilespmem:s25+$0x5870]  }
0x265: {  	v6 =	vld [tilespmem:s25+$0xE870];
	[tilespmem:s25+$0x5410] =	vst v0;
	v0 =	vadd.f32 v10, v9  }
0x266: {  	v7 =	vld [tilespmem:s25+$0x5C00];
	[tilespmem:s25+$0x5420] =	vst v1;
	v1 =	vadd.f32 v58, v57  }
0x267: {  	v8 =	vld [tilespmem:s25+$0xEC00];
	[tilespmem:s25+$0x5430] =	vst v0;
	v0 =	vadd.f32 v60, v59  }
0x268: {  	v57 =	vld [tilespmem:s25+$0x5C10];
	[tilespmem:s25+$0x5440] =	vst v1;
	v1 =	vadd.f32 v62, v61  }
0x269: {  	v58 =	vld [tilespmem:s25+$0xEC10];
	[tilespmem:s25+$0x5450] =	vst v0;
	v0 =	vadd.f32 v33, v63  }
0x26a: {  	v59 =	vld [tilespmem:s25+$0x5C20];
	[tilespmem:s25+$0x5460] =	vst v1;
	v1 =	vadd.f32 v37, v35  }
0x26b: {  	v60 =	vld [tilespmem:s25+$0xEC20];
	[tilespmem:s25+$0x5470] =	vst v0;
	v0 =	vadd.f32 v41, v39  }
0x26c: {  	v61 =	vld [tilespmem:s25+$0x5C30];
	[tilespmem:s25+$0x5800] =	vst v1;
	v1 =	vadd.f32 v45, v43  }
0x26d: {  	v62 =	vld [tilespmem:s25+$0xEC30];
	[tilespmem:s25+$0x5810] =	vst v0;
	v0 =	vadd.f32 v49, v47  }
0x26e: {  	v63 =	vld [tilespmem:s25+$0x5C40];
	[tilespmem:s25+$0x5820] =	vst v1;
	v1 =	vadd.f32 v53, v51  }
0x26f: {  	[tilespmem:s25+$0x5830] =	vst v0;
	v0 =	vadd.f32 v3, v55;
	v3 =	vld [tilespmem:s25+$0xEC40]  }
0x270: {  	[tilespmem:s25+$0x5840] =	vst v1;
	v1 =	vadd.f32 v4, v2;
	v2 =	vld [tilespmem:s25+$0x5C50]  }
0x271: {  	v4 =	vld [tilespmem:s25+$0xEC50];
	[tilespmem:s25+$0x5850] =	vst v0;
	v0 =	vadd.f32 v6, v5  }
0x272: {  	[tilespmem:s25+$0x5860] =	vst v1;
	v1 =	vadd.f32 v8, v7;
	v5 =	vld [tilespmem:s25+$0x5C60]  }
0x273: {  	v6 =	vld [tilespmem:s25+$0xEC60];
	[tilespmem:s25+$0x5870] =	vst v0;
	v0 =	vadd.f32 v58, v57  }
0x274: {  	[tilespmem:s25+$0x5C00] =	vst v1;
	v1 =	vadd.f32 v60, v59  }
0x275: {  	[tilespmem:s25+$0x5C10] =	vst v0;
	v0 =	vadd.f32 v62, v61  }
0x276: {  	[tilespmem:s25+$0x5C20] =	vst v1;
	v1 =	vadd.f32 v3, v63  }
0x277: {  	[tilespmem:s25+$0x5C30] =	vst v0;
	v0 =	vadd.f32 v4, v2  }
0x278: {  	[tilespmem:s25+$0x5C40] =	vst v1;
	v1 =	vadd.f32 v6, v5  }
0x279: {  	[tilespmem:s25+$0x5C50] =	vst v0  }
0x27a: {  	s29 =	simm.s32 $0x0;
	[tilespmem:s25+$0x5C60] =	vst v1  }
0x27b: {  	[hbm4b:s9+s29] =	stream.linear.scatter [tilespmem:s13], [sflag:$0x5], $0x4800, $0x38;
	[tilespmem:$0x12000] =	vst v63  }
0x27c: {  	_ = 	snop  }
0x27d: {  	[tilespmem:s14], [sflag:$0x7] =	stream.linear.gather [hbm4b:s10+s29], $0x4800, $0x38;
	[tilespmem:$0x12000] =	vst v63  }
0x27e: {  	_ =	swait.ge [sflag:s15], $0x4800  }
0x27f: {  	[sflag:s15] =	ssyncset.done $0x0  }
0x280: {  	s30 =	simm.s32 $0x0;
	[sflag:s15] =	ssyncadd.s32 $0xFFFFB800  }
0x281: {  	s25 =	smul.u32 $0x1800, s30;
	_ =	swait.ge [sflag:s19], $0x4800  }
0x282: {  	s24 =	sand.u32 $0x380, s29;
	[sflag:s19] =	ssyncset.done $0x0  }
0x283: {  	s24 =	sor.u32 s24, s25;
	[sflag:s19] =	ssyncadd.s32 $0xFFFFB800  }
0x284: {  	v0 =	vld [tilespmem:s24+$0xA470]  }
0x285: {  	v1 =	vld [tilespmem:s24+$0xEC70]  }
0x286: {  	v2 =	vld [tilespmem:s24+$0x9000]  }
0x287: {  	v3 =	vld [tilespmem:s24+$0xD800]  }
0x288: {  	v4 =	vld [tilespmem:s24+$0x9010]  }
0x289: {  	v5 =	vld [tilespmem:s24+$0xD810]  }
0x28a: {  	v6 =	vld [tilespmem:s24+$0x9020]  }
0x28b: {  	v7 =	vld [tilespmem:s24+$0x9030];
	v0 =	vadd.f32 v1, v0  }
0x28c: {  	v1 =	vld [tilespmem:s24+$0xD820]  }
0x28d: {  	v2 =	vadd.f32 v3, v2;
	[tilespmem:s24+$0xA470] =	vst v0;
	v0 =	vld [tilespmem:s24+$0xD830]  }
0x28e: {  	v3 =	vld [tilespmem:s24+$0x9040]  }
0x28f: {  	[tilespmem:s24+$0x9000] =	vst v2;
	v2 =	vadd.f32 v5, v4;
	v4 =	vld [tilespmem:s24+$0xD840]  }
0x290: {  	v5 =	vld [tilespmem:s24+$0xD850]  }
0x291: {  	[tilespmem:s24+$0x9010] =	vst v2;
	v2 =	vld [tilespmem:s24+$0x9050];
	v1 =	vadd.f32 v1, v6  }
0x292: {  	v6 =	vld [tilespmem:s24+$0xD860];
	v0 =	vadd.f32 v0, v7  }
0x293: {  	[tilespmem:s24+$0x9020] =	vst v1;
	v1 =	vld [tilespmem:s24+$0x9060]  }
0x294: {  	[tilespmem:s24+$0x9030] =	vst v0;
	v0 =	vadd.f32 v4, v3;
	v3 =	vld [tilespmem:s24+$0x9070]  }
0x295: {  	v4 =	vld [tilespmem:s24+$0xD870]  }
0x296: {  	[tilespmem:s24+$0x9040] =	vst v0;
	v0 =	vadd.f32 v5, v2;
	v2 =	vld [tilespmem:s24+$0x9400]  }
0x297: {  	v5 =	vld [tilespmem:s24+$0xDC00]  }
0x298: {  	[tilespmem:s24+$0x9050] =	vst v0;
	v0 =	vadd.f32 v6, v1;
	v1 =	vld [tilespmem:s24+$0x9410]  }
0x299: {  	v6 =	vld [tilespmem:s24+$0xDC10]  }
0x29a: {  	[tilespmem:s24+$0x9060] =	vst v0;
	v0 =	vadd.f32 v4, v3;
	v3 =	vld [tilespmem:s24+$0x9420]  }
0x29b: {  	v4 =	vld [tilespmem:s24+$0xDC20]  }
0x29c: {  	[tilespmem:s24+$0x9070] =	vst v0;
	v0 =	vadd.f32 v5, v2;
	v2 =	vld [tilespmem:s24+$0x9430]  }
0x29d: {  	v5 =	vld [tilespmem:s24+$0xDC30]  }
0x29e: {  	[tilespmem:s24+$0x9400] =	vst v0;
	v0 =	vadd.f32 v6, v1;
	v1 =	vld [tilespmem:s24+$0x9440]  }
0x29f: {  	v6 =	vld [tilespmem:s24+$0xDC40]  }
0x2a0: {  	[tilespmem:s24+$0x9410] =	vst v0;
	v0 =	vadd.f32 v4, v3;
	v3 =	vld [tilespmem:s24+$0x9450]  }
0x2a1: {  	v4 =	vld [tilespmem:s24+$0xDC50]  }
0x2a2: {  	[tilespmem:s24+$0x9420] =	vst v0;
	v0 =	vadd.f32 v5, v2;
	v2 =	vld [tilespmem:s24+$0x9460]  }
0x2a3: {  	v5 =	vld [tilespmem:s24+$0xDC60]  }
0x2a4: {  	[tilespmem:s24+$0x9430] =	vst v0;
	v0 =	vadd.f32 v6, v1;
	v1 =	vld [tilespmem:s24+$0x9470]  }
0x2a5: {  	v6 =	vld [tilespmem:s24+$0xDC70]  }
0x2a6: {  	[tilespmem:s24+$0x9440] =	vst v0;
	v0 =	vadd.f32 v4, v3;
	v3 =	vld [tilespmem:s24+$0x9800]  }
0x2a7: {  	v4 =	vld [tilespmem:s24+$0xE000]  }
0x2a8: {  	[tilespmem:s24+$0x9450] =	vst v0;
	v0 =	vadd.f32 v5, v2;
	v2 =	vld [tilespmem:s24+$0x9810]  }
0x2a9: {  	v5 =	vld [tilespmem:s24+$0xE010]  }
0x2aa: {  	[tilespmem:s24+$0x9460] =	vst v0;
	v0 =	vadd.f32 v6, v1;
	v1 =	vld [tilespmem:s24+$0x9820]  }
0x2ab: {  	v6 =	vld [tilespmem:s24+$0xE020]  }
0x2ac: {  	[tilespmem:s24+$0x9470] =	vst v0;
	v0 =	vadd.f32 v4, v3;
	v3 =	vld [tilespmem:s24+$0x9830]  }
0x2ad: {  	v4 =	vld [tilespmem:s24+$0xE030]  }
0x2ae: {  	[tilespmem:s24+$0x9800] =	vst v0;
	v0 =	vadd.f32 v5, v2;
	v2 =	vld [tilespmem:s24+$0x9840]  }
0x2af: {  	v5 =	vld [tilespmem:s24+$0xE040]  }
0x2b0: {  	[tilespmem:s24+$0x9810] =	vst v0;
	v0 =	vadd.f32 v6, v1;
	v1 =	vld [tilespmem:s24+$0x9850]  }
0x2b1: {  	v6 =	vld [tilespmem:s24+$0xE050]  }
0x2b2: {  	[tilespmem:s24+$0x9820] =	vst v0;
	v0 =	vadd.f32 v4, v3;
	v3 =	vld [tilespmem:s24+$0x9860]  }
0x2b3: {  	v4 =	vld [tilespmem:s24+$0xE060]  }
0x2b4: {  	[tilespmem:s24+$0x9830] =	vst v0;
	v0 =	vadd.f32 v5, v2;
	v2 =	vld [tilespmem:s24+$0x9870]  }
0x2b5: {  	v5 =	vld [tilespmem:s24+$0xE070]  }
0x2b6: {  	[tilespmem:s24+$0x9840] =	vst v0;
	v0 =	vadd.f32 v6, v1;
	v1 =	vld [tilespmem:s24+$0x9C00]  }
0x2b7: {  	v6 =	vld [tilespmem:s24+$0xE400]  }
0x2b8: {  	[tilespmem:s24+$0x9850] =	vst v0;
	v0 =	vadd.f32 v4, v3;
	v3 =	vld [tilespmem:s24+$0x9C10]  }
0x2b9: {  	v4 =	vld [tilespmem:s24+$0xE410]  }
0x2ba: {  	[tilespmem:s24+$0x9860] =	vst v0;
	v0 =	vadd.f32 v5, v2;
	v2 =	vld [tilespmem:s24+$0x9C20]  }
0x2bb: {  	v5 =	vld [tilespmem:s24+$0xE420]  }
0x2bc: {  	[tilespmem:s24+$0x9870] =	vst v0;
	v0 =	vadd.f32 v6, v1;
	v1 =	vld [tilespmem:s24+$0x9C30]  }
0x2bd: {  	v6 =	vld [tilespmem:s24+$0xE430]  }
0x2be: {  	[tilespmem:s24+$0x9C00] =	vst v0;
	v0 =	vadd.f32 v4, v3;
	v3 =	vld [tilespmem:s24+$0x9C40]  }
0x2bf: {  	v4 =	vld [tilespmem:s24+$0xE440]  }
0x2c0: {  	[tilespmem:s24+$0x9C10] =	vst v0;
	v0 =	vadd.f32 v5, v2;
	v2 =	vld [tilespmem:s24+$0x9C50]  }
0x2c1: {  	v5 =	vld [tilespmem:s24+$0xE450]  }
0x2c2: {  	[tilespmem:s24+$0x9C20] =	vst v0;
	v0 =	vadd.f32 v6, v1;
	v1 =	vld [tilespmem:s24+$0x9C60]  }
0x2c3: {  	v6 =	vld [tilespmem:s24+$0xE460]  }
0x2c4: {  	[tilespmem:s24+$0x9C30] =	vst v0;
	v0 =	vadd.f32 v4, v3;
	v3 =	vld [tilespmem:s24+$0x9C70]  }
0x2c5: {  	v4 =	vld [tilespmem:s24+$0xE470]  }
0x2c6: {  	[tilespmem:s24+$0x9C40] =	vst v0;
	v0 =	vadd.f32 v5, v2;
	v2 =	vld [tilespmem:s24+$0xA000]  }
0x2c7: {  	v5 =	vld [tilespmem:s24+$0xE800]  }
0x2c8: {  	[tilespmem:s24+$0x9C50] =	vst v0;
	v0 =	vadd.f32 v6, v1;
	v1 =	vld [tilespmem:s24+$0xA010]  }
0x2c9: {  	v6 =	vld [tilespmem:s24+$0xE810]  }
0x2ca: {  	[tilespmem:s24+$0x9C60] =	vst v0;
	v0 =	vadd.f32 v4, v3;
	v3 =	vld [tilespmem:s24+$0xA020]  }
0x2cb: {  	v4 =	vld [tilespmem:s24+$0xE820]  }
0x2cc: {  	[tilespmem:s24+$0x9C70] =	vst v0;
	v0 =	vadd.f32 v5, v2;
	v2 =	vld [tilespmem:s24+$0xA030]  }
0x2cd: {  	v5 =	vld [tilespmem:s24+$0xE830]  }
0x2ce: {  	[tilespmem:s24+$0xA000] =	vst v0;
	v0 =	vadd.f32 v6, v1;
	v1 =	vld [tilespmem:s24+$0xA040]  }
0x2cf: {  	v6 =	vld [tilespmem:s24+$0xE840]  }
0x2d0: {  	[tilespmem:s24+$0xA010] =	vst v0;
	v0 =	vadd.f32 v4, v3;
	v3 =	vld [tilespmem:s24+$0xA050]  }
0x2d1: {  	v4 =	vld [tilespmem:s24+$0xE850]  }
0x2d2: {  	[tilespmem:s24+$0xA020] =	vst v0;
	v0 =	vadd.f32 v5, v2;
	v2 =	vld [tilespmem:s24+$0xA060]  }
0x2d3: {  	v5 =	vld [tilespmem:s24+$0xE860]  }
0x2d4: {  	[tilespmem:s24+$0xA030] =	vst v0;
	v0 =	vadd.f32 v6, v1;
	v1 =	vld [tilespmem:s24+$0xA070]  }
0x2d5: {  	v6 =	vld [tilespmem:s24+$0xE870]  }
0x2d6: {  	[tilespmem:s24+$0xA040] =	vst v0;
	v0 =	vadd.f32 v4, v3;
	v3 =	vld [tilespmem:s24+$0xA400]  }
0x2d7: {  	v4 =	vld [tilespmem:s24+$0xEC00]  }
0x2d8: {  	v7 =	vld [tilespmem:s24+$0xEC20]  }
0x2d9: {  	[tilespmem:s24+$0xA050] =	vst v0;
	v0 =	vadd.f32 v5, v2;
	v2 =	vld [tilespmem:s24+$0xA410]  }
0x2da: {  	v5 =	vld [tilespmem:s24+$0xEC10]  }
0x2db: {  	[tilespmem:s24+$0xA060] =	vst v0;
	v0 =	vadd.f32 v6, v1;
	v6 =	vld [tilespmem:s24+$0xA420]  }
0x2dc: {  	v1 =	vadd.f32 v4, v3;
	v3 =	vld [tilespmem:s24+$0xEC30]  }
0x2dd: {  	[tilespmem:s24+$0xA070] =	vst v0;
	v0 =	vld [tilespmem:s24+$0xA430]  }
0x2de: {  	v4 =	vld [tilespmem:s24+$0xEC40]  }
0x2df: {  	[tilespmem:s24+$0xA400] =	vst v1;
	v2 =	vadd.f32 v5, v2;
	v1 =	vld [tilespmem:s24+$0xA440]  }
0x2e0: {  	s31 =	simm.s32 $0x0;
	v5 =	vld [tilespmem:s24+$0xEC50];
	v6 =	vadd.f32 v7, v6  }
0x2e1: {  	s26 =	simm.s32 $0x2;
	s28 =	smul.u32 $0x1800, s31;
	s25 =	simm.s32 $0x80;
	[tilespmem:s24+$0xA410] =	vst v2;
	v2 =	vld [tilespmem:s24+$0xA450]  }
.LBB2_6:
0x2e2: {  	p0 =	sne.s32 s26, $0x17;
	s29 =	sand.u32 $0x380, s25;
	[tilespmem:s24+$0xA420] =	vst v6;
	v0 =	vadd.f32 v3, v0;
	v3 =	vld [tilespmem:s24+$0xA460]  }
0x2e3: {  	s28 =	sor.u32 s29, s28;
	v6 =	vld [tilespmem:s24+$0xEC60]  }
0x2e4: {  	v7 =	vld [tilespmem:s28+$0xA470];
	[tilespmem:s24+$0xA430] =	vst v0;
	v0 =	vadd.f32 v4, v1  }
0x2e5: {  	v1 =	vld [tilespmem:s28+$0xEC70]  }
0x2e6: {  	v4 =	vld [tilespmem:s28+$0x9000];
	[tilespmem:s24+$0xA440] =	vst v0;
	v0 =	vadd.f32 v5, v2  }
0x2e7: {  	v2 =	vld [tilespmem:s28+$0xD800]  }
0x2e8: {  	v5 =	vld [tilespmem:s28+$0x9010];
	[tilespmem:s24+$0xA450] =	vst v0;
	v0 =	vadd.f32 v6, v3  }
0x2e9: {  	v3 =	vld [tilespmem:s28+$0xD810]  }
0x2ea: {  	v6 =	vld [tilespmem:s28+$0x9020];
	v1 =	vadd.f32 v1, v7;
	[tilespmem:s24+$0xA460] =	vst v0;
	s24 =	smov.u32 s28  }
0x2eb: {  	v0 =	vld [tilespmem:s24+$0xD820]  }
0x2ec: {  	v2 =	vadd.f32 v2, v4;
	v4 =	vld [tilespmem:s24+$0x9030];
	[tilespmem:s24+$0xA470] =	vst v1  }
0x2ed: {  	v1 =	vld [tilespmem:s24+$0xD830]  }
0x2ee: {  	[tilespmem:s24+$0x9000] =	vst v2;
	v2 =	vadd.f32 v3, v5;
	v3 =	vld [tilespmem:s24+$0x9040]  }
0x2ef: {  	v5 =	vld [tilespmem:s24+$0xD840]  }
0x2f0: {  	[tilespmem:s24+$0x9010] =	vst v2;
	v0 =	vadd.f32 v0, v6;
	v2 =	vld [tilespmem:s24+$0x9050]  }
0x2f1: {  	v6 =	vld [tilespmem:s24+$0xD850]  }
0x2f2: {  	[tilespmem:s24+$0x9020] =	vst v0;
	v0 =	vadd.f32 v1, v4;
	v1 =	vld [tilespmem:s24+$0x9060]  }
0x2f3: {  	v4 =	vld [tilespmem:s24+$0xD860]  }
0x2f4: {  	[tilespmem:s24+$0x9030] =	vst v0;
	v0 =	vadd.f32 v5, v3;
	v3 =	vld [tilespmem:s24+$0x9070]  }
0x2f5: {  	v5 =	vld [tilespmem:s24+$0xD870]  }
0x2f6: {  	[tilespmem:s24+$0x9040] =	vst v0;
	v0 =	vadd.f32 v6, v2;
	v2 =	vld [tilespmem:s24+$0x9400]  }
0x2f7: {  	v6 =	vld [tilespmem:s24+$0xDC00]  }
0x2f8: {  	[tilespmem:s24+$0x9050] =	vst v0;
	v0 =	vadd.f32 v4, v1;
	v1 =	vld [tilespmem:s24+$0x9410]  }
0x2f9: {  	v4 =	vld [tilespmem:s24+$0xDC10]  }
0x2fa: {  	[tilespmem:s24+$0x9060] =	vst v0;
	v0 =	vadd.f32 v5, v3;
	v3 =	vld [tilespmem:s24+$0x9420]  }
0x2fb: {  	v5 =	vld [tilespmem:s24+$0xDC20]  }
0x2fc: {  	[tilespmem:s24+$0x9070] =	vst v0;
	v0 =	vadd.f32 v6, v2;
	v2 =	vld [tilespmem:s24+$0x9430]  }
0x2fd: {  	v6 =	vld [tilespmem:s24+$0xDC30]  }
0x2fe: {  	[tilespmem:s24+$0x9400] =	vst v0;
	v0 =	vadd.f32 v4, v1;
	v1 =	vld [tilespmem:s24+$0x9440]  }
0x2ff: {  	v4 =	vld [tilespmem:s24+$0xDC40]  }
0x300: {  	[tilespmem:s24+$0x9410] =	vst v0;
	v0 =	vadd.f32 v5, v3;
	v3 =	vld [tilespmem:s24+$0x9450]  }
0x301: {  	v5 =	vld [tilespmem:s24+$0xDC50]  }
0x302: {  	[tilespmem:s24+$0x9420] =	vst v0;
	v0 =	vadd.f32 v6, v2;
	v2 =	vld [tilespmem:s24+$0x9460]  }
0x303: {  	v6 =	vld [tilespmem:s24+$0xDC60]  }
0x304: {  	[tilespmem:s24+$0x9430] =	vst v0;
	v0 =	vadd.f32 v4, v1;
	v1 =	vld [tilespmem:s24+$0x9470]  }
0x305: {  	v4 =	vld [tilespmem:s24+$0xDC70]  }
0x306: {  	[tilespmem:s24+$0x9440] =	vst v0;
	v0 =	vadd.f32 v5, v3;
	v3 =	vld [tilespmem:s24+$0x9800]  }
0x307: {  	v5 =	vld [tilespmem:s24+$0xE000]  }
0x308: {  	[tilespmem:s24+$0x9450] =	vst v0;
	v0 =	vadd.f32 v6, v2;
	v2 =	vld [tilespmem:s24+$0x9810]  }
0x309: {  	v6 =	vld [tilespmem:s24+$0xE010]  }
0x30a: {  	[tilespmem:s24+$0x9460] =	vst v0;
	v0 =	vadd.f32 v4, v1;
	v1 =	vld [tilespmem:s24+$0x9820]  }
0x30b: {  	v4 =	vld [tilespmem:s24+$0xE020]  }
0x30c: {  	[tilespmem:s24+$0x9470] =	vst v0;
	v0 =	vadd.f32 v5, v3;
	v3 =	vld [tilespmem:s24+$0x9830]  }
0x30d: {  	v5 =	vld [tilespmem:s24+$0xE030]  }
0x30e: {  	[tilespmem:s24+$0x9800] =	vst v0;
	v0 =	vadd.f32 v6, v2;
	v2 =	vld [tilespmem:s24+$0x9840]  }
0x30f: {  	v6 =	vld [tilespmem:s24+$0xE040]  }
0x310: {  	[tilespmem:s24+$0x9810] =	vst v0;
	v0 =	vadd.f32 v4, v1;
	v1 =	vld [tilespmem:s24+$0x9850]  }
0x311: {  	v4 =	vld [tilespmem:s24+$0xE050]  }
0x312: {  	[tilespmem:s24+$0x9820] =	vst v0;
	v0 =	vadd.f32 v5, v3;
	v3 =	vld [tilespmem:s24+$0x9860]  }
0x313: {  	v5 =	vld [tilespmem:s24+$0xE060]  }
0x314: {  	[tilespmem:s24+$0x9830] =	vst v0;
	v0 =	vadd.f32 v6, v2;
	v2 =	vld [tilespmem:s24+$0x9870]  }
0x315: {  	v6 =	vld [tilespmem:s24+$0xE070]  }
0x316: {  	[tilespmem:s24+$0x9840] =	vst v0;
	v0 =	vadd.f32 v4, v1;
	v1 =	vld [tilespmem:s24+$0x9C00]  }
0x317: {  	v4 =	vld [tilespmem:s24+$0xE400]  }
0x318: {  	[tilespmem:s24+$0x9850] =	vst v0;
	v0 =	vadd.f32 v5, v3;
	v3 =	vld [tilespmem:s24+$0x9C10]  }
0x319: {  	v5 =	vld [tilespmem:s24+$0xE410]  }
0x31a: {  	[tilespmem:s24+$0x9860] =	vst v0;
	v0 =	vadd.f32 v6, v2;
	v2 =	vld [tilespmem:s24+$0x9C20]  }
0x31b: {  	v6 =	vld [tilespmem:s24+$0xE420]  }
0x31c: {  	[tilespmem:s24+$0x9870] =	vst v0;
	v0 =	vadd.f32 v4, v1;
	v1 =	vld [tilespmem:s24+$0x9C30]  }
0x31d: {  	v4 =	vld [tilespmem:s24+$0xE430]  }
0x31e: {  	[tilespmem:s24+$0x9C00] =	vst v0;
	v0 =	vadd.f32 v5, v3;
	v3 =	vld [tilespmem:s24+$0x9C40]  }
0x31f: {  	v5 =	vld [tilespmem:s24+$0xE440]  }
0x320: {  	[tilespmem:s24+$0x9C10] =	vst v0;
	v0 =	vadd.f32 v6, v2;
	v2 =	vld [tilespmem:s24+$0x9C50]  }
0x321: {  	v6 =	vld [tilespmem:s24+$0xE450]  }
0x322: {  	[tilespmem:s24+$0x9C20] =	vst v0;
	v0 =	vadd.f32 v4, v1;
	v1 =	vld [tilespmem:s24+$0x9C60]  }
0x323: {  	v4 =	vld [tilespmem:s24+$0xE460]  }
0x324: {  	[tilespmem:s24+$0x9C30] =	vst v0;
	v0 =	vadd.f32 v5, v3;
	v3 =	vld [tilespmem:s24+$0x9C70]  }
0x325: {  	v5 =	vld [tilespmem:s24+$0xE470]  }
0x326: {  	[tilespmem:s24+$0x9C40] =	vst v0;
	v0 =	vadd.f32 v6, v2;
	v2 =	vld [tilespmem:s24+$0xA000]  }
0x327: {  	v6 =	vld [tilespmem:s24+$0xE800]  }
0x328: {  	[tilespmem:s24+$0x9C50] =	vst v0;
	v0 =	vadd.f32 v4, v1;
	v1 =	vld [tilespmem:s24+$0xA010]  }
0x329: {  	v4 =	vld [tilespmem:s24+$0xE810]  }
0x32a: {  	[tilespmem:s24+$0x9C60] =	vst v0;
	v0 =	vadd.f32 v5, v3;
	v3 =	vld [tilespmem:s24+$0xA020]  }
0x32b: {  	v5 =	vld [tilespmem:s24+$0xE820]  }
0x32c: {  	[tilespmem:s24+$0x9C70] =	vst v0;
	v0 =	vadd.f32 v6, v2;
	v2 =	vld [tilespmem:s24+$0xA030]  }
0x32d: {  	v6 =	vld [tilespmem:s24+$0xE830]  }
0x32e: {  	[tilespmem:s24+$0xA000] =	vst v0;
	v0 =	vadd.f32 v4, v1;
	v1 =	vld [tilespmem:s24+$0xA040]  }
0x32f: {  	v4 =	vld [tilespmem:s24+$0xE840]  }
0x330: {  	[tilespmem:s24+$0xA010] =	vst v0;
	v0 =	vadd.f32 v5, v3;
	v3 =	vld [tilespmem:s24+$0xA050]  }
0x331: {  	v5 =	vld [tilespmem:s24+$0xE850]  }
0x332: {  	[tilespmem:s24+$0xA020] =	vst v0;
	v0 =	vadd.f32 v6, v2;
	v2 =	vld [tilespmem:s24+$0xA060]  }
0x333: {  	v6 =	vld [tilespmem:s24+$0xE860]  }
0x334: {  	[tilespmem:s24+$0xA030] =	vst v0;
	v0 =	vadd.f32 v4, v1;
	v1 =	vld [tilespmem:s24+$0xA070]  }
0x335: {  	v4 =	vld [tilespmem:s24+$0xE870]  }
0x336: {  	[tilespmem:s24+$0xA040] =	vst v0;
	v0 =	vadd.f32 v5, v3;
	v3 =	vld [tilespmem:s24+$0xA400]  }
0x337: {  	v5 =	vld [tilespmem:s24+$0xEC00]  }
0x338: {  	[tilespmem:s24+$0xA050] =	vst v0;
	v0 =	vadd.f32 v6, v2;
	v2 =	vld [tilespmem:s24+$0xA410]  }
0x339: {  	v6 =	vld [tilespmem:s24+$0xEC10]  }
0x33a: {  	[tilespmem:s24+$0xA060] =	vst v0;
	v0 =	vadd.f32 v4, v1;
	v7 =	vld [tilespmem:s24+$0xA420]  }
0x33b: {  	v8 =	vld [tilespmem:s24+$0xEC20]  }
0x33c: {  	[tilespmem:s24+$0xA070] =	vst v0;
	v1 =	vadd.f32 v5, v3;
	v0 =	vld [tilespmem:s24+$0xA430]  }
.Ltmp2:
0x33d: {  	v3 =	vld [tilespmem:s24+$0xEC30];
	(pc) =	sbr.rel @p0 .LBB2_6-.Ltmp2, $4  }
0x33e: {  	[tilespmem:s24+$0xA400] =	vst v1;
	v2 =	vadd.f32 v6, v2;
	v1 =	vld [tilespmem:s24+$0xA440]  }
0x33f: {  	v4 =	vld [tilespmem:s24+$0xEC40]  }
0x340: {  	s28 =	sshrl.u32 s26, $0x3;
	[tilespmem:s24+$0xA410] =	vst v2;
	v6 =	vadd.f32 v8, v7;
	v2 =	vld [tilespmem:s24+$0xA450]  }
0x341: {  	s25 =	sadd.s32 $0x80, s25;
	s26 =	sadd.s32 $0x1, s26;
	s28 =	smul.u32 $0x1800, s28;
	v5 =	vld [tilespmem:s24+$0xEC50]  }
0x342: {  	s25 =	sand.u32 $0x380, s25;
	v63 =	vld [tilespmem:s24+$0xA460]  }
0x343: {  	v7 =	vld [tilespmem:s24+$0xEC60];
	s25 =	sor.u32 s25, s28  }
0x344: {  	v8 =	vld [tilespmem:s25+$0xA470]  }
0x345: {  	v9 =	vld [tilespmem:s25+$0xEC70]  }
0x346: {  	v10 =	vld [tilespmem:s25+$0x9000]  }
0x347: {  	v11 =	vld [tilespmem:s25+$0xD800]  }
0x348: {  	v12 =	vld [tilespmem:s25+$0x9010]  }
0x349: {  	v13 =	vld [tilespmem:s25+$0xD810]  }
0x34a: {  	v14 =	vld [tilespmem:s25+$0x9020]  }
0x34b: {  	v15 =	vld [tilespmem:s25+$0xD820]  }
0x34c: {  	v16 =	vld [tilespmem:s25+$0x9030]  }
0x34d: {  	v17 =	vld [tilespmem:s25+$0xD830]  }
0x34e: {  	v18 =	vld [tilespmem:s25+$0x9040]  }
0x34f: {  	v19 =	vld [tilespmem:s25+$0xD840]  }
0x350: {  	v20 =	vld [tilespmem:s25+$0x9050]  }
0x351: {  	v21 =	vld [tilespmem:s25+$0xD850]  }
0x352: {  	v22 =	vld [tilespmem:s25+$0x9060]  }
0x353: {  	v23 =	vld [tilespmem:s25+$0xD860]  }
0x354: {  	v24 =	vld [tilespmem:s25+$0x9070]  }
0x355: {  	v25 =	vld [tilespmem:s25+$0xD870]  }
0x356: {  	v26 =	vld [tilespmem:s25+$0x9400]  }
0x357: {  	v27 =	vld [tilespmem:s25+$0xDC00]  }
0x358: {  	v28 =	vld [tilespmem:s25+$0x9410]  }
0x359: {  	v29 =	vld [tilespmem:s25+$0xDC10]  }
0x35a: {  	v30 =	vld [tilespmem:s25+$0x9420]  }
0x35b: {  	v31 =	vld [tilespmem:s25+$0xDC20]  }
0x35c: {  	v32 =	vld [tilespmem:s25+$0x9430]  }
0x35d: {  	v33 =	vld [tilespmem:s25+$0xDC30]  }
0x35e: {  	v34 =	vld [tilespmem:s25+$0x9440]  }
0x35f: {  	v35 =	vld [tilespmem:s25+$0xDC40]  }
0x360: {  	v36 =	vld [tilespmem:s25+$0x9450]  }
0x361: {  	v37 =	vld [tilespmem:s25+$0xDC50]  }
0x362: {  	v38 =	vld [tilespmem:s25+$0x9460]  }
0x363: {  	v39 =	vld [tilespmem:s25+$0xDC60]  }
0x364: {  	v40 =	vld [tilespmem:s25+$0x9470]  }
0x365: {  	v41 =	vld [tilespmem:s25+$0xDC70]  }
0x366: {  	v42 =	vld [tilespmem:s25+$0x9800]  }
0x367: {  	v43 =	vld [tilespmem:s25+$0xE000]  }
0x368: {  	v44 =	vld [tilespmem:s25+$0x9810]  }
0x369: {  	v45 =	vld [tilespmem:s25+$0xE010]  }
0x36a: {  	v46 =	vld [tilespmem:s25+$0x9820]  }
0x36b: {  	v47 =	vld [tilespmem:s25+$0xE020]  }
0x36c: {  	v48 =	vld [tilespmem:s25+$0x9830]  }
0x36d: {  	v49 =	vld [tilespmem:s25+$0xE030]  }
0x36e: {  	v50 =	vld [tilespmem:s25+$0x9840]  }
0x36f: {  	v51 =	vld [tilespmem:s25+$0xE040]  }
0x370: {  	v52 =	vld [tilespmem:s25+$0x9850]  }
0x371: {  	v53 =	vld [tilespmem:s25+$0xE050]  }
0x372: {  	v54 =	vld [tilespmem:s25+$0x9860]  }
0x373: {  	v55 =	vld [tilespmem:s25+$0xE060]  }
0x374: {  	v56 =	vld [tilespmem:s25+$0x9870]  }
0x375: {  	v0 =	vadd.f32 v3, v0;
	v3 =	vld [tilespmem:s25+$0xE070]  }
0x376: {  	[tilespmem:s24+$0xA420] =	vst v6;
	v1 =	vadd.f32 v4, v1;
	v4 =	vld [tilespmem:s25+$0x9C00]  }
0x377: {  	[tilespmem:s24+$0xA430] =	vst v0;
	v60 =	vld [tilespmem:s25+$0xE410];
	v57 =	vadd.f32 v5, v2  }
0x378: {  	v2 =	vld [tilespmem:s25+$0xE400];
	[tilespmem:s24+$0xA440] =	vst v1;
	v58 =	vadd.f32 v7, v63  }
0x379: {  	v5 =	vld [tilespmem:s25+$0x9C10];
	[tilespmem:s24+$0xA450] =	vst v57;
	v59 =	vadd.f32 v9, v8  }
0x37a: {  	v7 =	vld [tilespmem:s25+$0x9C20];
	[tilespmem:s24+$0xA460] =	vst v58;
	v61 =	vadd.f32 v11, v10  }
0x37b: {  	v63 =	vld [tilespmem:s25+$0xE420];
	v62 =	vadd.f32 v13, v12;
	[tilespmem:s25+$0xA470] =	vst v59  }
0x37c: {  	v57 =	vld [tilespmem:s25+$0xE850];
	v15 =	vadd.f32 v15, v14;
	[tilespmem:s25+$0x9000] =	vst v61  }
0x37d: {  	v9 =	vld [tilespmem:s25+$0x9C30];
	v17 =	vadd.f32 v17, v16;
	[tilespmem:s25+$0x9010] =	vst v62  }
0x37e: {  	v10 =	vld [tilespmem:s25+$0xE430];
	v19 =	vadd.f32 v19, v18;
	[tilespmem:s25+$0x9020] =	vst v15  }
0x37f: {  	v11 =	vld [tilespmem:s25+$0x9C40];
	v21 =	vadd.f32 v21, v20;
	[tilespmem:s25+$0x9030] =	vst v17  }
0x380: {  	v12 =	vld [tilespmem:s25+$0xE440];
	v23 =	vadd.f32 v23, v22;
	[tilespmem:s25+$0x9040] =	vst v19  }
0x381: {  	v13 =	vld [tilespmem:s25+$0x9C50];
	v25 =	vadd.f32 v25, v24;
	[tilespmem:s25+$0x9050] =	vst v21  }
0x382: {  	v14 =	vld [tilespmem:s25+$0xE450];
	v27 =	vadd.f32 v27, v26;
	[tilespmem:s25+$0x9060] =	vst v23  }
0x383: {  	v29 =	vadd.f32 v29, v28;
	v16 =	vld [tilespmem:s25+$0xE460];
	[tilespmem:s25+$0x9070] =	vst v25  }
0x384: {  	v31 =	vadd.f32 v31, v30;
	v18 =	vld [tilespmem:s25+$0xE470];
	[tilespmem:s25+$0x9400] =	vst v27  }
0x385: {  	v33 =	vadd.f32 v33, v32;
	v20 =	vld [tilespmem:s25+$0xE800];
	[tilespmem:s25+$0x9410] =	vst v29  }
0x386: {  	v35 =	vadd.f32 v35, v34;
	v40 =	vadd.f32 v41, v40;
	v41 =	vld [tilespmem:s25+$0xE810];
	[tilespmem:s25+$0x9420] =	vst v31  }
0x387: {  	v37 =	vadd.f32 v37, v36;
	v42 =	vadd.f32 v43, v42;
	v43 =	vld [tilespmem:s25+$0xA020];
	[tilespmem:s25+$0x9430] =	vst v33  }
0x388: {  	v39 =	vadd.f32 v39, v38;
	v44 =	vadd.f32 v45, v44;
	v45 =	vld [tilespmem:s25+$0xE820];
	[tilespmem:s25+$0x9440] =	vst v35  }
0x389: {  	v46 =	vadd.f32 v47, v46;
	v47 =	vld [tilespmem:s25+$0xA030];
	[tilespmem:s25+$0x9450] =	vst v37  }
0x38a: {  	v48 =	vadd.f32 v49, v48;
	v49 =	vld [tilespmem:s25+$0xE830];
	[tilespmem:s25+$0x9460] =	vst v39  }
0x38b: {  	v50 =	vadd.f32 v51, v50;
	v51 =	vld [tilespmem:s25+$0xA040];
	[tilespmem:s25+$0x9470] =	vst v40  }
0x38c: {  	v52 =	vadd.f32 v53, v52;
	v53 =	vld [tilespmem:s25+$0xE840];
	[tilespmem:s25+$0x9800] =	vst v42  }
0x38d: {  	v54 =	vadd.f32 v55, v54;
	v55 =	vld [tilespmem:s25+$0xA050];
	[tilespmem:s25+$0x9810] =	vst v44  }
0x38e: {  	v30 =	vld [tilespmem:s25+$0xE870];
	[tilespmem:s25+$0x9820] =	vst v46  }
0x38f: {  	v32 =	vld [tilespmem:s25+$0xA400];
	[tilespmem:s25+$0x9830] =	vst v48  }
0x390: {  	v34 =	vld [tilespmem:s25+$0xEC00];
	[tilespmem:s25+$0x9840] =	vst v50  }
0x391: {  	v56 =	vadd.f32 v3, v56;
	v36 =	vld [tilespmem:s25+$0xA410];
	[tilespmem:s25+$0x9850] =	vst v52  }
0x392: {  	v38 =	vld [tilespmem:s25+$0xEC10];
	[tilespmem:s25+$0x9860] =	vst v54;
	v58 =	vadd.f32 v2, v4  }
0x393: {  	v15 =	vld [tilespmem:s25+$0x9C60];
	[tilespmem:s25+$0x9870] =	vst v56;
	v60 =	vadd.f32 v60, v5  }
0x394: {  	v17 =	vld [tilespmem:s25+$0x9C70];
	v62 =	vadd.f32 v63, v7;
	[tilespmem:s25+$0x9C00] =	vst v58  }
0x395: {  	v19 =	vld [tilespmem:s25+$0xA000];
	[tilespmem:s25+$0x9C10] =	vst v60;
	v10 =	vadd.f32 v10, v9  }
0x396: {  	v21 =	vld [tilespmem:s25+$0xA010];
	[tilespmem:s25+$0x9C20] =	vst v62;
	v31 =	vadd.f32 v12, v11  }
0x397: {  	v59 =	vld [tilespmem:s25+$0xA060];
	v33 =	vadd.f32 v14, v13;
	[tilespmem:s25+$0x9C30] =	vst v10  }
0x398: {  	v61 =	vld [tilespmem:s25+$0xE860];
	v43 =	vadd.f32 v45, v43;
	[tilespmem:s25+$0x9C40] =	vst v31  }
0x399: {  	v40 =	vld [tilespmem:s25+$0xA420];
	v45 =	vadd.f32 v49, v47;
	[tilespmem:s25+$0x9C50] =	vst v33  }
0x39a: {  	v42 =	vld [tilespmem:s25+$0xEC20];
	v47 =	vadd.f32 v53, v51;
	[tilespmem:s25+$0xA020] =	vst v43  }
0x39b: {  	v44 =	vld [tilespmem:s25+$0xA430];
	v49 =	vadd.f32 v57, v55;
	[tilespmem:s25+$0xA030] =	vst v45  }
0x39c: {  	v46 =	vld [tilespmem:s25+$0xEC30];
	v55 =	vadd.f32 v34, v32;
	[tilespmem:s25+$0xA040] =	vst v47  }
0x39d: {  	v48 =	vld [tilespmem:s25+$0xA440];
	v57 =	vadd.f32 v38, v36;
	[tilespmem:s25+$0xA050] =	vst v49  }
0x39e: {  	v50 =	vld [tilespmem:s25+$0xEC40];
	v35 =	vadd.f32 v16, v15;
	[tilespmem:s25+$0xA400] =	vst v55  }
0x39f: {  	v52 =	vld [tilespmem:s25+$0xA450];
	v37 =	vadd.f32 v18, v17;
	[tilespmem:s25+$0xA410] =	vst v57  }
0x3a0: {  	v54 =	vld [tilespmem:s25+$0xEC50];
	v39 =	vadd.f32 v20, v19;
	[tilespmem:s25+$0x9C60] =	vst v35  }
0x3a1: {  	v56 =	vld [tilespmem:s25+$0xA460];
	v41 =	vadd.f32 v41, v21;
	[tilespmem:s25+$0x9C70] =	vst v37  }
0x3a2: {  	v63 =	vld [tilespmem:s25+$0xA070];
	v51 =	vadd.f32 v61, v59;
	[tilespmem:s25+$0xA000] =	vst v39  }
0x3a3: {  	v58 =	vld [tilespmem:s25+$0xEC60];
	v59 =	vadd.f32 v42, v40;
	[tilespmem:s25+$0xA010] =	vst v41  }
0x3a4: {  	v60 =	vadd.f32 v46, v44;
	[tilespmem:s25+$0xA060] =	vst v51  }
0x3a5: {  	v61 =	vadd.f32 v50, v48;
	[tilespmem:s25+$0xA420] =	vst v59  }
0x3a6: {  	v62 =	vadd.f32 v54, v52;
	[tilespmem:s25+$0xA430] =	vst v60  }
0x3a7: {  	v53 =	vadd.f32 v30, v63;
	[tilespmem:s25+$0xA440] =	vst v61  }
0x3a8: {  	v63 =	vadd.f32 v58, v56;
	[tilespmem:s25+$0xA450] =	vst v62  }
0x3a9: {  	[tilespmem:s25+$0xA070] =	vst v53  }
0x3aa: {  	[tilespmem:s25+$0xA460] =	vst v63  }
0x3ab: {  	[hbm4b:s11+s2] =	stream.linear.scatter [tilespmem:s17], [sflag:$0x6], $0x4800, $0x38;
	[tilespmem:$0x12000] =	vst v63  }
0x3ac: {  	_ =	swait.ge [sflag:s20], $0x4800  }
0x3ad: {  	[sflag:s20] =	ssyncset.done $0x0  }
0x3ae: {  	s23 =	sadd.s32 $0x1, s23;
	[sflag:s20] =	ssyncadd.s32 $0xFFFFB800  }
0x3af: {  	p0 =	sne.s32 s23, s12;
	_ =	swait.ge [sflag:s21], $0x4800  }
.Ltmp3:
0x3b0: {  	[sflag:s21] =	ssyncset.done $0x0;
	(pc) =	sbr.rel @p0 .LBB2_1-.Ltmp3, $4  }
0x3b1: {  	[sflag:s21] =	ssyncadd.s32 $0xFFFFB800  }
0x3b2: {  	_ =	swait.ge [sflag:s22], $0x4800  }
0x3b3: {  	[sflag:s22] =	ssyncset.done $0x0  }
0x3b4: {  	[sflag:s22] =	ssyncadd.s32 $0xFFFFB800  }
0x3b5: {  	_ =	sfence.sel $0x180000  }
0x3b6: {  	[bflag:$0x0] =	sbarrier.arrive $0xFFFF  }
0x3b7: {  	p0 =	sne.s32 s0, $0x0;
	_ =	strace $0x90000047  }
0x3b8: {  	s0 =	sadd.s32 @!p0 $0x100000, s1;
	[bflag:$0x2] =	sbarrier.arrive $0xFFFF  }
0x3b9: {  	[sflag:s0] =	ssyncadd.tile.s32 @!p0 $0x1;
	_ =	shalt  }
.Lfunc_end2:
_tile_overlayer_lowered:
.L_overlay_start_2:
0x3ba: {  	(tag) =	ssettag $0x2  }
0x3bb: {  	s0 =	rddreg [dreg:$0x0];
	s2 =	stileid.u32  }
0x3bc: {  	s1 =	rddreg [dreg:$0x1];
	p0 =	sne.s32 s2, $0x0  }
0x3bd: {  	s3 =	rddreg [dreg:$0x2];
	[bflag:$0x3] =	sbarrier.arrive $0xFFFF;
	s2 =	simm.s32 @!p0 $0x1C07  }
0x3be: {  	[timem:s3], [sflag:s2] =	dma.local @!p0 [hbm:s0], s1  }
0x3bf: {  	s0 =	simm.s32 @!p0 $0x7  }
0x3c0: {  	_ =	swait.ge @!p0 [sflag:s0], s1  }
0x3c1: {  	s1 =	ssub.s32 @!p0 $0x0, s1;
	[sflag:s0] =	ssyncset.done @!p0 $0x0  }
0x3c2: {  	[sflag:s0] =	ssyncadd.s32 @!p0 s1  }
0x3c3: {  	[bflag:$0x3] =	sbarrier.arrive $0xFFFF  }
0x3c4: {  	_ =	shalt  }

</sc_bundles>
